<compile_context>
chip_gen: v7x
topology: tpu7x:2x2x1
jax: 0.10.2.dev20260603
libtpu: 0.0.44.dev20260713+nightly
codegen_flags: <defaults>
</compile_context>

<pallas_src>
import functools

import jax
import jax.numpy as jnp
from jax import lax
from jax.experimental import pallas as pl
from jax.experimental.pallas import tpu as pltpu
from jax.experimental.pallas import tpu_sc as plsc

N = 10000
E = 320000
D_IN = 128
H1 = 128
H2 = 64
C = 16

NC = 2
NS = 16
NW = NC * NS
EPW = E // NW
RPT = N // NS
DEG_W = 8

_MESH = plsc.VectorSubcoreMesh(core_axis_name="c", subcore_axis_name="s")
_SC_PARAMS = pltpu.CompilerParams(use_tc_tiling_on_sc=False)



CH_TOT = E // 128
MAXCH = CH_TOT // NW + 1


@functools.partial(
    pl.kernel,
    out_type=jax.ShapeDtypeStruct((NC, N, DEG_W), jnp.float32),
    mesh=_MESH,
    scratch_types=[
        pltpu.VMEM((MAXCH, 128), jnp.int32),
        pltpu.VMEM((128, DEG_W), jnp.float32),
        pltpu.VMEM_SHARED((N, DEG_W), jnp.float32),
        pltpu.SemaphoreType.DMA,
    ],
    compiler_params=_SC_PARAMS,
)
def _deg(dst_hbm, zeros_hbm, ones_hbm, out_hbm, didx, onesb, acc, dsem):
    cid = lax.axis_index("c")
    sid = lax.axis_index("s")
    wid = cid * NS + sid
    rw = CH_TOT * wid // NW
    cnt = CH_TOT * (wid + 1) // NW - rw
    pltpu.sync_copy(zeros_hbm, acc.at[pl.ds(sid * RPT, RPT)])
    pltpu.sync_copy(ones_hbm, onesb)
    pltpu.sync_copy(dst_hbm.at[pl.ds(rw, MAXCH)], didx)
    plsc.subcore_barrier()

    def body(j, carry):
        pltpu.async_copy(onesb, acc.at[didx.at[j]], dsem, add=True)
        return carry

    lax.fori_loop(0, cnt, body, 0)

    def drain(j, carry):
        pltpu.make_async_copy(onesb, acc.at[didx.at[0]], dsem).wait()
        return carry

    lax.fori_loop(0, cnt, drain, 0)
    plsc.subcore_barrier()
    pltpu.sync_copy(acc.at[pl.ds(sid * RPT, RPT)],
                    out_hbm.at[cid, pl.ds(sid * RPT, RPT)])


def _make_agg(D, K, nbuf, depth):
    nch = EPW // K
    ngrp = (nch + nbuf - 1) // nbuf

    @functools.partial(
        pl.kernel,
        out_type=jax.ShapeDtypeStruct((NC, N, 128), jnp.float32),
        mesh=_MESH,
        scratch_types=[
            pltpu.VMEM((EPW,), jnp.int32),
            pltpu.VMEM((nch, K), jnp.int32),
            pltpu.VMEM((nbuf, K, D), jnp.float32),
            pltpu.VMEM_SHARED((N, D), jnp.float32),
            [pltpu.SemaphoreType.DMA] * nbuf,
            [pltpu.SemaphoreType.DMA] * nbuf,
        ],
        compiler_params=_SC_PARAMS,
        name=f"gcn_agg_{D}",
    )
    def agg(y_hbm, src_hbm, dst_hbm, zeros_hbm, out_hbm,
            sidx, didx, bufs, acc, gsem, ssem):
        cid = lax.axis_index("c")
        sid = lax.axis_index("s")
        wid = cid * NS + sid
        pltpu.sync_copy(src_hbm.at[wid], sidx)
        pltpu.sync_copy(dst_hbm.at[wid], didx)
        for b in range(depth):
            pltpu.async_copy(y_hbm.at[sidx.at[pl.ds(b * K, K)]],
                             bufs.at[b], gsem[b])
        pltpu.sync_copy(zeros_hbm, acc.at[pl.ds(sid * RPT, RPT)])
        plsc.subcore_barrier()

        def body(g, carry):
            for b in range(nbuf):
                j = g * nbuf + b
                jg = j + depth
                bg = (b + depth) % nbuf

                @pl.when((jg >= nbuf) & (jg < nch))
                def _():
                    pltpu.make_async_copy(bufs.at[bg], acc.at[didx.at[0]],
                                          ssem[bg]).wait()

                @pl.when(jg < nch)
                def _():
                    pltpu.async_copy(y_hbm.at[sidx.at[pl.ds(jg * K, K)]],
                                     bufs.at[bg], gsem[bg])

                @pl.when(j < nch)
                def _():
                    pltpu.make_async_copy(
                        y_hbm.at[sidx.at[pl.ds(j * K, K)]], bufs.at[b],
                        gsem[b]).wait()
                    pltpu.async_copy(bufs.at[b], acc.at[didx.at[j]], ssem[b],
                                     add=True)
            return carry

        lax.fori_loop(0, ngrp, body, 0)
        for b in range(nbuf):
            pltpu.make_async_copy(bufs.at[b], acc.at[didx.at[0]],
                                  ssem[b]).wait()
        plsc.subcore_barrier()
        pltpu.sync_copy(acc.at[pl.ds(sid * RPT, RPT)],
                        out_hbm.at[cid, pl.ds(sid * RPT, RPT), pl.ds(0, D)])

    return agg


_agg128 = _make_agg(H1, K=80, nbuf=3, depth=2)

def _make_agg_global(D, nbuf, depth):
    ngrp = (MAXCH + nbuf - 1) // nbuf

    @functools.partial(
        pl.kernel,
        out_type=jax.ShapeDtypeStruct((NC, N, 128), jnp.float32),
        mesh=_MESH,
        scratch_types=[
            pltpu.VMEM((MAXCH, 128), jnp.int32),
            pltpu.VMEM((MAXCH, 128), jnp.int32),
            pltpu.VMEM((nbuf, 128, D), jnp.float32),
            pltpu.VMEM_SHARED((N, D), jnp.float32),
            [pltpu.SemaphoreType.DMA] * nbuf,
            [pltpu.SemaphoreType.DMA] * nbuf,
        ],
        compiler_params=_SC_PARAMS,
        name=f"gcn_agg_{D}",
    )
    def agg(y_hbm, src_hbm, dst_hbm, zeros_hbm, out_hbm,
            sidx, didx, bufs, acc, gsem, ssem):
        cid = lax.axis_index("c")
        sid = lax.axis_index("s")
        wid = cid * NS + sid
        rw = CH_TOT * wid // NW
        cnt = CH_TOT * (wid + 1) // NW - rw
        pltpu.sync_copy(src_hbm.at[pl.ds(rw, MAXCH)], sidx)
        pltpu.sync_copy(dst_hbm.at[pl.ds(rw, MAXCH)], didx)
        for b in range(depth):
            pltpu.async_copy(y_hbm.at[sidx.at[b]], bufs.at[b], gsem[b])
        pltpu.sync_copy(zeros_hbm, acc.at[pl.ds(sid * RPT, RPT)])
        plsc.subcore_barrier()

        def body(g, carry):
            for b in range(nbuf):
                j = g * nbuf + b
                jg = j + depth
                bg = (b + depth) % nbuf

                @pl.when((jg >= nbuf) & (jg < cnt))
                def _():
                    pltpu.make_async_copy(bufs.at[bg], acc.at[didx.at[0]],
                                          ssem[bg]).wait()

                @pl.when(jg < cnt)
                def _():
                    pltpu.async_copy(y_hbm.at[sidx.at[jg]], bufs.at[bg],
                                     gsem[bg])

                @pl.when(j < cnt)
                def _():
                    pltpu.make_async_copy(y_hbm.at[sidx.at[j]], bufs.at[b],
                                          gsem[b]).wait()
                    pltpu.async_copy(bufs.at[b], acc.at[didx.at[j]], ssem[b],
                                     add=True)
            return carry

        lax.fori_loop(0, ngrp, body, 0)
        for b in range(nbuf):
            pltpu.make_async_copy(bufs.at[b], acc.at[didx.at[0]],
                                  ssem[b]).wait()
        plsc.subcore_barrier()
        pltpu.sync_copy(acc.at[pl.ds(sid * RPT, RPT)],
                        out_hbm.at[cid, pl.ds(sid * RPT, RPT), pl.ds(0, D)])

    return agg


_agg64 = _make_agg_global(H2, nbuf=8, depth=5)
_agg16 = _make_agg_global(C, nbuf=14, depth=10)



BM = 2000



def _esplit_body(e_ref, s_ref, d_ref):
    s_ref[...] = e_ref[0:1, :].reshape(E // 128, 128)
    d_ref[...] = e_ref[1:2, :].reshape(E // 128, 128)


def _esplit(edge_index):
    return pl.pallas_call(
        _esplit_body,
        grid=(1,),
        in_specs=[pl.BlockSpec((2, E), lambda i: (0, 0))],
        out_specs=[
            pl.BlockSpec((E // 128, 128), lambda i: (0, 0)),
            pl.BlockSpec((E // 128, 128), lambda i: (0, 0)),
        ],
        out_shape=[
            jax.ShapeDtypeStruct((E // 128, 128), jnp.int32),
            jax.ShapeDtypeStruct((E // 128, 128), jnp.int32),
        ],
    )(edge_index)


def _dinv_of(dp_ref):
    deg = dp_ref[0, :, 0:1] + dp_ref[1, :, 0:1] + 1.0
    return lax.rsqrt(deg)


def _mm1_body(x_ref, w_ref, dp_ref, o_ref):
    dinv = _dinv_of(dp_ref)
    o_ref[...] = jnp.dot(x_ref[...], w_ref[...],
                         preferred_element_type=jnp.float32) * dinv


def _mm1(x, W, dp):
    return pl.pallas_call(
        _mm1_body,
        grid=(N // BM,),
        in_specs=[
            pl.BlockSpec((BM, D_IN), lambda i: (i, 0)),
            pl.BlockSpec((D_IN, H1), lambda i: (0, 0)),
            pl.BlockSpec((NC, BM, DEG_W), lambda i: (0, i, 0)),
        ],
        out_specs=pl.BlockSpec((BM, H1), lambda i: (i, 0)),
        out_shape=jax.ShapeDtypeStruct((N, H1), jnp.float32),
    )(x, W, dp)


def _make_mmf_body(din, dout, pack_out):
    def _mmf_body(z_ref, y_ref, b_ref, w_ref, dp_ref, o_ref, op_ref=None):
        dinv = _dinv_of(dp_ref)
        h = jnp.maximum(
            dinv * (z_ref[0, :, 0:din] + z_ref[1, :, 0:din] + y_ref[...])
            + b_ref[...], 0.0)
        o = jnp.dot(h, w_ref[...], preferred_element_type=jnp.float32) * dinv
        o_ref[...] = o
    return _mmf_body


def _mmf(z, y, b, W, dp, pack_out):
    din, dout = W.shape
    out_shape = [jax.ShapeDtypeStruct((N, dout), jnp.float32)]
    out_specs = [pl.BlockSpec((BM, dout), lambda i: (i, 0))]
    if pack_out:
        out_shape.append(
            jax.ShapeDtypeStruct((N * dout // 128, 128), jnp.float32))
        out_specs.append(
            pl.BlockSpec((BM * dout // 128, 128), lambda i: (i, 0)))
    return pl.pallas_call(
        _make_mmf_body(din, dout, pack_out),
        grid=(N // BM,),
        in_specs=[
            pl.BlockSpec((NC, BM, 128), lambda i: (0, i, 0)),
            pl.BlockSpec((BM, din), lambda i: (i, 0)),
            pl.BlockSpec((1, din), lambda i: (0, 0)),
            pl.BlockSpec((din, dout), lambda i: (0, 0)),
            pl.BlockSpec((NC, BM, DEG_W), lambda i: (0, i, 0)),
        ],
        out_specs=out_specs,
        out_shape=out_shape,
    )(z, y, b, W, dp)


def _sm_body(z_ref, y_ref, b_ref, dp_ref, o_ref):
    dinv = _dinv_of(dp_ref)
    logits = (dinv * (z_ref[0, :, 0:C] + z_ref[1, :, 0:C] + y_ref[...])
              + b_ref[...])
    m = jnp.max(logits, axis=1, keepdims=True)
    e = jnp.exp(logits - m)
    o_ref[...] = e / jnp.sum(e, axis=1, keepdims=True)


def _sm(z, y, b, dp):
    return pl.pallas_call(
        _sm_body,
        grid=(N // BM,),
        in_specs=[
            pl.BlockSpec((NC, BM, 128), lambda i: (0, i, 0)),
            pl.BlockSpec((BM, C), lambda i: (i, 0)),
            pl.BlockSpec((1, C), lambda i: (0, 0)),
            pl.BlockSpec((NC, BM, DEG_W), lambda i: (0, i, 0)),
        ],
        out_specs=pl.BlockSpec((BM, C), lambda i: (i, 0)),
        out_shape=jax.ShapeDtypeStruct((N, C), jnp.float32),
    )(z, y, b, dp)



def kernel(x, edge_index, W1, b1, W2, b2, W3, b3):
    srcp, dstp = _esplit(edge_index)
    src = srcp.reshape(NW, EPW)
    dst = dstp.reshape(NW, EPW)

    dp = _deg(dstp,
              jnp.zeros((RPT, DEG_W), jnp.float32),
              jnp.ones((128, DEG_W), jnp.float32))

    y1 = _mm1(x, W1, dp)
    z1 = _agg128(y1, src, dst.reshape(NW, EPW // 80, 80),
                 jnp.zeros((RPT, H1), jnp.float32))
    y2, = _mmf(z1, y1, b1.reshape(1, H1), W2, dp, pack_out=False)
    z2 = _agg64(y2, srcp, dstp, jnp.zeros((RPT, H2), jnp.float32))
    y3, = _mmf(z2, y2, b2.reshape(1, H2), W3, dp, pack_out=False)
    z3 = _agg16(y3, srcp, dstp, jnp.zeros((RPT, C), jnp.float32))
    return _sm(z3, y3, b3.reshape(1, C), dp)

# --- scband reference (transcript-rebuilt; emitter-appended) ---
"""Pipeline reference for scband-gcn-net3-10307921510498 (READ-ONLY COPY).

The authoritative reference and input builder live on the scoring server;
editing this copy changes nothing except your own understanding.
"""

import jax, jax.numpy as jnp
import numpy as np

N_NODES = 10000
N_EDGES = 320000
D_IN = 128
H1 = 128
H2 = 64
C = 16


def gcn_conv(x, edge_index, W, b):
    n = x.shape[0]
    loop = jnp.arange(n, dtype=edge_index.dtype)
    src = jnp.concatenate([edge_index[0], loop])
    dst = jnp.concatenate([edge_index[1], loop])
    ones = jnp.ones(src.shape[0], dtype=x.dtype)
    deg = jax.ops.segment_sum(ones, dst, num_segments=n)
    dinv = jnp.where(deg > 0, deg ** -0.5, 0.0)
    norm = dinv[src] * dinv[dst]
    xw = x @ W
    msg = jnp.take(xw, src, axis=0) * norm[:, None]
    out = jax.ops.segment_sum(msg, dst, num_segments=n)
    return out + b


def setup_inputs(seed: int = 0) -> dict:
    key = jax.random.key(seed)
    ks = jax.random.split(key, 9)
    x = jax.random.normal(ks[0], (N_NODES, D_IN), dtype=jnp.float32)
    edge_index = jax.random.randint(ks[1], (2, N_EDGES), 0, N_NODES, dtype=jnp.int32)
    W1 = jax.random.normal(ks[2], (D_IN, H1), dtype=jnp.float32) * (1.0 / np.sqrt(D_IN))
    b1 = jnp.zeros((H1,), dtype=jnp.float32)
    W2 = jax.random.normal(ks[3], (H1, H2), dtype=jnp.float32) * (1.0 / np.sqrt(H1))
    b2 = jnp.zeros((H2,), dtype=jnp.float32)
    W3 = jax.random.normal(ks[4], (H2, C), dtype=jnp.float32) * (1.0 / np.sqrt(H2))
    b3 = jnp.zeros((C,), dtype=jnp.float32)
    return {"x": x, "edge_index": edge_index, "W1": W1, "b1": b1, "W2": W2, "b2": b2, "W3": W3, "b3": b3}


def reference(x, edge_index, W1, b1, W2, b2, W3, b3):
    # GCN layer 1 + ReLU (dropout is identity in eval mode)
    h = jax.nn.relu(gcn_conv(x, edge_index, W1, b1))
    # GCN layer 2 + ReLU
    h = jax.nn.relu(gcn_conv(h, edge_index, W2, b2))
    # GCN layer 3 + softmax over classes
    h = gcn_conv(h, edge_index, W3, b3)
    return jax.nn.softmax(h, axis=1)

if __name__ == "__main__":
    import jax
    _d = setup_inputs()
    print(jax.jit(kernel)(*tuple(_d.values())))

</pallas_src>

<mosaic_0001>
#map = affine_map<(d0, d1) -> (0, 0)>
#map1 = affine_map<(d0, d1) -> (0, 0, 0)>
module attributes {stable_mosaic.version = 14 : i64} {
  func.func @_deg(%arg0: i32, %arg1: i32, %arg2: memref<2500x128xi32, #tpu.memory_space<hbm>>, %arg3: memref<625x8xf32, #tpu.memory_space<hbm>>, %arg4: memref<128x8xf32, #tpu.memory_space<hbm>>, %arg5: memref<2x10000x8xf32, #tpu.memory_space<hbm>>, %arg6: memref<79x128xi32, #tpu.memory_space<vmem>>, %arg7: memref<128x8xf32, #tpu.memory_space<vmem>>, %arg8: memref<10000x8xf32, #tpu.memory_space<vmem_shared>>, %arg9: memref<!tpu.dma_semaphore, #tpu.memory_space<semaphore_mem>>) attributes {dimension_semantics = [#tpu.dimension_semantics<core_parallel>, #tpu.dimension_semantics<subcore_parallel>], iteration_bounds = array<i64: 2, 16>, scalar_prefetch = 0 : i64, scratch_operands = 4 : i64, tpu.core_type = #tpu.core_type<sc_vector_subcore>, window_params = [{transform_indices = #map}, {transform_indices = #map}, {transform_indices = #map}, {transform_indices = #map1}]} {
    %mul3A = arith.constant 16 : i32
    %mul3A_0 = arith.muli %arg0, %mul3A : i32
    %add3A = arith.addi %mul3A_0, %arg1 : i32
    %mul3A_1 = arith.constant 2500 : i32
    %mul3A_2 = arith.muli %mul3A_1, %add3A : i32
    %jit3A = arith.constant 32 : i32
    %div3A = arith.divsi %mul3A_2, %jit3A : i32
    %sign3A = arith.constant 0 : i32
    %sign3A_3 = arith.cmpi sgt, %mul3A_2, %sign3A : i32
    %sign3A_4 = arith.extui %sign3A_3 : i1 to i32
    %sign3A_5 = arith.constant 0 : i32
    %sign3A_6 = arith.cmpi slt, %mul3A_2, %sign3A_5 : i32
    %sign3A_7 = arith.extui %sign3A_6 : i1 to i32
    %sign3A_8 = arith.subi %sign3A_4, %sign3A_7 : i32
    %sign3A_9 = arith.constant 0 : i32
    %sign3A_10 = arith.cmpi sgt, %jit3A, %sign3A_9 : i32
    %sign3A_11 = arith.extui %sign3A_10 : i1 to i32
    %sign3A_12 = arith.constant 0 : i32
    %sign3A_13 = arith.cmpi slt, %jit3A, %sign3A_12 : i32
    %sign3A_14 = arith.extui %sign3A_13 : i1 to i32
    %sign3A_15 = arith.subi %sign3A_11, %sign3A_14 : i32
    %ne3A = arith.cmpi ne, %sign3A_8, %sign3A_15 : i32
    %rem3A = arith.remsi %mul3A_2, %jit3A : i32
    %ne3A_16 = arith.constant 0 : i32
    %ne3A_17 = arith.cmpi ne, %rem3A, %ne3A_16 : i32
    %and3A = arith.andi %ne3A, %ne3A_17 : i1
    %sub3A = arith.constant 1 : i32
    %sub3A_18 = arith.subi %div3A, %sub3A : i32
    %select_n3A = arith.select %and3A, %sub3A_18, %div3A : i32
    %add3A_19 = arith.constant 1 : i32
    %add3A_20 = arith.addi %add3A, %add3A_19 : i32
    %mul3A_21 = arith.constant 2500 : i32
    %mul3A_22 = arith.muli %mul3A_21, %add3A_20 : i32
    %jit3A_23 = arith.constant 32 : i32
    %div3A_24 = arith.divsi %mul3A_22, %jit3A_23 : i32
    %sign3A_25 = arith.constant 0 : i32
    %sign3A_26 = arith.cmpi sgt, %mul3A_22, %sign3A_25 : i32
    %sign3A_27 = arith.extui %sign3A_26 : i1 to i32
    %sign3A_28 = arith.constant 0 : i32
    %sign3A_29 = arith.cmpi slt, %mul3A_22, %sign3A_28 : i32
    %sign3A_30 = arith.extui %sign3A_29 : i1 to i32
    %sign3A_31 = arith.subi %sign3A_27, %sign3A_30 : i32
    %sign3A_32 = arith.constant 0 : i32
    %sign3A_33 = arith.cmpi sgt, %jit3A_23, %sign3A_32 : i32
    %sign3A_34 = arith.extui %sign3A_33 : i1 to i32
    %sign3A_35 = arith.constant 0 : i32
    %sign3A_36 = arith.cmpi slt, %jit3A_23, %sign3A_35 : i32
    %sign3A_37 = arith.extui %sign3A_36 : i1 to i32
    %sign3A_38 = arith.subi %sign3A_34, %sign3A_37 : i32
    %ne3A_39 = arith.cmpi ne, %sign3A_31, %sign3A_38 : i32
    %rem3A_40 = arith.remsi %mul3A_22, %jit3A_23 : i32
    %ne3A_41 = arith.constant 0 : i32
    %ne3A_42 = arith.cmpi ne, %rem3A_40, %ne3A_41 : i32
    %and3A_43 = arith.andi %ne3A_39, %ne3A_42 : i1
    %sub3A_44 = arith.constant 1 : i32
    %sub3A_45 = arith.subi %div3A_24, %sub3A_44 : i32
    %select_n3A_46 = arith.select %and3A_43, %sub3A_45, %div3A_24 : i32
    %sub3A_47 = arith.subi %select_n3A_46, %select_n3A : i32
    %mul3A_48 = arith.constant 625 : i32
    %mul3A_49 = arith.muli %arg1, %mul3A_48 : i32
    "tpu.region"() ({
      %run_scoped3A = tpu.sem_alloc : memref<!tpu.dma_semaphore, #tpu.memory_space<semaphore_mem>>
      %dma_start3A = arith.constant 0 : i32
      %dma_start3A_74 = tpu.memref_slice %arg8[%mul3A_49, %dma_start3A] : memref<10000x8xf32, #tpu.memory_space<vmem_shared>> -> memref<625x8xf32, #tpu.memory_space<vmem_shared>>
      tpu.enqueue_dma source(%arg3 : memref<625x8xf32, #tpu.memory_space<hbm>>) target(%dma_start3A_74 : memref<625x8xf32, #tpu.memory_space<vmem_shared>>) target_semaphore(%run_scoped3A : memref<!tpu.dma_semaphore, #tpu.memory_space<semaphore_mem>>)
      %dma_wait3A = arith.constant 0 : i32
      %dma_wait3A_75 = tpu.memref_slice %arg8[%mul3A_49, %dma_wait3A] : memref<10000x8xf32, #tpu.memory_space<vmem_shared>> -> memref<625x8xf32, #tpu.memory_space<vmem_shared>>
      tpu.wait_dma2 semaphore(%run_scoped3A : memref<!tpu.dma_semaphore, #tpu.memory_space<semaphore_mem>>) src(%arg3 : memref<625x8xf32, #tpu.memory_space<hbm>>) dst(%dma_wait3A_75 : memref<625x8xf32, #tpu.memory_space<vmem_shared>>)
      tpu.yield
    }) : () -> ()
    "tpu.region"() ({
      %run_scoped3A = tpu.sem_alloc : memref<!tpu.dma_semaphore, #tpu.memory_space<semaphore_mem>>
      tpu.enqueue_dma source(%arg4 : memref<128x8xf32, #tpu.memory_space<hbm>>) target(%arg7 : memref<128x8xf32, #tpu.memory_space<vmem>>) target_semaphore(%run_scoped3A : memref<!tpu.dma_semaphore, #tpu.memory_space<semaphore_mem>>)
      tpu.wait_dma2 semaphore(%run_scoped3A : memref<!tpu.dma_semaphore, #tpu.memory_space<semaphore_mem>>) src(%arg4 : memref<128x8xf32, #tpu.memory_space<hbm>>) dst(%arg7 : memref<128x8xf32, #tpu.memory_space<vmem>>)
      tpu.yield
    }) : () -> ()
    "tpu.region"() ({
      %run_scoped3A = tpu.sem_alloc : memref<!tpu.dma_semaphore, #tpu.memory_space<semaphore_mem>>
      %dma_start3A = arith.constant 0 : i32
      %dma_start3A_74 = tpu.memref_slice %arg2[%select_n3A, %dma_start3A] : memref<2500x128xi32, #tpu.memory_space<hbm>> -> memref<79x128xi32, #tpu.memory_space<hbm>>
      %dma_start3A_75 = arith.constant 0 : i32
      %dma_start3A_76 = tpu.memref_slice %arg2[%select_n3A, %dma_start3A_75] : memref<2500x128xi32, #tpu.memory_space<hbm>> -> memref<79x128xi32, #tpu.memory_space<hbm>>
      tpu.enqueue_dma source(%dma_start3A_76 : memref<79x128xi32, #tpu.memory_space<hbm>>) target(%arg6 : memref<79x128xi32, #tpu.memory_space<vmem>>) target_semaphore(%run_scoped3A : memref<!tpu.dma_semaphore, #tpu.memory_space<semaphore_mem>>)
      %dma_wait3A = arith.constant 0 : i32
      %dma_wait3A_77 = tpu.memref_slice %arg2[%select_n3A, %dma_wait3A] : memref<2500x128xi32, #tpu.memory_space<hbm>> -> memref<79x128xi32, #tpu.memory_space<hbm>>
      %dma_wait3A_78 = arith.constant 0 : i32
      %dma_wait3A_79 = tpu.memref_slice %arg2[%select_n3A, %dma_wait3A_78] : memref<2500x128xi32, #tpu.memory_space<hbm>> -> memref<79x128xi32, #tpu.memory_space<hbm>>
      tpu.wait_dma2 semaphore(%run_scoped3A : memref<!tpu.dma_semaphore, #tpu.memory_space<semaphore_mem>>) src(%dma_wait3A_79 : memref<79x128xi32, #tpu.memory_space<hbm>>) dst(%arg6 : memref<79x128xi32, #tpu.memory_space<vmem>>)
      tpu.yield
    }) : () -> ()
    %barrier3A = arith.constant 0 : index
    tpu.barrier barrier_id(%barrier3A)
    %while3A = arith.constant 0 : i32
    %while3A_50 = arith.constant 0 : i32
    %while3A_51 = arith.subi %sub3A_47, %while3A_50 : i32
    %while3A_52 = arith.addi %while3A_50, %while3A_51 : i32
    %while3A_53 = arith.constant 1 : i32
    %while3A_54 = arith.divsi %while3A_51, %while3A_53 : i32
    %while3A_55 = arith.muli %while3A_54, %while3A_53 : i32
    %while3A_56 = arith.addi %while3A_50, %while3A_55 : i32
    %while3A_57 = arith.constant 1 : i32
    scf.for %while3A_74 = %while3A_50 to %while3A_56 step %while3A_57  : i32 {
      %dma_start3A = arith.constant 0 : i32
      %dma_start3A_75 = tpu.memref_slice %arg6[%while3A_74, %dma_start3A] : memref<79x128xi32, #tpu.memory_space<vmem>> -> memref<1x128xi32, #tpu.memory_space<vmem>>
      %dma_start3A_76 = tpu.memref_squeeze %dma_start3A_75 : memref<1x128xi32, #tpu.memory_space<vmem>> -> memref<128xi32, #tpu.memory_space<vmem>>
      %dma_start3A_77 = arith.constant 0 : i32
      %dma_start3A_78 = arith.constant 0 : i32
      %dma_start3A_79 = tpu.memref_slice %arg8[%dma_start3A_77, %dma_start3A_78] : memref<10000x8xf32, #tpu.memory_space<vmem_shared>> -> memref<10000x8xf32, #tpu.memory_space<vmem_shared>>
      tpu.enqueue_indirect_dma source(%arg7 : memref<128x8xf32, #tpu.memory_space<vmem>>) target(%dma_start3A_79 : memref<10000x8xf32, #tpu.memory_space<vmem_shared>>) offsets(%dma_start3A_76 : memref<128xi32, #tpu.memory_space<vmem>>) semaphore(%arg9 : memref<!tpu.dma_semaphore, #tpu.memory_space<semaphore_mem>>) {add = true}
    }
    %while3A_58 = arith.constant 1 : i32
    scf.for %while3A_74 = %while3A_56 to %while3A_52 step %while3A_58  : i32 {
      %dma_start3A = arith.constant 0 : i32
      %dma_start3A_75 = tpu.memref_slice %arg6[%while3A_74, %dma_start3A] : memref<79x128xi32, #tpu.memory_space<vmem>> -> memref<1x128xi32, #tpu.memory_space<vmem>>
      %dma_start3A_76 = tpu.memref_squeeze %dma_start3A_75 : memref<1x128xi32, #tpu.memory_space<vmem>> -> memref<128xi32, #tpu.memory_space<vmem>>
      %dma_start3A_77 = arith.constant 0 : i32
      %dma_start3A_78 = arith.constant 0 : i32
      %dma_start3A_79 = tpu.memref_slice %arg8[%dma_start3A_77, %dma_start3A_78] : memref<10000x8xf32, #tpu.memory_space<vmem_shared>> -> memref<10000x8xf32, #tpu.memory_space<vmem_shared>>
      tpu.enqueue_indirect_dma source(%arg7 : memref<128x8xf32, #tpu.memory_space<vmem>>) target(%dma_start3A_79 : memref<10000x8xf32, #tpu.memory_space<vmem_shared>>) offsets(%dma_start3A_76 : memref<128xi32, #tpu.memory_space<vmem>>) semaphore(%arg9 : memref<!tpu.dma_semaphore, #tpu.memory_space<semaphore_mem>>) {add = true}
    }
    %while3A_59 = arith.constant 0 : i32
    %while3A_60 = arith.constant 0 : i32
    %while3A_61 = arith.subi %sub3A_47, %while3A_60 : i32
    %while3A_62 = arith.addi %while3A_60, %while3A_61 : i32
    %while3A_63 = arith.constant 1 : i32
    %while3A_64 = arith.divsi %while3A_61, %while3A_63 : i32
    %while3A_65 = arith.muli %while3A_64, %while3A_63 : i32
    %while3A_66 = arith.addi %while3A_60, %while3A_65 : i32
    %while3A_67 = arith.constant 1 : i32
    scf.for %while3A_74 = %while3A_60 to %while3A_66 step %while3A_67  : i32 {
      %dma_wait3A = arith.constant 0 : i32
      %dma_wait3A_75 = arith.constant 0 : i32
      %dma_wait3A_76 = tpu.memref_slice %arg6[%dma_wait3A, %dma_wait3A_75] : memref<79x128xi32, #tpu.memory_space<vmem>> -> memref<1x128xi32, #tpu.memory_space<vmem>>
      %dma_wait3A_77 = tpu.memref_squeeze %dma_wait3A_76 : memref<1x128xi32, #tpu.memory_space<vmem>> -> memref<128xi32, #tpu.memory_space<vmem>>
      %dma_wait3A_78 = arith.constant 0 : i32
      %dma_wait3A_79 = arith.constant 0 : i32
      %dma_wait3A_80 = tpu.memref_slice %arg8[%dma_wait3A_78, %dma_wait3A_79] : memref<10000x8xf32, #tpu.memory_space<vmem_shared>> -> memref<10000x8xf32, #tpu.memory_space<vmem_shared>>
      tpu.wait_indirect_dma semaphore(%arg9 : memref<!tpu.dma_semaphore, #tpu.memory_space<semaphore_mem>>) src(%arg7 : memref<128x8xf32, #tpu.memory_space<vmem>>) dst(%dma_wait3A_80 : memref<10000x8xf32, #tpu.memory_space<vmem_shared>>)
    }
    %while3A_68 = arith.constant 1 : i32
    scf.for %while3A_74 = %while3A_66 to %while3A_62 step %while3A_68  : i32 {
      %dma_wait3A = arith.constant 0 : i32
      %dma_wait3A_75 = arith.constant 0 : i32
      %dma_wait3A_76 = tpu.memref_slice %arg6[%dma_wait3A, %dma_wait3A_75] : memref<79x128xi32, #tpu.memory_space<vmem>> -> memref<1x128xi32, #tpu.memory_space<vmem>>
      %dma_wait3A_77 = tpu.memref_squeeze %dma_wait3A_76 : memref<1x128xi32, #tpu.memory_space<vmem>> -> memref<128xi32, #tpu.memory_space<vmem>>
      %dma_wait3A_78 = arith.constant 0 : i32
      %dma_wait3A_79 = arith.constant 0 : i32
      %dma_wait3A_80 = tpu.memref_slice %arg8[%dma_wait3A_78, %dma_wait3A_79] : memref<10000x8xf32, #tpu.memory_space<vmem_shared>> -> memref<10000x8xf32, #tpu.memory_space<vmem_shared>>
      tpu.wait_indirect_dma semaphore(%arg9 : memref<!tpu.dma_semaphore, #tpu.memory_space<semaphore_mem>>) src(%arg7 : memref<128x8xf32, #tpu.memory_space<vmem>>) dst(%dma_wait3A_80 : memref<10000x8xf32, #tpu.memory_space<vmem_shared>>)
    }
    %barrier3A_69 = arith.constant 0 : index
    tpu.barrier barrier_id(%barrier3A_69)
    %mul3A_70 = arith.constant 625 : i32
    %mul3A_71 = arith.muli %arg1, %mul3A_70 : i32
    %mul3A_72 = arith.constant 625 : i32
    %mul3A_73 = arith.muli %arg1, %mul3A_72 : i32
    "tpu.region"() ({
      %run_scoped3A = tpu.sem_alloc : memref<!tpu.dma_semaphore, #tpu.memory_space<semaphore_mem>>
      %dma_start3A = arith.constant 0 : i32
      %dma_start3A_74 = tpu.memref_slice %arg5[%arg0, %mul3A_73, %dma_start3A] : memref<2x10000x8xf32, #tpu.memory_space<hbm>> -> memref<1x625x8xf32, #tpu.memory_space<hbm>>
      %dma_start3A_75 = tpu.memref_squeeze %dma_start3A_74 : memref<1x625x8xf32, #tpu.memory_space<hbm>> -> memref<625x8xf32, #tpu.memory_space<hbm>>
      %dma_start3A_76 = arith.constant 0 : i32
      %dma_start3A_77 = tpu.memref_slice %arg8[%mul3A_71, %dma_start3A_76] : memref<10000x8xf32, #tpu.memory_space<vmem_shared>> -> memref<625x8xf32, #tpu.memory_space<vmem_shared>>
      tpu.enqueue_dma source(%dma_start3A_77 : memref<625x8xf32, #tpu.memory_space<vmem_shared>>) target(%dma_start3A_75 : memref<625x8xf32, #tpu.memory_space<hbm>>) target_semaphore(%run_scoped3A : memref<!tpu.dma_semaphore, #tpu.memory_space<semaphore_mem>>)
      %dma_wait3A = arith.constant 0 : i32
      %dma_wait3A_78 = tpu.memref_slice %arg5[%arg0, %mul3A_73, %dma_wait3A] : memref<2x10000x8xf32, #tpu.memory_space<hbm>> -> memref<1x625x8xf32, #tpu.memory_space<hbm>>
      %dma_wait3A_79 = tpu.memref_squeeze %dma_wait3A_78 : memref<1x625x8xf32, #tpu.memory_space<hbm>> -> memref<625x8xf32, #tpu.memory_space<hbm>>
      %dma_wait3A_80 = arith.constant 0 : i32
      %dma_wait3A_81 = tpu.memref_slice %arg8[%mul3A_71, %dma_wait3A_80] : memref<10000x8xf32, #tpu.memory_space<vmem_shared>> -> memref<625x8xf32, #tpu.memory_space<vmem_shared>>
      tpu.wait_dma2 semaphore(%run_scoped3A : memref<!tpu.dma_semaphore, #tpu.memory_space<semaphore_mem>>) src(%dma_wait3A_81 : memref<625x8xf32, #tpu.memory_space<vmem_shared>>) dst(%dma_wait3A_79 : memref<625x8xf32, #tpu.memory_space<hbm>>)
      tpu.yield
    }) : () -> ()
    return
  }
}

#map = affine_map<(d0, d1) -> (0, 0)>
#map1 = affine_map<(d0, d1) -> (0, 0, 0)>
module attributes {stable_mosaic.version = 14 : i64} {
  func.func @gcn_agg_64(%arg0: i32, %arg1: i32, %arg2: memref<10000x64xf32, #tpu.memory_space<hbm>>, %arg3: memref<2500x128xi32, #tpu.memory_space<hbm>>, %arg4: memref<2500x128xi32, #tpu.memory_space<hbm>>, %arg5: memref<625x64xf32, #tpu.memory_space<hbm>>, %arg6: memref<2x10000x128xf32, #tpu.memory_space<hbm>>, %arg7: memref<79x128xi32, #tpu.memory_space<vmem>>, %arg8: memref<79x128xi32, #tpu.memory_space<vmem>>, %arg9: memref<8x128x64xf32, #tpu.memory_space<vmem>>, %arg10: memref<10000x64xf32, #tpu.memory_space<vmem_shared>>, %arg11: memref<!tpu.dma_semaphore, #tpu.memory_space<semaphore_mem>>, %arg12: memref<!tpu.dma_semaphore, #tpu.memory_space<semaphore_mem>>, %arg13: memref<!tpu.dma_semaphore, #tpu.memory_space<semaphore_mem>>, %arg14: memref<!tpu.dma_semaphore, #tpu.memory_space<semaphore_mem>>, %arg15: memref<!tpu.dma_semaphore, #tpu.memory_space<semaphore_mem>>, %arg16: memref<!tpu.dma_semaphore, #tpu.memory_space<semaphore_mem>>, %arg17: memref<!tpu.dma_semaphore, #tpu.memory_space<semaphore_mem>>, %arg18: memref<!tpu.dma_semaphore, #tpu.memory_space<semaphore_mem>>, %arg19: memref<!tpu.dma_semaphore, #tpu.memory_space<semaphore_mem>>, %arg20: memref<!tpu.dma_semaphore, #tpu.memory_space<semaphore_mem>>, %arg21: memref<!tpu.dma_semaphore, #tpu.memory_space<semaphore_mem>>, %arg22: memref<!tpu.dma_semaphore, #tpu.memory_space<semaphore_mem>>, %arg23: memref<!tpu.dma_semaphore, #tpu.memory_space<semaphore_mem>>, %arg24: memref<!tpu.dma_semaphore, #tpu.memory_space<semaphore_mem>>, %arg25: memref<!tpu.dma_semaphore, #tpu.memory_space<semaphore_mem>>, %arg26: memref<!tpu.dma_semaphore, #tpu.memory_space<semaphore_mem>>) attributes {dimension_semantics = [#tpu.dimension_semantics<core_parallel>, #tpu.dimension_semantics<subcore_parallel>], iteration_bounds = array<i64: 2, 16>, scalar_prefetch = 0 : i64, scratch_operands = 20 : i64, tpu.core_type = #tpu.core_type<sc_vector_subcore>, window_params = [{transform_indices = #map}, {transform_indices = #map}, {transform_indices = #map}, {transform_indices = #map}, {transform_indices = #map1}]} {
    %mul3A = arith.constant 16 : i32
    %mul3A_0 = arith.muli %arg0, %mul3A : i32
    %add3A = arith.addi %mul3A_0, %arg1 : i32
    %mul3A_1 = arith.constant 2500 : i32
    %mul3A_2 = arith.muli %mul3A_1, %add3A : i32
    %jit3A = arith.constant 32 : i32
    %div3A = arith.divsi %mul3A_2, %jit3A : i32
    %sign3A = arith.constant 0 : i32
    %sign3A_3 = arith.cmpi sgt, %mul3A_2, %sign3A : i32
    %sign3A_4 = arith.extui %sign3A_3 : i1 to i32
    %sign3A_5 = arith.constant 0 : i32
    %sign3A_6 = arith.cmpi slt, %mul3A_2, %sign3A_5 : i32
    %sign3A_7 = arith.extui %sign3A_6 : i1 to i32
    %sign3A_8 = arith.subi %sign3A_4, %sign3A_7 : i32
    %sign3A_9 = arith.constant 0 : i32
    %sign3A_10 = arith.cmpi sgt, %jit3A, %sign3A_9 : i32
    %sign3A_11 = arith.extui %sign3A_10 : i1 to i32
    %sign3A_12 = arith.constant 0 : i32
    %sign3A_13 = arith.cmpi slt, %jit3A, %sign3A_12 : i32
    %sign3A_14 = arith.extui %sign3A_13 : i1 to i32
    %sign3A_15 = arith.subi %sign3A_11, %sign3A_14 : i32
    %ne3A = arith.cmpi ne, %sign3A_8, %sign3A_15 : i32
    %rem3A = arith.remsi %mul3A_2, %jit3A : i32
    %ne3A_16 = arith.constant 0 : i32
    %ne3A_17 = arith.cmpi ne, %rem3A, %ne3A_16 : i32
    %and3A = arith.andi %ne3A, %ne3A_17 : i1
    %sub3A = arith.constant 1 : i32
    %sub3A_18 = arith.subi %div3A, %sub3A : i32
    %select_n3A = arith.select %and3A, %sub3A_18, %div3A : i32
    %add3A_19 = arith.constant 1 : i32
    %add3A_20 = arith.addi %add3A, %add3A_19 : i32
    %mul3A_21 = arith.constant 2500 : i32
    %mul3A_22 = arith.muli %mul3A_21, %add3A_20 : i32
    %jit3A_23 = arith.constant 32 : i32
    %div3A_24 = arith.divsi %mul3A_22, %jit3A_23 : i32
    %sign3A_25 = arith.constant 0 : i32
    %sign3A_26 = arith.cmpi sgt, %mul3A_22, %sign3A_25 : i32
    %sign3A_27 = arith.extui %sign3A_26 : i1 to i32
    %sign3A_28 = arith.constant 0 : i32
    %sign3A_29 = arith.cmpi slt, %mul3A_22, %sign3A_28 : i32
    %sign3A_30 = arith.extui %sign3A_29 : i1 to i32
    %sign3A_31 = arith.subi %sign3A_27, %sign3A_30 : i32
    %sign3A_32 = arith.constant 0 : i32
    %sign3A_33 = arith.cmpi sgt, %jit3A_23, %sign3A_32 : i32
    %sign3A_34 = arith.extui %sign3A_33 : i1 to i32
    %sign3A_35 = arith.constant 0 : i32
    %sign3A_36 = arith.cmpi slt, %jit3A_23, %sign3A_35 : i32
    %sign3A_37 = arith.extui %sign3A_36 : i1 to i32
    %sign3A_38 = arith.subi %sign3A_34, %sign3A_37 : i32
    %ne3A_39 = arith.cmpi ne, %sign3A_31, %sign3A_38 : i32
    %rem3A_40 = arith.remsi %mul3A_22, %jit3A_23 : i32
    %ne3A_41 = arith.constant 0 : i32
    %ne3A_42 = arith.cmpi ne, %rem3A_40, %ne3A_41 : i32
    %and3A_43 = arith.andi %ne3A_39, %ne3A_42 : i1
    %sub3A_44 = arith.constant 1 : i32
    %sub3A_45 = arith.subi %div3A_24, %sub3A_44 : i32
    %select_n3A_46 = arith.select %and3A_43, %sub3A_45, %div3A_24 : i32
    %sub3A_47 = arith.subi %select_n3A_46, %select_n3A : i32
    "tpu.region"() ({
      %run_scoped3A = tpu.sem_alloc : memref<!tpu.dma_semaphore, #tpu.memory_space<semaphore_mem>>
      %dma_start3A_214 = arith.constant 0 : i32
      %dma_start3A_215 = tpu.memref_slice %arg3[%select_n3A, %dma_start3A_214] : memref<2500x128xi32, #tpu.memory_space<hbm>> -> memref<79x128xi32, #tpu.memory_space<hbm>>
      %dma_start3A_216 = arith.constant 0 : i32
      %dma_start3A_217 = tpu.memref_slice %arg3[%select_n3A, %dma_start3A_216] : memref<2500x128xi32, #tpu.memory_space<hbm>> -> memref<79x128xi32, #tpu.memory_space<hbm>>
      tpu.enqueue_dma source(%dma_start3A_217 : memref<79x128xi32, #tpu.memory_space<hbm>>) target(%arg7 : memref<79x128xi32, #tpu.memory_space<vmem>>) target_semaphore(%run_scoped3A : memref<!tpu.dma_semaphore, #tpu.memory_space<semaphore_mem>>)
      %dma_wait3A_218 = arith.constant 0 : i32
      %dma_wait3A_219 = tpu.memref_slice %arg3[%select_n3A, %dma_wait3A_218] : memref<2500x128xi32, #tpu.memory_space<hbm>> -> memref<79x128xi32, #tpu.memory_space<hbm>>
      %dma_wait3A_220 = arith.constant 0 : i32
      %dma_wait3A_221 = tpu.memref_slice %arg3[%select_n3A, %dma_wait3A_220] : memref<2500x128xi32, #tpu.memory_space<hbm>> -> memref<79x128xi32, #tpu.memory_space<hbm>>
      tpu.wait_dma2 semaphore(%run_scoped3A : memref<!tpu.dma_semaphore, #tpu.memory_space<semaphore_mem>>) src(%dma_wait3A_221 : memref<79x128xi32, #tpu.memory_space<hbm>>) dst(%arg7 : memref<79x128xi32, #tpu.memory_space<vmem>>)
      tpu.yield
    }) : () -> ()
    "tpu.region"() ({
      %run_scoped3A = tpu.sem_alloc : memref<!tpu.dma_semaphore, #tpu.memory_space<semaphore_mem>>
      %dma_start3A_214 = arith.constant 0 : i32
      %dma_start3A_215 = tpu.memref_slice %arg4[%select_n3A, %dma_start3A_214] : memref<2500x128xi32, #tpu.memory_space<hbm>> -> memref<79x128xi32, #tpu.memory_space<hbm>>
      %dma_start3A_216 = arith.constant 0 : i32
      %dma_start3A_217 = tpu.memref_slice %arg4[%select_n3A, %dma_start3A_216] : memref<2500x128xi32, #tpu.memory_space<hbm>> -> memref<79x128xi32, #tpu.memory_space<hbm>>
      tpu.enqueue_dma source(%dma_start3A_217 : memref<79x128xi32, #tpu.memory_space<hbm>>) target(%arg8 : memref<79x128xi32, #tpu.memory_space<vmem>>) target_semaphore(%run_scoped3A : memref<!tpu.dma_semaphore, #tpu.memory_space<semaphore_mem>>)
      %dma_wait3A_218 = arith.constant 0 : i32
      %dma_wait3A_219 = tpu.memref_slice %arg4[%select_n3A, %dma_wait3A_218] : memref<2500x128xi32, #tpu.memory_space<hbm>> -> memref<79x128xi32, #tpu.memory_space<hbm>>
      %dma_wait3A_220 = arith.constant 0 : i32
      %dma_wait3A_221 = tpu.memref_slice %arg4[%select_n3A, %dma_wait3A_220] : memref<2500x128xi32, #tpu.memory_space<hbm>> -> memref<79x128xi32, #tpu.memory_space<hbm>>
      tpu.wait_dma2 semaphore(%run_scoped3A : memref<!tpu.dma_semaphore, #tpu.memory_space<semaphore_mem>>) src(%dma_wait3A_221 : memref<79x128xi32, #tpu.memory_space<hbm>>) dst(%arg8 : memref<79x128xi32, #tpu.memory_space<vmem>>)
      tpu.yield
    }) : () -> ()
    %dma_start3A = arith.constant 0 : i32
    %dma_start3A_48 = arith.constant 0 : i32
    %dma_start3A_49 = arith.constant 0 : i32
    %dma_start3A_50 = arith.constant 0 : i32
    %dma_start3A_51 = tpu.memref_slice %arg9[%dma_start3A_48, %dma_start3A_49, %dma_start3A_50] : memref<8x128x64xf32, #tpu.memory_space<vmem>> -> memref<1x128x64xf32, #tpu.memory_space<vmem>>
    %dma_start3A_52 = tpu.memref_squeeze %dma_start3A_51 : memref<1x128x64xf32, #tpu.memory_space<vmem>> -> memref<128x64xf32, #tpu.memory_space<vmem>>
    %dma_start3A_53 = arith.constant 0 : i32
    %dma_start3A_54 = tpu.memref_slice %arg7[%dma_start3A, %dma_start3A_53] : memref<79x128xi32, #tpu.memory_space<vmem>> -> memref<1x128xi32, #tpu.memory_space<vmem>>
    %dma_start3A_55 = tpu.memref_squeeze %dma_start3A_54 : memref<1x128xi32, #tpu.memory_space<vmem>> -> memref<128xi32, #tpu.memory_space<vmem>>
    %dma_start3A_56 = arith.constant 0 : i32
    %dma_start3A_57 = arith.constant 0 : i32
    %dma_start3A_58 = tpu.memref_slice %arg2[%dma_start3A_56, %dma_start3A_57] : memref<10000x64xf32, #tpu.memory_space<hbm>> -> memref<10000x64xf32, #tpu.memory_space<hbm>>
    tpu.enqueue_indirect_dma source(%dma_start3A_58 : memref<10000x64xf32, #tpu.memory_space<hbm>>) target(%dma_start3A_52 : memref<128x64xf32, #tpu.memory_space<vmem>>) offsets(%dma_start3A_55 : memref<128xi32, #tpu.memory_space<vmem>>) semaphore(%arg11 : memref<!tpu.dma_semaphore, #tpu.memory_space<semaphore_mem>>)
    %dma_start3A_59 = arith.constant 1 : i32
    %dma_start3A_60 = arith.constant 1 : i32
    %dma_start3A_61 = arith.constant 0 : i32
    %dma_start3A_62 = arith.constant 0 : i32
    %dma_start3A_63 = tpu.memref_slice %arg9[%dma_start3A_60, %dma_start3A_61, %dma_start3A_62] : memref<8x128x64xf32, #tpu.memory_space<vmem>> -> memref<1x128x64xf32, #tpu.memory_space<vmem>>
    %dma_start3A_64 = tpu.memref_squeeze %dma_start3A_63 : memref<1x128x64xf32, #tpu.memory_space<vmem>> -> memref<128x64xf32, #tpu.memory_space<vmem>>
    %dma_start3A_65 = arith.constant 0 : i32
    %dma_start3A_66 = tpu.memref_slice %arg7[%dma_start3A_59, %dma_start3A_65] : memref<79x128xi32, #tpu.memory_space<vmem>> -> memref<1x128xi32, #tpu.memory_space<vmem>>
    %dma_start3A_67 = tpu.memref_squeeze %dma_start3A_66 : memref<1x128xi32, #tpu.memory_space<vmem>> -> memref<128xi32, #tpu.memory_space<vmem>>
    %dma_start3A_68 = arith.constant 0 : i32
    %dma_start3A_69 = arith.constant 0 : i32
    %dma_start3A_70 = tpu.memref_slice %arg2[%dma_start3A_68, %dma_start3A_69] : memref<10000x64xf32, #tpu.memory_space<hbm>> -> memref<10000x64xf32, #tpu.memory_space<hbm>>
    tpu.enqueue_indirect_dma source(%dma_start3A_70 : memref<10000x64xf32, #tpu.memory_space<hbm>>) target(%dma_start3A_64 : memref<128x64xf32, #tpu.memory_space<vmem>>) offsets(%dma_start3A_67 : memref<128xi32, #tpu.memory_space<vmem>>) semaphore(%arg12 : memref<!tpu.dma_semaphore, #tpu.memory_space<semaphore_mem>>)
    %dma_start3A_71 = arith.constant 2 : i32
    %dma_start3A_72 = arith.constant 2 : i32
    %dma_start3A_73 = arith.constant 0 : i32
    %dma_start3A_74 = arith.constant 0 : i32
    %dma_start3A_75 = tpu.memref_slice %arg9[%dma_start3A_72, %dma_start3A_73, %dma_start3A_74] : memref<8x128x64xf32, #tpu.memory_space<vmem>> -> memref<1x128x64xf32, #tpu.memory_space<vmem>>
    %dma_start3A_76 = tpu.memref_squeeze %dma_start3A_75 : memref<1x128x64xf32, #tpu.memory_space<vmem>> -> memref<128x64xf32, #tpu.memory_space<vmem>>
    %dma_start3A_77 = arith.constant 0 : i32
    %dma_start3A_78 = tpu.memref_slice %arg7[%dma_start3A_71, %dma_start3A_77] : memref<79x128xi32, #tpu.memory_space<vmem>> -> memref<1x128xi32, #tpu.memory_space<vmem>>
    %dma_start3A_79 = tpu.memref_squeeze %dma_start3A_78 : memref<1x128xi32, #tpu.memory_space<vmem>> -> memref<128xi32, #tpu.memory_space<vmem>>
    %dma_start3A_80 = arith.constant 0 : i32
    %dma_start3A_81 = arith.constant 0 : i32
    %dma_start3A_82 = tpu.memref_slice %arg2[%dma_start3A_80, %dma_start3A_81] : memref<10000x64xf32, #tpu.memory_space<hbm>> -> memref<10000x64xf32, #tpu.memory_space<hbm>>
    tpu.enqueue_indirect_dma source(%dma_start3A_82 : memref<10000x64xf32, #tpu.memory_space<hbm>>) target(%dma_start3A_76 : memref<128x64xf32, #tpu.memory_space<vmem>>) offsets(%dma_start3A_79 : memref<128xi32, #tpu.memory_space<vmem>>) semaphore(%arg13 : memref<!tpu.dma_semaphore, #tpu.memory_space<semaphore_mem>>)
    %dma_start3A_83 = arith.constant 3 : i32
    %dma_start3A_84 = arith.constant 3 : i32
    %dma_start3A_85 = arith.constant 0 : i32
    %dma_start3A_86 = arith.constant 0 : i32
    %dma_start3A_87 = tpu.memref_slice %arg9[%dma_start3A_84, %dma_start3A_85, %dma_start3A_86] : memref<8x128x64xf32, #tpu.memory_space<vmem>> -> memref<1x128x64xf32, #tpu.memory_space<vmem>>
    %dma_start3A_88 = tpu.memref_squeeze %dma_start3A_87 : memref<1x128x64xf32, #tpu.memory_space<vmem>> -> memref<128x64xf32, #tpu.memory_space<vmem>>
    %dma_start3A_89 = arith.constant 0 : i32
    %dma_start3A_90 = tpu.memref_slice %arg7[%dma_start3A_83, %dma_start3A_89] : memref<79x128xi32, #tpu.memory_space<vmem>> -> memref<1x128xi32, #tpu.memory_space<vmem>>
    %dma_start3A_91 = tpu.memref_squeeze %dma_start3A_90 : memref<1x128xi32, #tpu.memory_space<vmem>> -> memref<128xi32, #tpu.memory_space<vmem>>
    %dma_start3A_92 = arith.constant 0 : i32
    %dma_start3A_93 = arith.constant 0 : i32
    %dma_start3A_94 = tpu.memref_slice %arg2[%dma_start3A_92, %dma_start3A_93] : memref<10000x64xf32, #tpu.memory_space<hbm>> -> memref<10000x64xf32, #tpu.memory_space<hbm>>
    tpu.enqueue_indirect_dma source(%dma_start3A_94 : memref<10000x64xf32, #tpu.memory_space<hbm>>) target(%dma_start3A_88 : memref<128x64xf32, #tpu.memory_space<vmem>>) offsets(%dma_start3A_91 : memref<128xi32, #tpu.memory_space<vmem>>) semaphore(%arg14 : memref<!tpu.dma_semaphore, #tpu.memory_space<semaphore_mem>>)
    %dma_start3A_95 = arith.constant 4 : i32
    %dma_start3A_96 = arith.constant 4 : i32
    %dma_start3A_97 = arith.constant 0 : i32
    %dma_start3A_98 = arith.constant 0 : i32
    %dma_start3A_99 = tpu.memref_slice %arg9[%dma_start3A_96, %dma_start3A_97, %dma_start3A_98] : memref<8x128x64xf32, #tpu.memory_space<vmem>> -> memref<1x128x64xf32, #tpu.memory_space<vmem>>
    %dma_start3A_100 = tpu.memref_squeeze %dma_start3A_99 : memref<1x128x64xf32, #tpu.memory_space<vmem>> -> memref<128x64xf32, #tpu.memory_space<vmem>>
    %dma_start3A_101 = arith.constant 0 : i32
    %dma_start3A_102 = tpu.memref_slice %arg7[%dma_start3A_95, %dma_start3A_101] : memref<79x128xi32, #tpu.memory_space<vmem>> -> memref<1x128xi32, #tpu.memory_space<vmem>>
    %dma_start3A_103 = tpu.memref_squeeze %dma_start3A_102 : memref<1x128xi32, #tpu.memory_space<vmem>> -> memref<128xi32, #tpu.memory_space<vmem>>
    %dma_start3A_104 = arith.constant 0 : i32
    %dma_start3A_105 = arith.constant 0 : i32
    %dma_start3A_106 = tpu.memref_slice %arg2[%dma_start3A_104, %dma_start3A_105] : memref<10000x64xf32, #tpu.memory_space<hbm>> -> memref<10000x64xf32, #tpu.memory_space<hbm>>
    tpu.enqueue_indirect_dma source(%dma_start3A_106 : memref<10000x64xf32, #tpu.memory_space<hbm>>) target(%dma_start3A_100 : memref<128x64xf32, #tpu.memory_space<vmem>>) offsets(%dma_start3A_103 : memref<128xi32, #tpu.memory_space<vmem>>) semaphore(%arg15 : memref<!tpu.dma_semaphore, #tpu.memory_space<semaphore_mem>>)
    %mul3A_107 = arith.constant 625 : i32
    %mul3A_108 = arith.muli %arg1, %mul3A_107 : i32
    "tpu.region"() ({
      %run_scoped3A = tpu.sem_alloc : memref<!tpu.dma_semaphore, #tpu.memory_space<semaphore_mem>>
      %dma_start3A_214 = arith.constant 0 : i32
      %dma_start3A_215 = tpu.memref_slice %arg10[%mul3A_108, %dma_start3A_214] : memref<10000x64xf32, #tpu.memory_space<vmem_shared>> -> memref<625x64xf32, #tpu.memory_space<vmem_shared>>
      tpu.enqueue_dma source(%arg5 : memref<625x64xf32, #tpu.memory_space<hbm>>) target(%dma_start3A_215 : memref<625x64xf32, #tpu.memory_space<vmem_shared>>) target_semaphore(%run_scoped3A : memref<!tpu.dma_semaphore, #tpu.memory_space<semaphore_mem>>)
      %dma_wait3A_216 = arith.constant 0 : i32
      %dma_wait3A_217 = tpu.memref_slice %arg10[%mul3A_108, %dma_wait3A_216] : memref<10000x64xf32, #tpu.memory_space<vmem_shared>> -> memref<625x64xf32, #tpu.memory_space<vmem_shared>>
      tpu.wait_dma2 semaphore(%run_scoped3A : memref<!tpu.dma_semaphore, #tpu.memory_space<semaphore_mem>>) src(%arg5 : memref<625x64xf32, #tpu.memory_space<hbm>>) dst(%dma_wait3A_217 : memref<625x64xf32, #tpu.memory_space<vmem_shared>>)
      tpu.yield
    }) : () -> ()
    %barrier3A = arith.constant 0 : index
    tpu.barrier barrier_id(%barrier3A)
    %scan3A = arith.constant 0 : i32
    %scan3A_109 = arith.constant 0 : i32
    %scan3A_110 = arith.constant 10 : i32
    %scan3A_111 = arith.addi %scan3A_109, %scan3A_110 : i32
    %scan3A_112 = arith.constant 1 : i32
    scf.for %scan3A_214 = %scan3A_109 to %scan3A_111 step %scan3A_112  : i32 {
      %mul3A_215 = arith.constant 8 : i32
      %mul3A_216 = arith.muli %scan3A_214, %mul3A_215 : i32
      %add3A_217 = arith.constant 0 : i32
      %add3A_218 = arith.addi %mul3A_216, %add3A_217 : i32
      %add3A_219 = arith.constant 5 : i32
      %add3A_220 = arith.addi %add3A_218, %add3A_219 : i32
      %ge3A = arith.constant 8 : i32
      %ge3A_221 = arith.cmpi sge, %add3A_220, %ge3A : i32
      %lt3A = arith.cmpi slt, %add3A_220, %sub3A_47 : i32
      %and3A_222 = arith.andi %ge3A_221, %lt3A : i1
      %convert_element_type3A = arith.extui %and3A_222 : i1 to i32
      %cond3A = arith.constant 0 : i32
      %cond3A_223 = arith.cmpi ne, %convert_element_type3A, %cond3A : i32
      scf.if %cond3A_223 {
        %dma_wait3A_379 = arith.constant 5 : i32
        %dma_wait3A_380 = arith.constant 0 : i32
        %dma_wait3A_381 = arith.constant 0 : i32
        %dma_wait3A_382 = arith.constant 0 : i32
        %dma_wait3A_383 = tpu.memref_slice %arg9[%dma_wait3A_379, %dma_wait3A_381, %dma_wait3A_382] : memref<8x128x64xf32, #tpu.memory_space<vmem>> -> memref<1x128x64xf32, #tpu.memory_space<vmem>>
        %dma_wait3A_384 = tpu.memref_squeeze %dma_wait3A_383 : memref<1x128x64xf32, #tpu.memory_space<vmem>> -> memref<128x64xf32, #tpu.memory_space<vmem>>
        %dma_wait3A_385 = arith.constant 0 : i32
        %dma_wait3A_386 = tpu.memref_slice %arg8[%dma_wait3A_380, %dma_wait3A_385] : memref<79x128xi32, #tpu.memory_space<vmem>> -> memref<1x128xi32, #tpu.memory_space<vmem>>
        %dma_wait3A_387 = tpu.memref_squeeze %dma_wait3A_386 : memref<1x128xi32, #tpu.memory_space<vmem>> -> memref<128xi32, #tpu.memory_space<vmem>>
        %dma_wait3A_388 = arith.constant 0 : i32
        %dma_wait3A_389 = arith.constant 0 : i32
        %dma_wait3A_390 = tpu.memref_slice %arg10[%dma_wait3A_388, %dma_wait3A_389] : memref<10000x64xf32, #tpu.memory_space<vmem_shared>> -> memref<10000x64xf32, #tpu.memory_space<vmem_shared>>
        tpu.wait_indirect_dma semaphore(%arg24 : memref<!tpu.dma_semaphore, #tpu.memory_space<semaphore_mem>>) src(%dma_wait3A_384 : memref<128x64xf32, #tpu.memory_space<vmem>>) dst(%dma_wait3A_390 : memref<10000x64xf32, #tpu.memory_space<vmem_shared>>)
      } else {
      }
      %lt3A_224 = arith.cmpi slt, %add3A_220, %sub3A_47 : i32
      %convert_element_type3A_225 = arith.extui %lt3A_224 : i1 to i32
      %cond3A_226 = arith.constant 0 : i32
      %cond3A_227 = arith.cmpi ne, %convert_element_type3A_225, %cond3A_226 : i32
      scf.if %cond3A_227 {
        %dma_start3A_379 = arith.constant 5 : i32
        %dma_start3A_380 = arith.constant 0 : i32
        %dma_start3A_381 = arith.constant 0 : i32
        %dma_start3A_382 = tpu.memref_slice %arg9[%dma_start3A_379, %dma_start3A_380, %dma_start3A_381] : memref<8x128x64xf32, #tpu.memory_space<vmem>> -> memref<1x128x64xf32, #tpu.memory_space<vmem>>
        %dma_start3A_383 = tpu.memref_squeeze %dma_start3A_382 : memref<1x128x64xf32, #tpu.memory_space<vmem>> -> memref<128x64xf32, #tpu.memory_space<vmem>>
        %dma_start3A_384 = arith.constant 0 : i32
        %dma_start3A_385 = tpu.memref_slice %arg7[%add3A_220, %dma_start3A_384] : memref<79x128xi32, #tpu.memory_space<vmem>> -> memref<1x128xi32, #tpu.memory_space<vmem>>
        %dma_start3A_386 = tpu.memref_squeeze %dma_start3A_385 : memref<1x128xi32, #tpu.memory_space<vmem>> -> memref<128xi32, #tpu.memory_space<vmem>>
        %dma_start3A_387 = arith.constant 0 : i32
        %dma_start3A_388 = arith.constant 0 : i32
        %dma_start3A_389 = tpu.memref_slice %arg2[%dma_start3A_387, %dma_start3A_388] : memref<10000x64xf32, #tpu.memory_space<hbm>> -> memref<10000x64xf32, #tpu.memory_space<hbm>>
        tpu.enqueue_indirect_dma source(%dma_start3A_389 : memref<10000x64xf32, #tpu.memory_space<hbm>>) target(%dma_start3A_383 : memref<128x64xf32, #tpu.memory_space<vmem>>) offsets(%dma_start3A_386 : memref<128xi32, #tpu.memory_space<vmem>>) semaphore(%arg16 : memref<!tpu.dma_semaphore, #tpu.memory_space<semaphore_mem>>)
      } else {
      }
      %lt3A_228 = arith.cmpi slt, %add3A_218, %sub3A_47 : i32
      %convert_element_type3A_229 = arith.extui %lt3A_228 : i1 to i32
      %cond3A_230 = arith.constant 0 : i32
      %cond3A_231 = arith.cmpi ne, %convert_element_type3A_229, %cond3A_230 : i32
      scf.if %cond3A_231 {
        %dma_wait3A_379 = arith.constant 0 : i32
        %dma_wait3A_380 = arith.constant 0 : i32
        %dma_wait3A_381 = arith.constant 0 : i32
        %dma_wait3A_382 = tpu.memref_slice %arg9[%dma_wait3A_379, %dma_wait3A_380, %dma_wait3A_381] : memref<8x128x64xf32, #tpu.memory_space<vmem>> -> memref<1x128x64xf32, #tpu.memory_space<vmem>>
        %dma_wait3A_383 = tpu.memref_squeeze %dma_wait3A_382 : memref<1x128x64xf32, #tpu.memory_space<vmem>> -> memref<128x64xf32, #tpu.memory_space<vmem>>
        %dma_wait3A_384 = arith.constant 0 : i32
        %dma_wait3A_385 = tpu.memref_slice %arg7[%add3A_218, %dma_wait3A_384] : memref<79x128xi32, #tpu.memory_space<vmem>> -> memref<1x128xi32, #tpu.memory_space<vmem>>
        %dma_wait3A_386 = tpu.memref_squeeze %dma_wait3A_385 : memref<1x128xi32, #tpu.memory_space<vmem>> -> memref<128xi32, #tpu.memory_space<vmem>>
        %dma_wait3A_387 = arith.constant 0 : i32
        %dma_wait3A_388 = arith.constant 0 : i32
        %dma_wait3A_389 = tpu.memref_slice %arg2[%dma_wait3A_387, %dma_wait3A_388] : memref<10000x64xf32, #tpu.memory_space<hbm>> -> memref<10000x64xf32, #tpu.memory_space<hbm>>
        tpu.wait_indirect_dma semaphore(%arg11 : memref<!tpu.dma_semaphore, #tpu.memory_space<semaphore_mem>>) src(%dma_wait3A_389 : memref<10000x64xf32, #tpu.memory_space<hbm>>) dst(%dma_wait3A_383 : memref<128x64xf32, #tpu.memory_space<vmem>>)
        %dma_start3A_390 = arith.constant 0 : i32
        %dma_start3A_391 = arith.constant 0 : i32
        %dma_start3A_392 = arith.constant 0 : i32
        %dma_start3A_393 = tpu.memref_slice %arg9[%dma_start3A_390, %dma_start3A_391, %dma_start3A_392] : memref<8x128x64xf32, #tpu.memory_space<vmem>> -> memref<1x128x64xf32, #tpu.memory_space<vmem>>
        %dma_start3A_394 = tpu.memref_squeeze %dma_start3A_393 : memref<1x128x64xf32, #tpu.memory_space<vmem>> -> memref<128x64xf32, #tpu.memory_space<vmem>>
        %dma_start3A_395 = arith.constant 0 : i32
        %dma_start3A_396 = tpu.memref_slice %arg8[%add3A_218, %dma_start3A_395] : memref<79x128xi32, #tpu.memory_space<vmem>> -> memref<1x128xi32, #tpu.memory_space<vmem>>
        %dma_start3A_397 = tpu.memref_squeeze %dma_start3A_396 : memref<1x128xi32, #tpu.memory_space<vmem>> -> memref<128xi32, #tpu.memory_space<vmem>>
        %dma_start3A_398 = arith.constant 0 : i32
        %dma_start3A_399 = arith.constant 0 : i32
        %dma_start3A_400 = tpu.memref_slice %arg10[%dma_start3A_398, %dma_start3A_399] : memref<10000x64xf32, #tpu.memory_space<vmem_shared>> -> memref<10000x64xf32, #tpu.memory_space<vmem_shared>>
        tpu.enqueue_indirect_dma source(%dma_start3A_394 : memref<128x64xf32, #tpu.memory_space<vmem>>) target(%dma_start3A_400 : memref<10000x64xf32, #tpu.memory_space<vmem_shared>>) offsets(%dma_start3A_397 : memref<128xi32, #tpu.memory_space<vmem>>) semaphore(%arg19 : memref<!tpu.dma_semaphore, #tpu.memory_space<semaphore_mem>>) {add = true}
      } else {
      }
      %mul3A_232 = arith.constant 8 : i32
      %mul3A_233 = arith.muli %scan3A_214, %mul3A_232 : i32
      %add3A_234 = arith.constant 1 : i32
      %add3A_235 = arith.addi %mul3A_233, %add3A_234 : i32
      %add3A_236 = arith.constant 5 : i32
      %add3A_237 = arith.addi %add3A_235, %add3A_236 : i32
      %ge3A_238 = arith.constant 8 : i32
      %ge3A_239 = arith.cmpi sge, %add3A_237, %ge3A_238 : i32
      %lt3A_240 = arith.cmpi slt, %add3A_237, %sub3A_47 : i32
      %and3A_241 = arith.andi %ge3A_239, %lt3A_240 : i1
      %convert_element_type3A_242 = arith.extui %and3A_241 : i1 to i32
      %cond3A_243 = arith.constant 0 : i32
      %cond3A_244 = arith.cmpi ne, %convert_element_type3A_242, %cond3A_243 : i32
      scf.if %cond3A_244 {
        %dma_wait3A_379 = arith.constant 6 : i32
        %dma_wait3A_380 = arith.constant 0 : i32
        %dma_wait3A_381 = arith.constant 0 : i32
        %dma_wait3A_382 = arith.constant 0 : i32
        %dma_wait3A_383 = tpu.memref_slice %arg9[%dma_wait3A_379, %dma_wait3A_381, %dma_wait3A_382] : memref<8x128x64xf32, #tpu.memory_space<vmem>> -> memref<1x128x64xf32, #tpu.memory_space<vmem>>
        %dma_wait3A_384 = tpu.memref_squeeze %dma_wait3A_383 : memref<1x128x64xf32, #tpu.memory_space<vmem>> -> memref<128x64xf32, #tpu.memory_space<vmem>>
        %dma_wait3A_385 = arith.constant 0 : i32
        %dma_wait3A_386 = tpu.memref_slice %arg8[%dma_wait3A_380, %dma_wait3A_385] : memref<79x128xi32, #tpu.memory_space<vmem>> -> memref<1x128xi32, #tpu.memory_space<vmem>>
        %dma_wait3A_387 = tpu.memref_squeeze %dma_wait3A_386 : memref<1x128xi32, #tpu.memory_space<vmem>> -> memref<128xi32, #tpu.memory_space<vmem>>
        %dma_wait3A_388 = arith.constant 0 : i32
        %dma_wait3A_389 = arith.constant 0 : i32
        %dma_wait3A_390 = tpu.memref_slice %arg10[%dma_wait3A_388, %dma_wait3A_389] : memref<10000x64xf32, #tpu.memory_space<vmem_shared>> -> memref<10000x64xf32, #tpu.memory_space<vmem_shared>>
        tpu.wait_indirect_dma semaphore(%arg25 : memref<!tpu.dma_semaphore, #tpu.memory_space<semaphore_mem>>) src(%dma_wait3A_384 : memref<128x64xf32, #tpu.memory_space<vmem>>) dst(%dma_wait3A_390 : memref<10000x64xf32, #tpu.memory_space<vmem_shared>>)
      } else {
      }
      %lt3A_245 = arith.cmpi slt, %add3A_237, %sub3A_47 : i32
      %convert_element_type3A_246 = arith.extui %lt3A_245 : i1 to i32
      %cond3A_247 = arith.constant 0 : i32
      %cond3A_248 = arith.cmpi ne, %convert_element_type3A_246, %cond3A_247 : i32
      scf.if %cond3A_248 {
        %dma_start3A_379 = arith.constant 6 : i32
        %dma_start3A_380 = arith.constant 0 : i32
        %dma_start3A_381 = arith.constant 0 : i32
        %dma_start3A_382 = tpu.memref_slice %arg9[%dma_start3A_379, %dma_start3A_380, %dma_start3A_381] : memref<8x128x64xf32, #tpu.memory_space<vmem>> -> memref<1x128x64xf32, #tpu.memory_space<vmem>>
        %dma_start3A_383 = tpu.memref_squeeze %dma_start3A_382 : memref<1x128x64xf32, #tpu.memory_space<vmem>> -> memref<128x64xf32, #tpu.memory_space<vmem>>
        %dma_start3A_384 = arith.constant 0 : i32
        %dma_start3A_385 = tpu.memref_slice %arg7[%add3A_237, %dma_start3A_384] : memref<79x128xi32, #tpu.memory_space<vmem>> -> memref<1x128xi32, #tpu.memory_space<vmem>>
        %dma_start3A_386 = tpu.memref_squeeze %dma_start3A_385 : memref<1x128xi32, #tpu.memory_space<vmem>> -> memref<128xi32, #tpu.memory_space<vmem>>
        %dma_start3A_387 = arith.constant 0 : i32
        %dma_start3A_388 = arith.constant 0 : i32
        %dma_start3A_389 = tpu.memref_slice %arg2[%dma_start3A_387, %dma_start3A_388] : memref<10000x64xf32, #tpu.memory_space<hbm>> -> memref<10000x64xf32, #tpu.memory_space<hbm>>
        tpu.enqueue_indirect_dma source(%dma_start3A_389 : memref<10000x64xf32, #tpu.memory_space<hbm>>) target(%dma_start3A_383 : memref<128x64xf32, #tpu.memory_space<vmem>>) offsets(%dma_start3A_386 : memref<128xi32, #tpu.memory_space<vmem>>) semaphore(%arg17 : memref<!tpu.dma_semaphore, #tpu.memory_space<semaphore_mem>>)
      } else {
      }
      %lt3A_249 = arith.cmpi slt, %add3A_235, %sub3A_47 : i32
      %convert_element_type3A_250 = arith.extui %lt3A_249 : i1 to i32
      %cond3A_251 = arith.constant 0 : i32
      %cond3A_252 = arith.cmpi ne, %convert_element_type3A_250, %cond3A_251 : i32
      scf.if %cond3A_252 {
        %dma_wait3A_379 = arith.constant 1 : i32
        %dma_wait3A_380 = arith.constant 0 : i32
        %dma_wait3A_381 = arith.constant 0 : i32
        %dma_wait3A_382 = tpu.memref_slice %arg9[%dma_wait3A_379, %dma_wait3A_380, %dma_wait3A_381] : memref<8x128x64xf32, #tpu.memory_space<vmem>> -> memref<1x128x64xf32, #tpu.memory_space<vmem>>
        %dma_wait3A_383 = tpu.memref_squeeze %dma_wait3A_382 : memref<1x128x64xf32, #tpu.memory_space<vmem>> -> memref<128x64xf32, #tpu.memory_space<vmem>>
        %dma_wait3A_384 = arith.constant 0 : i32
        %dma_wait3A_385 = tpu.memref_slice %arg7[%add3A_235, %dma_wait3A_384] : memref<79x128xi32, #tpu.memory_space<vmem>> -> memref<1x128xi32, #tpu.memory_space<vmem>>
        %dma_wait3A_386 = tpu.memref_squeeze %dma_wait3A_385 : memref<1x128xi32, #tpu.memory_space<vmem>> -> memref<128xi32, #tpu.memory_space<vmem>>
        %dma_wait3A_387 = arith.constant 0 : i32
        %dma_wait3A_388 = arith.constant 0 : i32
        %dma_wait3A_389 = tpu.memref_slice %arg2[%dma_wait3A_387, %dma_wait3A_388] : memref<10000x64xf32, #tpu.memory_space<hbm>> -> memref<10000x64xf32, #tpu.memory_space<hbm>>
        tpu.wait_indirect_dma semaphore(%arg12 : memref<!tpu.dma_semaphore, #tpu.memory_space<semaphore_mem>>) src(%dma_wait3A_389 : memref<10000x64xf32, #tpu.memory_space<hbm>>) dst(%dma_wait3A_383 : memref<128x64xf32, #tpu.memory_space<vmem>>)
        %dma_start3A_390 = arith.constant 1 : i32
        %dma_start3A_391 = arith.constant 0 : i32
        %dma_start3A_392 = arith.constant 0 : i32
        %dma_start3A_393 = tpu.memref_slice %arg9[%dma_start3A_390, %dma_start3A_391, %dma_start3A_392] : memref<8x128x64xf32, #tpu.memory_space<vmem>> -> memref<1x128x64xf32, #tpu.memory_space<vmem>>
        %dma_start3A_394 = tpu.memref_squeeze %dma_start3A_393 : memref<1x128x64xf32, #tpu.memory_space<vmem>> -> memref<128x64xf32, #tpu.memory_space<vmem>>
        %dma_start3A_395 = arith.constant 0 : i32
        %dma_start3A_396 = tpu.memref_slice %arg8[%add3A_235, %dma_start3A_395] : memref<79x128xi32, #tpu.memory_space<vmem>> -> memref<1x128xi32, #tpu.memory_space<vmem>>
        %dma_start3A_397 = tpu.memref_squeeze %dma_start3A_396 : memref<1x128xi32, #tpu.memory_space<vmem>> -> memref<128xi32, #tpu.memory_space<vmem>>
        %dma_start3A_398 = arith.constant 0 : i32
        %dma_start3A_399 = arith.constant 0 : i32
        %dma_start3A_400 = tpu.memref_slice %arg10[%dma_start3A_398, %dma_start3A_399] : memref<10000x64xf32, #tpu.memory_space<vmem_shared>> -> memref<10000x64xf32, #tpu.memory_space<vmem_shared>>
        tpu.enqueue_indirect_dma source(%dma_start3A_394 : memref<128x64xf32, #tpu.memory_space<vmem>>) target(%dma_start3A_400 : memref<10000x64xf32, #tpu.memory_space<vmem_shared>>) offsets(%dma_start3A_397 : memref<128xi32, #tpu.memory_space<vmem>>) semaphore(%arg20 : memref<!tpu.dma_semaphore, #tpu.memory_space<semaphore_mem>>) {add = true}
      } else {
      }
      %mul3A_253 = arith.constant 8 : i32
      %mul3A_254 = arith.muli %scan3A_214, %mul3A_253 : i32
      %add3A_255 = arith.constant 2 : i32
      %add3A_256 = arith.addi %mul3A_254, %add3A_255 : i32
      %add3A_257 = arith.constant 5 : i32
      %add3A_258 = arith.addi %add3A_256, %add3A_257 : i32
      %ge3A_259 = arith.constant 8 : i32
      %ge3A_260 = arith.cmpi sge, %add3A_258, %ge3A_259 : i32
      %lt3A_261 = arith.cmpi slt, %add3A_258, %sub3A_47 : i32
      %and3A_262 = arith.andi %ge3A_260, %lt3A_261 : i1
      %convert_element_type3A_263 = arith.extui %and3A_262 : i1 to i32
      %cond3A_264 = arith.constant 0 : i32
      %cond3A_265 = arith.cmpi ne, %convert_element_type3A_263, %cond3A_264 : i32
      scf.if %cond3A_265 {
        %dma_wait3A_379 = arith.constant 7 : i32
        %dma_wait3A_380 = arith.constant 0 : i32
        %dma_wait3A_381 = arith.constant 0 : i32
        %dma_wait3A_382 = arith.constant 0 : i32
        %dma_wait3A_383 = tpu.memref_slice %arg9[%dma_wait3A_379, %dma_wait3A_381, %dma_wait3A_382] : memref<8x128x64xf32, #tpu.memory_space<vmem>> -> memref<1x128x64xf32, #tpu.memory_space<vmem>>
        %dma_wait3A_384 = tpu.memref_squeeze %dma_wait3A_383 : memref<1x128x64xf32, #tpu.memory_space<vmem>> -> memref<128x64xf32, #tpu.memory_space<vmem>>
        %dma_wait3A_385 = arith.constant 0 : i32
        %dma_wait3A_386 = tpu.memref_slice %arg8[%dma_wait3A_380, %dma_wait3A_385] : memref<79x128xi32, #tpu.memory_space<vmem>> -> memref<1x128xi32, #tpu.memory_space<vmem>>
        %dma_wait3A_387 = tpu.memref_squeeze %dma_wait3A_386 : memref<1x128xi32, #tpu.memory_space<vmem>> -> memref<128xi32, #tpu.memory_space<vmem>>
        %dma_wait3A_388 = arith.constant 0 : i32
        %dma_wait3A_389 = arith.constant 0 : i32
        %dma_wait3A_390 = tpu.memref_slice %arg10[%dma_wait3A_388, %dma_wait3A_389] : memref<10000x64xf32, #tpu.memory_space<vmem_shared>> -> memref<10000x64xf32, #tpu.memory_space<vmem_shared>>
        tpu.wait_indirect_dma semaphore(%arg26 : memref<!tpu.dma_semaphore, #tpu.memory_space<semaphore_mem>>) src(%dma_wait3A_384 : memref<128x64xf32, #tpu.memory_space<vmem>>) dst(%dma_wait3A_390 : memref<10000x64xf32, #tpu.memory_space<vmem_shared>>)
      } else {
      }
      %lt3A_266 = arith.cmpi slt, %add3A_258, %sub3A_47 : i32
      %convert_element_type3A_267 = arith.extui %lt3A_266 : i1 to i32
      %cond3A_268 = arith.constant 0 : i32
      %cond3A_269 = arith.cmpi ne, %convert_element_type3A_267, %cond3A_268 : i32
      scf.if %cond3A_269 {
        %dma_start3A_379 = arith.constant 7 : i32
        %dma_start3A_380 = arith.constant 0 : i32
        %dma_start3A_381 = arith.constant 0 : i32
        %dma_start3A_382 = tpu.memref_slice %arg9[%dma_start3A_379, %dma_start3A_380, %dma_start3A_381] : memref<8x128x64xf32, #tpu.memory_space<vmem>> -> memref<1x128x64xf32, #tpu.memory_space<vmem>>
        %dma_start3A_383 = tpu.memref_squeeze %dma_start3A_382 : memref<1x128x64xf32, #tpu.memory_space<vmem>> -> memref<128x64xf32, #tpu.memory_space<vmem>>
        %dma_start3A_384 = arith.constant 0 : i32
        %dma_start3A_385 = tpu.memref_slice %arg7[%add3A_258, %dma_start3A_384] : memref<79x128xi32, #tpu.memory_space<vmem>> -> memref<1x128xi32, #tpu.memory_space<vmem>>
        %dma_start3A_386 = tpu.memref_squeeze %dma_start3A_385 : memref<1x128xi32, #tpu.memory_space<vmem>> -> memref<128xi32, #tpu.memory_space<vmem>>
        %dma_start3A_387 = arith.constant 0 : i32
        %dma_start3A_388 = arith.constant 0 : i32
        %dma_start3A_389 = tpu.memref_slice %arg2[%dma_start3A_387, %dma_start3A_388] : memref<10000x64xf32, #tpu.memory_space<hbm>> -> memref<10000x64xf32, #tpu.memory_space<hbm>>
        tpu.enqueue_indirect_dma source(%dma_start3A_389 : memref<10000x64xf32, #tpu.memory_space<hbm>>) target(%dma_start3A_383 : memref<128x64xf32, #tpu.memory_space<vmem>>) offsets(%dma_start3A_386 : memref<128xi32, #tpu.memory_space<vmem>>) semaphore(%arg18 : memref<!tpu.dma_semaphore, #tpu.memory_space<semaphore_mem>>)
      } else {
      }
      %lt3A_270 = arith.cmpi slt, %add3A_256, %sub3A_47 : i32
      %convert_element_type3A_271 = arith.extui %lt3A_270 : i1 to i32
      %cond3A_272 = arith.constant 0 : i32
      %cond3A_273 = arith.cmpi ne, %convert_element_type3A_271, %cond3A_272 : i32
      scf.if %cond3A_273 {
        %dma_wait3A_379 = arith.constant 2 : i32
        %dma_wait3A_380 = arith.constant 0 : i32
        %dma_wait3A_381 = arith.constant 0 : i32
        %dma_wait3A_382 = tpu.memref_slice %arg9[%dma_wait3A_379, %dma_wait3A_380, %dma_wait3A_381] : memref<8x128x64xf32, #tpu.memory_space<vmem>> -> memref<1x128x64xf32, #tpu.memory_space<vmem>>
        %dma_wait3A_383 = tpu.memref_squeeze %dma_wait3A_382 : memref<1x128x64xf32, #tpu.memory_space<vmem>> -> memref<128x64xf32, #tpu.memory_space<vmem>>
        %dma_wait3A_384 = arith.constant 0 : i32
        %dma_wait3A_385 = tpu.memref_slice %arg7[%add3A_256, %dma_wait3A_384] : memref<79x128xi32, #tpu.memory_space<vmem>> -> memref<1x128xi32, #tpu.memory_space<vmem>>
        %dma_wait3A_386 = tpu.memref_squeeze %dma_wait3A_385 : memref<1x128xi32, #tpu.memory_space<vmem>> -> memref<128xi32, #tpu.memory_space<vmem>>
        %dma_wait3A_387 = arith.constant 0 : i32
        %dma_wait3A_388 = arith.constant 0 : i32
        %dma_wait3A_389 = tpu.memref_slice %arg2[%dma_wait3A_387, %dma_wait3A_388] : memref<10000x64xf32, #tpu.memory_space<hbm>> -> memref<10000x64xf32, #tpu.memory_space<hbm>>
        tpu.wait_indirect_dma semaphore(%arg13 : memref<!tpu.dma_semaphore, #tpu.memory_space<semaphore_mem>>) src(%dma_wait3A_389 : memref<10000x64xf32, #tpu.memory_space<hbm>>) dst(%dma_wait3A_383 : memref<128x64xf32, #tpu.memory_space<vmem>>)
        %dma_start3A_390 = arith.constant 2 : i32
        %dma_start3A_391 = arith.constant 0 : i32
        %dma_start3A_392 = arith.constant 0 : i32
        %dma_start3A_393 = tpu.memref_slice %arg9[%dma_start3A_390, %dma_start3A_391, %dma_start3A_392] : memref<8x128x64xf32, #tpu.memory_space<vmem>> -> memref<1x128x64xf32, #tpu.memory_space<vmem>>
        %dma_start3A_394 = tpu.memref_squeeze %dma_start3A_393 : memref<1x128x64xf32, #tpu.memory_space<vmem>> -> memref<128x64xf32, #tpu.memory_space<vmem>>
        %dma_start3A_395 = arith.constant 0 : i32
        %dma_start3A_396 = tpu.memref_slice %arg8[%add3A_256, %dma_start3A_395] : memref<79x128xi32, #tpu.memory_space<vmem>> -> memref<1x128xi32, #tpu.memory_space<vmem>>
        %dma_start3A_397 = tpu.memref_squeeze %dma_start3A_396 : memref<1x128xi32, #tpu.memory_space<vmem>> -> memref<128xi32, #tpu.memory_space<vmem>>
        %dma_start3A_398 = arith.constant 0 : i32
        %dma_start3A_399 = arith.constant 0 : i32
        %dma_start3A_400 = tpu.memref_slice %arg10[%dma_start3A_398, %dma_start3A_399] : memref<10000x64xf32, #tpu.memory_space<vmem_shared>> -> memref<10000x64xf32, #tpu.memory_space<vmem_shared>>
        tpu.enqueue_indirect_dma source(%dma_start3A_394 : memref<128x64xf32, #tpu.memory_space<vmem>>) target(%dma_start3A_400 : memref<10000x64xf32, #tpu.memory_space<vmem_shared>>) offsets(%dma_start3A_397 : memref<128xi32, #tpu.memory_space<vmem>>) semaphore(%arg21 : memref<!tpu.dma_semaphore, #tpu.memory_space<semaphore_mem>>) {add = true}
      } else {
      }
      %mul3A_274 = arith.constant 8 : i32
      %mul3A_275 = arith.muli %scan3A_214, %mul3A_274 : i32
      %add3A_276 = arith.constant 3 : i32
      %add3A_277 = arith.addi %mul3A_275, %add3A_276 : i32
      %add3A_278 = arith.constant 5 : i32
      %add3A_279 = arith.addi %add3A_277, %add3A_278 : i32
      %ge3A_280 = arith.constant 8 : i32
      %ge3A_281 = arith.cmpi sge, %add3A_279, %ge3A_280 : i32
      %lt3A_282 = arith.cmpi slt, %add3A_279, %sub3A_47 : i32
      %and3A_283 = arith.andi %ge3A_281, %lt3A_282 : i1
      %convert_element_type3A_284 = arith.extui %and3A_283 : i1 to i32
      %cond3A_285 = arith.constant 0 : i32
      %cond3A_286 = arith.cmpi ne, %convert_element_type3A_284, %cond3A_285 : i32
      scf.if %cond3A_286 {
        %dma_wait3A_379 = arith.constant 0 : i32
        %dma_wait3A_380 = arith.constant 0 : i32
        %dma_wait3A_381 = arith.constant 0 : i32
        %dma_wait3A_382 = arith.constant 0 : i32
        %dma_wait3A_383 = tpu.memref_slice %arg9[%dma_wait3A_379, %dma_wait3A_381, %dma_wait3A_382] : memref<8x128x64xf32, #tpu.memory_space<vmem>> -> memref<1x128x64xf32, #tpu.memory_space<vmem>>
        %dma_wait3A_384 = tpu.memref_squeeze %dma_wait3A_383 : memref<1x128x64xf32, #tpu.memory_space<vmem>> -> memref<128x64xf32, #tpu.memory_space<vmem>>
        %dma_wait3A_385 = arith.constant 0 : i32
        %dma_wait3A_386 = tpu.memref_slice %arg8[%dma_wait3A_380, %dma_wait3A_385] : memref<79x128xi32, #tpu.memory_space<vmem>> -> memref<1x128xi32, #tpu.memory_space<vmem>>
        %dma_wait3A_387 = tpu.memref_squeeze %dma_wait3A_386 : memref<1x128xi32, #tpu.memory_space<vmem>> -> memref<128xi32, #tpu.memory_space<vmem>>
        %dma_wait3A_388 = arith.constant 0 : i32
        %dma_wait3A_389 = arith.constant 0 : i32
        %dma_wait3A_390 = tpu.memref_slice %arg10[%dma_wait3A_388, %dma_wait3A_389] : memref<10000x64xf32, #tpu.memory_space<vmem_shared>> -> memref<10000x64xf32, #tpu.memory_space<vmem_shared>>
        tpu.wait_indirect_dma semaphore(%arg19 : memref<!tpu.dma_semaphore, #tpu.memory_space<semaphore_mem>>) src(%dma_wait3A_384 : memref<128x64xf32, #tpu.memory_space<vmem>>) dst(%dma_wait3A_390 : memref<10000x64xf32, #tpu.memory_space<vmem_shared>>)
      } else {
      }
      %lt3A_287 = arith.cmpi slt, %add3A_279, %sub3A_47 : i32
      %convert_element_type3A_288 = arith.extui %lt3A_287 : i1 to i32
      %cond3A_289 = arith.constant 0 : i32
      %cond3A_290 = arith.cmpi ne, %convert_element_type3A_288, %cond3A_289 : i32
      scf.if %cond3A_290 {
        %dma_start3A_379 = arith.constant 0 : i32
        %dma_start3A_380 = arith.constant 0 : i32
        %dma_start3A_381 = arith.constant 0 : i32
        %dma_start3A_382 = tpu.memref_slice %arg9[%dma_start3A_379, %dma_start3A_380, %dma_start3A_381] : memref<8x128x64xf32, #tpu.memory_space<vmem>> -> memref<1x128x64xf32, #tpu.memory_space<vmem>>
        %dma_start3A_383 = tpu.memref_squeeze %dma_start3A_382 : memref<1x128x64xf32, #tpu.memory_space<vmem>> -> memref<128x64xf32, #tpu.memory_space<vmem>>
        %dma_start3A_384 = arith.constant 0 : i32
        %dma_start3A_385 = tpu.memref_slice %arg7[%add3A_279, %dma_start3A_384] : memref<79x128xi32, #tpu.memory_space<vmem>> -> memref<1x128xi32, #tpu.memory_space<vmem>>
        %dma_start3A_386 = tpu.memref_squeeze %dma_start3A_385 : memref<1x128xi32, #tpu.memory_space<vmem>> -> memref<128xi32, #tpu.memory_space<vmem>>
        %dma_start3A_387 = arith.constant 0 : i32
        %dma_start3A_388 = arith.constant 0 : i32
        %dma_start3A_389 = tpu.memref_slice %arg2[%dma_start3A_387, %dma_start3A_388] : memref<10000x64xf32, #tpu.memory_space<hbm>> -> memref<10000x64xf32, #tpu.memory_space<hbm>>
        tpu.enqueue_indirect_dma source(%dma_start3A_389 : memref<10000x64xf32, #tpu.memory_space<hbm>>) target(%dma_start3A_383 : memref<128x64xf32, #tpu.memory_space<vmem>>) offsets(%dma_start3A_386 : memref<128xi32, #tpu.memory_space<vmem>>) semaphore(%arg11 : memref<!tpu.dma_semaphore, #tpu.memory_space<semaphore_mem>>)
      } else {
      }
      %lt3A_291 = arith.cmpi slt, %add3A_277, %sub3A_47 : i32
      %convert_element_type3A_292 = arith.extui %lt3A_291 : i1 to i32
      %cond3A_293 = arith.constant 0 : i32
      %cond3A_294 = arith.cmpi ne, %convert_element_type3A_292, %cond3A_293 : i32
      scf.if %cond3A_294 {
        %dma_wait3A_379 = arith.constant 3 : i32
        %dma_wait3A_380 = arith.constant 0 : i32
        %dma_wait3A_381 = arith.constant 0 : i32
        %dma_wait3A_382 = tpu.memref_slice %arg9[%dma_wait3A_379, %dma_wait3A_380, %dma_wait3A_381] : memref<8x128x64xf32, #tpu.memory_space<vmem>> -> memref<1x128x64xf32, #tpu.memory_space<vmem>>
        %dma_wait3A_383 = tpu.memref_squeeze %dma_wait3A_382 : memref<1x128x64xf32, #tpu.memory_space<vmem>> -> memref<128x64xf32, #tpu.memory_space<vmem>>
        %dma_wait3A_384 = arith.constant 0 : i32
        %dma_wait3A_385 = tpu.memref_slice %arg7[%add3A_277, %dma_wait3A_384] : memref<79x128xi32, #tpu.memory_space<vmem>> -> memref<1x128xi32, #tpu.memory_space<vmem>>
        %dma_wait3A_386 = tpu.memref_squeeze %dma_wait3A_385 : memref<1x128xi32, #tpu.memory_space<vmem>> -> memref<128xi32, #tpu.memory_space<vmem>>
        %dma_wait3A_387 = arith.constant 0 : i32
        %dma_wait3A_388 = arith.constant 0 : i32
        %dma_wait3A_389 = tpu.memref_slice %arg2[%dma_wait3A_387, %dma_wait3A_388] : memref<10000x64xf32, #tpu.memory_space<hbm>> -> memref<10000x64xf32, #tpu.memory_space<hbm>>
        tpu.wait_indirect_dma semaphore(%arg14 : memref<!tpu.dma_semaphore, #tpu.memory_space<semaphore_mem>>) src(%dma_wait3A_389 : memref<10000x64xf32, #tpu.memory_space<hbm>>) dst(%dma_wait3A_383 : memref<128x64xf32, #tpu.memory_space<vmem>>)
        %dma_start3A_390 = arith.constant 3 : i32
        %dma_start3A_391 = arith.constant 0 : i32
        %dma_start3A_392 = arith.constant 0 : i32
        %dma_start3A_393 = tpu.memref_slice %arg9[%dma_start3A_390, %dma_start3A_391, %dma_start3A_392] : memref<8x128x64xf32, #tpu.memory_space<vmem>> -> memref<1x128x64xf32, #tpu.memory_space<vmem>>
        %dma_start3A_394 = tpu.memref_squeeze %dma_start3A_393 : memref<1x128x64xf32, #tpu.memory_space<vmem>> -> memref<128x64xf32, #tpu.memory_space<vmem>>
        %dma_start3A_395 = arith.constant 0 : i32
        %dma_start3A_396 = tpu.memref_slice %arg8[%add3A_277, %dma_start3A_395] : memref<79x128xi32, #tpu.memory_space<vmem>> -> memref<1x128xi32, #tpu.memory_space<vmem>>
        %dma_start3A_397 = tpu.memref_squeeze %dma_start3A_396 : memref<1x128xi32, #tpu.memory_space<vmem>> -> memref<128xi32, #tpu.memory_space<vmem>>
        %dma_start3A_398 = arith.constant 0 : i32
        %dma_start3A_399 = arith.constant 0 : i32
        %dma_start3A_400 = tpu.memref_slice %arg10[%dma_start3A_398, %dma_start3A_399] : memref<10000x64xf32, #tpu.memory_space<vmem_shared>> -> memref<10000x64xf32, #tpu.memory_space<vmem_shared>>
        tpu.enqueue_indirect_dma source(%dma_start3A_394 : memref<128x64xf32, #tpu.memory_space<vmem>>) target(%dma_start3A_400 : memref<10000x64xf32, #tpu.memory_space<vmem_shared>>) offsets(%dma_start3A_397 : memref<128xi32, #tpu.memory_space<vmem>>) semaphore(%arg22 : memref<!tpu.dma_semaphore, #tpu.memory_space<semaphore_mem>>) {add = true}
      } else {
      }
      %mul3A_295 = arith.constant 8 : i32
      %mul3A_296 = arith.muli %scan3A_214, %mul3A_295 : i32
      %add3A_297 = arith.constant 4 : i32
      %add3A_298 = arith.addi %mul3A_296, %add3A_297 : i32
      %add3A_299 = arith.constant 5 : i32
      %add3A_300 = arith.addi %add3A_298, %add3A_299 : i32
      %ge3A_301 = arith.constant 8 : i32
      %ge3A_302 = arith.cmpi sge, %add3A_300, %ge3A_301 : i32
      %lt3A_303 = arith.cmpi slt, %add3A_300, %sub3A_47 : i32
      %and3A_304 = arith.andi %ge3A_302, %lt3A_303 : i1
      %convert_element_type3A_305 = arith.extui %and3A_304 : i1 to i32
      %cond3A_306 = arith.constant 0 : i32
      %cond3A_307 = arith.cmpi ne, %convert_element_type3A_305, %cond3A_306 : i32
      scf.if %cond3A_307 {
        %dma_wait3A_379 = arith.constant 1 : i32
        %dma_wait3A_380 = arith.constant 0 : i32
        %dma_wait3A_381 = arith.constant 0 : i32
        %dma_wait3A_382 = arith.constant 0 : i32
        %dma_wait3A_383 = tpu.memref_slice %arg9[%dma_wait3A_379, %dma_wait3A_381, %dma_wait3A_382] : memref<8x128x64xf32, #tpu.memory_space<vmem>> -> memref<1x128x64xf32, #tpu.memory_space<vmem>>
        %dma_wait3A_384 = tpu.memref_squeeze %dma_wait3A_383 : memref<1x128x64xf32, #tpu.memory_space<vmem>> -> memref<128x64xf32, #tpu.memory_space<vmem>>
        %dma_wait3A_385 = arith.constant 0 : i32
        %dma_wait3A_386 = tpu.memref_slice %arg8[%dma_wait3A_380, %dma_wait3A_385] : memref<79x128xi32, #tpu.memory_space<vmem>> -> memref<1x128xi32, #tpu.memory_space<vmem>>
        %dma_wait3A_387 = tpu.memref_squeeze %dma_wait3A_386 : memref<1x128xi32, #tpu.memory_space<vmem>> -> memref<128xi32, #tpu.memory_space<vmem>>
        %dma_wait3A_388 = arith.constant 0 : i32
        %dma_wait3A_389 = arith.constant 0 : i32
        %dma_wait3A_390 = tpu.memref_slice %arg10[%dma_wait3A_388, %dma_wait3A_389] : memref<10000x64xf32, #tpu.memory_space<vmem_shared>> -> memref<10000x64xf32, #tpu.memory_space<vmem_shared>>
        tpu.wait_indirect_dma semaphore(%arg20 : memref<!tpu.dma_semaphore, #tpu.memory_space<semaphore_mem>>) src(%dma_wait3A_384 : memref<128x64xf32, #tpu.memory_space<vmem>>) dst(%dma_wait3A_390 : memref<10000x64xf32, #tpu.memory_space<vmem_shared>>)
      } else {
      }
      %lt3A_308 = arith.cmpi slt, %add3A_300, %sub3A_47 : i32
      %convert_element_type3A_309 = arith.extui %lt3A_308 : i1 to i32
      %cond3A_310 = arith.constant 0 : i32
      %cond3A_311 = arith.cmpi ne, %convert_element_type3A_309, %cond3A_310 : i32
      scf.if %cond3A_311 {
        %dma_start3A_379 = arith.constant 1 : i32
        %dma_start3A_380 = arith.constant 0 : i32
        %dma_start3A_381 = arith.constant 0 : i32
        %dma_start3A_382 = tpu.memref_slice %arg9[%dma_start3A_379, %dma_start3A_380, %dma_start3A_381] : memref<8x128x64xf32, #tpu.memory_space<vmem>> -> memref<1x128x64xf32, #tpu.memory_space<vmem>>
        %dma_start3A_383 = tpu.memref_squeeze %dma_start3A_382 : memref<1x128x64xf32, #tpu.memory_space<vmem>> -> memref<128x64xf32, #tpu.memory_space<vmem>>
        %dma_start3A_384 = arith.constant 0 : i32
        %dma_start3A_385 = tpu.memref_slice %arg7[%add3A_300, %dma_start3A_384] : memref<79x128xi32, #tpu.memory_space<vmem>> -> memref<1x128xi32, #tpu.memory_space<vmem>>
        %dma_start3A_386 = tpu.memref_squeeze %dma_start3A_385 : memref<1x128xi32, #tpu.memory_space<vmem>> -> memref<128xi32, #tpu.memory_space<vmem>>
        %dma_start3A_387 = arith.constant 0 : i32
        %dma_start3A_388 = arith.constant 0 : i32
        %dma_start3A_389 = tpu.memref_slice %arg2[%dma_start3A_387, %dma_start3A_388] : memref<10000x64xf32, #tpu.memory_space<hbm>> -> memref<10000x64xf32, #tpu.memory_space<hbm>>
        tpu.enqueue_indirect_dma source(%dma_start3A_389 : memref<10000x64xf32, #tpu.memory_space<hbm>>) target(%dma_start3A_383 : memref<128x64xf32, #tpu.memory_space<vmem>>) offsets(%dma_start3A_386 : memref<128xi32, #tpu.memory_space<vmem>>) semaphore(%arg12 : memref<!tpu.dma_semaphore, #tpu.memory_space<semaphore_mem>>)
      } else {
      }
      %lt3A_312 = arith.cmpi slt, %add3A_298, %sub3A_47 : i32
      %convert_element_type3A_313 = arith.extui %lt3A_312 : i1 to i32
      %cond3A_314 = arith.constant 0 : i32
      %cond3A_315 = arith.cmpi ne, %convert_element_type3A_313, %cond3A_314 : i32
      scf.if %cond3A_315 {
        %dma_wait3A_379 = arith.constant 4 : i32
        %dma_wait3A_380 = arith.constant 0 : i32
        %dma_wait3A_381 = arith.constant 0 : i32
        %dma_wait3A_382 = tpu.memref_slice %arg9[%dma_wait3A_379, %dma_wait3A_380, %dma_wait3A_381] : memref<8x128x64xf32, #tpu.memory_space<vmem>> -> memref<1x128x64xf32, #tpu.memory_space<vmem>>
        %dma_wait3A_383 = tpu.memref_squeeze %dma_wait3A_382 : memref<1x128x64xf32, #tpu.memory_space<vmem>> -> memref<128x64xf32, #tpu.memory_space<vmem>>
        %dma_wait3A_384 = arith.constant 0 : i32
        %dma_wait3A_385 = tpu.memref_slice %arg7[%add3A_298, %dma_wait3A_384] : memref<79x128xi32, #tpu.memory_space<vmem>> -> memref<1x128xi32, #tpu.memory_space<vmem>>
        %dma_wait3A_386 = tpu.memref_squeeze %dma_wait3A_385 : memref<1x128xi32, #tpu.memory_space<vmem>> -> memref<128xi32, #tpu.memory_space<vmem>>
        %dma_wait3A_387 = arith.constant 0 : i32
        %dma_wait3A_388 = arith.constant 0 : i32
        %dma_wait3A_389 = tpu.memref_slice %arg2[%dma_wait3A_387, %dma_wait3A_388] : memref<10000x64xf32, #tpu.memory_space<hbm>> -> memref<10000x64xf32, #tpu.memory_space<hbm>>
        tpu.wait_indirect_dma semaphore(%arg15 : memref<!tpu.dma_semaphore, #tpu.memory_space<semaphore_mem>>) src(%dma_wait3A_389 : memref<10000x64xf32, #tpu.memory_space<hbm>>) dst(%dma_wait3A_383 : memref<128x64xf32, #tpu.memory_space<vmem>>)
        %dma_start3A_390 = arith.constant 4 : i32
        %dma_start3A_391 = arith.constant 0 : i32
        %dma_start3A_392 = arith.constant 0 : i32
        %dma_start3A_393 = tpu.memref_slice %arg9[%dma_start3A_390, %dma_start3A_391, %dma_start3A_392] : memref<8x128x64xf32, #tpu.memory_space<vmem>> -> memref<1x128x64xf32, #tpu.memory_space<vmem>>
        %dma_start3A_394 = tpu.memref_squeeze %dma_start3A_393 : memref<1x128x64xf32, #tpu.memory_space<vmem>> -> memref<128x64xf32, #tpu.memory_space<vmem>>
        %dma_start3A_395 = arith.constant 0 : i32
        %dma_start3A_396 = tpu.memref_slice %arg8[%add3A_298, %dma_start3A_395] : memref<79x128xi32, #tpu.memory_space<vmem>> -> memref<1x128xi32, #tpu.memory_space<vmem>>
        %dma_start3A_397 = tpu.memref_squeeze %dma_start3A_396 : memref<1x128xi32, #tpu.memory_space<vmem>> -> memref<128xi32, #tpu.memory_space<vmem>>
        %dma_start3A_398 = arith.constant 0 : i32
        %dma_start3A_399 = arith.constant 0 : i32
        %dma_start3A_400 = tpu.memref_slice %arg10[%dma_start3A_398, %dma_start3A_399] : memref<10000x64xf32, #tpu.memory_space<vmem_shared>> -> memref<10000x64xf32, #tpu.memory_space<vmem_shared>>
        tpu.enqueue_indirect_dma source(%dma_start3A_394 : memref<128x64xf32, #tpu.memory_space<vmem>>) target(%dma_start3A_400 : memref<10000x64xf32, #tpu.memory_space<vmem_shared>>) offsets(%dma_start3A_397 : memref<128xi32, #tpu.memory_space<vmem>>) semaphore(%arg23 : memref<!tpu.dma_semaphore, #tpu.memory_space<semaphore_mem>>) {add = true}
      } else {
      }
      %mul3A_316 = arith.constant 8 : i32
      %mul3A_317 = arith.muli %scan3A_214, %mul3A_316 : i32
      %add3A_318 = arith.constant 5 : i32
      %add3A_319 = arith.addi %mul3A_317, %add3A_318 : i32
      %add3A_320 = arith.constant 5 : i32
      %add3A_321 = arith.addi %add3A_319, %add3A_320 : i32
      %ge3A_322 = arith.constant 8 : i32
      %ge3A_323 = arith.cmpi sge, %add3A_321, %ge3A_322 : i32
      %lt3A_324 = arith.cmpi slt, %add3A_321, %sub3A_47 : i32
      %and3A_325 = arith.andi %ge3A_323, %lt3A_324 : i1
      %convert_element_type3A_326 = arith.extui %and3A_325 : i1 to i32
      %cond3A_327 = arith.constant 0 : i32
      %cond3A_328 = arith.cmpi ne, %convert_element_type3A_326, %cond3A_327 : i32
      scf.if %cond3A_328 {
        %dma_wait3A_379 = arith.constant 2 : i32
        %dma_wait3A_380 = arith.constant 0 : i32
        %dma_wait3A_381 = arith.constant 0 : i32
        %dma_wait3A_382 = arith.constant 0 : i32
        %dma_wait3A_383 = tpu.memref_slice %arg9[%dma_wait3A_379, %dma_wait3A_381, %dma_wait3A_382] : memref<8x128x64xf32, #tpu.memory_space<vmem>> -> memref<1x128x64xf32, #tpu.memory_space<vmem>>
        %dma_wait3A_384 = tpu.memref_squeeze %dma_wait3A_383 : memref<1x128x64xf32, #tpu.memory_space<vmem>> -> memref<128x64xf32, #tpu.memory_space<vmem>>
        %dma_wait3A_385 = arith.constant 0 : i32
        %dma_wait3A_386 = tpu.memref_slice %arg8[%dma_wait3A_380, %dma_wait3A_385] : memref<79x128xi32, #tpu.memory_space<vmem>> -> memref<1x128xi32, #tpu.memory_space<vmem>>
        %dma_wait3A_387 = tpu.memref_squeeze %dma_wait3A_386 : memref<1x128xi32, #tpu.memory_space<vmem>> -> memref<128xi32, #tpu.memory_space<vmem>>
        %dma_wait3A_388 = arith.constant 0 : i32
        %dma_wait3A_389 = arith.constant 0 : i32
        %dma_wait3A_390 = tpu.memref_slice %arg10[%dma_wait3A_388, %dma_wait3A_389] : memref<10000x64xf32, #tpu.memory_space<vmem_shared>> -> memref<10000x64xf32, #tpu.memory_space<vmem_shared>>
        tpu.wait_indirect_dma semaphore(%arg21 : memref<!tpu.dma_semaphore, #tpu.memory_space<semaphore_mem>>) src(%dma_wait3A_384 : memref<128x64xf32, #tpu.memory_space<vmem>>) dst(%dma_wait3A_390 : memref<10000x64xf32, #tpu.memory_space<vmem_shared>>)
      } else {
      }
      %lt3A_329 = arith.cmpi slt, %add3A_321, %sub3A_47 : i32
      %convert_element_type3A_330 = arith.extui %lt3A_329 : i1 to i32
      %cond3A_331 = arith.constant 0 : i32
      %cond3A_332 = arith.cmpi ne, %convert_element_type3A_330, %cond3A_331 : i32
      scf.if %cond3A_332 {
        %dma_start3A_379 = arith.constant 2 : i32
        %dma_start3A_380 = arith.constant 0 : i32
        %dma_start3A_381 = arith.constant 0 : i32
        %dma_start3A_382 = tpu.memref_slice %arg9[%dma_start3A_379, %dma_start3A_380, %dma_start3A_381] : memref<8x128x64xf32, #tpu.memory_space<vmem>> -> memref<1x128x64xf32, #tpu.memory_space<vmem>>
        %dma_start3A_383 = tpu.memref_squeeze %dma_start3A_382 : memref<1x128x64xf32, #tpu.memory_space<vmem>> -> memref<128x64xf32, #tpu.memory_space<vmem>>
        %dma_start3A_384 = arith.constant 0 : i32
        %dma_start3A_385 = tpu.memref_slice %arg7[%add3A_321, %dma_start3A_384] : memref<79x128xi32, #tpu.memory_space<vmem>> -> memref<1x128xi32, #tpu.memory_space<vmem>>
        %dma_start3A_386 = tpu.memref_squeeze %dma_start3A_385 : memref<1x128xi32, #tpu.memory_space<vmem>> -> memref<128xi32, #tpu.memory_space<vmem>>
        %dma_start3A_387 = arith.constant 0 : i32
        %dma_start3A_388 = arith.constant 0 : i32
        %dma_start3A_389 = tpu.memref_slice %arg2[%dma_start3A_387, %dma_start3A_388] : memref<10000x64xf32, #tpu.memory_space<hbm>> -> memref<10000x64xf32, #tpu.memory_space<hbm>>
        tpu.enqueue_indirect_dma source(%dma_start3A_389 : memref<10000x64xf32, #tpu.memory_space<hbm>>) target(%dma_start3A_383 : memref<128x64xf32, #tpu.memory_space<vmem>>) offsets(%dma_start3A_386 : memref<128xi32, #tpu.memory_space<vmem>>) semaphore(%arg13 : memref<!tpu.dma_semaphore, #tpu.memory_space<semaphore_mem>>)
      } else {
      }
      %lt3A_333 = arith.cmpi slt, %add3A_319, %sub3A_47 : i32
      %convert_element_type3A_334 = arith.extui %lt3A_333 : i1 to i32
      %cond3A_335 = arith.constant 0 : i32
      %cond3A_336 = arith.cmpi ne, %convert_element_type3A_334, %cond3A_335 : i32
      scf.if %cond3A_336 {
        %dma_wait3A_379 = arith.constant 5 : i32
        %dma_wait3A_380 = arith.constant 0 : i32
        %dma_wait3A_381 = arith.constant 0 : i32
        %dma_wait3A_382 = tpu.memref_slice %arg9[%dma_wait3A_379, %dma_wait3A_380, %dma_wait3A_381] : memref<8x128x64xf32, #tpu.memory_space<vmem>> -> memref<1x128x64xf32, #tpu.memory_space<vmem>>
        %dma_wait3A_383 = tpu.memref_squeeze %dma_wait3A_382 : memref<1x128x64xf32, #tpu.memory_space<vmem>> -> memref<128x64xf32, #tpu.memory_space<vmem>>
        %dma_wait3A_384 = arith.constant 0 : i32
        %dma_wait3A_385 = tpu.memref_slice %arg7[%add3A_319, %dma_wait3A_384] : memref<79x128xi32, #tpu.memory_space<vmem>> -> memref<1x128xi32, #tpu.memory_space<vmem>>
        %dma_wait3A_386 = tpu.memref_squeeze %dma_wait3A_385 : memref<1x128xi32, #tpu.memory_space<vmem>> -> memref<128xi32, #tpu.memory_space<vmem>>
        %dma_wait3A_387 = arith.constant 0 : i32
        %dma_wait3A_388 = arith.constant 0 : i32
        %dma_wait3A_389 = tpu.memref_slice %arg2[%dma_wait3A_387, %dma_wait3A_388] : memref<10000x64xf32, #tpu.memory_space<hbm>> -> memref<10000x64xf32, #tpu.memory_space<hbm>>
        tpu.wait_indirect_dma semaphore(%arg16 : memref<!tpu.dma_semaphore, #tpu.memory_space<semaphore_mem>>) src(%dma_wait3A_389 : memref<10000x64xf32, #tpu.memory_space<hbm>>) dst(%dma_wait3A_383 : memref<128x64xf32, #tpu.memory_space<vmem>>)
        %dma_start3A_390 = arith.constant 5 : i32
        %dma_start3A_391 = arith.constant 0 : i32
        %dma_start3A_392 = arith.constant 0 : i32
        %dma_start3A_393 = tpu.memref_slice %arg9[%dma_start3A_390, %dma_start3A_391, %dma_start3A_392] : memref<8x128x64xf32, #tpu.memory_space<vmem>> -> memref<1x128x64xf32, #tpu.memory_space<vmem>>
        %dma_start3A_394 = tpu.memref_squeeze %dma_start3A_393 : memref<1x128x64xf32, #tpu.memory_space<vmem>> -> memref<128x64xf32, #tpu.memory_space<vmem>>
        %dma_start3A_395 = arith.constant 0 : i32
        %dma_start3A_396 = tpu.memref_slice %arg8[%add3A_319, %dma_start3A_395] : memref<79x128xi32, #tpu.memory_space<vmem>> -> memref<1x128xi32, #tpu.memory_space<vmem>>
        %dma_start3A_397 = tpu.memref_squeeze %dma_start3A_396 : memref<1x128xi32, #tpu.memory_space<vmem>> -> memref<128xi32, #tpu.memory_space<vmem>>
        %dma_start3A_398 = arith.constant 0 : i32
        %dma_start3A_399 = arith.constant 0 : i32
        %dma_start3A_400 = tpu.memref_slice %arg10[%dma_start3A_398, %dma_start3A_399] : memref<10000x64xf32, #tpu.memory_space<vmem_shared>> -> memref<10000x64xf32, #tpu.memory_space<vmem_shared>>
        tpu.enqueue_indirect_dma source(%dma_start3A_394 : memref<128x64xf32, #tpu.memory_space<vmem>>) target(%dma_start3A_400 : memref<10000x64xf32, #tpu.memory_space<vmem_shared>>) offsets(%dma_start3A_397 : memref<128xi32, #tpu.memory_space<vmem>>) semaphore(%arg24 : memref<!tpu.dma_semaphore, #tpu.memory_space<semaphore_mem>>) {add = true}
      } else {
      }
      %mul3A_337 = arith.constant 8 : i32
      %mul3A_338 = arith.muli %scan3A_214, %mul3A_337 : i32
      %add3A_339 = arith.constant 6 : i32
      %add3A_340 = arith.addi %mul3A_338, %add3A_339 : i32
      %add3A_341 = arith.constant 5 : i32
      %add3A_342 = arith.addi %add3A_340, %add3A_341 : i32
      %ge3A_343 = arith.constant 8 : i32
      %ge3A_344 = arith.cmpi sge, %add3A_342, %ge3A_343 : i32
      %lt3A_345 = arith.cmpi slt, %add3A_342, %sub3A_47 : i32
      %and3A_346 = arith.andi %ge3A_344, %lt3A_345 : i1
      %convert_element_type3A_347 = arith.extui %and3A_346 : i1 to i32
      %cond3A_348 = arith.constant 0 : i32
      %cond3A_349 = arith.cmpi ne, %convert_element_type3A_347, %cond3A_348 : i32
      scf.if %cond3A_349 {
        %dma_wait3A_379 = arith.constant 3 : i32
        %dma_wait3A_380 = arith.constant 0 : i32
        %dma_wait3A_381 = arith.constant 0 : i32
        %dma_wait3A_382 = arith.constant 0 : i32
        %dma_wait3A_383 = tpu.memref_slice %arg9[%dma_wait3A_379, %dma_wait3A_381, %dma_wait3A_382] : memref<8x128x64xf32, #tpu.memory_space<vmem>> -> memref<1x128x64xf32, #tpu.memory_space<vmem>>
        %dma_wait3A_384 = tpu.memref_squeeze %dma_wait3A_383 : memref<1x128x64xf32, #tpu.memory_space<vmem>> -> memref<128x64xf32, #tpu.memory_space<vmem>>
        %dma_wait3A_385 = arith.constant 0 : i32
        %dma_wait3A_386 = tpu.memref_slice %arg8[%dma_wait3A_380, %dma_wait3A_385] : memref<79x128xi32, #tpu.memory_space<vmem>> -> memref<1x128xi32, #tpu.memory_space<vmem>>
        %dma_wait3A_387 = tpu.memref_squeeze %dma_wait3A_386 : memref<1x128xi32, #tpu.memory_space<vmem>> -> memref<128xi32, #tpu.memory_space<vmem>>
        %dma_wait3A_388 = arith.constant 0 : i32
        %dma_wait3A_389 = arith.constant 0 : i32
        %dma_wait3A_390 = tpu.memref_slice %arg10[%dma_wait3A_388, %dma_wait3A_389] : memref<10000x64xf32, #tpu.memory_space<vmem_shared>> -> memref<10000x64xf32, #tpu.memory_space<vmem_shared>>
        tpu.wait_indirect_dma semaphore(%arg22 : memref<!tpu.dma_semaphore, #tpu.memory_space<semaphore_mem>>) src(%dma_wait3A_384 : memref<128x64xf32, #tpu.memory_space<vmem>>) dst(%dma_wait3A_390 : memref<10000x64xf32, #tpu.memory_space<vmem_shared>>)
      } else {
      }
      %lt3A_350 = arith.cmpi slt, %add3A_342, %sub3A_47 : i32
      %convert_element_type3A_351 = arith.extui %lt3A_350 : i1 to i32
      %cond3A_352 = arith.constant 0 : i32
      %cond3A_353 = arith.cmpi ne, %convert_element_type3A_351, %cond3A_352 : i32
      scf.if %cond3A_353 {
        %dma_start3A_379 = arith.constant 3 : i32
        %dma_start3A_380 = arith.constant 0 : i32
        %dma_start3A_381 = arith.constant 0 : i32
        %dma_start3A_382 = tpu.memref_slice %arg9[%dma_start3A_379, %dma_start3A_380, %dma_start3A_381] : memref<8x128x64xf32, #tpu.memory_space<vmem>> -> memref<1x128x64xf32, #tpu.memory_space<vmem>>
        %dma_start3A_383 = tpu.memref_squeeze %dma_start3A_382 : memref<1x128x64xf32, #tpu.memory_space<vmem>> -> memref<128x64xf32, #tpu.memory_space<vmem>>
        %dma_start3A_384 = arith.constant 0 : i32
        %dma_start3A_385 = tpu.memref_slice %arg7[%add3A_342, %dma_start3A_384] : memref<79x128xi32, #tpu.memory_space<vmem>> -> memref<1x128xi32, #tpu.memory_space<vmem>>
        %dma_start3A_386 = tpu.memref_squeeze %dma_start3A_385 : memref<1x128xi32, #tpu.memory_space<vmem>> -> memref<128xi32, #tpu.memory_space<vmem>>
        %dma_start3A_387 = arith.constant 0 : i32
        %dma_start3A_388 = arith.constant 0 : i32
        %dma_start3A_389 = tpu.memref_slice %arg2[%dma_start3A_387, %dma_start3A_388] : memref<10000x64xf32, #tpu.memory_space<hbm>> -> memref<10000x64xf32, #tpu.memory_space<hbm>>
        tpu.enqueue_indirect_dma source(%dma_start3A_389 : memref<10000x64xf32, #tpu.memory_space<hbm>>) target(%dma_start3A_383 : memref<128x64xf32, #tpu.memory_space<vmem>>) offsets(%dma_start3A_386 : memref<128xi32, #tpu.memory_space<vmem>>) semaphore(%arg14 : memref<!tpu.dma_semaphore, #tpu.memory_space<semaphore_mem>>)
      } else {
      }
      %lt3A_354 = arith.cmpi slt, %add3A_340, %sub3A_47 : i32
      %convert_element_type3A_355 = arith.extui %lt3A_354 : i1 to i32
      %cond3A_356 = arith.constant 0 : i32
      %cond3A_357 = arith.cmpi ne, %convert_element_type3A_355, %cond3A_356 : i32
      scf.if %cond3A_357 {
        %dma_wait3A_379 = arith.constant 6 : i32
        %dma_wait3A_380 = arith.constant 0 : i32
        %dma_wait3A_381 = arith.constant 0 : i32
        %dma_wait3A_382 = tpu.memref_slice %arg9[%dma_wait3A_379, %dma_wait3A_380, %dma_wait3A_381] : memref<8x128x64xf32, #tpu.memory_space<vmem>> -> memref<1x128x64xf32, #tpu.memory_space<vmem>>
        %dma_wait3A_383 = tpu.memref_squeeze %dma_wait3A_382 : memref<1x128x64xf32, #tpu.memory_space<vmem>> -> memref<128x64xf32, #tpu.memory_space<vmem>>
        %dma_wait3A_384 = arith.constant 0 : i32
        %dma_wait3A_385 = tpu.memref_slice %arg7[%add3A_340, %dma_wait3A_384] : memref<79x128xi32, #tpu.memory_space<vmem>> -> memref<1x128xi32, #tpu.memory_space<vmem>>
        %dma_wait3A_386 = tpu.memref_squeeze %dma_wait3A_385 : memref<1x128xi32, #tpu.memory_space<vmem>> -> memref<128xi32, #tpu.memory_space<vmem>>
        %dma_wait3A_387 = arith.constant 0 : i32
        %dma_wait3A_388 = arith.constant 0 : i32
        %dma_wait3A_389 = tpu.memref_slice %arg2[%dma_wait3A_387, %dma_wait3A_388] : memref<10000x64xf32, #tpu.memory_space<hbm>> -> memref<10000x64xf32, #tpu.memory_space<hbm>>
        tpu.wait_indirect_dma semaphore(%arg17 : memref<!tpu.dma_semaphore, #tpu.memory_space<semaphore_mem>>) src(%dma_wait3A_389 : memref<10000x64xf32, #tpu.memory_space<hbm>>) dst(%dma_wait3A_383 : memref<128x64xf32, #tpu.memory_space<vmem>>)
        %dma_start3A_390 = arith.constant 6 : i32
        %dma_start3A_391 = arith.constant 0 : i32
        %dma_start3A_392 = arith.constant 0 : i32
        %dma_start3A_393 = tpu.memref_slice %arg9[%dma_start3A_390, %dma_start3A_391, %dma_start3A_392] : memref<8x128x64xf32, #tpu.memory_space<vmem>> -> memref<1x128x64xf32, #tpu.memory_space<vmem>>
        %dma_start3A_394 = tpu.memref_squeeze %dma_start3A_393 : memref<1x128x64xf32, #tpu.memory_space<vmem>> -> memref<128x64xf32, #tpu.memory_space<vmem>>
        %dma_start3A_395 = arith.constant 0 : i32
        %dma_start3A_396 = tpu.memref_slice %arg8[%add3A_340, %dma_start3A_395] : memref<79x128xi32, #tpu.memory_space<vmem>> -> memref<1x128xi32, #tpu.memory_space<vmem>>
        %dma_start3A_397 = tpu.memref_squeeze %dma_start3A_396 : memref<1x128xi32, #tpu.memory_space<vmem>> -> memref<128xi32, #tpu.memory_space<vmem>>
        %dma_start3A_398 = arith.constant 0 : i32
        %dma_start3A_399 = arith.constant 0 : i32
        %dma_start3A_400 = tpu.memref_slice %arg10[%dma_start3A_398, %dma_start3A_399] : memref<10000x64xf32, #tpu.memory_space<vmem_shared>> -> memref<10000x64xf32, #tpu.memory_space<vmem_shared>>
        tpu.enqueue_indirect_dma source(%dma_start3A_394 : memref<128x64xf32, #tpu.memory_space<vmem>>) target(%dma_start3A_400 : memref<10000x64xf32, #tpu.memory_space<vmem_shared>>) offsets(%dma_start3A_397 : memref<128xi32, #tpu.memory_space<vmem>>) semaphore(%arg25 : memref<!tpu.dma_semaphore, #tpu.memory_space<semaphore_mem>>) {add = true}
      } else {
      }
      %mul3A_358 = arith.constant 8 : i32
      %mul3A_359 = arith.muli %scan3A_214, %mul3A_358 : i32
      %add3A_360 = arith.constant 7 : i32
      %add3A_361 = arith.addi %mul3A_359, %add3A_360 : i32
      %add3A_362 = arith.constant 5 : i32
      %add3A_363 = arith.addi %add3A_361, %add3A_362 : i32
      %ge3A_364 = arith.constant 8 : i32
      %ge3A_365 = arith.cmpi sge, %add3A_363, %ge3A_364 : i32
      %lt3A_366 = arith.cmpi slt, %add3A_363, %sub3A_47 : i32
      %and3A_367 = arith.andi %ge3A_365, %lt3A_366 : i1
      %convert_element_type3A_368 = arith.extui %and3A_367 : i1 to i32
      %cond3A_369 = arith.constant 0 : i32
      %cond3A_370 = arith.cmpi ne, %convert_element_type3A_368, %cond3A_369 : i32
      scf.if %cond3A_370 {
        %dma_wait3A_379 = arith.constant 4 : i32
        %dma_wait3A_380 = arith.constant 0 : i32
        %dma_wait3A_381 = arith.constant 0 : i32
        %dma_wait3A_382 = arith.constant 0 : i32
        %dma_wait3A_383 = tpu.memref_slice %arg9[%dma_wait3A_379, %dma_wait3A_381, %dma_wait3A_382] : memref<8x128x64xf32, #tpu.memory_space<vmem>> -> memref<1x128x64xf32, #tpu.memory_space<vmem>>
        %dma_wait3A_384 = tpu.memref_squeeze %dma_wait3A_383 : memref<1x128x64xf32, #tpu.memory_space<vmem>> -> memref<128x64xf32, #tpu.memory_space<vmem>>
        %dma_wait3A_385 = arith.constant 0 : i32
        %dma_wait3A_386 = tpu.memref_slice %arg8[%dma_wait3A_380, %dma_wait3A_385] : memref<79x128xi32, #tpu.memory_space<vmem>> -> memref<1x128xi32, #tpu.memory_space<vmem>>
        %dma_wait3A_387 = tpu.memref_squeeze %dma_wait3A_386 : memref<1x128xi32, #tpu.memory_space<vmem>> -> memref<128xi32, #tpu.memory_space<vmem>>
        %dma_wait3A_388 = arith.constant 0 : i32
        %dma_wait3A_389 = arith.constant 0 : i32
        %dma_wait3A_390 = tpu.memref_slice %arg10[%dma_wait3A_388, %dma_wait3A_389] : memref<10000x64xf32, #tpu.memory_space<vmem_shared>> -> memref<10000x64xf32, #tpu.memory_space<vmem_shared>>
        tpu.wait_indirect_dma semaphore(%arg23 : memref<!tpu.dma_semaphore, #tpu.memory_space<semaphore_mem>>) src(%dma_wait3A_384 : memref<128x64xf32, #tpu.memory_space<vmem>>) dst(%dma_wait3A_390 : memref<10000x64xf32, #tpu.memory_space<vmem_shared>>)
      } else {
      }
      %lt3A_371 = arith.cmpi slt, %add3A_363, %sub3A_47 : i32
      %convert_element_type3A_372 = arith.extui %lt3A_371 : i1 to i32
      %cond3A_373 = arith.constant 0 : i32
      %cond3A_374 = arith.cmpi ne, %convert_element_type3A_372, %cond3A_373 : i32
      scf.if %cond3A_374 {
        %dma_start3A_379 = arith.constant 4 : i32
        %dma_start3A_380 = arith.constant 0 : i32
        %dma_start3A_381 = arith.constant 0 : i32
        %dma_start3A_382 = tpu.memref_slice %arg9[%dma_start3A_379, %dma_start3A_380, %dma_start3A_381] : memref<8x128x64xf32, #tpu.memory_space<vmem>> -> memref<1x128x64xf32, #tpu.memory_space<vmem>>
        %dma_start3A_383 = tpu.memref_squeeze %dma_start3A_382 : memref<1x128x64xf32, #tpu.memory_space<vmem>> -> memref<128x64xf32, #tpu.memory_space<vmem>>
        %dma_start3A_384 = arith.constant 0 : i32
        %dma_start3A_385 = tpu.memref_slice %arg7[%add3A_363, %dma_start3A_384] : memref<79x128xi32, #tpu.memory_space<vmem>> -> memref<1x128xi32, #tpu.memory_space<vmem>>
        %dma_start3A_386 = tpu.memref_squeeze %dma_start3A_385 : memref<1x128xi32, #tpu.memory_space<vmem>> -> memref<128xi32, #tpu.memory_space<vmem>>
        %dma_start3A_387 = arith.constant 0 : i32
        %dma_start3A_388 = arith.constant 0 : i32
        %dma_start3A_389 = tpu.memref_slice %arg2[%dma_start3A_387, %dma_start3A_388] : memref<10000x64xf32, #tpu.memory_space<hbm>> -> memref<10000x64xf32, #tpu.memory_space<hbm>>
        tpu.enqueue_indirect_dma source(%dma_start3A_389 : memref<10000x64xf32, #tpu.memory_space<hbm>>) target(%dma_start3A_383 : memref<128x64xf32, #tpu.memory_space<vmem>>) offsets(%dma_start3A_386 : memref<128xi32, #tpu.memory_space<vmem>>) semaphore(%arg15 : memref<!tpu.dma_semaphore, #tpu.memory_space<semaphore_mem>>)
      } else {
      }
      %lt3A_375 = arith.cmpi slt, %add3A_361, %sub3A_47 : i32
      %convert_element_type3A_376 = arith.extui %lt3A_375 : i1 to i32
      %cond3A_377 = arith.constant 0 : i32
      %cond3A_378 = arith.cmpi ne, %convert_element_type3A_376, %cond3A_377 : i32
      scf.if %cond3A_378 {
        %dma_wait3A_379 = arith.constant 7 : i32
        %dma_wait3A_380 = arith.constant 0 : i32
        %dma_wait3A_381 = arith.constant 0 : i32
        %dma_wait3A_382 = tpu.memref_slice %arg9[%dma_wait3A_379, %dma_wait3A_380, %dma_wait3A_381] : memref<8x128x64xf32, #tpu.memory_space<vmem>> -> memref<1x128x64xf32, #tpu.memory_space<vmem>>
        %dma_wait3A_383 = tpu.memref_squeeze %dma_wait3A_382 : memref<1x128x64xf32, #tpu.memory_space<vmem>> -> memref<128x64xf32, #tpu.memory_space<vmem>>
        %dma_wait3A_384 = arith.constant 0 : i32
        %dma_wait3A_385 = tpu.memref_slice %arg7[%add3A_361, %dma_wait3A_384] : memref<79x128xi32, #tpu.memory_space<vmem>> -> memref<1x128xi32, #tpu.memory_space<vmem>>
        %dma_wait3A_386 = tpu.memref_squeeze %dma_wait3A_385 : memref<1x128xi32, #tpu.memory_space<vmem>> -> memref<128xi32, #tpu.memory_space<vmem>>
        %dma_wait3A_387 = arith.constant 0 : i32
        %dma_wait3A_388 = arith.constant 0 : i32
        %dma_wait3A_389 = tpu.memref_slice %arg2[%dma_wait3A_387, %dma_wait3A_388] : memref<10000x64xf32, #tpu.memory_space<hbm>> -> memref<10000x64xf32, #tpu.memory_space<hbm>>
        tpu.wait_indirect_dma semaphore(%arg18 : memref<!tpu.dma_semaphore, #tpu.memory_space<semaphore_mem>>) src(%dma_wait3A_389 : memref<10000x64xf32, #tpu.memory_space<hbm>>) dst(%dma_wait3A_383 : memref<128x64xf32, #tpu.memory_space<vmem>>)
        %dma_start3A_390 = arith.constant 7 : i32
        %dma_start3A_391 = arith.constant 0 : i32
        %dma_start3A_392 = arith.constant 0 : i32
        %dma_start3A_393 = tpu.memref_slice %arg9[%dma_start3A_390, %dma_start3A_391, %dma_start3A_392] : memref<8x128x64xf32, #tpu.memory_space<vmem>> -> memref<1x128x64xf32, #tpu.memory_space<vmem>>
        %dma_start3A_394 = tpu.memref_squeeze %dma_start3A_393 : memref<1x128x64xf32, #tpu.memory_space<vmem>> -> memref<128x64xf32, #tpu.memory_space<vmem>>
        %dma_start3A_395 = arith.constant 0 : i32
        %dma_start3A_396 = tpu.memref_slice %arg8[%add3A_361, %dma_start3A_395] : memref<79x128xi32, #tpu.memory_space<vmem>> -> memref<1x128xi32, #tpu.memory_space<vmem>>
        %dma_start3A_397 = tpu.memref_squeeze %dma_start3A_396 : memref<1x128xi32, #tpu.memory_space<vmem>> -> memref<128xi32, #tpu.memory_space<vmem>>
        %dma_start3A_398 = arith.constant 0 : i32
        %dma_start3A_399 = arith.constant 0 : i32
        %dma_start3A_400 = tpu.memref_slice %arg10[%dma_start3A_398, %dma_start3A_399] : memref<10000x64xf32, #tpu.memory_space<vmem_shared>> -> memref<10000x64xf32, #tpu.memory_space<vmem_shared>>
        tpu.enqueue_indirect_dma source(%dma_start3A_394 : memref<128x64xf32, #tpu.memory_space<vmem>>) target(%dma_start3A_400 : memref<10000x64xf32, #tpu.memory_space<vmem_shared>>) offsets(%dma_start3A_397 : memref<128xi32, #tpu.memory_space<vmem>>) semaphore(%arg26 : memref<!tpu.dma_semaphore, #tpu.memory_space<semaphore_mem>>) {add = true}
      } else {
      }
    }
    %scan3A_113 = arith.constant 10 : i32
    %dma_wait3A = arith.constant 0 : i32
    %dma_wait3A_114 = arith.constant 0 : i32
    %dma_wait3A_115 = arith.constant 0 : i32
    %dma_wait3A_116 = arith.constant 0 : i32
    %dma_wait3A_117 = tpu.memref_slice %arg9[%dma_wait3A, %dma_wait3A_115, %dma_wait3A_116] : memref<8x128x64xf32, #tpu.memory_space<vmem>> -> memref<1x128x64xf32, #tpu.memory_space<vmem>>
    %dma_wait3A_118 = tpu.memref_squeeze %dma_wait3A_117 : memref<1x128x64xf32, #tpu.memory_space<vmem>> -> memref<128x64xf32, #tpu.memory_space<vmem>>
    %dma_wait3A_119 = arith.constant 0 : i32
    %dma_wait3A_120 = tpu.memref_slice %arg8[%dma_wait3A_114, %dma_wait3A_119] : memref<79x128xi32, #tpu.memory_space<vmem>> -> memref<1x128xi32, #tpu.memory_space<vmem>>
    %dma_wait3A_121 = tpu.memref_squeeze %dma_wait3A_120 : memref<1x128xi32, #tpu.memory_space<vmem>> -> memref<128xi32, #tpu.memory_space<vmem>>
    %dma_wait3A_122 = arith.constant 0 : i32
    %dma_wait3A_123 = arith.constant 0 : i32
    %dma_wait3A_124 = tpu.memref_slice %arg10[%dma_wait3A_122, %dma_wait3A_123] : memref<10000x64xf32, #tpu.memory_space<vmem_shared>> -> memref<10000x64xf32, #tpu.memory_space<vmem_shared>>
    tpu.wait_indirect_dma semaphore(%arg19 : memref<!tpu.dma_semaphore, #tpu.memory_space<semaphore_mem>>) src(%dma_wait3A_118 : memref<128x64xf32, #tpu.memory_space<vmem>>) dst(%dma_wait3A_124 : memref<10000x64xf32, #tpu.memory_space<vmem_shared>>)
    %dma_wait3A_125 = arith.constant 1 : i32
    %dma_wait3A_126 = arith.constant 0 : i32
    %dma_wait3A_127 = arith.constant 0 : i32
    %dma_wait3A_128 = arith.constant 0 : i32
    %dma_wait3A_129 = tpu.memref_slice %arg9[%dma_wait3A_125, %dma_wait3A_127, %dma_wait3A_128] : memref<8x128x64xf32, #tpu.memory_space<vmem>> -> memref<1x128x64xf32, #tpu.memory_space<vmem>>
    %dma_wait3A_130 = tpu.memref_squeeze %dma_wait3A_129 : memref<1x128x64xf32, #tpu.memory_space<vmem>> -> memref<128x64xf32, #tpu.memory_space<vmem>>
    %dma_wait3A_131 = arith.constant 0 : i32
    %dma_wait3A_132 = tpu.memref_slice %arg8[%dma_wait3A_126, %dma_wait3A_131] : memref<79x128xi32, #tpu.memory_space<vmem>> -> memref<1x128xi32, #tpu.memory_space<vmem>>
    %dma_wait3A_133 = tpu.memref_squeeze %dma_wait3A_132 : memref<1x128xi32, #tpu.memory_space<vmem>> -> memref<128xi32, #tpu.memory_space<vmem>>
    %dma_wait3A_134 = arith.constant 0 : i32
    %dma_wait3A_135 = arith.constant 0 : i32
    %dma_wait3A_136 = tpu.memref_slice %arg10[%dma_wait3A_134, %dma_wait3A_135] : memref<10000x64xf32, #tpu.memory_space<vmem_shared>> -> memref<10000x64xf32, #tpu.memory_space<vmem_shared>>
    tpu.wait_indirect_dma semaphore(%arg20 : memref<!tpu.dma_semaphore, #tpu.memory_space<semaphore_mem>>) src(%dma_wait3A_130 : memref<128x64xf32, #tpu.memory_space<vmem>>) dst(%dma_wait3A_136 : memref<10000x64xf32, #tpu.memory_space<vmem_shared>>)
    %dma_wait3A_137 = arith.constant 2 : i32
    %dma_wait3A_138 = arith.constant 0 : i32
    %dma_wait3A_139 = arith.constant 0 : i32
    %dma_wait3A_140 = arith.constant 0 : i32
    %dma_wait3A_141 = tpu.memref_slice %arg9[%dma_wait3A_137, %dma_wait3A_139, %dma_wait3A_140] : memref<8x128x64xf32, #tpu.memory_space<vmem>> -> memref<1x128x64xf32, #tpu.memory_space<vmem>>
    %dma_wait3A_142 = tpu.memref_squeeze %dma_wait3A_141 : memref<1x128x64xf32, #tpu.memory_space<vmem>> -> memref<128x64xf32, #tpu.memory_space<vmem>>
    %dma_wait3A_143 = arith.constant 0 : i32
    %dma_wait3A_144 = tpu.memref_slice %arg8[%dma_wait3A_138, %dma_wait3A_143] : memref<79x128xi32, #tpu.memory_space<vmem>> -> memref<1x128xi32, #tpu.memory_space<vmem>>
    %dma_wait3A_145 = tpu.memref_squeeze %dma_wait3A_144 : memref<1x128xi32, #tpu.memory_space<vmem>> -> memref<128xi32, #tpu.memory_space<vmem>>
    %dma_wait3A_146 = arith.constant 0 : i32
    %dma_wait3A_147 = arith.constant 0 : i32
    %dma_wait3A_148 = tpu.memref_slice %arg10[%dma_wait3A_146, %dma_wait3A_147] : memref<10000x64xf32, #tpu.memory_space<vmem_shared>> -> memref<10000x64xf32, #tpu.memory_space<vmem_shared>>
    tpu.wait_indirect_dma semaphore(%arg21 : memref<!tpu.dma_semaphore, #tpu.memory_space<semaphore_mem>>) src(%dma_wait3A_142 : memref<128x64xf32, #tpu.memory_space<vmem>>) dst(%dma_wait3A_148 : memref<10000x64xf32, #tpu.memory_space<vmem_shared>>)
    %dma_wait3A_149 = arith.constant 3 : i32
    %dma_wait3A_150 = arith.constant 0 : i32
    %dma_wait3A_151 = arith.constant 0 : i32
    %dma_wait3A_152 = arith.constant 0 : i32
    %dma_wait3A_153 = tpu.memref_slice %arg9[%dma_wait3A_149, %dma_wait3A_151, %dma_wait3A_152] : memref<8x128x64xf32, #tpu.memory_space<vmem>> -> memref<1x128x64xf32, #tpu.memory_space<vmem>>
    %dma_wait3A_154 = tpu.memref_squeeze %dma_wait3A_153 : memref<1x128x64xf32, #tpu.memory_space<vmem>> -> memref<128x64xf32, #tpu.memory_space<vmem>>
    %dma_wait3A_155 = arith.constant 0 : i32
    %dma_wait3A_156 = tpu.memref_slice %arg8[%dma_wait3A_150, %dma_wait3A_155] : memref<79x128xi32, #tpu.memory_space<vmem>> -> memref<1x128xi32, #tpu.memory_space<vmem>>
    %dma_wait3A_157 = tpu.memref_squeeze %dma_wait3A_156 : memref<1x128xi32, #tpu.memory_space<vmem>> -> memref<128xi32, #tpu.memory_space<vmem>>
    %dma_wait3A_158 = arith.constant 0 : i32
    %dma_wait3A_159 = arith.constant 0 : i32
    %dma_wait3A_160 = tpu.memref_slice %arg10[%dma_wait3A_158, %dma_wait3A_159] : memref<10000x64xf32, #tpu.memory_space<vmem_shared>> -> memref<10000x64xf32, #tpu.memory_space<vmem_shared>>
    tpu.wait_indirect_dma semaphore(%arg22 : memref<!tpu.dma_semaphore, #tpu.memory_space<semaphore_mem>>) src(%dma_wait3A_154 : memref<128x64xf32, #tpu.memory_space<vmem>>) dst(%dma_wait3A_160 : memref<10000x64xf32, #tpu.memory_space<vmem_shared>>)
    %dma_wait3A_161 = arith.constant 4 : i32
    %dma_wait3A_162 = arith.constant 0 : i32
    %dma_wait3A_163 = arith.constant 0 : i32
    %dma_wait3A_164 = arith.constant 0 : i32
    %dma_wait3A_165 = tpu.memref_slice %arg9[%dma_wait3A_161, %dma_wait3A_163, %dma_wait3A_164] : memref<8x128x64xf32, #tpu.memory_space<vmem>> -> memref<1x128x64xf32, #tpu.memory_space<vmem>>
    %dma_wait3A_166 = tpu.memref_squeeze %dma_wait3A_165 : memref<1x128x64xf32, #tpu.memory_space<vmem>> -> memref<128x64xf32, #tpu.memory_space<vmem>>
    %dma_wait3A_167 = arith.constant 0 : i32
    %dma_wait3A_168 = tpu.memref_slice %arg8[%dma_wait3A_162, %dma_wait3A_167] : memref<79x128xi32, #tpu.memory_space<vmem>> -> memref<1x128xi32, #tpu.memory_space<vmem>>
    %dma_wait3A_169 = tpu.memref_squeeze %dma_wait3A_168 : memref<1x128xi32, #tpu.memory_space<vmem>> -> memref<128xi32, #tpu.memory_space<vmem>>
    %dma_wait3A_170 = arith.constant 0 : i32
    %dma_wait3A_171 = arith.constant 0 : i32
    %dma_wait3A_172 = tpu.memref_slice %arg10[%dma_wait3A_170, %dma_wait3A_171] : memref<10000x64xf32, #tpu.memory_space<vmem_shared>> -> memref<10000x64xf32, #tpu.memory_space<vmem_shared>>
    tpu.wait_indirect_dma semaphore(%arg23 : memref<!tpu.dma_semaphore, #tpu.memory_space<semaphore_mem>>) src(%dma_wait3A_166 : memref<128x64xf32, #tpu.memory_space<vmem>>) dst(%dma_wait3A_172 : memref<10000x64xf32, #tpu.memory_space<vmem_shared>>)
    %dma_wait3A_173 = arith.constant 5 : i32
    %dma_wait3A_174 = arith.constant 0 : i32
    %dma_wait3A_175 = arith.constant 0 : i32
    %dma_wait3A_176 = arith.constant 0 : i32
    %dma_wait3A_177 = tpu.memref_slice %arg9[%dma_wait3A_173, %dma_wait3A_175, %dma_wait3A_176] : memref<8x128x64xf32, #tpu.memory_space<vmem>> -> memref<1x128x64xf32, #tpu.memory_space<vmem>>
    %dma_wait3A_178 = tpu.memref_squeeze %dma_wait3A_177 : memref<1x128x64xf32, #tpu.memory_space<vmem>> -> memref<128x64xf32, #tpu.memory_space<vmem>>
    %dma_wait3A_179 = arith.constant 0 : i32
    %dma_wait3A_180 = tpu.memref_slice %arg8[%dma_wait3A_174, %dma_wait3A_179] : memref<79x128xi32, #tpu.memory_space<vmem>> -> memref<1x128xi32, #tpu.memory_space<vmem>>
    %dma_wait3A_181 = tpu.memref_squeeze %dma_wait3A_180 : memref<1x128xi32, #tpu.memory_space<vmem>> -> memref<128xi32, #tpu.memory_space<vmem>>
    %dma_wait3A_182 = arith.constant 0 : i32
    %dma_wait3A_183 = arith.constant 0 : i32
    %dma_wait3A_184 = tpu.memref_slice %arg10[%dma_wait3A_182, %dma_wait3A_183] : memref<10000x64xf32, #tpu.memory_space<vmem_shared>> -> memref<10000x64xf32, #tpu.memory_space<vmem_shared>>
    tpu.wait_indirect_dma semaphore(%arg24 : memref<!tpu.dma_semaphore, #tpu.memory_space<semaphore_mem>>) src(%dma_wait3A_178 : memref<128x64xf32, #tpu.memory_space<vmem>>) dst(%dma_wait3A_184 : memref<10000x64xf32, #tpu.memory_space<vmem_shared>>)
    %dma_wait3A_185 = arith.constant 6 : i32
    %dma_wait3A_186 = arith.constant 0 : i32
    %dma_wait3A_187 = arith.constant 0 : i32
    %dma_wait3A_188 = arith.constant 0 : i32
    %dma_wait3A_189 = tpu.memref_slice %arg9[%dma_wait3A_185, %dma_wait3A_187, %dma_wait3A_188] : memref<8x128x64xf32, #tpu.memory_space<vmem>> -> memref<1x128x64xf32, #tpu.memory_space<vmem>>
    %dma_wait3A_190 = tpu.memref_squeeze %dma_wait3A_189 : memref<1x128x64xf32, #tpu.memory_space<vmem>> -> memref<128x64xf32, #tpu.memory_space<vmem>>
    %dma_wait3A_191 = arith.constant 0 : i32
    %dma_wait3A_192 = tpu.memref_slice %arg8[%dma_wait3A_186, %dma_wait3A_191] : memref<79x128xi32, #tpu.memory_space<vmem>> -> memref<1x128xi32, #tpu.memory_space<vmem>>
    %dma_wait3A_193 = tpu.memref_squeeze %dma_wait3A_192 : memref<1x128xi32, #tpu.memory_space<vmem>> -> memref<128xi32, #tpu.memory_space<vmem>>
    %dma_wait3A_194 = arith.constant 0 : i32
    %dma_wait3A_195 = arith.constant 0 : i32
    %dma_wait3A_196 = tpu.memref_slice %arg10[%dma_wait3A_194, %dma_wait3A_195] : memref<10000x64xf32, #tpu.memory_space<vmem_shared>> -> memref<10000x64xf32, #tpu.memory_space<vmem_shared>>
    tpu.wait_indirect_dma semaphore(%arg25 : memref<!tpu.dma_semaphore, #tpu.memory_space<semaphore_mem>>) src(%dma_wait3A_190 : memref<128x64xf32, #tpu.memory_space<vmem>>) dst(%dma_wait3A_196 : memref<10000x64xf32, #tpu.memory_space<vmem_shared>>)
    %dma_wait3A_197 = arith.constant 7 : i32
    %dma_wait3A_198 = arith.constant 0 : i32
    %dma_wait3A_199 = arith.constant 0 : i32
    %dma_wait3A_200 = arith.constant 0 : i32
    %dma_wait3A_201 = tpu.memref_slice %arg9[%dma_wait3A_197, %dma_wait3A_199, %dma_wait3A_200] : memref<8x128x64xf32, #tpu.memory_space<vmem>> -> memref<1x128x64xf32, #tpu.memory_space<vmem>>
    %dma_wait3A_202 = tpu.memref_squeeze %dma_wait3A_201 : memref<1x128x64xf32, #tpu.memory_space<vmem>> -> memref<128x64xf32, #tpu.memory_space<vmem>>
    %dma_wait3A_203 = arith.constant 0 : i32
    %dma_wait3A_204 = tpu.memref_slice %arg8[%dma_wait3A_198, %dma_wait3A_203] : memref<79x128xi32, #tpu.memory_space<vmem>> -> memref<1x128xi32, #tpu.memory_space<vmem>>
    %dma_wait3A_205 = tpu.memref_squeeze %dma_wait3A_204 : memref<1x128xi32, #tpu.memory_space<vmem>> -> memref<128xi32, #tpu.memory_space<vmem>>
    %dma_wait3A_206 = arith.constant 0 : i32
    %dma_wait3A_207 = arith.constant 0 : i32
    %dma_wait3A_208 = tpu.memref_slice %arg10[%dma_wait3A_206, %dma_wait3A_207] : memref<10000x64xf32, #tpu.memory_space<vmem_shared>> -> memref<10000x64xf32, #tpu.memory_space<vmem_shared>>
    tpu.wait_indirect_dma semaphore(%arg26 : memref<!tpu.dma_semaphore, #tpu.memory_space<semaphore_mem>>) src(%dma_wait3A_202 : memref<128x64xf32, #tpu.memory_space<vmem>>) dst(%dma_wait3A_208 : memref<10000x64xf32, #tpu.memory_space<vmem_shared>>)
    %barrier3A_209 = arith.constant 0 : index
    tpu.barrier barrier_id(%barrier3A_209)
    %mul3A_210 = arith.constant 625 : i32
    %mul3A_211 = arith.muli %arg1, %mul3A_210 : i32
    %mul3A_212 = arith.constant 625 : i32
    %mul3A_213 = arith.muli %arg1, %mul3A_212 : i32
    "tpu.region"() ({
      %run_scoped3A = tpu.sem_alloc : memref<!tpu.dma_semaphore, #tpu.memory_space<semaphore_mem>>
      %dma_start3A_214 = arith.constant 0 : i32
      %dma_start3A_215 = tpu.memref_slice %arg6[%arg0, %mul3A_213, %dma_start3A_214] : memref<2x10000x128xf32, #tpu.memory_space<hbm>> -> memref<1x625x64xf32, #tpu.memory_space<hbm>>
      %dma_start3A_216 = tpu.memref_squeeze %dma_start3A_215 : memref<1x625x64xf32, #tpu.memory_space<hbm>> -> memref<625x64xf32, #tpu.memory_space<hbm>>
      %dma_start3A_217 = arith.constant 0 : i32
      %dma_start3A_218 = tpu.memref_slice %arg10[%mul3A_211, %dma_start3A_217] : memref<10000x64xf32, #tpu.memory_space<vmem_shared>> -> memref<625x64xf32, #tpu.memory_space<vmem_shared>>
      tpu.enqueue_dma source(%dma_start3A_218 : memref<625x64xf32, #tpu.memory_space<vmem_shared>>) target(%dma_start3A_216 : memref<625x64xf32, #tpu.memory_space<hbm>>) target_semaphore(%run_scoped3A : memref<!tpu.dma_semaphore, #tpu.memory_space<semaphore_mem>>)
      %dma_wait3A_219 = arith.constant 0 : i32
      %dma_wait3A_220 = tpu.memref_slice %arg6[%arg0, %mul3A_213, %dma_wait3A_219] : memref<2x10000x128xf32, #tpu.memory_space<hbm>> -> memref<1x625x64xf32, #tpu.memory_space<hbm>>
      %dma_wait3A_221 = tpu.memref_squeeze %dma_wait3A_220 : memref<1x625x64xf32, #tpu.memory_space<hbm>> -> memref<625x64xf32, #tpu.memory_space<hbm>>
      %dma_wait3A_222 = arith.constant 0 : i32
      %dma_wait3A_223 = tpu.memref_slice %arg10[%mul3A_211, %dma_wait3A_222] : memref<10000x64xf32, #tpu.memory_space<vmem_shared>> -> memref<625x64xf32, #tpu.memory_space<vmem_shared>>
      tpu.wait_dma2 semaphore(%run_scoped3A : memref<!tpu.dma_semaphore, #tpu.memory_space<semaphore_mem>>) src(%dma_wait3A_223 : memref<625x64xf32, #tpu.memory_space<vmem_shared>>) dst(%dma_wait3A_221 : memref<625x64xf32, #tpu.memory_space<hbm>>)
      tpu.yield
    }) : () -> ()
    return
  }
}

#map = affine_map<(d0, d1) -> (0, 0)>
#map1 = affine_map<(d0, d1) -> (0, 0, 0)>
module attributes {stable_mosaic.version = 14 : i64} {
  func.func @gcn_agg_128(%arg0: i32, %arg1: i32, %arg2: memref<10000x128xf32, #tpu.memory_space<hbm>>, %arg3: memref<32x10000xi32, #tpu.memory_space<hbm>>, %arg4: memref<32x125x80xi32, #tpu.memory_space<hbm>>, %arg5: memref<625x128xf32, #tpu.memory_space<hbm>>, %arg6: memref<2x10000x128xf32, #tpu.memory_space<hbm>>, %arg7: memref<10000xi32, #tpu.memory_space<vmem>>, %arg8: memref<125x80xi32, #tpu.memory_space<vmem>>, %arg9: memref<3x80x128xf32, #tpu.memory_space<vmem>>, %arg10: memref<10000x128xf32, #tpu.memory_space<vmem_shared>>, %arg11: memref<!tpu.dma_semaphore, #tpu.memory_space<semaphore_mem>>, %arg12: memref<!tpu.dma_semaphore, #tpu.memory_space<semaphore_mem>>, %arg13: memref<!tpu.dma_semaphore, #tpu.memory_space<semaphore_mem>>, %arg14: memref<!tpu.dma_semaphore, #tpu.memory_space<semaphore_mem>>, %arg15: memref<!tpu.dma_semaphore, #tpu.memory_space<semaphore_mem>>, %arg16: memref<!tpu.dma_semaphore, #tpu.memory_space<semaphore_mem>>) attributes {dimension_semantics = [#tpu.dimension_semantics<core_parallel>, #tpu.dimension_semantics<subcore_parallel>], iteration_bounds = array<i64: 2, 16>, scalar_prefetch = 0 : i64, scratch_operands = 10 : i64, tpu.core_type = #tpu.core_type<sc_vector_subcore>, window_params = [{transform_indices = #map}, {transform_indices = #map}, {transform_indices = #map1}, {transform_indices = #map}, {transform_indices = #map1}]} {
    %mul3A = arith.constant 16 : i32
    %mul3A_0 = arith.muli %arg0, %mul3A : i32
    %add3A = arith.addi %mul3A_0, %arg1 : i32
    "tpu.region"() ({
      %run_scoped3A = tpu.sem_alloc : memref<!tpu.dma_semaphore, #tpu.memory_space<semaphore_mem>>
      %dma_start3A_67 = arith.constant 0 : i32
      %dma_start3A_68 = tpu.memref_slice %arg3[%add3A, %dma_start3A_67] : memref<32x10000xi32, #tpu.memory_space<hbm>> -> memref<1x10000xi32, #tpu.memory_space<hbm>>
      %dma_start3A_69 = tpu.memref_squeeze %dma_start3A_68 : memref<1x10000xi32, #tpu.memory_space<hbm>> -> memref<10000xi32, #tpu.memory_space<hbm>>
      %dma_start3A_70 = arith.constant 0 : i32
      %dma_start3A_71 = tpu.memref_slice %arg3[%add3A, %dma_start3A_70] : memref<32x10000xi32, #tpu.memory_space<hbm>> -> memref<1x10000xi32, #tpu.memory_space<hbm>>
      %dma_start3A_72 = tpu.memref_squeeze %dma_start3A_71 : memref<1x10000xi32, #tpu.memory_space<hbm>> -> memref<10000xi32, #tpu.memory_space<hbm>>
      tpu.enqueue_dma source(%dma_start3A_72 : memref<10000xi32, #tpu.memory_space<hbm>>) target(%arg7 : memref<10000xi32, #tpu.memory_space<vmem>>) target_semaphore(%run_scoped3A : memref<!tpu.dma_semaphore, #tpu.memory_space<semaphore_mem>>)
      %dma_wait3A_73 = arith.constant 0 : i32
      %dma_wait3A_74 = tpu.memref_slice %arg3[%add3A, %dma_wait3A_73] : memref<32x10000xi32, #tpu.memory_space<hbm>> -> memref<1x10000xi32, #tpu.memory_space<hbm>>
      %dma_wait3A_75 = tpu.memref_squeeze %dma_wait3A_74 : memref<1x10000xi32, #tpu.memory_space<hbm>> -> memref<10000xi32, #tpu.memory_space<hbm>>
      %dma_wait3A_76 = arith.constant 0 : i32
      %dma_wait3A_77 = tpu.memref_slice %arg3[%add3A, %dma_wait3A_76] : memref<32x10000xi32, #tpu.memory_space<hbm>> -> memref<1x10000xi32, #tpu.memory_space<hbm>>
      %dma_wait3A_78 = tpu.memref_squeeze %dma_wait3A_77 : memref<1x10000xi32, #tpu.memory_space<hbm>> -> memref<10000xi32, #tpu.memory_space<hbm>>
      tpu.wait_dma2 semaphore(%run_scoped3A : memref<!tpu.dma_semaphore, #tpu.memory_space<semaphore_mem>>) src(%dma_wait3A_78 : memref<10000xi32, #tpu.memory_space<hbm>>) dst(%arg7 : memref<10000xi32, #tpu.memory_space<vmem>>)
      tpu.yield
    }) : () -> ()
    "tpu.region"() ({
      %run_scoped3A = tpu.sem_alloc : memref<!tpu.dma_semaphore, #tpu.memory_space<semaphore_mem>>
      %dma_start3A_67 = arith.constant 0 : i32
      %dma_start3A_68 = arith.constant 0 : i32
      %dma_start3A_69 = tpu.memref_slice %arg4[%add3A, %dma_start3A_67, %dma_start3A_68] : memref<32x125x80xi32, #tpu.memory_space<hbm>> -> memref<1x125x80xi32, #tpu.memory_space<hbm>>
      %dma_start3A_70 = tpu.memref_squeeze %dma_start3A_69 : memref<1x125x80xi32, #tpu.memory_space<hbm>> -> memref<125x80xi32, #tpu.memory_space<hbm>>
      %dma_start3A_71 = arith.constant 0 : i32
      %dma_start3A_72 = arith.constant 0 : i32
      %dma_start3A_73 = tpu.memref_slice %arg4[%add3A, %dma_start3A_71, %dma_start3A_72] : memref<32x125x80xi32, #tpu.memory_space<hbm>> -> memref<1x125x80xi32, #tpu.memory_space<hbm>>
      %dma_start3A_74 = tpu.memref_squeeze %dma_start3A_73 : memref<1x125x80xi32, #tpu.memory_space<hbm>> -> memref<125x80xi32, #tpu.memory_space<hbm>>
      tpu.enqueue_dma source(%dma_start3A_74 : memref<125x80xi32, #tpu.memory_space<hbm>>) target(%arg8 : memref<125x80xi32, #tpu.memory_space<vmem>>) target_semaphore(%run_scoped3A : memref<!tpu.dma_semaphore, #tpu.memory_space<semaphore_mem>>)
      %dma_wait3A_75 = arith.constant 0 : i32
      %dma_wait3A_76 = arith.constant 0 : i32
      %dma_wait3A_77 = tpu.memref_slice %arg4[%add3A, %dma_wait3A_75, %dma_wait3A_76] : memref<32x125x80xi32, #tpu.memory_space<hbm>> -> memref<1x125x80xi32, #tpu.memory_space<hbm>>
      %dma_wait3A_78 = tpu.memref_squeeze %dma_wait3A_77 : memref<1x125x80xi32, #tpu.memory_space<hbm>> -> memref<125x80xi32, #tpu.memory_space<hbm>>
      %dma_wait3A_79 = arith.constant 0 : i32
      %dma_wait3A_80 = arith.constant 0 : i32
      %dma_wait3A_81 = tpu.memref_slice %arg4[%add3A, %dma_wait3A_79, %dma_wait3A_80] : memref<32x125x80xi32, #tpu.memory_space<hbm>> -> memref<1x125x80xi32, #tpu.memory_space<hbm>>
      %dma_wait3A_82 = tpu.memref_squeeze %dma_wait3A_81 : memref<1x125x80xi32, #tpu.memory_space<hbm>> -> memref<125x80xi32, #tpu.memory_space<hbm>>
      tpu.wait_dma2 semaphore(%run_scoped3A : memref<!tpu.dma_semaphore, #tpu.memory_space<semaphore_mem>>) src(%dma_wait3A_82 : memref<125x80xi32, #tpu.memory_space<hbm>>) dst(%arg8 : memref<125x80xi32, #tpu.memory_space<vmem>>)
      tpu.yield
    }) : () -> ()
    %dma_start3A = arith.constant 0 : i32
    %dma_start3A_1 = arith.constant 0 : i32
    %dma_start3A_2 = arith.constant 0 : i32
    %dma_start3A_3 = tpu.memref_slice %arg9[%dma_start3A, %dma_start3A_1, %dma_start3A_2] : memref<3x80x128xf32, #tpu.memory_space<vmem>> -> memref<1x80x128xf32, #tpu.memory_space<vmem>>
    %dma_start3A_4 = tpu.memref_squeeze %dma_start3A_3 : memref<1x80x128xf32, #tpu.memory_space<vmem>> -> memref<80x128xf32, #tpu.memory_space<vmem>>
    %dma_start3A_5 = arith.constant 0 : i32
    %dma_start3A_6 = tpu.memref_slice %arg7[%dma_start3A_5] : memref<10000xi32, #tpu.memory_space<vmem>> -> memref<80xi32, #tpu.memory_space<vmem>>
    %dma_start3A_7 = arith.constant 0 : i32
    %dma_start3A_8 = arith.constant 0 : i32
    %dma_start3A_9 = tpu.memref_slice %arg2[%dma_start3A_7, %dma_start3A_8] : memref<10000x128xf32, #tpu.memory_space<hbm>> -> memref<10000x128xf32, #tpu.memory_space<hbm>>
    tpu.enqueue_indirect_dma source(%dma_start3A_9 : memref<10000x128xf32, #tpu.memory_space<hbm>>) target(%dma_start3A_4 : memref<80x128xf32, #tpu.memory_space<vmem>>) offsets(%dma_start3A_6 : memref<80xi32, #tpu.memory_space<vmem>>) semaphore(%arg11 : memref<!tpu.dma_semaphore, #tpu.memory_space<semaphore_mem>>)
    %dma_start3A_10 = arith.constant 1 : i32
    %dma_start3A_11 = arith.constant 0 : i32
    %dma_start3A_12 = arith.constant 0 : i32
    %dma_start3A_13 = tpu.memref_slice %arg9[%dma_start3A_10, %dma_start3A_11, %dma_start3A_12] : memref<3x80x128xf32, #tpu.memory_space<vmem>> -> memref<1x80x128xf32, #tpu.memory_space<vmem>>
    %dma_start3A_14 = tpu.memref_squeeze %dma_start3A_13 : memref<1x80x128xf32, #tpu.memory_space<vmem>> -> memref<80x128xf32, #tpu.memory_space<vmem>>
    %dma_start3A_15 = arith.constant 80 : i32
    %dma_start3A_16 = tpu.memref_slice %arg7[%dma_start3A_15] : memref<10000xi32, #tpu.memory_space<vmem>> -> memref<80xi32, #tpu.memory_space<vmem>>
    %dma_start3A_17 = arith.constant 0 : i32
    %dma_start3A_18 = arith.constant 0 : i32
    %dma_start3A_19 = tpu.memref_slice %arg2[%dma_start3A_17, %dma_start3A_18] : memref<10000x128xf32, #tpu.memory_space<hbm>> -> memref<10000x128xf32, #tpu.memory_space<hbm>>
    tpu.enqueue_indirect_dma source(%dma_start3A_19 : memref<10000x128xf32, #tpu.memory_space<hbm>>) target(%dma_start3A_14 : memref<80x128xf32, #tpu.memory_space<vmem>>) offsets(%dma_start3A_16 : memref<80xi32, #tpu.memory_space<vmem>>) semaphore(%arg12 : memref<!tpu.dma_semaphore, #tpu.memory_space<semaphore_mem>>)
    %mul3A_20 = arith.constant 625 : i32
    %mul3A_21 = arith.muli %arg1, %mul3A_20 : i32
    "tpu.region"() ({
      %run_scoped3A = tpu.sem_alloc : memref<!tpu.dma_semaphore, #tpu.memory_space<semaphore_mem>>
      %dma_start3A_67 = arith.constant 0 : i32
      %dma_start3A_68 = tpu.memref_slice %arg10[%mul3A_21, %dma_start3A_67] : memref<10000x128xf32, #tpu.memory_space<vmem_shared>> -> memref<625x128xf32, #tpu.memory_space<vmem_shared>>
      tpu.enqueue_dma source(%arg5 : memref<625x128xf32, #tpu.memory_space<hbm>>) target(%dma_start3A_68 : memref<625x128xf32, #tpu.memory_space<vmem_shared>>) target_semaphore(%run_scoped3A : memref<!tpu.dma_semaphore, #tpu.memory_space<semaphore_mem>>)
      %dma_wait3A_69 = arith.constant 0 : i32
      %dma_wait3A_70 = tpu.memref_slice %arg10[%mul3A_21, %dma_wait3A_69] : memref<10000x128xf32, #tpu.memory_space<vmem_shared>> -> memref<625x128xf32, #tpu.memory_space<vmem_shared>>
      tpu.wait_dma2 semaphore(%run_scoped3A : memref<!tpu.dma_semaphore, #tpu.memory_space<semaphore_mem>>) src(%arg5 : memref<625x128xf32, #tpu.memory_space<hbm>>) dst(%dma_wait3A_70 : memref<625x128xf32, #tpu.memory_space<vmem_shared>>)
      tpu.yield
    }) : () -> ()
    %barrier3A = arith.constant 0 : index
    tpu.barrier barrier_id(%barrier3A)
    %scan3A = arith.constant 0 : i32
    %scan3A_22 = arith.constant 0 : i32
    %scan3A_23 = arith.constant 42 : i32
    %scan3A_24 = arith.addi %scan3A_22, %scan3A_23 : i32
    %scan3A_25 = arith.constant 1 : i32
    scf.for %scan3A_67 = %scan3A_22 to %scan3A_24 step %scan3A_25  : i32 {
      %mul3A_68 = arith.constant 3 : i32
      %mul3A_69 = arith.muli %scan3A_67, %mul3A_68 : i32
      %add3A_70 = arith.constant 0 : i32
      %add3A_71 = arith.addi %mul3A_69, %add3A_70 : i32
      %add3A_72 = arith.constant 2 : i32
      %add3A_73 = arith.addi %add3A_71, %add3A_72 : i32
      %ge3A = arith.constant 3 : i32
      %ge3A_74 = arith.cmpi sge, %add3A_73, %ge3A : i32
      %lt3A = arith.constant 125 : i32
      %lt3A_75 = arith.cmpi slt, %add3A_73, %lt3A : i32
      %and3A = arith.andi %ge3A_74, %lt3A_75 : i1
      %convert_element_type3A = arith.extui %and3A : i1 to i32
      %cond3A = arith.constant 0 : i32
      %cond3A_76 = arith.cmpi ne, %convert_element_type3A, %cond3A : i32
      scf.if %cond3A_76 {
        %dma_wait3A_135 = arith.constant 2 : i32
        %dma_wait3A_136 = arith.constant 0 : i32
        %dma_wait3A_137 = arith.constant 0 : i32
        %dma_wait3A_138 = arith.constant 0 : i32
        %dma_wait3A_139 = tpu.memref_slice %arg9[%dma_wait3A_135, %dma_wait3A_137, %dma_wait3A_138] : memref<3x80x128xf32, #tpu.memory_space<vmem>> -> memref<1x80x128xf32, #tpu.memory_space<vmem>>
        %dma_wait3A_140 = tpu.memref_squeeze %dma_wait3A_139 : memref<1x80x128xf32, #tpu.memory_space<vmem>> -> memref<80x128xf32, #tpu.memory_space<vmem>>
        %dma_wait3A_141 = arith.constant 0 : i32
        %dma_wait3A_142 = tpu.memref_slice %arg8[%dma_wait3A_136, %dma_wait3A_141] : memref<125x80xi32, #tpu.memory_space<vmem>> -> memref<1x80xi32, #tpu.memory_space<vmem>>
        %dma_wait3A_143 = tpu.memref_squeeze %dma_wait3A_142 : memref<1x80xi32, #tpu.memory_space<vmem>> -> memref<80xi32, #tpu.memory_space<vmem>>
        %dma_wait3A_144 = arith.constant 0 : i32
        %dma_wait3A_145 = arith.constant 0 : i32
        %dma_wait3A_146 = tpu.memref_slice %arg10[%dma_wait3A_144, %dma_wait3A_145] : memref<10000x128xf32, #tpu.memory_space<vmem_shared>> -> memref<10000x128xf32, #tpu.memory_space<vmem_shared>>
        tpu.wait_indirect_dma semaphore(%arg16 : memref<!tpu.dma_semaphore, #tpu.memory_space<semaphore_mem>>) src(%dma_wait3A_140 : memref<80x128xf32, #tpu.memory_space<vmem>>) dst(%dma_wait3A_146 : memref<10000x128xf32, #tpu.memory_space<vmem_shared>>)
      } else {
      }
      %lt3A_77 = arith.constant 125 : i32
      %lt3A_78 = arith.cmpi slt, %add3A_73, %lt3A_77 : i32
      %convert_element_type3A_79 = arith.extui %lt3A_78 : i1 to i32
      %cond3A_80 = arith.constant 0 : i32
      %cond3A_81 = arith.cmpi ne, %convert_element_type3A_79, %cond3A_80 : i32
      scf.if %cond3A_81 {
        %mul3A_135 = arith.constant 80 : i32
        %mul3A_136 = arith.muli %add3A_73, %mul3A_135 : i32
        %dma_start3A_137 = arith.constant 2 : i32
        %dma_start3A_138 = arith.constant 0 : i32
        %dma_start3A_139 = arith.constant 0 : i32
        %dma_start3A_140 = tpu.memref_slice %arg9[%dma_start3A_137, %dma_start3A_138, %dma_start3A_139] : memref<3x80x128xf32, #tpu.memory_space<vmem>> -> memref<1x80x128xf32, #tpu.memory_space<vmem>>
        %dma_start3A_141 = tpu.memref_squeeze %dma_start3A_140 : memref<1x80x128xf32, #tpu.memory_space<vmem>> -> memref<80x128xf32, #tpu.memory_space<vmem>>
        %dma_start3A_142 = tpu.memref_slice %arg7[%mul3A_136] : memref<10000xi32, #tpu.memory_space<vmem>> -> memref<80xi32, #tpu.memory_space<vmem>>
        %dma_start3A_143 = arith.constant 0 : i32
        %dma_start3A_144 = arith.constant 0 : i32
        %dma_start3A_145 = tpu.memref_slice %arg2[%dma_start3A_143, %dma_start3A_144] : memref<10000x128xf32, #tpu.memory_space<hbm>> -> memref<10000x128xf32, #tpu.memory_space<hbm>>
        tpu.enqueue_indirect_dma source(%dma_start3A_145 : memref<10000x128xf32, #tpu.memory_space<hbm>>) target(%dma_start3A_141 : memref<80x128xf32, #tpu.memory_space<vmem>>) offsets(%dma_start3A_142 : memref<80xi32, #tpu.memory_space<vmem>>) semaphore(%arg13 : memref<!tpu.dma_semaphore, #tpu.memory_space<semaphore_mem>>)
      } else {
      }
      %lt3A_82 = arith.constant 125 : i32
      %lt3A_83 = arith.cmpi slt, %add3A_71, %lt3A_82 : i32
      %convert_element_type3A_84 = arith.extui %lt3A_83 : i1 to i32
      %cond3A_85 = arith.constant 0 : i32
      %cond3A_86 = arith.cmpi ne, %convert_element_type3A_84, %cond3A_85 : i32
      scf.if %cond3A_86 {
        %mul3A_135 = arith.constant 80 : i32
        %mul3A_136 = arith.muli %add3A_71, %mul3A_135 : i32
        %dma_wait3A_137 = arith.constant 0 : i32
        %dma_wait3A_138 = arith.constant 0 : i32
        %dma_wait3A_139 = arith.constant 0 : i32
        %dma_wait3A_140 = tpu.memref_slice %arg9[%dma_wait3A_137, %dma_wait3A_138, %dma_wait3A_139] : memref<3x80x128xf32, #tpu.memory_space<vmem>> -> memref<1x80x128xf32, #tpu.memory_space<vmem>>
        %dma_wait3A_141 = tpu.memref_squeeze %dma_wait3A_140 : memref<1x80x128xf32, #tpu.memory_space<vmem>> -> memref<80x128xf32, #tpu.memory_space<vmem>>
        %dma_wait3A_142 = tpu.memref_slice %arg7[%mul3A_136] : memref<10000xi32, #tpu.memory_space<vmem>> -> memref<80xi32, #tpu.memory_space<vmem>>
        %dma_wait3A_143 = arith.constant 0 : i32
        %dma_wait3A_144 = arith.constant 0 : i32
        %dma_wait3A_145 = tpu.memref_slice %arg2[%dma_wait3A_143, %dma_wait3A_144] : memref<10000x128xf32, #tpu.memory_space<hbm>> -> memref<10000x128xf32, #tpu.memory_space<hbm>>
        tpu.wait_indirect_dma semaphore(%arg11 : memref<!tpu.dma_semaphore, #tpu.memory_space<semaphore_mem>>) src(%dma_wait3A_145 : memref<10000x128xf32, #tpu.memory_space<hbm>>) dst(%dma_wait3A_141 : memref<80x128xf32, #tpu.memory_space<vmem>>)
        %dma_start3A_146 = arith.constant 0 : i32
        %dma_start3A_147 = arith.constant 0 : i32
        %dma_start3A_148 = arith.constant 0 : i32
        %dma_start3A_149 = tpu.memref_slice %arg9[%dma_start3A_146, %dma_start3A_147, %dma_start3A_148] : memref<3x80x128xf32, #tpu.memory_space<vmem>> -> memref<1x80x128xf32, #tpu.memory_space<vmem>>
        %dma_start3A_150 = tpu.memref_squeeze %dma_start3A_149 : memref<1x80x128xf32, #tpu.memory_space<vmem>> -> memref<80x128xf32, #tpu.memory_space<vmem>>
        %dma_start3A_151 = arith.constant 0 : i32
        %dma_start3A_152 = tpu.memref_slice %arg8[%add3A_71, %dma_start3A_151] : memref<125x80xi32, #tpu.memory_space<vmem>> -> memref<1x80xi32, #tpu.memory_space<vmem>>
        %dma_start3A_153 = tpu.memref_squeeze %dma_start3A_152 : memref<1x80xi32, #tpu.memory_space<vmem>> -> memref<80xi32, #tpu.memory_space<vmem>>
        %dma_start3A_154 = arith.constant 0 : i32
        %dma_start3A_155 = arith.constant 0 : i32
        %dma_start3A_156 = tpu.memref_slice %arg10[%dma_start3A_154, %dma_start3A_155] : memref<10000x128xf32, #tpu.memory_space<vmem_shared>> -> memref<10000x128xf32, #tpu.memory_space<vmem_shared>>
        tpu.enqueue_indirect_dma source(%dma_start3A_150 : memref<80x128xf32, #tpu.memory_space<vmem>>) target(%dma_start3A_156 : memref<10000x128xf32, #tpu.memory_space<vmem_shared>>) offsets(%dma_start3A_153 : memref<80xi32, #tpu.memory_space<vmem>>) semaphore(%arg14 : memref<!tpu.dma_semaphore, #tpu.memory_space<semaphore_mem>>) {add = true}
      } else {
      }
      %mul3A_87 = arith.constant 3 : i32
      %mul3A_88 = arith.muli %scan3A_67, %mul3A_87 : i32
      %add3A_89 = arith.constant 1 : i32
      %add3A_90 = arith.addi %mul3A_88, %add3A_89 : i32
      %add3A_91 = arith.constant 2 : i32
      %add3A_92 = arith.addi %add3A_90, %add3A_91 : i32
      %ge3A_93 = arith.constant 3 : i32
      %ge3A_94 = arith.cmpi sge, %add3A_92, %ge3A_93 : i32
      %lt3A_95 = arith.constant 125 : i32
      %lt3A_96 = arith.cmpi slt, %add3A_92, %lt3A_95 : i32
      %and3A_97 = arith.andi %ge3A_94, %lt3A_96 : i1
      %convert_element_type3A_98 = arith.extui %and3A_97 : i1 to i32
      %cond3A_99 = arith.constant 0 : i32
      %cond3A_100 = arith.cmpi ne, %convert_element_type3A_98, %cond3A_99 : i32
      scf.if %cond3A_100 {
        %dma_wait3A_135 = arith.constant 0 : i32
        %dma_wait3A_136 = arith.constant 0 : i32
        %dma_wait3A_137 = arith.constant 0 : i32
        %dma_wait3A_138 = arith.constant 0 : i32
        %dma_wait3A_139 = tpu.memref_slice %arg9[%dma_wait3A_135, %dma_wait3A_137, %dma_wait3A_138] : memref<3x80x128xf32, #tpu.memory_space<vmem>> -> memref<1x80x128xf32, #tpu.memory_space<vmem>>
        %dma_wait3A_140 = tpu.memref_squeeze %dma_wait3A_139 : memref<1x80x128xf32, #tpu.memory_space<vmem>> -> memref<80x128xf32, #tpu.memory_space<vmem>>
        %dma_wait3A_141 = arith.constant 0 : i32
        %dma_wait3A_142 = tpu.memref_slice %arg8[%dma_wait3A_136, %dma_wait3A_141] : memref<125x80xi32, #tpu.memory_space<vmem>> -> memref<1x80xi32, #tpu.memory_space<vmem>>
        %dma_wait3A_143 = tpu.memref_squeeze %dma_wait3A_142 : memref<1x80xi32, #tpu.memory_space<vmem>> -> memref<80xi32, #tpu.memory_space<vmem>>
        %dma_wait3A_144 = arith.constant 0 : i32
        %dma_wait3A_145 = arith.constant 0 : i32
        %dma_wait3A_146 = tpu.memref_slice %arg10[%dma_wait3A_144, %dma_wait3A_145] : memref<10000x128xf32, #tpu.memory_space<vmem_shared>> -> memref<10000x128xf32, #tpu.memory_space<vmem_shared>>
        tpu.wait_indirect_dma semaphore(%arg14 : memref<!tpu.dma_semaphore, #tpu.memory_space<semaphore_mem>>) src(%dma_wait3A_140 : memref<80x128xf32, #tpu.memory_space<vmem>>) dst(%dma_wait3A_146 : memref<10000x128xf32, #tpu.memory_space<vmem_shared>>)
      } else {
      }
      %lt3A_101 = arith.constant 125 : i32
      %lt3A_102 = arith.cmpi slt, %add3A_92, %lt3A_101 : i32
      %convert_element_type3A_103 = arith.extui %lt3A_102 : i1 to i32
      %cond3A_104 = arith.constant 0 : i32
      %cond3A_105 = arith.cmpi ne, %convert_element_type3A_103, %cond3A_104 : i32
      scf.if %cond3A_105 {
        %mul3A_135 = arith.constant 80 : i32
        %mul3A_136 = arith.muli %add3A_92, %mul3A_135 : i32
        %dma_start3A_137 = arith.constant 0 : i32
        %dma_start3A_138 = arith.constant 0 : i32
        %dma_start3A_139 = arith.constant 0 : i32
        %dma_start3A_140 = tpu.memref_slice %arg9[%dma_start3A_137, %dma_start3A_138, %dma_start3A_139] : memref<3x80x128xf32, #tpu.memory_space<vmem>> -> memref<1x80x128xf32, #tpu.memory_space<vmem>>
        %dma_start3A_141 = tpu.memref_squeeze %dma_start3A_140 : memref<1x80x128xf32, #tpu.memory_space<vmem>> -> memref<80x128xf32, #tpu.memory_space<vmem>>
        %dma_start3A_142 = tpu.memref_slice %arg7[%mul3A_136] : memref<10000xi32, #tpu.memory_space<vmem>> -> memref<80xi32, #tpu.memory_space<vmem>>
        %dma_start3A_143 = arith.constant 0 : i32
        %dma_start3A_144 = arith.constant 0 : i32
        %dma_start3A_145 = tpu.memref_slice %arg2[%dma_start3A_143, %dma_start3A_144] : memref<10000x128xf32, #tpu.memory_space<hbm>> -> memref<10000x128xf32, #tpu.memory_space<hbm>>
        tpu.enqueue_indirect_dma source(%dma_start3A_145 : memref<10000x128xf32, #tpu.memory_space<hbm>>) target(%dma_start3A_141 : memref<80x128xf32, #tpu.memory_space<vmem>>) offsets(%dma_start3A_142 : memref<80xi32, #tpu.memory_space<vmem>>) semaphore(%arg11 : memref<!tpu.dma_semaphore, #tpu.memory_space<semaphore_mem>>)
      } else {
      }
      %lt3A_106 = arith.constant 125 : i32
      %lt3A_107 = arith.cmpi slt, %add3A_90, %lt3A_106 : i32
      %convert_element_type3A_108 = arith.extui %lt3A_107 : i1 to i32
      %cond3A_109 = arith.constant 0 : i32
      %cond3A_110 = arith.cmpi ne, %convert_element_type3A_108, %cond3A_109 : i32
      scf.if %cond3A_110 {
        %mul3A_135 = arith.constant 80 : i32
        %mul3A_136 = arith.muli %add3A_90, %mul3A_135 : i32
        %dma_wait3A_137 = arith.constant 1 : i32
        %dma_wait3A_138 = arith.constant 0 : i32
        %dma_wait3A_139 = arith.constant 0 : i32
        %dma_wait3A_140 = tpu.memref_slice %arg9[%dma_wait3A_137, %dma_wait3A_138, %dma_wait3A_139] : memref<3x80x128xf32, #tpu.memory_space<vmem>> -> memref<1x80x128xf32, #tpu.memory_space<vmem>>
        %dma_wait3A_141 = tpu.memref_squeeze %dma_wait3A_140 : memref<1x80x128xf32, #tpu.memory_space<vmem>> -> memref<80x128xf32, #tpu.memory_space<vmem>>
        %dma_wait3A_142 = tpu.memref_slice %arg7[%mul3A_136] : memref<10000xi32, #tpu.memory_space<vmem>> -> memref<80xi32, #tpu.memory_space<vmem>>
        %dma_wait3A_143 = arith.constant 0 : i32
        %dma_wait3A_144 = arith.constant 0 : i32
        %dma_wait3A_145 = tpu.memref_slice %arg2[%dma_wait3A_143, %dma_wait3A_144] : memref<10000x128xf32, #tpu.memory_space<hbm>> -> memref<10000x128xf32, #tpu.memory_space<hbm>>
        tpu.wait_indirect_dma semaphore(%arg12 : memref<!tpu.dma_semaphore, #tpu.memory_space<semaphore_mem>>) src(%dma_wait3A_145 : memref<10000x128xf32, #tpu.memory_space<hbm>>) dst(%dma_wait3A_141 : memref<80x128xf32, #tpu.memory_space<vmem>>)
        %dma_start3A_146 = arith.constant 1 : i32
        %dma_start3A_147 = arith.constant 0 : i32
        %dma_start3A_148 = arith.constant 0 : i32
        %dma_start3A_149 = tpu.memref_slice %arg9[%dma_start3A_146, %dma_start3A_147, %dma_start3A_148] : memref<3x80x128xf32, #tpu.memory_space<vmem>> -> memref<1x80x128xf32, #tpu.memory_space<vmem>>
        %dma_start3A_150 = tpu.memref_squeeze %dma_start3A_149 : memref<1x80x128xf32, #tpu.memory_space<vmem>> -> memref<80x128xf32, #tpu.memory_space<vmem>>
        %dma_start3A_151 = arith.constant 0 : i32
        %dma_start3A_152 = tpu.memref_slice %arg8[%add3A_90, %dma_start3A_151] : memref<125x80xi32, #tpu.memory_space<vmem>> -> memref<1x80xi32, #tpu.memory_space<vmem>>
        %dma_start3A_153 = tpu.memref_squeeze %dma_start3A_152 : memref<1x80xi32, #tpu.memory_space<vmem>> -> memref<80xi32, #tpu.memory_space<vmem>>
        %dma_start3A_154 = arith.constant 0 : i32
        %dma_start3A_155 = arith.constant 0 : i32
        %dma_start3A_156 = tpu.memref_slice %arg10[%dma_start3A_154, %dma_start3A_155] : memref<10000x128xf32, #tpu.memory_space<vmem_shared>> -> memref<10000x128xf32, #tpu.memory_space<vmem_shared>>
        tpu.enqueue_indirect_dma source(%dma_start3A_150 : memref<80x128xf32, #tpu.memory_space<vmem>>) target(%dma_start3A_156 : memref<10000x128xf32, #tpu.memory_space<vmem_shared>>) offsets(%dma_start3A_153 : memref<80xi32, #tpu.memory_space<vmem>>) semaphore(%arg15 : memref<!tpu.dma_semaphore, #tpu.memory_space<semaphore_mem>>) {add = true}
      } else {
      }
      %mul3A_111 = arith.constant 3 : i32
      %mul3A_112 = arith.muli %scan3A_67, %mul3A_111 : i32
      %add3A_113 = arith.constant 2 : i32
      %add3A_114 = arith.addi %mul3A_112, %add3A_113 : i32
      %add3A_115 = arith.constant 2 : i32
      %add3A_116 = arith.addi %add3A_114, %add3A_115 : i32
      %ge3A_117 = arith.constant 3 : i32
      %ge3A_118 = arith.cmpi sge, %add3A_116, %ge3A_117 : i32
      %lt3A_119 = arith.constant 125 : i32
      %lt3A_120 = arith.cmpi slt, %add3A_116, %lt3A_119 : i32
      %and3A_121 = arith.andi %ge3A_118, %lt3A_120 : i1
      %convert_element_type3A_122 = arith.extui %and3A_121 : i1 to i32
      %cond3A_123 = arith.constant 0 : i32
      %cond3A_124 = arith.cmpi ne, %convert_element_type3A_122, %cond3A_123 : i32
      scf.if %cond3A_124 {
        %dma_wait3A_135 = arith.constant 1 : i32
        %dma_wait3A_136 = arith.constant 0 : i32
        %dma_wait3A_137 = arith.constant 0 : i32
        %dma_wait3A_138 = arith.constant 0 : i32
        %dma_wait3A_139 = tpu.memref_slice %arg9[%dma_wait3A_135, %dma_wait3A_137, %dma_wait3A_138] : memref<3x80x128xf32, #tpu.memory_space<vmem>> -> memref<1x80x128xf32, #tpu.memory_space<vmem>>
        %dma_wait3A_140 = tpu.memref_squeeze %dma_wait3A_139 : memref<1x80x128xf32, #tpu.memory_space<vmem>> -> memref<80x128xf32, #tpu.memory_space<vmem>>
        %dma_wait3A_141 = arith.constant 0 : i32
        %dma_wait3A_142 = tpu.memref_slice %arg8[%dma_wait3A_136, %dma_wait3A_141] : memref<125x80xi32, #tpu.memory_space<vmem>> -> memref<1x80xi32, #tpu.memory_space<vmem>>
        %dma_wait3A_143 = tpu.memref_squeeze %dma_wait3A_142 : memref<1x80xi32, #tpu.memory_space<vmem>> -> memref<80xi32, #tpu.memory_space<vmem>>
        %dma_wait3A_144 = arith.constant 0 : i32
        %dma_wait3A_145 = arith.constant 0 : i32
        %dma_wait3A_146 = tpu.memref_slice %arg10[%dma_wait3A_144, %dma_wait3A_145] : memref<10000x128xf32, #tpu.memory_space<vmem_shared>> -> memref<10000x128xf32, #tpu.memory_space<vmem_shared>>
        tpu.wait_indirect_dma semaphore(%arg15 : memref<!tpu.dma_semaphore, #tpu.memory_space<semaphore_mem>>) src(%dma_wait3A_140 : memref<80x128xf32, #tpu.memory_space<vmem>>) dst(%dma_wait3A_146 : memref<10000x128xf32, #tpu.memory_space<vmem_shared>>)
      } else {
      }
      %lt3A_125 = arith.constant 125 : i32
      %lt3A_126 = arith.cmpi slt, %add3A_116, %lt3A_125 : i32
      %convert_element_type3A_127 = arith.extui %lt3A_126 : i1 to i32
      %cond3A_128 = arith.constant 0 : i32
      %cond3A_129 = arith.cmpi ne, %convert_element_type3A_127, %cond3A_128 : i32
      scf.if %cond3A_129 {
        %mul3A_135 = arith.constant 80 : i32
        %mul3A_136 = arith.muli %add3A_116, %mul3A_135 : i32
        %dma_start3A_137 = arith.constant 1 : i32
        %dma_start3A_138 = arith.constant 0 : i32
        %dma_start3A_139 = arith.constant 0 : i32
        %dma_start3A_140 = tpu.memref_slice %arg9[%dma_start3A_137, %dma_start3A_138, %dma_start3A_139] : memref<3x80x128xf32, #tpu.memory_space<vmem>> -> memref<1x80x128xf32, #tpu.memory_space<vmem>>
        %dma_start3A_141 = tpu.memref_squeeze %dma_start3A_140 : memref<1x80x128xf32, #tpu.memory_space<vmem>> -> memref<80x128xf32, #tpu.memory_space<vmem>>
        %dma_start3A_142 = tpu.memref_slice %arg7[%mul3A_136] : memref<10000xi32, #tpu.memory_space<vmem>> -> memref<80xi32, #tpu.memory_space<vmem>>
        %dma_start3A_143 = arith.constant 0 : i32
        %dma_start3A_144 = arith.constant 0 : i32
        %dma_start3A_145 = tpu.memref_slice %arg2[%dma_start3A_143, %dma_start3A_144] : memref<10000x128xf32, #tpu.memory_space<hbm>> -> memref<10000x128xf32, #tpu.memory_space<hbm>>
        tpu.enqueue_indirect_dma source(%dma_start3A_145 : memref<10000x128xf32, #tpu.memory_space<hbm>>) target(%dma_start3A_141 : memref<80x128xf32, #tpu.memory_space<vmem>>) offsets(%dma_start3A_142 : memref<80xi32, #tpu.memory_space<vmem>>) semaphore(%arg12 : memref<!tpu.dma_semaphore, #tpu.memory_space<semaphore_mem>>)
      } else {
      }
      %lt3A_130 = arith.constant 125 : i32
      %lt3A_131 = arith.cmpi slt, %add3A_114, %lt3A_130 : i32
      %convert_element_type3A_132 = arith.extui %lt3A_131 : i1 to i32
      %cond3A_133 = arith.constant 0 : i32
      %cond3A_134 = arith.cmpi ne, %convert_element_type3A_132, %cond3A_133 : i32
      scf.if %cond3A_134 {
        %mul3A_135 = arith.constant 80 : i32
        %mul3A_136 = arith.muli %add3A_114, %mul3A_135 : i32
        %dma_wait3A_137 = arith.constant 2 : i32
        %dma_wait3A_138 = arith.constant 0 : i32
        %dma_wait3A_139 = arith.constant 0 : i32
        %dma_wait3A_140 = tpu.memref_slice %arg9[%dma_wait3A_137, %dma_wait3A_138, %dma_wait3A_139] : memref<3x80x128xf32, #tpu.memory_space<vmem>> -> memref<1x80x128xf32, #tpu.memory_space<vmem>>
        %dma_wait3A_141 = tpu.memref_squeeze %dma_wait3A_140 : memref<1x80x128xf32, #tpu.memory_space<vmem>> -> memref<80x128xf32, #tpu.memory_space<vmem>>
        %dma_wait3A_142 = tpu.memref_slice %arg7[%mul3A_136] : memref<10000xi32, #tpu.memory_space<vmem>> -> memref<80xi32, #tpu.memory_space<vmem>>
        %dma_wait3A_143 = arith.constant 0 : i32
        %dma_wait3A_144 = arith.constant 0 : i32
        %dma_wait3A_145 = tpu.memref_slice %arg2[%dma_wait3A_143, %dma_wait3A_144] : memref<10000x128xf32, #tpu.memory_space<hbm>> -> memref<10000x128xf32, #tpu.memory_space<hbm>>
        tpu.wait_indirect_dma semaphore(%arg13 : memref<!tpu.dma_semaphore, #tpu.memory_space<semaphore_mem>>) src(%dma_wait3A_145 : memref<10000x128xf32, #tpu.memory_space<hbm>>) dst(%dma_wait3A_141 : memref<80x128xf32, #tpu.memory_space<vmem>>)
        %dma_start3A_146 = arith.constant 2 : i32
        %dma_start3A_147 = arith.constant 0 : i32
        %dma_start3A_148 = arith.constant 0 : i32
        %dma_start3A_149 = tpu.memref_slice %arg9[%dma_start3A_146, %dma_start3A_147, %dma_start3A_148] : memref<3x80x128xf32, #tpu.memory_space<vmem>> -> memref<1x80x128xf32, #tpu.memory_space<vmem>>
        %dma_start3A_150 = tpu.memref_squeeze %dma_start3A_149 : memref<1x80x128xf32, #tpu.memory_space<vmem>> -> memref<80x128xf32, #tpu.memory_space<vmem>>
        %dma_start3A_151 = arith.constant 0 : i32
        %dma_start3A_152 = tpu.memref_slice %arg8[%add3A_114, %dma_start3A_151] : memref<125x80xi32, #tpu.memory_space<vmem>> -> memref<1x80xi32, #tpu.memory_space<vmem>>
        %dma_start3A_153 = tpu.memref_squeeze %dma_start3A_152 : memref<1x80xi32, #tpu.memory_space<vmem>> -> memref<80xi32, #tpu.memory_space<vmem>>
        %dma_start3A_154 = arith.constant 0 : i32
        %dma_start3A_155 = arith.constant 0 : i32
        %dma_start3A_156 = tpu.memref_slice %arg10[%dma_start3A_154, %dma_start3A_155] : memref<10000x128xf32, #tpu.memory_space<vmem_shared>> -> memref<10000x128xf32, #tpu.memory_space<vmem_shared>>
        tpu.enqueue_indirect_dma source(%dma_start3A_150 : memref<80x128xf32, #tpu.memory_space<vmem>>) target(%dma_start3A_156 : memref<10000x128xf32, #tpu.memory_space<vmem_shared>>) offsets(%dma_start3A_153 : memref<80xi32, #tpu.memory_space<vmem>>) semaphore(%arg16 : memref<!tpu.dma_semaphore, #tpu.memory_space<semaphore_mem>>) {add = true}
      } else {
      }
    }
    %scan3A_26 = arith.constant 42 : i32
    %dma_wait3A = arith.constant 0 : i32
    %dma_wait3A_27 = arith.constant 0 : i32
    %dma_wait3A_28 = arith.constant 0 : i32
    %dma_wait3A_29 = arith.constant 0 : i32
    %dma_wait3A_30 = tpu.memref_slice %arg9[%dma_wait3A, %dma_wait3A_28, %dma_wait3A_29] : memref<3x80x128xf32, #tpu.memory_space<vmem>> -> memref<1x80x128xf32, #tpu.memory_space<vmem>>
    %dma_wait3A_31 = tpu.memref_squeeze %dma_wait3A_30 : memref<1x80x128xf32, #tpu.memory_space<vmem>> -> memref<80x128xf32, #tpu.memory_space<vmem>>
    %dma_wait3A_32 = arith.constant 0 : i32
    %dma_wait3A_33 = tpu.memref_slice %arg8[%dma_wait3A_27, %dma_wait3A_32] : memref<125x80xi32, #tpu.memory_space<vmem>> -> memref<1x80xi32, #tpu.memory_space<vmem>>
    %dma_wait3A_34 = tpu.memref_squeeze %dma_wait3A_33 : memref<1x80xi32, #tpu.memory_space<vmem>> -> memref<80xi32, #tpu.memory_space<vmem>>
    %dma_wait3A_35 = arith.constant 0 : i32
    %dma_wait3A_36 = arith.constant 0 : i32
    %dma_wait3A_37 = tpu.memref_slice %arg10[%dma_wait3A_35, %dma_wait3A_36] : memref<10000x128xf32, #tpu.memory_space<vmem_shared>> -> memref<10000x128xf32, #tpu.memory_space<vmem_shared>>
    tpu.wait_indirect_dma semaphore(%arg14 : memref<!tpu.dma_semaphore, #tpu.memory_space<semaphore_mem>>) src(%dma_wait3A_31 : memref<80x128xf32, #tpu.memory_space<vmem>>) dst(%dma_wait3A_37 : memref<10000x128xf32, #tpu.memory_space<vmem_shared>>)
    %dma_wait3A_38 = arith.constant 1 : i32
    %dma_wait3A_39 = arith.constant 0 : i32
    %dma_wait3A_40 = arith.constant 0 : i32
    %dma_wait3A_41 = arith.constant 0 : i32
    %dma_wait3A_42 = tpu.memref_slice %arg9[%dma_wait3A_38, %dma_wait3A_40, %dma_wait3A_41] : memref<3x80x128xf32, #tpu.memory_space<vmem>> -> memref<1x80x128xf32, #tpu.memory_space<vmem>>
    %dma_wait3A_43 = tpu.memref_squeeze %dma_wait3A_42 : memref<1x80x128xf32, #tpu.memory_space<vmem>> -> memref<80x128xf32, #tpu.memory_space<vmem>>
    %dma_wait3A_44 = arith.constant 0 : i32
    %dma_wait3A_45 = tpu.memref_slice %arg8[%dma_wait3A_39, %dma_wait3A_44] : memref<125x80xi32, #tpu.memory_space<vmem>> -> memref<1x80xi32, #tpu.memory_space<vmem>>
    %dma_wait3A_46 = tpu.memref_squeeze %dma_wait3A_45 : memref<1x80xi32, #tpu.memory_space<vmem>> -> memref<80xi32, #tpu.memory_space<vmem>>
    %dma_wait3A_47 = arith.constant 0 : i32
    %dma_wait3A_48 = arith.constant 0 : i32
    %dma_wait3A_49 = tpu.memref_slice %arg10[%dma_wait3A_47, %dma_wait3A_48] : memref<10000x128xf32, #tpu.memory_space<vmem_shared>> -> memref<10000x128xf32, #tpu.memory_space<vmem_shared>>
    tpu.wait_indirect_dma semaphore(%arg15 : memref<!tpu.dma_semaphore, #tpu.memory_space<semaphore_mem>>) src(%dma_wait3A_43 : memref<80x128xf32, #tpu.memory_space<vmem>>) dst(%dma_wait3A_49 : memref<10000x128xf32, #tpu.memory_space<vmem_shared>>)
    %dma_wait3A_50 = arith.constant 2 : i32
    %dma_wait3A_51 = arith.constant 0 : i32
    %dma_wait3A_52 = arith.constant 0 : i32
    %dma_wait3A_53 = arith.constant 0 : i32
    %dma_wait3A_54 = tpu.memref_slice %arg9[%dma_wait3A_50, %dma_wait3A_52, %dma_wait3A_53] : memref<3x80x128xf32, #tpu.memory_space<vmem>> -> memref<1x80x128xf32, #tpu.memory_space<vmem>>
    %dma_wait3A_55 = tpu.memref_squeeze %dma_wait3A_54 : memref<1x80x128xf32, #tpu.memory_space<vmem>> -> memref<80x128xf32, #tpu.memory_space<vmem>>
    %dma_wait3A_56 = arith.constant 0 : i32
    %dma_wait3A_57 = tpu.memref_slice %arg8[%dma_wait3A_51, %dma_wait3A_56] : memref<125x80xi32, #tpu.memory_space<vmem>> -> memref<1x80xi32, #tpu.memory_space<vmem>>
    %dma_wait3A_58 = tpu.memref_squeeze %dma_wait3A_57 : memref<1x80xi32, #tpu.memory_space<vmem>> -> memref<80xi32, #tpu.memory_space<vmem>>
    %dma_wait3A_59 = arith.constant 0 : i32
    %dma_wait3A_60 = arith.constant 0 : i32
    %dma_wait3A_61 = tpu.memref_slice %arg10[%dma_wait3A_59, %dma_wait3A_60] : memref<10000x128xf32, #tpu.memory_space<vmem_shared>> -> memref<10000x128xf32, #tpu.memory_space<vmem_shared>>
    tpu.wait_indirect_dma semaphore(%arg16 : memref<!tpu.dma_semaphore, #tpu.memory_space<semaphore_mem>>) src(%dma_wait3A_55 : memref<80x128xf32, #tpu.memory_space<vmem>>) dst(%dma_wait3A_61 : memref<10000x128xf32, #tpu.memory_space<vmem_shared>>)
    %barrier3A_62 = arith.constant 0 : index
    tpu.barrier barrier_id(%barrier3A_62)
    %mul3A_63 = arith.constant 625 : i32
    %mul3A_64 = arith.muli %arg1, %mul3A_63 : i32
    %mul3A_65 = arith.constant 625 : i32
    %mul3A_66 = arith.muli %arg1, %mul3A_65 : i32
    "tpu.region"() ({
      %run_scoped3A = tpu.sem_alloc : memref<!tpu.dma_semaphore, #tpu.memory_space<semaphore_mem>>
      %dma_start3A_67 = arith.constant 0 : i32
      %dma_start3A_68 = tpu.memref_slice %arg6[%arg0, %mul3A_66, %dma_start3A_67] : memref<2x10000x128xf32, #tpu.memory_space<hbm>> -> memref<1x625x128xf32, #tpu.memory_space<hbm>>
      %dma_start3A_69 = tpu.memref_squeeze %dma_start3A_68 : memref<1x625x128xf32, #tpu.memory_space<hbm>> -> memref<625x128xf32, #tpu.memory_space<hbm>>
      %dma_start3A_70 = arith.constant 0 : i32
      %dma_start3A_71 = tpu.memref_slice %arg10[%mul3A_64, %dma_start3A_70] : memref<10000x128xf32, #tpu.memory_space<vmem_shared>> -> memref<625x128xf32, #tpu.memory_space<vmem_shared>>
      tpu.enqueue_dma source(%dma_start3A_71 : memref<625x128xf32, #tpu.memory_space<vmem_shared>>) target(%dma_start3A_69 : memref<625x128xf32, #tpu.memory_space<hbm>>) target_semaphore(%run_scoped3A : memref<!tpu.dma_semaphore, #tpu.memory_space<semaphore_mem>>)
      %dma_wait3A_72 = arith.constant 0 : i32
      %dma_wait3A_73 = tpu.memref_slice %arg6[%arg0, %mul3A_66, %dma_wait3A_72] : memref<2x10000x128xf32, #tpu.memory_space<hbm>> -> memref<1x625x128xf32, #tpu.memory_space<hbm>>
      %dma_wait3A_74 = tpu.memref_squeeze %dma_wait3A_73 : memref<1x625x128xf32, #tpu.memory_space<hbm>> -> memref<625x128xf32, #tpu.memory_space<hbm>>
      %dma_wait3A_75 = arith.constant 0 : i32
      %dma_wait3A_76 = tpu.memref_slice %arg10[%mul3A_64, %dma_wait3A_75] : memref<10000x128xf32, #tpu.memory_space<vmem_shared>> -> memref<625x128xf32, #tpu.memory_space<vmem_shared>>
      tpu.wait_dma2 semaphore(%run_scoped3A : memref<!tpu.dma_semaphore, #tpu.memory_space<semaphore_mem>>) src(%dma_wait3A_76 : memref<625x128xf32, #tpu.memory_space<vmem_shared>>) dst(%dma_wait3A_74 : memref<625x128xf32, #tpu.memory_space<hbm>>)
      tpu.yield
    }) : () -> ()
    return
  }
}

#map = affine_map<(d0, d1) -> (0, 0)>
#map1 = affine_map<(d0, d1) -> (0, 0, 0)>
module attributes {stable_mosaic.version = 14 : i64} {
  func.func @gcn_agg_16(%arg0: i32, %arg1: i32, %arg2: memref<10000x16xf32, #tpu.memory_space<hbm>>, %arg3: memref<2500x128xi32, #tpu.memory_space<hbm>>, %arg4: memref<2500x128xi32, #tpu.memory_space<hbm>>, %arg5: memref<625x16xf32, #tpu.memory_space<hbm>>, %arg6: memref<2x10000x128xf32, #tpu.memory_space<hbm>>, %arg7: memref<79x128xi32, #tpu.memory_space<vmem>>, %arg8: memref<79x128xi32, #tpu.memory_space<vmem>>, %arg9: memref<14x128x16xf32, #tpu.memory_space<vmem>>, %arg10: memref<10000x16xf32, #tpu.memory_space<vmem_shared>>, %arg11: memref<!tpu.dma_semaphore, #tpu.memory_space<semaphore_mem>>, %arg12: memref<!tpu.dma_semaphore, #tpu.memory_space<semaphore_mem>>, %arg13: memref<!tpu.dma_semaphore, #tpu.memory_space<semaphore_mem>>, %arg14: memref<!tpu.dma_semaphore, #tpu.memory_space<semaphore_mem>>, %arg15: memref<!tpu.dma_semaphore, #tpu.memory_space<semaphore_mem>>, %arg16: memref<!tpu.dma_semaphore, #tpu.memory_space<semaphore_mem>>, %arg17: memref<!tpu.dma_semaphore, #tpu.memory_space<semaphore_mem>>, %arg18: memref<!tpu.dma_semaphore, #tpu.memory_space<semaphore_mem>>, %arg19: memref<!tpu.dma_semaphore, #tpu.memory_space<semaphore_mem>>, %arg20: memref<!tpu.dma_semaphore, #tpu.memory_space<semaphore_mem>>, %arg21: memref<!tpu.dma_semaphore, #tpu.memory_space<semaphore_mem>>, %arg22: memref<!tpu.dma_semaphore, #tpu.memory_space<semaphore_mem>>, %arg23: memref<!tpu.dma_semaphore, #tpu.memory_space<semaphore_mem>>, %arg24: memref<!tpu.dma_semaphore, #tpu.memory_space<semaphore_mem>>, %arg25: memref<!tpu.dma_semaphore, #tpu.memory_space<semaphore_mem>>, %arg26: memref<!tpu.dma_semaphore, #tpu.memory_space<semaphore_mem>>, %arg27: memref<!tpu.dma_semaphore, #tpu.memory_space<semaphore_mem>>, %arg28: memref<!tpu.dma_semaphore, #tpu.memory_space<semaphore_mem>>, %arg29: memref<!tpu.dma_semaphore, #tpu.memory_space<semaphore_mem>>, %arg30: memref<!tpu.dma_semaphore, #tpu.memory_space<semaphore_mem>>, %arg31: memref<!tpu.dma_semaphore, #tpu.memory_space<semaphore_mem>>, %arg32: memref<!tpu.dma_semaphore, #tpu.memory_space<semaphore_mem>>, %arg33: memref<!tpu.dma_semaphore, #tpu.memory_space<semaphore_mem>>, %arg34: memref<!tpu.dma_semaphore, #tpu.memory_space<semaphore_mem>>, %arg35: memref<!tpu.dma_semaphore, #tpu.memory_space<semaphore_mem>>, %arg36: memref<!tpu.dma_semaphore, #tpu.memory_space<semaphore_mem>>, %arg37: memref<!tpu.dma_semaphore, #tpu.memory_space<semaphore_mem>>, %arg38: memref<!tpu.dma_semaphore, #tpu.memory_space<semaphore_mem>>) attributes {dimension_semantics = [#tpu.dimension_semantics<core_parallel>, #tpu.dimension_semantics<subcore_parallel>], iteration_bounds = array<i64: 2, 16>, scalar_prefetch = 0 : i64, scratch_operands = 32 : i64, tpu.core_type = #tpu.core_type<sc_vector_subcore>, window_params = [{transform_indices = #map}, {transform_indices = #map}, {transform_indices = #map}, {transform_indices = #map}, {transform_indices = #map1}]} {
    %mul3A = arith.constant 16 : i32
    %mul3A_0 = arith.muli %arg0, %mul3A : i32
    %add3A = arith.addi %mul3A_0, %arg1 : i32
    %mul3A_1 = arith.constant 2500 : i32
    %mul3A_2 = arith.muli %mul3A_1, %add3A : i32
    %jit3A = arith.constant 32 : i32
    %div3A = arith.divsi %mul3A_2, %jit3A : i32
    %sign3A = arith.constant 0 : i32
    %sign3A_3 = arith.cmpi sgt, %mul3A_2, %sign3A : i32
    %sign3A_4 = arith.extui %sign3A_3 : i1 to i32
    %sign3A_5 = arith.constant 0 : i32
    %sign3A_6 = arith.cmpi slt, %mul3A_2, %sign3A_5 : i32
    %sign3A_7 = arith.extui %sign3A_6 : i1 to i32
    %sign3A_8 = arith.subi %sign3A_4, %sign3A_7 : i32
    %sign3A_9 = arith.constant 0 : i32
    %sign3A_10 = arith.cmpi sgt, %jit3A, %sign3A_9 : i32
    %sign3A_11 = arith.extui %sign3A_10 : i1 to i32
    %sign3A_12 = arith.constant 0 : i32
    %sign3A_13 = arith.cmpi slt, %jit3A, %sign3A_12 : i32
    %sign3A_14 = arith.extui %sign3A_13 : i1 to i32
    %sign3A_15 = arith.subi %sign3A_11, %sign3A_14 : i32
    %ne3A = arith.cmpi ne, %sign3A_8, %sign3A_15 : i32
    %rem3A = arith.remsi %mul3A_2, %jit3A : i32
    %ne3A_16 = arith.constant 0 : i32
    %ne3A_17 = arith.cmpi ne, %rem3A, %ne3A_16 : i32
    %and3A = arith.andi %ne3A, %ne3A_17 : i1
    %sub3A = arith.constant 1 : i32
    %sub3A_18 = arith.subi %div3A, %sub3A : i32
    %select_n3A = arith.select %and3A, %sub3A_18, %div3A : i32
    %add3A_19 = arith.constant 1 : i32
    %add3A_20 = arith.addi %add3A, %add3A_19 : i32
    %mul3A_21 = arith.constant 2500 : i32
    %mul3A_22 = arith.muli %mul3A_21, %add3A_20 : i32
    %jit3A_23 = arith.constant 32 : i32
    %div3A_24 = arith.divsi %mul3A_22, %jit3A_23 : i32
    %sign3A_25 = arith.constant 0 : i32
    %sign3A_26 = arith.cmpi sgt, %mul3A_22, %sign3A_25 : i32
    %sign3A_27 = arith.extui %sign3A_26 : i1 to i32
    %sign3A_28 = arith.constant 0 : i32
    %sign3A_29 = arith.cmpi slt, %mul3A_22, %sign3A_28 : i32
    %sign3A_30 = arith.extui %sign3A_29 : i1 to i32
    %sign3A_31 = arith.subi %sign3A_27, %sign3A_30 : i32
    %sign3A_32 = arith.constant 0 : i32
    %sign3A_33 = arith.cmpi sgt, %jit3A_23, %sign3A_32 : i32
    %sign3A_34 = arith.extui %sign3A_33 : i1 to i32
    %sign3A_35 = arith.constant 0 : i32
    %sign3A_36 = arith.cmpi slt, %jit3A_23, %sign3A_35 : i32
    %sign3A_37 = arith.extui %sign3A_36 : i1 to i32
    %sign3A_38 = arith.subi %sign3A_34, %sign3A_37 : i32
    %ne3A_39 = arith.cmpi ne, %sign3A_31, %sign3A_38 : i32
    %rem3A_40 = arith.remsi %mul3A_22, %jit3A_23 : i32
    %ne3A_41 = arith.constant 0 : i32
    %ne3A_42 = arith.cmpi ne, %rem3A_40, %ne3A_41 : i32
    %and3A_43 = arith.andi %ne3A_39, %ne3A_42 : i1
    %sub3A_44 = arith.constant 1 : i32
    %sub3A_45 = arith.subi %div3A_24, %sub3A_44 : i32
    %select_n3A_46 = arith.select %and3A_43, %sub3A_45, %div3A_24 : i32
    %sub3A_47 = arith.subi %select_n3A_46, %select_n3A : i32
    "tpu.region"() ({
      %run_scoped3A = tpu.sem_alloc : memref<!tpu.dma_semaphore, #tpu.memory_space<semaphore_mem>>
      %dma_start3A_346 = arith.constant 0 : i32
      %dma_start3A_347 = tpu.memref_slice %arg3[%select_n3A, %dma_start3A_346] : memref<2500x128xi32, #tpu.memory_space<hbm>> -> memref<79x128xi32, #tpu.memory_space<hbm>>
      %dma_start3A_348 = arith.constant 0 : i32
      %dma_start3A_349 = tpu.memref_slice %arg3[%select_n3A, %dma_start3A_348] : memref<2500x128xi32, #tpu.memory_space<hbm>> -> memref<79x128xi32, #tpu.memory_space<hbm>>
      tpu.enqueue_dma source(%dma_start3A_349 : memref<79x128xi32, #tpu.memory_space<hbm>>) target(%arg7 : memref<79x128xi32, #tpu.memory_space<vmem>>) target_semaphore(%run_scoped3A : memref<!tpu.dma_semaphore, #tpu.memory_space<semaphore_mem>>)
      %dma_wait3A_350 = arith.constant 0 : i32
      %dma_wait3A_351 = tpu.memref_slice %arg3[%select_n3A, %dma_wait3A_350] : memref<2500x128xi32, #tpu.memory_space<hbm>> -> memref<79x128xi32, #tpu.memory_space<hbm>>
      %dma_wait3A_352 = arith.constant 0 : i32
      %dma_wait3A_353 = tpu.memref_slice %arg3[%select_n3A, %dma_wait3A_352] : memref<2500x128xi32, #tpu.memory_space<hbm>> -> memref<79x128xi32, #tpu.memory_space<hbm>>
      tpu.wait_dma2 semaphore(%run_scoped3A : memref<!tpu.dma_semaphore, #tpu.memory_space<semaphore_mem>>) src(%dma_wait3A_353 : memref<79x128xi32, #tpu.memory_space<hbm>>) dst(%arg7 : memref<79x128xi32, #tpu.memory_space<vmem>>)
      tpu.yield
    }) : () -> ()
    "tpu.region"() ({
      %run_scoped3A = tpu.sem_alloc : memref<!tpu.dma_semaphore, #tpu.memory_space<semaphore_mem>>
      %dma_start3A_346 = arith.constant 0 : i32
      %dma_start3A_347 = tpu.memref_slice %arg4[%select_n3A, %dma_start3A_346] : memref<2500x128xi32, #tpu.memory_space<hbm>> -> memref<79x128xi32, #tpu.memory_space<hbm>>
      %dma_start3A_348 = arith.constant 0 : i32
      %dma_start3A_349 = tpu.memref_slice %arg4[%select_n3A, %dma_start3A_348] : memref<2500x128xi32, #tpu.memory_space<hbm>> -> memref<79x128xi32, #tpu.memory_space<hbm>>
      tpu.enqueue_dma source(%dma_start3A_349 : memref<79x128xi32, #tpu.memory_space<hbm>>) target(%arg8 : memref<79x128xi32, #tpu.memory_space<vmem>>) target_semaphore(%run_scoped3A : memref<!tpu.dma_semaphore, #tpu.memory_space<semaphore_mem>>)
      %dma_wait3A_350 = arith.constant 0 : i32
      %dma_wait3A_351 = tpu.memref_slice %arg4[%select_n3A, %dma_wait3A_350] : memref<2500x128xi32, #tpu.memory_space<hbm>> -> memref<79x128xi32, #tpu.memory_space<hbm>>
      %dma_wait3A_352 = arith.constant 0 : i32
      %dma_wait3A_353 = tpu.memref_slice %arg4[%select_n3A, %dma_wait3A_352] : memref<2500x128xi32, #tpu.memory_space<hbm>> -> memref<79x128xi32, #tpu.memory_space<hbm>>
      tpu.wait_dma2 semaphore(%run_scoped3A : memref<!tpu.dma_semaphore, #tpu.memory_space<semaphore_mem>>) src(%dma_wait3A_353 : memref<79x128xi32, #tpu.memory_space<hbm>>) dst(%arg8 : memref<79x128xi32, #tpu.memory_space<vmem>>)
      tpu.yield
    }) : () -> ()
    %dma_start3A = arith.constant 0 : i32
    %dma_start3A_48 = arith.constant 0 : i32
    %dma_start3A_49 = arith.constant 0 : i32
    %dma_start3A_50 = arith.constant 0 : i32
    %dma_start3A_51 = tpu.memref_slice %arg9[%dma_start3A_48, %dma_start3A_49, %dma_start3A_50] : memref<14x128x16xf32, #tpu.memory_space<vmem>> -> memref<1x128x16xf32, #tpu.memory_space<vmem>>
    %dma_start3A_52 = tpu.memref_squeeze %dma_start3A_51 : memref<1x128x16xf32, #tpu.memory_space<vmem>> -> memref<128x16xf32, #tpu.memory_space<vmem>>
    %dma_start3A_53 = arith.constant 0 : i32
    %dma_start3A_54 = tpu.memref_slice %arg7[%dma_start3A, %dma_start3A_53] : memref<79x128xi32, #tpu.memory_space<vmem>> -> memref<1x128xi32, #tpu.memory_space<vmem>>
    %dma_start3A_55 = tpu.memref_squeeze %dma_start3A_54 : memref<1x128xi32, #tpu.memory_space<vmem>> -> memref<128xi32, #tpu.memory_space<vmem>>
    %dma_start3A_56 = arith.constant 0 : i32
    %dma_start3A_57 = arith.constant 0 : i32
    %dma_start3A_58 = tpu.memref_slice %arg2[%dma_start3A_56, %dma_start3A_57] : memref<10000x16xf32, #tpu.memory_space<hbm>> -> memref<10000x16xf32, #tpu.memory_space<hbm>>
    tpu.enqueue_indirect_dma source(%dma_start3A_58 : memref<10000x16xf32, #tpu.memory_space<hbm>>) target(%dma_start3A_52 : memref<128x16xf32, #tpu.memory_space<vmem>>) offsets(%dma_start3A_55 : memref<128xi32, #tpu.memory_space<vmem>>) semaphore(%arg11 : memref<!tpu.dma_semaphore, #tpu.memory_space<semaphore_mem>>)
    %dma_start3A_59 = arith.constant 1 : i32
    %dma_start3A_60 = arith.constant 1 : i32
    %dma_start3A_61 = arith.constant 0 : i32
    %dma_start3A_62 = arith.constant 0 : i32
    %dma_start3A_63 = tpu.memref_slice %arg9[%dma_start3A_60, %dma_start3A_61, %dma_start3A_62] : memref<14x128x16xf32, #tpu.memory_space<vmem>> -> memref<1x128x16xf32, #tpu.memory_space<vmem>>
    %dma_start3A_64 = tpu.memref_squeeze %dma_start3A_63 : memref<1x128x16xf32, #tpu.memory_space<vmem>> -> memref<128x16xf32, #tpu.memory_space<vmem>>
    %dma_start3A_65 = arith.constant 0 : i32
    %dma_start3A_66 = tpu.memref_slice %arg7[%dma_start3A_59, %dma_start3A_65] : memref<79x128xi32, #tpu.memory_space<vmem>> -> memref<1x128xi32, #tpu.memory_space<vmem>>
    %dma_start3A_67 = tpu.memref_squeeze %dma_start3A_66 : memref<1x128xi32, #tpu.memory_space<vmem>> -> memref<128xi32, #tpu.memory_space<vmem>>
    %dma_start3A_68 = arith.constant 0 : i32
    %dma_start3A_69 = arith.constant 0 : i32
    %dma_start3A_70 = tpu.memref_slice %arg2[%dma_start3A_68, %dma_start3A_69] : memref<10000x16xf32, #tpu.memory_space<hbm>> -> memref<10000x16xf32, #tpu.memory_space<hbm>>
    tpu.enqueue_indirect_dma source(%dma_start3A_70 : memref<10000x16xf32, #tpu.memory_space<hbm>>) target(%dma_start3A_64 : memref<128x16xf32, #tpu.memory_space<vmem>>) offsets(%dma_start3A_67 : memref<128xi32, #tpu.memory_space<vmem>>) semaphore(%arg12 : memref<!tpu.dma_semaphore, #tpu.memory_space<semaphore_mem>>)
    %dma_start3A_71 = arith.constant 2 : i32
    %dma_start3A_72 = arith.constant 2 : i32
    %dma_start3A_73 = arith.constant 0 : i32
    %dma_start3A_74 = arith.constant 0 : i32
    %dma_start3A_75 = tpu.memref_slice %arg9[%dma_start3A_72, %dma_start3A_73, %dma_start3A_74] : memref<14x128x16xf32, #tpu.memory_space<vmem>> -> memref<1x128x16xf32, #tpu.memory_space<vmem>>
    %dma_start3A_76 = tpu.memref_squeeze %dma_start3A_75 : memref<1x128x16xf32, #tpu.memory_space<vmem>> -> memref<128x16xf32, #tpu.memory_space<vmem>>
    %dma_start3A_77 = arith.constant 0 : i32
    %dma_start3A_78 = tpu.memref_slice %arg7[%dma_start3A_71, %dma_start3A_77] : memref<79x128xi32, #tpu.memory_space<vmem>> -> memref<1x128xi32, #tpu.memory_space<vmem>>
    %dma_start3A_79 = tpu.memref_squeeze %dma_start3A_78 : memref<1x128xi32, #tpu.memory_space<vmem>> -> memref<128xi32, #tpu.memory_space<vmem>>
    %dma_start3A_80 = arith.constant 0 : i32
    %dma_start3A_81 = arith.constant 0 : i32
    %dma_start3A_82 = tpu.memref_slice %arg2[%dma_start3A_80, %dma_start3A_81] : memref<10000x16xf32, #tpu.memory_space<hbm>> -> memref<10000x16xf32, #tpu.memory_space<hbm>>
    tpu.enqueue_indirect_dma source(%dma_start3A_82 : memref<10000x16xf32, #tpu.memory_space<hbm>>) target(%dma_start3A_76 : memref<128x16xf32, #tpu.memory_space<vmem>>) offsets(%dma_start3A_79 : memref<128xi32, #tpu.memory_space<vmem>>) semaphore(%arg13 : memref<!tpu.dma_semaphore, #tpu.memory_space<semaphore_mem>>)
    %dma_start3A_83 = arith.constant 3 : i32
    %dma_start3A_84 = arith.constant 3 : i32
    %dma_start3A_85 = arith.constant 0 : i32
    %dma_start3A_86 = arith.constant 0 : i32
    %dma_start3A_87 = tpu.memref_slice %arg9[%dma_start3A_84, %dma_start3A_85, %dma_start3A_86] : memref<14x128x16xf32, #tpu.memory_space<vmem>> -> memref<1x128x16xf32, #tpu.memory_space<vmem>>
    %dma_start3A_88 = tpu.memref_squeeze %dma_start3A_87 : memref<1x128x16xf32, #tpu.memory_space<vmem>> -> memref<128x16xf32, #tpu.memory_space<vmem>>
    %dma_start3A_89 = arith.constant 0 : i32
    %dma_start3A_90 = tpu.memref_slice %arg7[%dma_start3A_83, %dma_start3A_89] : memref<79x128xi32, #tpu.memory_space<vmem>> -> memref<1x128xi32, #tpu.memory_space<vmem>>
    %dma_start3A_91 = tpu.memref_squeeze %dma_start3A_90 : memref<1x128xi32, #tpu.memory_space<vmem>> -> memref<128xi32, #tpu.memory_space<vmem>>
    %dma_start3A_92 = arith.constant 0 : i32
    %dma_start3A_93 = arith.constant 0 : i32
    %dma_start3A_94 = tpu.memref_slice %arg2[%dma_start3A_92, %dma_start3A_93] : memref<10000x16xf32, #tpu.memory_space<hbm>> -> memref<10000x16xf32, #tpu.memory_space<hbm>>
    tpu.enqueue_indirect_dma source(%dma_start3A_94 : memref<10000x16xf32, #tpu.memory_space<hbm>>) target(%dma_start3A_88 : memref<128x16xf32, #tpu.memory_space<vmem>>) offsets(%dma_start3A_91 : memref<128xi32, #tpu.memory_space<vmem>>) semaphore(%arg14 : memref<!tpu.dma_semaphore, #tpu.memory_space<semaphore_mem>>)
    %dma_start3A_95 = arith.constant 4 : i32
    %dma_start3A_96 = arith.constant 4 : i32
    %dma_start3A_97 = arith.constant 0 : i32
    %dma_start3A_98 = arith.constant 0 : i32
    %dma_start3A_99 = tpu.memref_slice %arg9[%dma_start3A_96, %dma_start3A_97, %dma_start3A_98] : memref<14x128x16xf32, #tpu.memory_space<vmem>> -> memref<1x128x16xf32, #tpu.memory_space<vmem>>
    %dma_start3A_100 = tpu.memref_squeeze %dma_start3A_99 : memref<1x128x16xf32, #tpu.memory_space<vmem>> -> memref<128x16xf32, #tpu.memory_space<vmem>>
    %dma_start3A_101 = arith.constant 0 : i32
    %dma_start3A_102 = tpu.memref_slice %arg7[%dma_start3A_95, %dma_start3A_101] : memref<79x128xi32, #tpu.memory_space<vmem>> -> memref<1x128xi32, #tpu.memory_space<vmem>>
    %dma_start3A_103 = tpu.memref_squeeze %dma_start3A_102 : memref<1x128xi32, #tpu.memory_space<vmem>> -> memref<128xi32, #tpu.memory_space<vmem>>
    %dma_start3A_104 = arith.constant 0 : i32
    %dma_start3A_105 = arith.constant 0 : i32
    %dma_start3A_106 = tpu.memref_slice %arg2[%dma_start3A_104, %dma_start3A_105] : memref<10000x16xf32, #tpu.memory_space<hbm>> -> memref<10000x16xf32, #tpu.memory_space<hbm>>
    tpu.enqueue_indirect_dma source(%dma_start3A_106 : memref<10000x16xf32, #tpu.memory_space<hbm>>) target(%dma_start3A_100 : memref<128x16xf32, #tpu.memory_space<vmem>>) offsets(%dma_start3A_103 : memref<128xi32, #tpu.memory_space<vmem>>) semaphore(%arg15 : memref<!tpu.dma_semaphore, #tpu.memory_space<semaphore_mem>>)
    %dma_start3A_107 = arith.constant 5 : i32
    %dma_start3A_108 = arith.constant 5 : i32
    %dma_start3A_109 = arith.constant 0 : i32
    %dma_start3A_110 = arith.constant 0 : i32
    %dma_start3A_111 = tpu.memref_slice %arg9[%dma_start3A_108, %dma_start3A_109, %dma_start3A_110] : memref<14x128x16xf32, #tpu.memory_space<vmem>> -> memref<1x128x16xf32, #tpu.memory_space<vmem>>
    %dma_start3A_112 = tpu.memref_squeeze %dma_start3A_111 : memref<1x128x16xf32, #tpu.memory_space<vmem>> -> memref<128x16xf32, #tpu.memory_space<vmem>>
    %dma_start3A_113 = arith.constant 0 : i32
    %dma_start3A_114 = tpu.memref_slice %arg7[%dma_start3A_107, %dma_start3A_113] : memref<79x128xi32, #tpu.memory_space<vmem>> -> memref<1x128xi32, #tpu.memory_space<vmem>>
    %dma_start3A_115 = tpu.memref_squeeze %dma_start3A_114 : memref<1x128xi32, #tpu.memory_space<vmem>> -> memref<128xi32, #tpu.memory_space<vmem>>
    %dma_start3A_116 = arith.constant 0 : i32
    %dma_start3A_117 = arith.constant 0 : i32
    %dma_start3A_118 = tpu.memref_slice %arg2[%dma_start3A_116, %dma_start3A_117] : memref<10000x16xf32, #tpu.memory_space<hbm>> -> memref<10000x16xf32, #tpu.memory_space<hbm>>
    tpu.enqueue_indirect_dma source(%dma_start3A_118 : memref<10000x16xf32, #tpu.memory_space<hbm>>) target(%dma_start3A_112 : memref<128x16xf32, #tpu.memory_space<vmem>>) offsets(%dma_start3A_115 : memref<128xi32, #tpu.memory_space<vmem>>) semaphore(%arg16 : memref<!tpu.dma_semaphore, #tpu.memory_space<semaphore_mem>>)
    %dma_start3A_119 = arith.constant 6 : i32
    %dma_start3A_120 = arith.constant 6 : i32
    %dma_start3A_121 = arith.constant 0 : i32
    %dma_start3A_122 = arith.constant 0 : i32
    %dma_start3A_123 = tpu.memref_slice %arg9[%dma_start3A_120, %dma_start3A_121, %dma_start3A_122] : memref<14x128x16xf32, #tpu.memory_space<vmem>> -> memref<1x128x16xf32, #tpu.memory_space<vmem>>
    %dma_start3A_124 = tpu.memref_squeeze %dma_start3A_123 : memref<1x128x16xf32, #tpu.memory_space<vmem>> -> memref<128x16xf32, #tpu.memory_space<vmem>>
    %dma_start3A_125 = arith.constant 0 : i32
    %dma_start3A_126 = tpu.memref_slice %arg7[%dma_start3A_119, %dma_start3A_125] : memref<79x128xi32, #tpu.memory_space<vmem>> -> memref<1x128xi32, #tpu.memory_space<vmem>>
    %dma_start3A_127 = tpu.memref_squeeze %dma_start3A_126 : memref<1x128xi32, #tpu.memory_space<vmem>> -> memref<128xi32, #tpu.memory_space<vmem>>
    %dma_start3A_128 = arith.constant 0 : i32
    %dma_start3A_129 = arith.constant 0 : i32
    %dma_start3A_130 = tpu.memref_slice %arg2[%dma_start3A_128, %dma_start3A_129] : memref<10000x16xf32, #tpu.memory_space<hbm>> -> memref<10000x16xf32, #tpu.memory_space<hbm>>
    tpu.enqueue_indirect_dma source(%dma_start3A_130 : memref<10000x16xf32, #tpu.memory_space<hbm>>) target(%dma_start3A_124 : memref<128x16xf32, #tpu.memory_space<vmem>>) offsets(%dma_start3A_127 : memref<128xi32, #tpu.memory_space<vmem>>) semaphore(%arg17 : memref<!tpu.dma_semaphore, #tpu.memory_space<semaphore_mem>>)
    %dma_start3A_131 = arith.constant 7 : i32
    %dma_start3A_132 = arith.constant 7 : i32
    %dma_start3A_133 = arith.constant 0 : i32
    %dma_start3A_134 = arith.constant 0 : i32
    %dma_start3A_135 = tpu.memref_slice %arg9[%dma_start3A_132, %dma_start3A_133, %dma_start3A_134] : memref<14x128x16xf32, #tpu.memory_space<vmem>> -> memref<1x128x16xf32, #tpu.memory_space<vmem>>
    %dma_start3A_136 = tpu.memref_squeeze %dma_start3A_135 : memref<1x128x16xf32, #tpu.memory_space<vmem>> -> memref<128x16xf32, #tpu.memory_space<vmem>>
    %dma_start3A_137 = arith.constant 0 : i32
    %dma_start3A_138 = tpu.memref_slice %arg7[%dma_start3A_131, %dma_start3A_137] : memref<79x128xi32, #tpu.memory_space<vmem>> -> memref<1x128xi32, #tpu.memory_space<vmem>>
    %dma_start3A_139 = tpu.memref_squeeze %dma_start3A_138 : memref<1x128xi32, #tpu.memory_space<vmem>> -> memref<128xi32, #tpu.memory_space<vmem>>
    %dma_start3A_140 = arith.constant 0 : i32
    %dma_start3A_141 = arith.constant 0 : i32
    %dma_start3A_142 = tpu.memref_slice %arg2[%dma_start3A_140, %dma_start3A_141] : memref<10000x16xf32, #tpu.memory_space<hbm>> -> memref<10000x16xf32, #tpu.memory_space<hbm>>
    tpu.enqueue_indirect_dma source(%dma_start3A_142 : memref<10000x16xf32, #tpu.memory_space<hbm>>) target(%dma_start3A_136 : memref<128x16xf32, #tpu.memory_space<vmem>>) offsets(%dma_start3A_139 : memref<128xi32, #tpu.memory_space<vmem>>) semaphore(%arg18 : memref<!tpu.dma_semaphore, #tpu.memory_space<semaphore_mem>>)
    %dma_start3A_143 = arith.constant 8 : i32
    %dma_start3A_144 = arith.constant 8 : i32
    %dma_start3A_145 = arith.constant 0 : i32
    %dma_start3A_146 = arith.constant 0 : i32
    %dma_start3A_147 = tpu.memref_slice %arg9[%dma_start3A_144, %dma_start3A_145, %dma_start3A_146] : memref<14x128x16xf32, #tpu.memory_space<vmem>> -> memref<1x128x16xf32, #tpu.memory_space<vmem>>
    %dma_start3A_148 = tpu.memref_squeeze %dma_start3A_147 : memref<1x128x16xf32, #tpu.memory_space<vmem>> -> memref<128x16xf32, #tpu.memory_space<vmem>>
    %dma_start3A_149 = arith.constant 0 : i32
    %dma_start3A_150 = tpu.memref_slice %arg7[%dma_start3A_143, %dma_start3A_149] : memref<79x128xi32, #tpu.memory_space<vmem>> -> memref<1x128xi32, #tpu.memory_space<vmem>>
    %dma_start3A_151 = tpu.memref_squeeze %dma_start3A_150 : memref<1x128xi32, #tpu.memory_space<vmem>> -> memref<128xi32, #tpu.memory_space<vmem>>
    %dma_start3A_152 = arith.constant 0 : i32
    %dma_start3A_153 = arith.constant 0 : i32
    %dma_start3A_154 = tpu.memref_slice %arg2[%dma_start3A_152, %dma_start3A_153] : memref<10000x16xf32, #tpu.memory_space<hbm>> -> memref<10000x16xf32, #tpu.memory_space<hbm>>
    tpu.enqueue_indirect_dma source(%dma_start3A_154 : memref<10000x16xf32, #tpu.memory_space<hbm>>) target(%dma_start3A_148 : memref<128x16xf32, #tpu.memory_space<vmem>>) offsets(%dma_start3A_151 : memref<128xi32, #tpu.memory_space<vmem>>) semaphore(%arg19 : memref<!tpu.dma_semaphore, #tpu.memory_space<semaphore_mem>>)
    %dma_start3A_155 = arith.constant 9 : i32
    %dma_start3A_156 = arith.constant 9 : i32
    %dma_start3A_157 = arith.constant 0 : i32
    %dma_start3A_158 = arith.constant 0 : i32
    %dma_start3A_159 = tpu.memref_slice %arg9[%dma_start3A_156, %dma_start3A_157, %dma_start3A_158] : memref<14x128x16xf32, #tpu.memory_space<vmem>> -> memref<1x128x16xf32, #tpu.memory_space<vmem>>
    %dma_start3A_160 = tpu.memref_squeeze %dma_start3A_159 : memref<1x128x16xf32, #tpu.memory_space<vmem>> -> memref<128x16xf32, #tpu.memory_space<vmem>>
    %dma_start3A_161 = arith.constant 0 : i32
    %dma_start3A_162 = tpu.memref_slice %arg7[%dma_start3A_155, %dma_start3A_161] : memref<79x128xi32, #tpu.memory_space<vmem>> -> memref<1x128xi32, #tpu.memory_space<vmem>>
    %dma_start3A_163 = tpu.memref_squeeze %dma_start3A_162 : memref<1x128xi32, #tpu.memory_space<vmem>> -> memref<128xi32, #tpu.memory_space<vmem>>
    %dma_start3A_164 = arith.constant 0 : i32
    %dma_start3A_165 = arith.constant 0 : i32
    %dma_start3A_166 = tpu.memref_slice %arg2[%dma_start3A_164, %dma_start3A_165] : memref<10000x16xf32, #tpu.memory_space<hbm>> -> memref<10000x16xf32, #tpu.memory_space<hbm>>
    tpu.enqueue_indirect_dma source(%dma_start3A_166 : memref<10000x16xf32, #tpu.memory_space<hbm>>) target(%dma_start3A_160 : memref<128x16xf32, #tpu.memory_space<vmem>>) offsets(%dma_start3A_163 : memref<128xi32, #tpu.memory_space<vmem>>) semaphore(%arg20 : memref<!tpu.dma_semaphore, #tpu.memory_space<semaphore_mem>>)
    %mul3A_167 = arith.constant 625 : i32
    %mul3A_168 = arith.muli %arg1, %mul3A_167 : i32
    "tpu.region"() ({
      %run_scoped3A = tpu.sem_alloc : memref<!tpu.dma_semaphore, #tpu.memory_space<semaphore_mem>>
      %dma_start3A_346 = arith.constant 0 : i32
      %dma_start3A_347 = tpu.memref_slice %arg10[%mul3A_168, %dma_start3A_346] : memref<10000x16xf32, #tpu.memory_space<vmem_shared>> -> memref<625x16xf32, #tpu.memory_space<vmem_shared>>
      tpu.enqueue_dma source(%arg5 : memref<625x16xf32, #tpu.memory_space<hbm>>) target(%dma_start3A_347 : memref<625x16xf32, #tpu.memory_space<vmem_shared>>) target_semaphore(%run_scoped3A : memref<!tpu.dma_semaphore, #tpu.memory_space<semaphore_mem>>)
      %dma_wait3A_348 = arith.constant 0 : i32
      %dma_wait3A_349 = tpu.memref_slice %arg10[%mul3A_168, %dma_wait3A_348] : memref<10000x16xf32, #tpu.memory_space<vmem_shared>> -> memref<625x16xf32, #tpu.memory_space<vmem_shared>>
      tpu.wait_dma2 semaphore(%run_scoped3A : memref<!tpu.dma_semaphore, #tpu.memory_space<semaphore_mem>>) src(%arg5 : memref<625x16xf32, #tpu.memory_space<hbm>>) dst(%dma_wait3A_349 : memref<625x16xf32, #tpu.memory_space<vmem_shared>>)
      tpu.yield
    }) : () -> ()
    %barrier3A = arith.constant 0 : index
    tpu.barrier barrier_id(%barrier3A)
    %scan3A = arith.constant 0 : i32
    %scan3A_169 = arith.constant 0 : i32
    %scan3A_170 = arith.constant 6 : i32
    %scan3A_171 = arith.addi %scan3A_169, %scan3A_170 : i32
    %scan3A_172 = arith.constant 1 : i32
    scf.for %scan3A_346 = %scan3A_169 to %scan3A_171 step %scan3A_172  : i32 {
      %mul3A_347 = arith.constant 14 : i32
      %mul3A_348 = arith.muli %scan3A_346, %mul3A_347 : i32
      %add3A_349 = arith.constant 0 : i32
      %add3A_350 = arith.addi %mul3A_348, %add3A_349 : i32
      %add3A_351 = arith.constant 10 : i32
      %add3A_352 = arith.addi %add3A_350, %add3A_351 : i32
      %ge3A = arith.constant 14 : i32
      %ge3A_353 = arith.cmpi sge, %add3A_352, %ge3A : i32
      %lt3A = arith.cmpi slt, %add3A_352, %sub3A_47 : i32
      %and3A_354 = arith.andi %ge3A_353, %lt3A : i1
      %convert_element_type3A = arith.extui %and3A_354 : i1 to i32
      %cond3A = arith.constant 0 : i32
      %cond3A_355 = arith.cmpi ne, %convert_element_type3A, %cond3A : i32
      scf.if %cond3A_355 {
        %dma_wait3A_637 = arith.constant 10 : i32
        %dma_wait3A_638 = arith.constant 0 : i32
        %dma_wait3A_639 = arith.constant 0 : i32
        %dma_wait3A_640 = arith.constant 0 : i32
        %dma_wait3A_641 = tpu.memref_slice %arg9[%dma_wait3A_637, %dma_wait3A_639, %dma_wait3A_640] : memref<14x128x16xf32, #tpu.memory_space<vmem>> -> memref<1x128x16xf32, #tpu.memory_space<vmem>>
        %dma_wait3A_642 = tpu.memref_squeeze %dma_wait3A_641 : memref<1x128x16xf32, #tpu.memory_space<vmem>> -> memref<128x16xf32, #tpu.memory_space<vmem>>
        %dma_wait3A_643 = arith.constant 0 : i32
        %dma_wait3A_644 = tpu.memref_slice %arg8[%dma_wait3A_638, %dma_wait3A_643] : memref<79x128xi32, #tpu.memory_space<vmem>> -> memref<1x128xi32, #tpu.memory_space<vmem>>
        %dma_wait3A_645 = tpu.memref_squeeze %dma_wait3A_644 : memref<1x128xi32, #tpu.memory_space<vmem>> -> memref<128xi32, #tpu.memory_space<vmem>>
        %dma_wait3A_646 = arith.constant 0 : i32
        %dma_wait3A_647 = arith.constant 0 : i32
        %dma_wait3A_648 = tpu.memref_slice %arg10[%dma_wait3A_646, %dma_wait3A_647] : memref<10000x16xf32, #tpu.memory_space<vmem_shared>> -> memref<10000x16xf32, #tpu.memory_space<vmem_shared>>
        tpu.wait_indirect_dma semaphore(%arg35 : memref<!tpu.dma_semaphore, #tpu.memory_space<semaphore_mem>>) src(%dma_wait3A_642 : memref<128x16xf32, #tpu.memory_space<vmem>>) dst(%dma_wait3A_648 : memref<10000x16xf32, #tpu.memory_space<vmem_shared>>)
      } else {
      }
      %lt3A_356 = arith.cmpi slt, %add3A_352, %sub3A_47 : i32
      %convert_element_type3A_357 = arith.extui %lt3A_356 : i1 to i32
      %cond3A_358 = arith.constant 0 : i32
      %cond3A_359 = arith.cmpi ne, %convert_element_type3A_357, %cond3A_358 : i32
      scf.if %cond3A_359 {
        %dma_start3A_637 = arith.constant 10 : i32
        %dma_start3A_638 = arith.constant 0 : i32
        %dma_start3A_639 = arith.constant 0 : i32
        %dma_start3A_640 = tpu.memref_slice %arg9[%dma_start3A_637, %dma_start3A_638, %dma_start3A_639] : memref<14x128x16xf32, #tpu.memory_space<vmem>> -> memref<1x128x16xf32, #tpu.memory_space<vmem>>
        %dma_start3A_641 = tpu.memref_squeeze %dma_start3A_640 : memref<1x128x16xf32, #tpu.memory_space<vmem>> -> memref<128x16xf32, #tpu.memory_space<vmem>>
        %dma_start3A_642 = arith.constant 0 : i32
        %dma_start3A_643 = tpu.memref_slice %arg7[%add3A_352, %dma_start3A_642] : memref<79x128xi32, #tpu.memory_space<vmem>> -> memref<1x128xi32, #tpu.memory_space<vmem>>
        %dma_start3A_644 = tpu.memref_squeeze %dma_start3A_643 : memref<1x128xi32, #tpu.memory_space<vmem>> -> memref<128xi32, #tpu.memory_space<vmem>>
        %dma_start3A_645 = arith.constant 0 : i32
        %dma_start3A_646 = arith.constant 0 : i32
        %dma_start3A_647 = tpu.memref_slice %arg2[%dma_start3A_645, %dma_start3A_646] : memref<10000x16xf32, #tpu.memory_space<hbm>> -> memref<10000x16xf32, #tpu.memory_space<hbm>>
        tpu.enqueue_indirect_dma source(%dma_start3A_647 : memref<10000x16xf32, #tpu.memory_space<hbm>>) target(%dma_start3A_641 : memref<128x16xf32, #tpu.memory_space<vmem>>) offsets(%dma_start3A_644 : memref<128xi32, #tpu.memory_space<vmem>>) semaphore(%arg21 : memref<!tpu.dma_semaphore, #tpu.memory_space<semaphore_mem>>)
      } else {
      }
      %lt3A_360 = arith.cmpi slt, %add3A_350, %sub3A_47 : i32
      %convert_element_type3A_361 = arith.extui %lt3A_360 : i1 to i32
      %cond3A_362 = arith.constant 0 : i32
      %cond3A_363 = arith.cmpi ne, %convert_element_type3A_361, %cond3A_362 : i32
      scf.if %cond3A_363 {
        %dma_wait3A_637 = arith.constant 0 : i32
        %dma_wait3A_638 = arith.constant 0 : i32
        %dma_wait3A_639 = arith.constant 0 : i32
        %dma_wait3A_640 = tpu.memref_slice %arg9[%dma_wait3A_637, %dma_wait3A_638, %dma_wait3A_639] : memref<14x128x16xf32, #tpu.memory_space<vmem>> -> memref<1x128x16xf32, #tpu.memory_space<vmem>>
        %dma_wait3A_641 = tpu.memref_squeeze %dma_wait3A_640 : memref<1x128x16xf32, #tpu.memory_space<vmem>> -> memref<128x16xf32, #tpu.memory_space<vmem>>
        %dma_wait3A_642 = arith.constant 0 : i32
        %dma_wait3A_643 = tpu.memref_slice %arg7[%add3A_350, %dma_wait3A_642] : memref<79x128xi32, #tpu.memory_space<vmem>> -> memref<1x128xi32, #tpu.memory_space<vmem>>
        %dma_wait3A_644 = tpu.memref_squeeze %dma_wait3A_643 : memref<1x128xi32, #tpu.memory_space<vmem>> -> memref<128xi32, #tpu.memory_space<vmem>>
        %dma_wait3A_645 = arith.constant 0 : i32
        %dma_wait3A_646 = arith.constant 0 : i32
        %dma_wait3A_647 = tpu.memref_slice %arg2[%dma_wait3A_645, %dma_wait3A_646] : memref<10000x16xf32, #tpu.memory_space<hbm>> -> memref<10000x16xf32, #tpu.memory_space<hbm>>
        tpu.wait_indirect_dma semaphore(%arg11 : memref<!tpu.dma_semaphore, #tpu.memory_space<semaphore_mem>>) src(%dma_wait3A_647 : memref<10000x16xf32, #tpu.memory_space<hbm>>) dst(%dma_wait3A_641 : memref<128x16xf32, #tpu.memory_space<vmem>>)
        %dma_start3A_648 = arith.constant 0 : i32
        %dma_start3A_649 = arith.constant 0 : i32
        %dma_start3A_650 = arith.constant 0 : i32
        %dma_start3A_651 = tpu.memref_slice %arg9[%dma_start3A_648, %dma_start3A_649, %dma_start3A_650] : memref<14x128x16xf32, #tpu.memory_space<vmem>> -> memref<1x128x16xf32, #tpu.memory_space<vmem>>
        %dma_start3A_652 = tpu.memref_squeeze %dma_start3A_651 : memref<1x128x16xf32, #tpu.memory_space<vmem>> -> memref<128x16xf32, #tpu.memory_space<vmem>>
        %dma_start3A_653 = arith.constant 0 : i32
        %dma_start3A_654 = tpu.memref_slice %arg8[%add3A_350, %dma_start3A_653] : memref<79x128xi32, #tpu.memory_space<vmem>> -> memref<1x128xi32, #tpu.memory_space<vmem>>
        %dma_start3A_655 = tpu.memref_squeeze %dma_start3A_654 : memref<1x128xi32, #tpu.memory_space<vmem>> -> memref<128xi32, #tpu.memory_space<vmem>>
        %dma_start3A_656 = arith.constant 0 : i32
        %dma_start3A_657 = arith.constant 0 : i32
        %dma_start3A_658 = tpu.memref_slice %arg10[%dma_start3A_656, %dma_start3A_657] : memref<10000x16xf32, #tpu.memory_space<vmem_shared>> -> memref<10000x16xf32, #tpu.memory_space<vmem_shared>>
        tpu.enqueue_indirect_dma source(%dma_start3A_652 : memref<128x16xf32, #tpu.memory_space<vmem>>) target(%dma_start3A_658 : memref<10000x16xf32, #tpu.memory_space<vmem_shared>>) offsets(%dma_start3A_655 : memref<128xi32, #tpu.memory_space<vmem>>) semaphore(%arg25 : memref<!tpu.dma_semaphore, #tpu.memory_space<semaphore_mem>>) {add = true}
      } else {
      }
      %mul3A_364 = arith.constant 14 : i32
      %mul3A_365 = arith.muli %scan3A_346, %mul3A_364 : i32
      %add3A_366 = arith.constant 1 : i32
      %add3A_367 = arith.addi %mul3A_365, %add3A_366 : i32
      %add3A_368 = arith.constant 10 : i32
      %add3A_369 = arith.addi %add3A_367, %add3A_368 : i32
      %ge3A_370 = arith.constant 14 : i32
      %ge3A_371 = arith.cmpi sge, %add3A_369, %ge3A_370 : i32
      %lt3A_372 = arith.cmpi slt, %add3A_369, %sub3A_47 : i32
      %and3A_373 = arith.andi %ge3A_371, %lt3A_372 : i1
      %convert_element_type3A_374 = arith.extui %and3A_373 : i1 to i32
      %cond3A_375 = arith.constant 0 : i32
      %cond3A_376 = arith.cmpi ne, %convert_element_type3A_374, %cond3A_375 : i32
      scf.if %cond3A_376 {
        %dma_wait3A_637 = arith.constant 11 : i32
        %dma_wait3A_638 = arith.constant 0 : i32
        %dma_wait3A_639 = arith.constant 0 : i32
        %dma_wait3A_640 = arith.constant 0 : i32
        %dma_wait3A_641 = tpu.memref_slice %arg9[%dma_wait3A_637, %dma_wait3A_639, %dma_wait3A_640] : memref<14x128x16xf32, #tpu.memory_space<vmem>> -> memref<1x128x16xf32, #tpu.memory_space<vmem>>
        %dma_wait3A_642 = tpu.memref_squeeze %dma_wait3A_641 : memref<1x128x16xf32, #tpu.memory_space<vmem>> -> memref<128x16xf32, #tpu.memory_space<vmem>>
        %dma_wait3A_643 = arith.constant 0 : i32
        %dma_wait3A_644 = tpu.memref_slice %arg8[%dma_wait3A_638, %dma_wait3A_643] : memref<79x128xi32, #tpu.memory_space<vmem>> -> memref<1x128xi32, #tpu.memory_space<vmem>>
        %dma_wait3A_645 = tpu.memref_squeeze %dma_wait3A_644 : memref<1x128xi32, #tpu.memory_space<vmem>> -> memref<128xi32, #tpu.memory_space<vmem>>
        %dma_wait3A_646 = arith.constant 0 : i32
        %dma_wait3A_647 = arith.constant 0 : i32
        %dma_wait3A_648 = tpu.memref_slice %arg10[%dma_wait3A_646, %dma_wait3A_647] : memref<10000x16xf32, #tpu.memory_space<vmem_shared>> -> memref<10000x16xf32, #tpu.memory_space<vmem_shared>>
        tpu.wait_indirect_dma semaphore(%arg36 : memref<!tpu.dma_semaphore, #tpu.memory_space<semaphore_mem>>) src(%dma_wait3A_642 : memref<128x16xf32, #tpu.memory_space<vmem>>) dst(%dma_wait3A_648 : memref<10000x16xf32, #tpu.memory_space<vmem_shared>>)
      } else {
      }
      %lt3A_377 = arith.cmpi slt, %add3A_369, %sub3A_47 : i32
      %convert_element_type3A_378 = arith.extui %lt3A_377 : i1 to i32
      %cond3A_379 = arith.constant 0 : i32
      %cond3A_380 = arith.cmpi ne, %convert_element_type3A_378, %cond3A_379 : i32
      scf.if %cond3A_380 {
        %dma_start3A_637 = arith.constant 11 : i32
        %dma_start3A_638 = arith.constant 0 : i32
        %dma_start3A_639 = arith.constant 0 : i32
        %dma_start3A_640 = tpu.memref_slice %arg9[%dma_start3A_637, %dma_start3A_638, %dma_start3A_639] : memref<14x128x16xf32, #tpu.memory_space<vmem>> -> memref<1x128x16xf32, #tpu.memory_space<vmem>>
        %dma_start3A_641 = tpu.memref_squeeze %dma_start3A_640 : memref<1x128x16xf32, #tpu.memory_space<vmem>> -> memref<128x16xf32, #tpu.memory_space<vmem>>
        %dma_start3A_642 = arith.constant 0 : i32
        %dma_start3A_643 = tpu.memref_slice %arg7[%add3A_369, %dma_start3A_642] : memref<79x128xi32, #tpu.memory_space<vmem>> -> memref<1x128xi32, #tpu.memory_space<vmem>>
        %dma_start3A_644 = tpu.memref_squeeze %dma_start3A_643 : memref<1x128xi32, #tpu.memory_space<vmem>> -> memref<128xi32, #tpu.memory_space<vmem>>
        %dma_start3A_645 = arith.constant 0 : i32
        %dma_start3A_646 = arith.constant 0 : i32
        %dma_start3A_647 = tpu.memref_slice %arg2[%dma_start3A_645, %dma_start3A_646] : memref<10000x16xf32, #tpu.memory_space<hbm>> -> memref<10000x16xf32, #tpu.memory_space<hbm>>
        tpu.enqueue_indirect_dma source(%dma_start3A_647 : memref<10000x16xf32, #tpu.memory_space<hbm>>) target(%dma_start3A_641 : memref<128x16xf32, #tpu.memory_space<vmem>>) offsets(%dma_start3A_644 : memref<128xi32, #tpu.memory_space<vmem>>) semaphore(%arg22 : memref<!tpu.dma_semaphore, #tpu.memory_space<semaphore_mem>>)
      } else {
      }
      %lt3A_381 = arith.cmpi slt, %add3A_367, %sub3A_47 : i32
      %convert_element_type3A_382 = arith.extui %lt3A_381 : i1 to i32
      %cond3A_383 = arith.constant 0 : i32
      %cond3A_384 = arith.cmpi ne, %convert_element_type3A_382, %cond3A_383 : i32
      scf.if %cond3A_384 {
        %dma_wait3A_637 = arith.constant 1 : i32
        %dma_wait3A_638 = arith.constant 0 : i32
        %dma_wait3A_639 = arith.constant 0 : i32
        %dma_wait3A_640 = tpu.memref_slice %arg9[%dma_wait3A_637, %dma_wait3A_638, %dma_wait3A_639] : memref<14x128x16xf32, #tpu.memory_space<vmem>> -> memref<1x128x16xf32, #tpu.memory_space<vmem>>
        %dma_wait3A_641 = tpu.memref_squeeze %dma_wait3A_640 : memref<1x128x16xf32, #tpu.memory_space<vmem>> -> memref<128x16xf32, #tpu.memory_space<vmem>>
        %dma_wait3A_642 = arith.constant 0 : i32
        %dma_wait3A_643 = tpu.memref_slice %arg7[%add3A_367, %dma_wait3A_642] : memref<79x128xi32, #tpu.memory_space<vmem>> -> memref<1x128xi32, #tpu.memory_space<vmem>>
        %dma_wait3A_644 = tpu.memref_squeeze %dma_wait3A_643 : memref<1x128xi32, #tpu.memory_space<vmem>> -> memref<128xi32, #tpu.memory_space<vmem>>
        %dma_wait3A_645 = arith.constant 0 : i32
        %dma_wait3A_646 = arith.constant 0 : i32
        %dma_wait3A_647 = tpu.memref_slice %arg2[%dma_wait3A_645, %dma_wait3A_646] : memref<10000x16xf32, #tpu.memory_space<hbm>> -> memref<10000x16xf32, #tpu.memory_space<hbm>>
        tpu.wait_indirect_dma semaphore(%arg12 : memref<!tpu.dma_semaphore, #tpu.memory_space<semaphore_mem>>) src(%dma_wait3A_647 : memref<10000x16xf32, #tpu.memory_space<hbm>>) dst(%dma_wait3A_641 : memref<128x16xf32, #tpu.memory_space<vmem>>)
        %dma_start3A_648 = arith.constant 1 : i32
        %dma_start3A_649 = arith.constant 0 : i32
        %dma_start3A_650 = arith.constant 0 : i32
        %dma_start3A_651 = tpu.memref_slice %arg9[%dma_start3A_648, %dma_start3A_649, %dma_start3A_650] : memref<14x128x16xf32, #tpu.memory_space<vmem>> -> memref<1x128x16xf32, #tpu.memory_space<vmem>>
        %dma_start3A_652 = tpu.memref_squeeze %dma_start3A_651 : memref<1x128x16xf32, #tpu.memory_space<vmem>> -> memref<128x16xf32, #tpu.memory_space<vmem>>
        %dma_start3A_653 = arith.constant 0 : i32
        %dma_start3A_654 = tpu.memref_slice %arg8[%add3A_367, %dma_start3A_653] : memref<79x128xi32, #tpu.memory_space<vmem>> -> memref<1x128xi32, #tpu.memory_space<vmem>>
        %dma_start3A_655 = tpu.memref_squeeze %dma_start3A_654 : memref<1x128xi32, #tpu.memory_space<vmem>> -> memref<128xi32, #tpu.memory_space<vmem>>
        %dma_start3A_656 = arith.constant 0 : i32
        %dma_start3A_657 = arith.constant 0 : i32
        %dma_start3A_658 = tpu.memref_slice %arg10[%dma_start3A_656, %dma_start3A_657] : memref<10000x16xf32, #tpu.memory_space<vmem_shared>> -> memref<10000x16xf32, #tpu.memory_space<vmem_shared>>
        tpu.enqueue_indirect_dma source(%dma_start3A_652 : memref<128x16xf32, #tpu.memory_space<vmem>>) target(%dma_start3A_658 : memref<10000x16xf32, #tpu.memory_space<vmem_shared>>) offsets(%dma_start3A_655 : memref<128xi32, #tpu.memory_space<vmem>>) semaphore(%arg26 : memref<!tpu.dma_semaphore, #tpu.memory_space<semaphore_mem>>) {add = true}
      } else {
      }
      %mul3A_385 = arith.constant 14 : i32
      %mul3A_386 = arith.muli %scan3A_346, %mul3A_385 : i32
      %add3A_387 = arith.constant 2 : i32
      %add3A_388 = arith.addi %mul3A_386, %add3A_387 : i32
      %add3A_389 = arith.constant 10 : i32
      %add3A_390 = arith.addi %add3A_388, %add3A_389 : i32
      %ge3A_391 = arith.constant 14 : i32
      %ge3A_392 = arith.cmpi sge, %add3A_390, %ge3A_391 : i32
      %lt3A_393 = arith.cmpi slt, %add3A_390, %sub3A_47 : i32
      %and3A_394 = arith.andi %ge3A_392, %lt3A_393 : i1
      %convert_element_type3A_395 = arith.extui %and3A_394 : i1 to i32
      %cond3A_396 = arith.constant 0 : i32
      %cond3A_397 = arith.cmpi ne, %convert_element_type3A_395, %cond3A_396 : i32
      scf.if %cond3A_397 {
        %dma_wait3A_637 = arith.constant 12 : i32
        %dma_wait3A_638 = arith.constant 0 : i32
        %dma_wait3A_639 = arith.constant 0 : i32
        %dma_wait3A_640 = arith.constant 0 : i32
        %dma_wait3A_641 = tpu.memref_slice %arg9[%dma_wait3A_637, %dma_wait3A_639, %dma_wait3A_640] : memref<14x128x16xf32, #tpu.memory_space<vmem>> -> memref<1x128x16xf32, #tpu.memory_space<vmem>>
        %dma_wait3A_642 = tpu.memref_squeeze %dma_wait3A_641 : memref<1x128x16xf32, #tpu.memory_space<vmem>> -> memref<128x16xf32, #tpu.memory_space<vmem>>
        %dma_wait3A_643 = arith.constant 0 : i32
        %dma_wait3A_644 = tpu.memref_slice %arg8[%dma_wait3A_638, %dma_wait3A_643] : memref<79x128xi32, #tpu.memory_space<vmem>> -> memref<1x128xi32, #tpu.memory_space<vmem>>
        %dma_wait3A_645 = tpu.memref_squeeze %dma_wait3A_644 : memref<1x128xi32, #tpu.memory_space<vmem>> -> memref<128xi32, #tpu.memory_space<vmem>>
        %dma_wait3A_646 = arith.constant 0 : i32
        %dma_wait3A_647 = arith.constant 0 : i32
        %dma_wait3A_648 = tpu.memref_slice %arg10[%dma_wait3A_646, %dma_wait3A_647] : memref<10000x16xf32, #tpu.memory_space<vmem_shared>> -> memref<10000x16xf32, #tpu.memory_space<vmem_shared>>
        tpu.wait_indirect_dma semaphore(%arg37 : memref<!tpu.dma_semaphore, #tpu.memory_space<semaphore_mem>>) src(%dma_wait3A_642 : memref<128x16xf32, #tpu.memory_space<vmem>>) dst(%dma_wait3A_648 : memref<10000x16xf32, #tpu.memory_space<vmem_shared>>)
      } else {
      }
      %lt3A_398 = arith.cmpi slt, %add3A_390, %sub3A_47 : i32
      %convert_element_type3A_399 = arith.extui %lt3A_398 : i1 to i32
      %cond3A_400 = arith.constant 0 : i32
      %cond3A_401 = arith.cmpi ne, %convert_element_type3A_399, %cond3A_400 : i32
      scf.if %cond3A_401 {
        %dma_start3A_637 = arith.constant 12 : i32
        %dma_start3A_638 = arith.constant 0 : i32
        %dma_start3A_639 = arith.constant 0 : i32
        %dma_start3A_640 = tpu.memref_slice %arg9[%dma_start3A_637, %dma_start3A_638, %dma_start3A_639] : memref<14x128x16xf32, #tpu.memory_space<vmem>> -> memref<1x128x16xf32, #tpu.memory_space<vmem>>
        %dma_start3A_641 = tpu.memref_squeeze %dma_start3A_640 : memref<1x128x16xf32, #tpu.memory_space<vmem>> -> memref<128x16xf32, #tpu.memory_space<vmem>>
        %dma_start3A_642 = arith.constant 0 : i32
        %dma_start3A_643 = tpu.memref_slice %arg7[%add3A_390, %dma_start3A_642] : memref<79x128xi32, #tpu.memory_space<vmem>> -> memref<1x128xi32, #tpu.memory_space<vmem>>
        %dma_start3A_644 = tpu.memref_squeeze %dma_start3A_643 : memref<1x128xi32, #tpu.memory_space<vmem>> -> memref<128xi32, #tpu.memory_space<vmem>>
        %dma_start3A_645 = arith.constant 0 : i32
        %dma_start3A_646 = arith.constant 0 : i32
        %dma_start3A_647 = tpu.memref_slice %arg2[%dma_start3A_645, %dma_start3A_646] : memref<10000x16xf32, #tpu.memory_space<hbm>> -> memref<10000x16xf32, #tpu.memory_space<hbm>>
        tpu.enqueue_indirect_dma source(%dma_start3A_647 : memref<10000x16xf32, #tpu.memory_space<hbm>>) target(%dma_start3A_641 : memref<128x16xf32, #tpu.memory_space<vmem>>) offsets(%dma_start3A_644 : memref<128xi32, #tpu.memory_space<vmem>>) semaphore(%arg23 : memref<!tpu.dma_semaphore, #tpu.memory_space<semaphore_mem>>)
      } else {
      }
      %lt3A_402 = arith.cmpi slt, %add3A_388, %sub3A_47 : i32
      %convert_element_type3A_403 = arith.extui %lt3A_402 : i1 to i32
      %cond3A_404 = arith.constant 0 : i32
      %cond3A_405 = arith.cmpi ne, %convert_element_type3A_403, %cond3A_404 : i32
      scf.if %cond3A_405 {
        %dma_wait3A_637 = arith.constant 2 : i32
        %dma_wait3A_638 = arith.constant 0 : i32
        %dma_wait3A_639 = arith.constant 0 : i32
        %dma_wait3A_640 = tpu.memref_slice %arg9[%dma_wait3A_637, %dma_wait3A_638, %dma_wait3A_639] : memref<14x128x16xf32, #tpu.memory_space<vmem>> -> memref<1x128x16xf32, #tpu.memory_space<vmem>>
        %dma_wait3A_641 = tpu.memref_squeeze %dma_wait3A_640 : memref<1x128x16xf32, #tpu.memory_space<vmem>> -> memref<128x16xf32, #tpu.memory_space<vmem>>
        %dma_wait3A_642 = arith.constant 0 : i32
        %dma_wait3A_643 = tpu.memref_slice %arg7[%add3A_388, %dma_wait3A_642] : memref<79x128xi32, #tpu.memory_space<vmem>> -> memref<1x128xi32, #tpu.memory_space<vmem>>
        %dma_wait3A_644 = tpu.memref_squeeze %dma_wait3A_643 : memref<1x128xi32, #tpu.memory_space<vmem>> -> memref<128xi32, #tpu.memory_space<vmem>>
        %dma_wait3A_645 = arith.constant 0 : i32
        %dma_wait3A_646 = arith.constant 0 : i32
        %dma_wait3A_647 = tpu.memref_slice %arg2[%dma_wait3A_645, %dma_wait3A_646] : memref<10000x16xf32, #tpu.memory_space<hbm>> -> memref<10000x16xf32, #tpu.memory_space<hbm>>
        tpu.wait_indirect_dma semaphore(%arg13 : memref<!tpu.dma_semaphore, #tpu.memory_space<semaphore_mem>>) src(%dma_wait3A_647 : memref<10000x16xf32, #tpu.memory_space<hbm>>) dst(%dma_wait3A_641 : memref<128x16xf32, #tpu.memory_space<vmem>>)
        %dma_start3A_648 = arith.constant 2 : i32
        %dma_start3A_649 = arith.constant 0 : i32
        %dma_start3A_650 = arith.constant 0 : i32
        %dma_start3A_651 = tpu.memref_slice %arg9[%dma_start3A_648, %dma_start3A_649, %dma_start3A_650] : memref<14x128x16xf32, #tpu.memory_space<vmem>> -> memref<1x128x16xf32, #tpu.memory_space<vmem>>
        %dma_start3A_652 = tpu.memref_squeeze %dma_start3A_651 : memref<1x128x16xf32, #tpu.memory_space<vmem>> -> memref<128x16xf32, #tpu.memory_space<vmem>>
        %dma_start3A_653 = arith.constant 0 : i32
        %dma_start3A_654 = tpu.memref_slice %arg8[%add3A_388, %dma_start3A_653] : memref<79x128xi32, #tpu.memory_space<vmem>> -> memref<1x128xi32, #tpu.memory_space<vmem>>
        %dma_start3A_655 = tpu.memref_squeeze %dma_start3A_654 : memref<1x128xi32, #tpu.memory_space<vmem>> -> memref<128xi32, #tpu.memory_space<vmem>>
        %dma_start3A_656 = arith.constant 0 : i32
        %dma_start3A_657 = arith.constant 0 : i32
        %dma_start3A_658 = tpu.memref_slice %arg10[%dma_start3A_656, %dma_start3A_657] : memref<10000x16xf32, #tpu.memory_space<vmem_shared>> -> memref<10000x16xf32, #tpu.memory_space<vmem_shared>>
        tpu.enqueue_indirect_dma source(%dma_start3A_652 : memref<128x16xf32, #tpu.memory_space<vmem>>) target(%dma_start3A_658 : memref<10000x16xf32, #tpu.memory_space<vmem_shared>>) offsets(%dma_start3A_655 : memref<128xi32, #tpu.memory_space<vmem>>) semaphore(%arg27 : memref<!tpu.dma_semaphore, #tpu.memory_space<semaphore_mem>>) {add = true}
      } else {
      }
      %mul3A_406 = arith.constant 14 : i32
      %mul3A_407 = arith.muli %scan3A_346, %mul3A_406 : i32
      %add3A_408 = arith.constant 3 : i32
      %add3A_409 = arith.addi %mul3A_407, %add3A_408 : i32
      %add3A_410 = arith.constant 10 : i32
      %add3A_411 = arith.addi %add3A_409, %add3A_410 : i32
      %ge3A_412 = arith.constant 14 : i32
      %ge3A_413 = arith.cmpi sge, %add3A_411, %ge3A_412 : i32
      %lt3A_414 = arith.cmpi slt, %add3A_411, %sub3A_47 : i32
      %and3A_415 = arith.andi %ge3A_413, %lt3A_414 : i1
      %convert_element_type3A_416 = arith.extui %and3A_415 : i1 to i32
      %cond3A_417 = arith.constant 0 : i32
      %cond3A_418 = arith.cmpi ne, %convert_element_type3A_416, %cond3A_417 : i32
      scf.if %cond3A_418 {
        %dma_wait3A_637 = arith.constant 13 : i32
        %dma_wait3A_638 = arith.constant 0 : i32
        %dma_wait3A_639 = arith.constant 0 : i32
        %dma_wait3A_640 = arith.constant 0 : i32
        %dma_wait3A_641 = tpu.memref_slice %arg9[%dma_wait3A_637, %dma_wait3A_639, %dma_wait3A_640] : memref<14x128x16xf32, #tpu.memory_space<vmem>> -> memref<1x128x16xf32, #tpu.memory_space<vmem>>
        %dma_wait3A_642 = tpu.memref_squeeze %dma_wait3A_641 : memref<1x128x16xf32, #tpu.memory_space<vmem>> -> memref<128x16xf32, #tpu.memory_space<vmem>>
        %dma_wait3A_643 = arith.constant 0 : i32
        %dma_wait3A_644 = tpu.memref_slice %arg8[%dma_wait3A_638, %dma_wait3A_643] : memref<79x128xi32, #tpu.memory_space<vmem>> -> memref<1x128xi32, #tpu.memory_space<vmem>>
        %dma_wait3A_645 = tpu.memref_squeeze %dma_wait3A_644 : memref<1x128xi32, #tpu.memory_space<vmem>> -> memref<128xi32, #tpu.memory_space<vmem>>
        %dma_wait3A_646 = arith.constant 0 : i32
        %dma_wait3A_647 = arith.constant 0 : i32
        %dma_wait3A_648 = tpu.memref_slice %arg10[%dma_wait3A_646, %dma_wait3A_647] : memref<10000x16xf32, #tpu.memory_space<vmem_shared>> -> memref<10000x16xf32, #tpu.memory_space<vmem_shared>>
        tpu.wait_indirect_dma semaphore(%arg38 : memref<!tpu.dma_semaphore, #tpu.memory_space<semaphore_mem>>) src(%dma_wait3A_642 : memref<128x16xf32, #tpu.memory_space<vmem>>) dst(%dma_wait3A_648 : memref<10000x16xf32, #tpu.memory_space<vmem_shared>>)
      } else {
      }
      %lt3A_419 = arith.cmpi slt, %add3A_411, %sub3A_47 : i32
      %convert_element_type3A_420 = arith.extui %lt3A_419 : i1 to i32
      %cond3A_421 = arith.constant 0 : i32
      %cond3A_422 = arith.cmpi ne, %convert_element_type3A_420, %cond3A_421 : i32
      scf.if %cond3A_422 {
        %dma_start3A_637 = arith.constant 13 : i32
        %dma_start3A_638 = arith.constant 0 : i32
        %dma_start3A_639 = arith.constant 0 : i32
        %dma_start3A_640 = tpu.memref_slice %arg9[%dma_start3A_637, %dma_start3A_638, %dma_start3A_639] : memref<14x128x16xf32, #tpu.memory_space<vmem>> -> memref<1x128x16xf32, #tpu.memory_space<vmem>>
        %dma_start3A_641 = tpu.memref_squeeze %dma_start3A_640 : memref<1x128x16xf32, #tpu.memory_space<vmem>> -> memref<128x16xf32, #tpu.memory_space<vmem>>
        %dma_start3A_642 = arith.constant 0 : i32
        %dma_start3A_643 = tpu.memref_slice %arg7[%add3A_411, %dma_start3A_642] : memref<79x128xi32, #tpu.memory_space<vmem>> -> memref<1x128xi32, #tpu.memory_space<vmem>>
        %dma_start3A_644 = tpu.memref_squeeze %dma_start3A_643 : memref<1x128xi32, #tpu.memory_space<vmem>> -> memref<128xi32, #tpu.memory_space<vmem>>
        %dma_start3A_645 = arith.constant 0 : i32
        %dma_start3A_646 = arith.constant 0 : i32
        %dma_start3A_647 = tpu.memref_slice %arg2[%dma_start3A_645, %dma_start3A_646] : memref<10000x16xf32, #tpu.memory_space<hbm>> -> memref<10000x16xf32, #tpu.memory_space<hbm>>
        tpu.enqueue_indirect_dma source(%dma_start3A_647 : memref<10000x16xf32, #tpu.memory_space<hbm>>) target(%dma_start3A_641 : memref<128x16xf32, #tpu.memory_space<vmem>>) offsets(%dma_start3A_644 : memref<128xi32, #tpu.memory_space<vmem>>) semaphore(%arg24 : memref<!tpu.dma_semaphore, #tpu.memory_space<semaphore_mem>>)
      } else {
      }
      %lt3A_423 = arith.cmpi slt, %add3A_409, %sub3A_47 : i32
      %convert_element_type3A_424 = arith.extui %lt3A_423 : i1 to i32
      %cond3A_425 = arith.constant 0 : i32
      %cond3A_426 = arith.cmpi ne, %convert_element_type3A_424, %cond3A_425 : i32
      scf.if %cond3A_426 {
        %dma_wait3A_637 = arith.constant 3 : i32
        %dma_wait3A_638 = arith.constant 0 : i32
        %dma_wait3A_639 = arith.constant 0 : i32
        %dma_wait3A_640 = tpu.memref_slice %arg9[%dma_wait3A_637, %dma_wait3A_638, %dma_wait3A_639] : memref<14x128x16xf32, #tpu.memory_space<vmem>> -> memref<1x128x16xf32, #tpu.memory_space<vmem>>
        %dma_wait3A_641 = tpu.memref_squeeze %dma_wait3A_640 : memref<1x128x16xf32, #tpu.memory_space<vmem>> -> memref<128x16xf32, #tpu.memory_space<vmem>>
        %dma_wait3A_642 = arith.constant 0 : i32
        %dma_wait3A_643 = tpu.memref_slice %arg7[%add3A_409, %dma_wait3A_642] : memref<79x128xi32, #tpu.memory_space<vmem>> -> memref<1x128xi32, #tpu.memory_space<vmem>>
        %dma_wait3A_644 = tpu.memref_squeeze %dma_wait3A_643 : memref<1x128xi32, #tpu.memory_space<vmem>> -> memref<128xi32, #tpu.memory_space<vmem>>
        %dma_wait3A_645 = arith.constant 0 : i32
        %dma_wait3A_646 = arith.constant 0 : i32
        %dma_wait3A_647 = tpu.memref_slice %arg2[%dma_wait3A_645, %dma_wait3A_646] : memref<10000x16xf32, #tpu.memory_space<hbm>> -> memref<10000x16xf32, #tpu.memory_space<hbm>>
        tpu.wait_indirect_dma semaphore(%arg14 : memref<!tpu.dma_semaphore, #tpu.memory_space<semaphore_mem>>) src(%dma_wait3A_647 : memref<10000x16xf32, #tpu.memory_space<hbm>>) dst(%dma_wait3A_641 : memref<128x16xf32, #tpu.memory_space<vmem>>)
        %dma_start3A_648 = arith.constant 3 : i32
        %dma_start3A_649 = arith.constant 0 : i32
        %dma_start3A_650 = arith.constant 0 : i32
        %dma_start3A_651 = tpu.memref_slice %arg9[%dma_start3A_648, %dma_start3A_649, %dma_start3A_650] : memref<14x128x16xf32, #tpu.memory_space<vmem>> -> memref<1x128x16xf32, #tpu.memory_space<vmem>>
        %dma_start3A_652 = tpu.memref_squeeze %dma_start3A_651 : memref<1x128x16xf32, #tpu.memory_space<vmem>> -> memref<128x16xf32, #tpu.memory_space<vmem>>
        %dma_start3A_653 = arith.constant 0 : i32
        %dma_start3A_654 = tpu.memref_slice %arg8[%add3A_409, %dma_start3A_653] : memref<79x128xi32, #tpu.memory_space<vmem>> -> memref<1x128xi32, #tpu.memory_space<vmem>>
        %dma_start3A_655 = tpu.memref_squeeze %dma_start3A_654 : memref<1x128xi32, #tpu.memory_space<vmem>> -> memref<128xi32, #tpu.memory_space<vmem>>
        %dma_start3A_656 = arith.constant 0 : i32
        %dma_start3A_657 = arith.constant 0 : i32
        %dma_start3A_658 = tpu.memref_slice %arg10[%dma_start3A_656, %dma_start3A_657] : memref<10000x16xf32, #tpu.memory_space<vmem_shared>> -> memref<10000x16xf32, #tpu.memory_space<vmem_shared>>
        tpu.enqueue_indirect_dma source(%dma_start3A_652 : memref<128x16xf32, #tpu.memory_space<vmem>>) target(%dma_start3A_658 : memref<10000x16xf32, #tpu.memory_space<vmem_shared>>) offsets(%dma_start3A_655 : memref<128xi32, #tpu.memory_space<vmem>>) semaphore(%arg28 : memref<!tpu.dma_semaphore, #tpu.memory_space<semaphore_mem>>) {add = true}
      } else {
      }
      %mul3A_427 = arith.constant 14 : i32
      %mul3A_428 = arith.muli %scan3A_346, %mul3A_427 : i32
      %add3A_429 = arith.constant 4 : i32
      %add3A_430 = arith.addi %mul3A_428, %add3A_429 : i32
      %add3A_431 = arith.constant 10 : i32
      %add3A_432 = arith.addi %add3A_430, %add3A_431 : i32
      %ge3A_433 = arith.constant 14 : i32
      %ge3A_434 = arith.cmpi sge, %add3A_432, %ge3A_433 : i32
      %lt3A_435 = arith.cmpi slt, %add3A_432, %sub3A_47 : i32
      %and3A_436 = arith.andi %ge3A_434, %lt3A_435 : i1
      %convert_element_type3A_437 = arith.extui %and3A_436 : i1 to i32
      %cond3A_438 = arith.constant 0 : i32
      %cond3A_439 = arith.cmpi ne, %convert_element_type3A_437, %cond3A_438 : i32
      scf.if %cond3A_439 {
        %dma_wait3A_637 = arith.constant 0 : i32
        %dma_wait3A_638 = arith.constant 0 : i32
        %dma_wait3A_639 = arith.constant 0 : i32
        %dma_wait3A_640 = arith.constant 0 : i32
        %dma_wait3A_641 = tpu.memref_slice %arg9[%dma_wait3A_637, %dma_wait3A_639, %dma_wait3A_640] : memref<14x128x16xf32, #tpu.memory_space<vmem>> -> memref<1x128x16xf32, #tpu.memory_space<vmem>>
        %dma_wait3A_642 = tpu.memref_squeeze %dma_wait3A_641 : memref<1x128x16xf32, #tpu.memory_space<vmem>> -> memref<128x16xf32, #tpu.memory_space<vmem>>
        %dma_wait3A_643 = arith.constant 0 : i32
        %dma_wait3A_644 = tpu.memref_slice %arg8[%dma_wait3A_638, %dma_wait3A_643] : memref<79x128xi32, #tpu.memory_space<vmem>> -> memref<1x128xi32, #tpu.memory_space<vmem>>
        %dma_wait3A_645 = tpu.memref_squeeze %dma_wait3A_644 : memref<1x128xi32, #tpu.memory_space<vmem>> -> memref<128xi32, #tpu.memory_space<vmem>>
        %dma_wait3A_646 = arith.constant 0 : i32
        %dma_wait3A_647 = arith.constant 0 : i32
        %dma_wait3A_648 = tpu.memref_slice %arg10[%dma_wait3A_646, %dma_wait3A_647] : memref<10000x16xf32, #tpu.memory_space<vmem_shared>> -> memref<10000x16xf32, #tpu.memory_space<vmem_shared>>
        tpu.wait_indirect_dma semaphore(%arg25 : memref<!tpu.dma_semaphore, #tpu.memory_space<semaphore_mem>>) src(%dma_wait3A_642 : memref<128x16xf32, #tpu.memory_space<vmem>>) dst(%dma_wait3A_648 : memref<10000x16xf32, #tpu.memory_space<vmem_shared>>)
      } else {
      }
      %lt3A_440 = arith.cmpi slt, %add3A_432, %sub3A_47 : i32
      %convert_element_type3A_441 = arith.extui %lt3A_440 : i1 to i32
      %cond3A_442 = arith.constant 0 : i32
      %cond3A_443 = arith.cmpi ne, %convert_element_type3A_441, %cond3A_442 : i32
      scf.if %cond3A_443 {
        %dma_start3A_637 = arith.constant 0 : i32
        %dma_start3A_638 = arith.constant 0 : i32
        %dma_start3A_639 = arith.constant 0 : i32
        %dma_start3A_640 = tpu.memref_slice %arg9[%dma_start3A_637, %dma_start3A_638, %dma_start3A_639] : memref<14x128x16xf32, #tpu.memory_space<vmem>> -> memref<1x128x16xf32, #tpu.memory_space<vmem>>
        %dma_start3A_641 = tpu.memref_squeeze %dma_start3A_640 : memref<1x128x16xf32, #tpu.memory_space<vmem>> -> memref<128x16xf32, #tpu.memory_space<vmem>>
        %dma_start3A_642 = arith.constant 0 : i32
        %dma_start3A_643 = tpu.memref_slice %arg7[%add3A_432, %dma_start3A_642] : memref<79x128xi32, #tpu.memory_space<vmem>> -> memref<1x128xi32, #tpu.memory_space<vmem>>
        %dma_start3A_644 = tpu.memref_squeeze %dma_start3A_643 : memref<1x128xi32, #tpu.memory_space<vmem>> -> memref<128xi32, #tpu.memory_space<vmem>>
        %dma_start3A_645 = arith.constant 0 : i32
        %dma_start3A_646 = arith.constant 0 : i32
        %dma_start3A_647 = tpu.memref_slice %arg2[%dma_start3A_645, %dma_start3A_646] : memref<10000x16xf32, #tpu.memory_space<hbm>> -> memref<10000x16xf32, #tpu.memory_space<hbm>>
        tpu.enqueue_indirect_dma source(%dma_start3A_647 : memref<10000x16xf32, #tpu.memory_space<hbm>>) target(%dma_start3A_641 : memref<128x16xf32, #tpu.memory_space<vmem>>) offsets(%dma_start3A_644 : memref<128xi32, #tpu.memory_space<vmem>>) semaphore(%arg11 : memref<!tpu.dma_semaphore, #tpu.memory_space<semaphore_mem>>)
      } else {
      }
      %lt3A_444 = arith.cmpi slt, %add3A_430, %sub3A_47 : i32
      %convert_element_type3A_445 = arith.extui %lt3A_444 : i1 to i32
      %cond3A_446 = arith.constant 0 : i32
      %cond3A_447 = arith.cmpi ne, %convert_element_type3A_445, %cond3A_446 : i32
      scf.if %cond3A_447 {
        %dma_wait3A_637 = arith.constant 4 : i32
        %dma_wait3A_638 = arith.constant 0 : i32
        %dma_wait3A_639 = arith.constant 0 : i32
        %dma_wait3A_640 = tpu.memref_slice %arg9[%dma_wait3A_637, %dma_wait3A_638, %dma_wait3A_639] : memref<14x128x16xf32, #tpu.memory_space<vmem>> -> memref<1x128x16xf32, #tpu.memory_space<vmem>>
        %dma_wait3A_641 = tpu.memref_squeeze %dma_wait3A_640 : memref<1x128x16xf32, #tpu.memory_space<vmem>> -> memref<128x16xf32, #tpu.memory_space<vmem>>
        %dma_wait3A_642 = arith.constant 0 : i32
        %dma_wait3A_643 = tpu.memref_slice %arg7[%add3A_430, %dma_wait3A_642] : memref<79x128xi32, #tpu.memory_space<vmem>> -> memref<1x128xi32, #tpu.memory_space<vmem>>
        %dma_wait3A_644 = tpu.memref_squeeze %dma_wait3A_643 : memref<1x128xi32, #tpu.memory_space<vmem>> -> memref<128xi32, #tpu.memory_space<vmem>>
        %dma_wait3A_645 = arith.constant 0 : i32
        %dma_wait3A_646 = arith.constant 0 : i32
        %dma_wait3A_647 = tpu.memref_slice %arg2[%dma_wait3A_645, %dma_wait3A_646] : memref<10000x16xf32, #tpu.memory_space<hbm>> -> memref<10000x16xf32, #tpu.memory_space<hbm>>
        tpu.wait_indirect_dma semaphore(%arg15 : memref<!tpu.dma_semaphore, #tpu.memory_space<semaphore_mem>>) src(%dma_wait3A_647 : memref<10000x16xf32, #tpu.memory_space<hbm>>) dst(%dma_wait3A_641 : memref<128x16xf32, #tpu.memory_space<vmem>>)
        %dma_start3A_648 = arith.constant 4 : i32
        %dma_start3A_649 = arith.constant 0 : i32
        %dma_start3A_650 = arith.constant 0 : i32
        %dma_start3A_651 = tpu.memref_slice %arg9[%dma_start3A_648, %dma_start3A_649, %dma_start3A_650] : memref<14x128x16xf32, #tpu.memory_space<vmem>> -> memref<1x128x16xf32, #tpu.memory_space<vmem>>
        %dma_start3A_652 = tpu.memref_squeeze %dma_start3A_651 : memref<1x128x16xf32, #tpu.memory_space<vmem>> -> memref<128x16xf32, #tpu.memory_space<vmem>>
        %dma_start3A_653 = arith.constant 0 : i32
        %dma_start3A_654 = tpu.memref_slice %arg8[%add3A_430, %dma_start3A_653] : memref<79x128xi32, #tpu.memory_space<vmem>> -> memref<1x128xi32, #tpu.memory_space<vmem>>
        %dma_start3A_655 = tpu.memref_squeeze %dma_start3A_654 : memref<1x128xi32, #tpu.memory_space<vmem>> -> memref<128xi32, #tpu.memory_space<vmem>>
        %dma_start3A_656 = arith.constant 0 : i32
        %dma_start3A_657 = arith.constant 0 : i32
        %dma_start3A_658 = tpu.memref_slice %arg10[%dma_start3A_656, %dma_start3A_657] : memref<10000x16xf32, #tpu.memory_space<vmem_shared>> -> memref<10000x16xf32, #tpu.memory_space<vmem_shared>>
        tpu.enqueue_indirect_dma source(%dma_start3A_652 : memref<128x16xf32, #tpu.memory_space<vmem>>) target(%dma_start3A_658 : memref<10000x16xf32, #tpu.memory_space<vmem_shared>>) offsets(%dma_start3A_655 : memref<128xi32, #tpu.memory_space<vmem>>) semaphore(%arg29 : memref<!tpu.dma_semaphore, #tpu.memory_space<semaphore_mem>>) {add = true}
      } else {
      }
      %mul3A_448 = arith.constant 14 : i32
      %mul3A_449 = arith.muli %scan3A_346, %mul3A_448 : i32
      %add3A_450 = arith.constant 5 : i32
      %add3A_451 = arith.addi %mul3A_449, %add3A_450 : i32
      %add3A_452 = arith.constant 10 : i32
      %add3A_453 = arith.addi %add3A_451, %add3A_452 : i32
      %ge3A_454 = arith.constant 14 : i32
      %ge3A_455 = arith.cmpi sge, %add3A_453, %ge3A_454 : i32
      %lt3A_456 = arith.cmpi slt, %add3A_453, %sub3A_47 : i32
      %and3A_457 = arith.andi %ge3A_455, %lt3A_456 : i1
      %convert_element_type3A_458 = arith.extui %and3A_457 : i1 to i32
      %cond3A_459 = arith.constant 0 : i32
      %cond3A_460 = arith.cmpi ne, %convert_element_type3A_458, %cond3A_459 : i32
      scf.if %cond3A_460 {
        %dma_wait3A_637 = arith.constant 1 : i32
        %dma_wait3A_638 = arith.constant 0 : i32
        %dma_wait3A_639 = arith.constant 0 : i32
        %dma_wait3A_640 = arith.constant 0 : i32
        %dma_wait3A_641 = tpu.memref_slice %arg9[%dma_wait3A_637, %dma_wait3A_639, %dma_wait3A_640] : memref<14x128x16xf32, #tpu.memory_space<vmem>> -> memref<1x128x16xf32, #tpu.memory_space<vmem>>
        %dma_wait3A_642 = tpu.memref_squeeze %dma_wait3A_641 : memref<1x128x16xf32, #tpu.memory_space<vmem>> -> memref<128x16xf32, #tpu.memory_space<vmem>>
        %dma_wait3A_643 = arith.constant 0 : i32
        %dma_wait3A_644 = tpu.memref_slice %arg8[%dma_wait3A_638, %dma_wait3A_643] : memref<79x128xi32, #tpu.memory_space<vmem>> -> memref<1x128xi32, #tpu.memory_space<vmem>>
        %dma_wait3A_645 = tpu.memref_squeeze %dma_wait3A_644 : memref<1x128xi32, #tpu.memory_space<vmem>> -> memref<128xi32, #tpu.memory_space<vmem>>
        %dma_wait3A_646 = arith.constant 0 : i32
        %dma_wait3A_647 = arith.constant 0 : i32
        %dma_wait3A_648 = tpu.memref_slice %arg10[%dma_wait3A_646, %dma_wait3A_647] : memref<10000x16xf32, #tpu.memory_space<vmem_shared>> -> memref<10000x16xf32, #tpu.memory_space<vmem_shared>>
        tpu.wait_indirect_dma semaphore(%arg26 : memref<!tpu.dma_semaphore, #tpu.memory_space<semaphore_mem>>) src(%dma_wait3A_642 : memref<128x16xf32, #tpu.memory_space<vmem>>) dst(%dma_wait3A_648 : memref<10000x16xf32, #tpu.memory_space<vmem_shared>>)
      } else {
      }
      %lt3A_461 = arith.cmpi slt, %add3A_453, %sub3A_47 : i32
      %convert_element_type3A_462 = arith.extui %lt3A_461 : i1 to i32
      %cond3A_463 = arith.constant 0 : i32
      %cond3A_464 = arith.cmpi ne, %convert_element_type3A_462, %cond3A_463 : i32
      scf.if %cond3A_464 {
        %dma_start3A_637 = arith.constant 1 : i32
        %dma_start3A_638 = arith.constant 0 : i32
        %dma_start3A_639 = arith.constant 0 : i32
        %dma_start3A_640 = tpu.memref_slice %arg9[%dma_start3A_637, %dma_start3A_638, %dma_start3A_639] : memref<14x128x16xf32, #tpu.memory_space<vmem>> -> memref<1x128x16xf32, #tpu.memory_space<vmem>>
        %dma_start3A_641 = tpu.memref_squeeze %dma_start3A_640 : memref<1x128x16xf32, #tpu.memory_space<vmem>> -> memref<128x16xf32, #tpu.memory_space<vmem>>
        %dma_start3A_642 = arith.constant 0 : i32
        %dma_start3A_643 = tpu.memref_slice %arg7[%add3A_453, %dma_start3A_642] : memref<79x128xi32, #tpu.memory_space<vmem>> -> memref<1x128xi32, #tpu.memory_space<vmem>>
        %dma_start3A_644 = tpu.memref_squeeze %dma_start3A_643 : memref<1x128xi32, #tpu.memory_space<vmem>> -> memref<128xi32, #tpu.memory_space<vmem>>
        %dma_start3A_645 = arith.constant 0 : i32
        %dma_start3A_646 = arith.constant 0 : i32
        %dma_start3A_647 = tpu.memref_slice %arg2[%dma_start3A_645, %dma_start3A_646] : memref<10000x16xf32, #tpu.memory_space<hbm>> -> memref<10000x16xf32, #tpu.memory_space<hbm>>
        tpu.enqueue_indirect_dma source(%dma_start3A_647 : memref<10000x16xf32, #tpu.memory_space<hbm>>) target(%dma_start3A_641 : memref<128x16xf32, #tpu.memory_space<vmem>>) offsets(%dma_start3A_644 : memref<128xi32, #tpu.memory_space<vmem>>) semaphore(%arg12 : memref<!tpu.dma_semaphore, #tpu.memory_space<semaphore_mem>>)
      } else {
      }
      %lt3A_465 = arith.cmpi slt, %add3A_451, %sub3A_47 : i32
      %convert_element_type3A_466 = arith.extui %lt3A_465 : i1 to i32
      %cond3A_467 = arith.constant 0 : i32
      %cond3A_468 = arith.cmpi ne, %convert_element_type3A_466, %cond3A_467 : i32
      scf.if %cond3A_468 {
        %dma_wait3A_637 = arith.constant 5 : i32
        %dma_wait3A_638 = arith.constant 0 : i32
        %dma_wait3A_639 = arith.constant 0 : i32
        %dma_wait3A_640 = tpu.memref_slice %arg9[%dma_wait3A_637, %dma_wait3A_638, %dma_wait3A_639] : memref<14x128x16xf32, #tpu.memory_space<vmem>> -> memref<1x128x16xf32, #tpu.memory_space<vmem>>
        %dma_wait3A_641 = tpu.memref_squeeze %dma_wait3A_640 : memref<1x128x16xf32, #tpu.memory_space<vmem>> -> memref<128x16xf32, #tpu.memory_space<vmem>>
        %dma_wait3A_642 = arith.constant 0 : i32
        %dma_wait3A_643 = tpu.memref_slice %arg7[%add3A_451, %dma_wait3A_642] : memref<79x128xi32, #tpu.memory_space<vmem>> -> memref<1x128xi32, #tpu.memory_space<vmem>>
        %dma_wait3A_644 = tpu.memref_squeeze %dma_wait3A_643 : memref<1x128xi32, #tpu.memory_space<vmem>> -> memref<128xi32, #tpu.memory_space<vmem>>
        %dma_wait3A_645 = arith.constant 0 : i32
        %dma_wait3A_646 = arith.constant 0 : i32
        %dma_wait3A_647 = tpu.memref_slice %arg2[%dma_wait3A_645, %dma_wait3A_646] : memref<10000x16xf32, #tpu.memory_space<hbm>> -> memref<10000x16xf32, #tpu.memory_space<hbm>>
        tpu.wait_indirect_dma semaphore(%arg16 : memref<!tpu.dma_semaphore, #tpu.memory_space<semaphore_mem>>) src(%dma_wait3A_647 : memref<10000x16xf32, #tpu.memory_space<hbm>>) dst(%dma_wait3A_641 : memref<128x16xf32, #tpu.memory_space<vmem>>)
        %dma_start3A_648 = arith.constant 5 : i32
        %dma_start3A_649 = arith.constant 0 : i32
        %dma_start3A_650 = arith.constant 0 : i32
        %dma_start3A_651 = tpu.memref_slice %arg9[%dma_start3A_648, %dma_start3A_649, %dma_start3A_650] : memref<14x128x16xf32, #tpu.memory_space<vmem>> -> memref<1x128x16xf32, #tpu.memory_space<vmem>>
        %dma_start3A_652 = tpu.memref_squeeze %dma_start3A_651 : memref<1x128x16xf32, #tpu.memory_space<vmem>> -> memref<128x16xf32, #tpu.memory_space<vmem>>
        %dma_start3A_653 = arith.constant 0 : i32
        %dma_start3A_654 = tpu.memref_slice %arg8[%add3A_451, %dma_start3A_653] : memref<79x128xi32, #tpu.memory_space<vmem>> -> memref<1x128xi32, #tpu.memory_space<vmem>>
        %dma_start3A_655 = tpu.memref_squeeze %dma_start3A_654 : memref<1x128xi32, #tpu.memory_space<vmem>> -> memref<128xi32, #tpu.memory_space<vmem>>
        %dma_start3A_656 = arith.constant 0 : i32
        %dma_start3A_657 = arith.constant 0 : i32
        %dma_start3A_658 = tpu.memref_slice %arg10[%dma_start3A_656, %dma_start3A_657] : memref<10000x16xf32, #tpu.memory_space<vmem_shared>> -> memref<10000x16xf32, #tpu.memory_space<vmem_shared>>
        tpu.enqueue_indirect_dma source(%dma_start3A_652 : memref<128x16xf32, #tpu.memory_space<vmem>>) target(%dma_start3A_658 : memref<10000x16xf32, #tpu.memory_space<vmem_shared>>) offsets(%dma_start3A_655 : memref<128xi32, #tpu.memory_space<vmem>>) semaphore(%arg30 : memref<!tpu.dma_semaphore, #tpu.memory_space<semaphore_mem>>) {add = true}
      } else {
      }
      %mul3A_469 = arith.constant 14 : i32
      %mul3A_470 = arith.muli %scan3A_346, %mul3A_469 : i32
      %add3A_471 = arith.constant 6 : i32
      %add3A_472 = arith.addi %mul3A_470, %add3A_471 : i32
      %add3A_473 = arith.constant 10 : i32
      %add3A_474 = arith.addi %add3A_472, %add3A_473 : i32
      %ge3A_475 = arith.constant 14 : i32
      %ge3A_476 = arith.cmpi sge, %add3A_474, %ge3A_475 : i32
      %lt3A_477 = arith.cmpi slt, %add3A_474, %sub3A_47 : i32
      %and3A_478 = arith.andi %ge3A_476, %lt3A_477 : i1
      %convert_element_type3A_479 = arith.extui %and3A_478 : i1 to i32
      %cond3A_480 = arith.constant 0 : i32
      %cond3A_481 = arith.cmpi ne, %convert_element_type3A_479, %cond3A_480 : i32
      scf.if %cond3A_481 {
        %dma_wait3A_637 = arith.constant 2 : i32
        %dma_wait3A_638 = arith.constant 0 : i32
        %dma_wait3A_639 = arith.constant 0 : i32
        %dma_wait3A_640 = arith.constant 0 : i32
        %dma_wait3A_641 = tpu.memref_slice %arg9[%dma_wait3A_637, %dma_wait3A_639, %dma_wait3A_640] : memref<14x128x16xf32, #tpu.memory_space<vmem>> -> memref<1x128x16xf32, #tpu.memory_space<vmem>>
        %dma_wait3A_642 = tpu.memref_squeeze %dma_wait3A_641 : memref<1x128x16xf32, #tpu.memory_space<vmem>> -> memref<128x16xf32, #tpu.memory_space<vmem>>
        %dma_wait3A_643 = arith.constant 0 : i32
        %dma_wait3A_644 = tpu.memref_slice %arg8[%dma_wait3A_638, %dma_wait3A_643] : memref<79x128xi32, #tpu.memory_space<vmem>> -> memref<1x128xi32, #tpu.memory_space<vmem>>
        %dma_wait3A_645 = tpu.memref_squeeze %dma_wait3A_644 : memref<1x128xi32, #tpu.memory_space<vmem>> -> memref<128xi32, #tpu.memory_space<vmem>>
        %dma_wait3A_646 = arith.constant 0 : i32
        %dma_wait3A_647 = arith.constant 0 : i32
        %dma_wait3A_648 = tpu.memref_slice %arg10[%dma_wait3A_646, %dma_wait3A_647] : memref<10000x16xf32, #tpu.memory_space<vmem_shared>> -> memref<10000x16xf32, #tpu.memory_space<vmem_shared>>
        tpu.wait_indirect_dma semaphore(%arg27 : memref<!tpu.dma_semaphore, #tpu.memory_space<semaphore_mem>>) src(%dma_wait3A_642 : memref<128x16xf32, #tpu.memory_space<vmem>>) dst(%dma_wait3A_648 : memref<10000x16xf32, #tpu.memory_space<vmem_shared>>)
      } else {
      }
      %lt3A_482 = arith.cmpi slt, %add3A_474, %sub3A_47 : i32
      %convert_element_type3A_483 = arith.extui %lt3A_482 : i1 to i32
      %cond3A_484 = arith.constant 0 : i32
      %cond3A_485 = arith.cmpi ne, %convert_element_type3A_483, %cond3A_484 : i32
      scf.if %cond3A_485 {
        %dma_start3A_637 = arith.constant 2 : i32
        %dma_start3A_638 = arith.constant 0 : i32
        %dma_start3A_639 = arith.constant 0 : i32
        %dma_start3A_640 = tpu.memref_slice %arg9[%dma_start3A_637, %dma_start3A_638, %dma_start3A_639] : memref<14x128x16xf32, #tpu.memory_space<vmem>> -> memref<1x128x16xf32, #tpu.memory_space<vmem>>
        %dma_start3A_641 = tpu.memref_squeeze %dma_start3A_640 : memref<1x128x16xf32, #tpu.memory_space<vmem>> -> memref<128x16xf32, #tpu.memory_space<vmem>>
        %dma_start3A_642 = arith.constant 0 : i32
        %dma_start3A_643 = tpu.memref_slice %arg7[%add3A_474, %dma_start3A_642] : memref<79x128xi32, #tpu.memory_space<vmem>> -> memref<1x128xi32, #tpu.memory_space<vmem>>
        %dma_start3A_644 = tpu.memref_squeeze %dma_start3A_643 : memref<1x128xi32, #tpu.memory_space<vmem>> -> memref<128xi32, #tpu.memory_space<vmem>>
        %dma_start3A_645 = arith.constant 0 : i32
        %dma_start3A_646 = arith.constant 0 : i32
        %dma_start3A_647 = tpu.memref_slice %arg2[%dma_start3A_645, %dma_start3A_646] : memref<10000x16xf32, #tpu.memory_space<hbm>> -> memref<10000x16xf32, #tpu.memory_space<hbm>>
        tpu.enqueue_indirect_dma source(%dma_start3A_647 : memref<10000x16xf32, #tpu.memory_space<hbm>>) target(%dma_start3A_641 : memref<128x16xf32, #tpu.memory_space<vmem>>) offsets(%dma_start3A_644 : memref<128xi32, #tpu.memory_space<vmem>>) semaphore(%arg13 : memref<!tpu.dma_semaphore, #tpu.memory_space<semaphore_mem>>)
      } else {
      }
      %lt3A_486 = arith.cmpi slt, %add3A_472, %sub3A_47 : i32
      %convert_element_type3A_487 = arith.extui %lt3A_486 : i1 to i32
      %cond3A_488 = arith.constant 0 : i32
      %cond3A_489 = arith.cmpi ne, %convert_element_type3A_487, %cond3A_488 : i32
      scf.if %cond3A_489 {
        %dma_wait3A_637 = arith.constant 6 : i32
        %dma_wait3A_638 = arith.constant 0 : i32
        %dma_wait3A_639 = arith.constant 0 : i32
        %dma_wait3A_640 = tpu.memref_slice %arg9[%dma_wait3A_637, %dma_wait3A_638, %dma_wait3A_639] : memref<14x128x16xf32, #tpu.memory_space<vmem>> -> memref<1x128x16xf32, #tpu.memory_space<vmem>>
        %dma_wait3A_641 = tpu.memref_squeeze %dma_wait3A_640 : memref<1x128x16xf32, #tpu.memory_space<vmem>> -> memref<128x16xf32, #tpu.memory_space<vmem>>
        %dma_wait3A_642 = arith.constant 0 : i32
        %dma_wait3A_643 = tpu.memref_slice %arg7[%add3A_472, %dma_wait3A_642] : memref<79x128xi32, #tpu.memory_space<vmem>> -> memref<1x128xi32, #tpu.memory_space<vmem>>
        %dma_wait3A_644 = tpu.memref_squeeze %dma_wait3A_643 : memref<1x128xi32, #tpu.memory_space<vmem>> -> memref<128xi32, #tpu.memory_space<vmem>>
        %dma_wait3A_645 = arith.constant 0 : i32
        %dma_wait3A_646 = arith.constant 0 : i32
        %dma_wait3A_647 = tpu.memref_slice %arg2[%dma_wait3A_645, %dma_wait3A_646] : memref<10000x16xf32, #tpu.memory_space<hbm>> -> memref<10000x16xf32, #tpu.memory_space<hbm>>
        tpu.wait_indirect_dma semaphore(%arg17 : memref<!tpu.dma_semaphore, #tpu.memory_space<semaphore_mem>>) src(%dma_wait3A_647 : memref<10000x16xf32, #tpu.memory_space<hbm>>) dst(%dma_wait3A_641 : memref<128x16xf32, #tpu.memory_space<vmem>>)
        %dma_start3A_648 = arith.constant 6 : i32
        %dma_start3A_649 = arith.constant 0 : i32
        %dma_start3A_650 = arith.constant 0 : i32
        %dma_start3A_651 = tpu.memref_slice %arg9[%dma_start3A_648, %dma_start3A_649, %dma_start3A_650] : memref<14x128x16xf32, #tpu.memory_space<vmem>> -> memref<1x128x16xf32, #tpu.memory_space<vmem>>
        %dma_start3A_652 = tpu.memref_squeeze %dma_start3A_651 : memref<1x128x16xf32, #tpu.memory_space<vmem>> -> memref<128x16xf32, #tpu.memory_space<vmem>>
        %dma_start3A_653 = arith.constant 0 : i32
        %dma_start3A_654 = tpu.memref_slice %arg8[%add3A_472, %dma_start3A_653] : memref<79x128xi32, #tpu.memory_space<vmem>> -> memref<1x128xi32, #tpu.memory_space<vmem>>
        %dma_start3A_655 = tpu.memref_squeeze %dma_start3A_654 : memref<1x128xi32, #tpu.memory_space<vmem>> -> memref<128xi32, #tpu.memory_space<vmem>>
        %dma_start3A_656 = arith.constant 0 : i32
        %dma_start3A_657 = arith.constant 0 : i32
        %dma_start3A_658 = tpu.memref_slice %arg10[%dma_start3A_656, %dma_start3A_657] : memref<10000x16xf32, #tpu.memory_space<vmem_shared>> -> memref<10000x16xf32, #tpu.memory_space<vmem_shared>>
        tpu.enqueue_indirect_dma source(%dma_start3A_652 : memref<128x16xf32, #tpu.memory_space<vmem>>) target(%dma_start3A_658 : memref<10000x16xf32, #tpu.memory_space<vmem_shared>>) offsets(%dma_start3A_655 : memref<128xi32, #tpu.memory_space<vmem>>) semaphore(%arg31 : memref<!tpu.dma_semaphore, #tpu.memory_space<semaphore_mem>>) {add = true}
      } else {
      }
      %mul3A_490 = arith.constant 14 : i32
      %mul3A_491 = arith.muli %scan3A_346, %mul3A_490 : i32
      %add3A_492 = arith.constant 7 : i32
      %add3A_493 = arith.addi %mul3A_491, %add3A_492 : i32
      %add3A_494 = arith.constant 10 : i32
      %add3A_495 = arith.addi %add3A_493, %add3A_494 : i32
      %ge3A_496 = arith.constant 14 : i32
      %ge3A_497 = arith.cmpi sge, %add3A_495, %ge3A_496 : i32
      %lt3A_498 = arith.cmpi slt, %add3A_495, %sub3A_47 : i32
      %and3A_499 = arith.andi %ge3A_497, %lt3A_498 : i1
      %convert_element_type3A_500 = arith.extui %and3A_499 : i1 to i32
      %cond3A_501 = arith.constant 0 : i32
      %cond3A_502 = arith.cmpi ne, %convert_element_type3A_500, %cond3A_501 : i32
      scf.if %cond3A_502 {
        %dma_wait3A_637 = arith.constant 3 : i32
        %dma_wait3A_638 = arith.constant 0 : i32
        %dma_wait3A_639 = arith.constant 0 : i32
        %dma_wait3A_640 = arith.constant 0 : i32
        %dma_wait3A_641 = tpu.memref_slice %arg9[%dma_wait3A_637, %dma_wait3A_639, %dma_wait3A_640] : memref<14x128x16xf32, #tpu.memory_space<vmem>> -> memref<1x128x16xf32, #tpu.memory_space<vmem>>
        %dma_wait3A_642 = tpu.memref_squeeze %dma_wait3A_641 : memref<1x128x16xf32, #tpu.memory_space<vmem>> -> memref<128x16xf32, #tpu.memory_space<vmem>>
        %dma_wait3A_643 = arith.constant 0 : i32
        %dma_wait3A_644 = tpu.memref_slice %arg8[%dma_wait3A_638, %dma_wait3A_643] : memref<79x128xi32, #tpu.memory_space<vmem>> -> memref<1x128xi32, #tpu.memory_space<vmem>>
        %dma_wait3A_645 = tpu.memref_squeeze %dma_wait3A_644 : memref<1x128xi32, #tpu.memory_space<vmem>> -> memref<128xi32, #tpu.memory_space<vmem>>
        %dma_wait3A_646 = arith.constant 0 : i32
        %dma_wait3A_647 = arith.constant 0 : i32
        %dma_wait3A_648 = tpu.memref_slice %arg10[%dma_wait3A_646, %dma_wait3A_647] : memref<10000x16xf32, #tpu.memory_space<vmem_shared>> -> memref<10000x16xf32, #tpu.memory_space<vmem_shared>>
        tpu.wait_indirect_dma semaphore(%arg28 : memref<!tpu.dma_semaphore, #tpu.memory_space<semaphore_mem>>) src(%dma_wait3A_642 : memref<128x16xf32, #tpu.memory_space<vmem>>) dst(%dma_wait3A_648 : memref<10000x16xf32, #tpu.memory_space<vmem_shared>>)
      } else {
      }
      %lt3A_503 = arith.cmpi slt, %add3A_495, %sub3A_47 : i32
      %convert_element_type3A_504 = arith.extui %lt3A_503 : i1 to i32
      %cond3A_505 = arith.constant 0 : i32
      %cond3A_506 = arith.cmpi ne, %convert_element_type3A_504, %cond3A_505 : i32
      scf.if %cond3A_506 {
        %dma_start3A_637 = arith.constant 3 : i32
        %dma_start3A_638 = arith.constant 0 : i32
        %dma_start3A_639 = arith.constant 0 : i32
        %dma_start3A_640 = tpu.memref_slice %arg9[%dma_start3A_637, %dma_start3A_638, %dma_start3A_639] : memref<14x128x16xf32, #tpu.memory_space<vmem>> -> memref<1x128x16xf32, #tpu.memory_space<vmem>>
        %dma_start3A_641 = tpu.memref_squeeze %dma_start3A_640 : memref<1x128x16xf32, #tpu.memory_space<vmem>> -> memref<128x16xf32, #tpu.memory_space<vmem>>
        %dma_start3A_642 = arith.constant 0 : i32
        %dma_start3A_643 = tpu.memref_slice %arg7[%add3A_495, %dma_start3A_642] : memref<79x128xi32, #tpu.memory_space<vmem>> -> memref<1x128xi32, #tpu.memory_space<vmem>>
        %dma_start3A_644 = tpu.memref_squeeze %dma_start3A_643 : memref<1x128xi32, #tpu.memory_space<vmem>> -> memref<128xi32, #tpu.memory_space<vmem>>
        %dma_start3A_645 = arith.constant 0 : i32
        %dma_start3A_646 = arith.constant 0 : i32
        %dma_start3A_647 = tpu.memref_slice %arg2[%dma_start3A_645, %dma_start3A_646] : memref<10000x16xf32, #tpu.memory_space<hbm>> -> memref<10000x16xf32, #tpu.memory_space<hbm>>
        tpu.enqueue_indirect_dma source(%dma_start3A_647 : memref<10000x16xf32, #tpu.memory_space<hbm>>) target(%dma_start3A_641 : memref<128x16xf32, #tpu.memory_space<vmem>>) offsets(%dma_start3A_644 : memref<128xi32, #tpu.memory_space<vmem>>) semaphore(%arg14 : memref<!tpu.dma_semaphore, #tpu.memory_space<semaphore_mem>>)
      } else {
      }
      %lt3A_507 = arith.cmpi slt, %add3A_493, %sub3A_47 : i32
      %convert_element_type3A_508 = arith.extui %lt3A_507 : i1 to i32
      %cond3A_509 = arith.constant 0 : i32
      %cond3A_510 = arith.cmpi ne, %convert_element_type3A_508, %cond3A_509 : i32
      scf.if %cond3A_510 {
        %dma_wait3A_637 = arith.constant 7 : i32
        %dma_wait3A_638 = arith.constant 0 : i32
        %dma_wait3A_639 = arith.constant 0 : i32
        %dma_wait3A_640 = tpu.memref_slice %arg9[%dma_wait3A_637, %dma_wait3A_638, %dma_wait3A_639] : memref<14x128x16xf32, #tpu.memory_space<vmem>> -> memref<1x128x16xf32, #tpu.memory_space<vmem>>
        %dma_wait3A_641 = tpu.memref_squeeze %dma_wait3A_640 : memref<1x128x16xf32, #tpu.memory_space<vmem>> -> memref<128x16xf32, #tpu.memory_space<vmem>>
        %dma_wait3A_642 = arith.constant 0 : i32
        %dma_wait3A_643 = tpu.memref_slice %arg7[%add3A_493, %dma_wait3A_642] : memref<79x128xi32, #tpu.memory_space<vmem>> -> memref<1x128xi32, #tpu.memory_space<vmem>>
        %dma_wait3A_644 = tpu.memref_squeeze %dma_wait3A_643 : memref<1x128xi32, #tpu.memory_space<vmem>> -> memref<128xi32, #tpu.memory_space<vmem>>
        %dma_wait3A_645 = arith.constant 0 : i32
        %dma_wait3A_646 = arith.constant 0 : i32
        %dma_wait3A_647 = tpu.memref_slice %arg2[%dma_wait3A_645, %dma_wait3A_646] : memref<10000x16xf32, #tpu.memory_space<hbm>> -> memref<10000x16xf32, #tpu.memory_space<hbm>>
        tpu.wait_indirect_dma semaphore(%arg18 : memref<!tpu.dma_semaphore, #tpu.memory_space<semaphore_mem>>) src(%dma_wait3A_647 : memref<10000x16xf32, #tpu.memory_space<hbm>>) dst(%dma_wait3A_641 : memref<128x16xf32, #tpu.memory_space<vmem>>)
        %dma_start3A_648 = arith.constant 7 : i32
        %dma_start3A_649 = arith.constant 0 : i32
        %dma_start3A_650 = arith.constant 0 : i32
        %dma_start3A_651 = tpu.memref_slice %arg9[%dma_start3A_648, %dma_start3A_649, %dma_start3A_650] : memref<14x128x16xf32, #tpu.memory_space<vmem>> -> memref<1x128x16xf32, #tpu.memory_space<vmem>>
        %dma_start3A_652 = tpu.memref_squeeze %dma_start3A_651 : memref<1x128x16xf32, #tpu.memory_space<vmem>> -> memref<128x16xf32, #tpu.memory_space<vmem>>
        %dma_start3A_653 = arith.constant 0 : i32
        %dma_start3A_654 = tpu.memref_slice %arg8[%add3A_493, %dma_start3A_653] : memref<79x128xi32, #tpu.memory_space<vmem>> -> memref<1x128xi32, #tpu.memory_space<vmem>>
        %dma_start3A_655 = tpu.memref_squeeze %dma_start3A_654 : memref<1x128xi32, #tpu.memory_space<vmem>> -> memref<128xi32, #tpu.memory_space<vmem>>
        %dma_start3A_656 = arith.constant 0 : i32
        %dma_start3A_657 = arith.constant 0 : i32
        %dma_start3A_658 = tpu.memref_slice %arg10[%dma_start3A_656, %dma_start3A_657] : memref<10000x16xf32, #tpu.memory_space<vmem_shared>> -> memref<10000x16xf32, #tpu.memory_space<vmem_shared>>
        tpu.enqueue_indirect_dma source(%dma_start3A_652 : memref<128x16xf32, #tpu.memory_space<vmem>>) target(%dma_start3A_658 : memref<10000x16xf32, #tpu.memory_space<vmem_shared>>) offsets(%dma_start3A_655 : memref<128xi32, #tpu.memory_space<vmem>>) semaphore(%arg32 : memref<!tpu.dma_semaphore, #tpu.memory_space<semaphore_mem>>) {add = true}
      } else {
      }
      %mul3A_511 = arith.constant 14 : i32
      %mul3A_512 = arith.muli %scan3A_346, %mul3A_511 : i32
      %add3A_513 = arith.constant 8 : i32
      %add3A_514 = arith.addi %mul3A_512, %add3A_513 : i32
      %add3A_515 = arith.constant 10 : i32
      %add3A_516 = arith.addi %add3A_514, %add3A_515 : i32
      %ge3A_517 = arith.constant 14 : i32
      %ge3A_518 = arith.cmpi sge, %add3A_516, %ge3A_517 : i32
      %lt3A_519 = arith.cmpi slt, %add3A_516, %sub3A_47 : i32
      %and3A_520 = arith.andi %ge3A_518, %lt3A_519 : i1
      %convert_element_type3A_521 = arith.extui %and3A_520 : i1 to i32
      %cond3A_522 = arith.constant 0 : i32
      %cond3A_523 = arith.cmpi ne, %convert_element_type3A_521, %cond3A_522 : i32
      scf.if %cond3A_523 {
        %dma_wait3A_637 = arith.constant 4 : i32
        %dma_wait3A_638 = arith.constant 0 : i32
        %dma_wait3A_639 = arith.constant 0 : i32
        %dma_wait3A_640 = arith.constant 0 : i32
        %dma_wait3A_641 = tpu.memref_slice %arg9[%dma_wait3A_637, %dma_wait3A_639, %dma_wait3A_640] : memref<14x128x16xf32, #tpu.memory_space<vmem>> -> memref<1x128x16xf32, #tpu.memory_space<vmem>>
        %dma_wait3A_642 = tpu.memref_squeeze %dma_wait3A_641 : memref<1x128x16xf32, #tpu.memory_space<vmem>> -> memref<128x16xf32, #tpu.memory_space<vmem>>
        %dma_wait3A_643 = arith.constant 0 : i32
        %dma_wait3A_644 = tpu.memref_slice %arg8[%dma_wait3A_638, %dma_wait3A_643] : memref<79x128xi32, #tpu.memory_space<vmem>> -> memref<1x128xi32, #tpu.memory_space<vmem>>
        %dma_wait3A_645 = tpu.memref_squeeze %dma_wait3A_644 : memref<1x128xi32, #tpu.memory_space<vmem>> -> memref<128xi32, #tpu.memory_space<vmem>>
        %dma_wait3A_646 = arith.constant 0 : i32
        %dma_wait3A_647 = arith.constant 0 : i32
        %dma_wait3A_648 = tpu.memref_slice %arg10[%dma_wait3A_646, %dma_wait3A_647] : memref<10000x16xf32, #tpu.memory_space<vmem_shared>> -> memref<10000x16xf32, #tpu.memory_space<vmem_shared>>
        tpu.wait_indirect_dma semaphore(%arg29 : memref<!tpu.dma_semaphore, #tpu.memory_space<semaphore_mem>>) src(%dma_wait3A_642 : memref<128x16xf32, #tpu.memory_space<vmem>>) dst(%dma_wait3A_648 : memref<10000x16xf32, #tpu.memory_space<vmem_shared>>)
      } else {
      }
      %lt3A_524 = arith.cmpi slt, %add3A_516, %sub3A_47 : i32
      %convert_element_type3A_525 = arith.extui %lt3A_524 : i1 to i32
      %cond3A_526 = arith.constant 0 : i32
      %cond3A_527 = arith.cmpi ne, %convert_element_type3A_525, %cond3A_526 : i32
      scf.if %cond3A_527 {
        %dma_start3A_637 = arith.constant 4 : i32
        %dma_start3A_638 = arith.constant 0 : i32
        %dma_start3A_639 = arith.constant 0 : i32
        %dma_start3A_640 = tpu.memref_slice %arg9[%dma_start3A_637, %dma_start3A_638, %dma_start3A_639] : memref<14x128x16xf32, #tpu.memory_space<vmem>> -> memref<1x128x16xf32, #tpu.memory_space<vmem>>
        %dma_start3A_641 = tpu.memref_squeeze %dma_start3A_640 : memref<1x128x16xf32, #tpu.memory_space<vmem>> -> memref<128x16xf32, #tpu.memory_space<vmem>>
        %dma_start3A_642 = arith.constant 0 : i32
        %dma_start3A_643 = tpu.memref_slice %arg7[%add3A_516, %dma_start3A_642] : memref<79x128xi32, #tpu.memory_space<vmem>> -> memref<1x128xi32, #tpu.memory_space<vmem>>
        %dma_start3A_644 = tpu.memref_squeeze %dma_start3A_643 : memref<1x128xi32, #tpu.memory_space<vmem>> -> memref<128xi32, #tpu.memory_space<vmem>>
        %dma_start3A_645 = arith.constant 0 : i32
        %dma_start3A_646 = arith.constant 0 : i32
        %dma_start3A_647 = tpu.memref_slice %arg2[%dma_start3A_645, %dma_start3A_646] : memref<10000x16xf32, #tpu.memory_space<hbm>> -> memref<10000x16xf32, #tpu.memory_space<hbm>>
        tpu.enqueue_indirect_dma source(%dma_start3A_647 : memref<10000x16xf32, #tpu.memory_space<hbm>>) target(%dma_start3A_641 : memref<128x16xf32, #tpu.memory_space<vmem>>) offsets(%dma_start3A_644 : memref<128xi32, #tpu.memory_space<vmem>>) semaphore(%arg15 : memref<!tpu.dma_semaphore, #tpu.memory_space<semaphore_mem>>)
      } else {
      }
      %lt3A_528 = arith.cmpi slt, %add3A_514, %sub3A_47 : i32
      %convert_element_type3A_529 = arith.extui %lt3A_528 : i1 to i32
      %cond3A_530 = arith.constant 0 : i32
      %cond3A_531 = arith.cmpi ne, %convert_element_type3A_529, %cond3A_530 : i32
      scf.if %cond3A_531 {
        %dma_wait3A_637 = arith.constant 8 : i32
        %dma_wait3A_638 = arith.constant 0 : i32
        %dma_wait3A_639 = arith.constant 0 : i32
        %dma_wait3A_640 = tpu.memref_slice %arg9[%dma_wait3A_637, %dma_wait3A_638, %dma_wait3A_639] : memref<14x128x16xf32, #tpu.memory_space<vmem>> -> memref<1x128x16xf32, #tpu.memory_space<vmem>>
        %dma_wait3A_641 = tpu.memref_squeeze %dma_wait3A_640 : memref<1x128x16xf32, #tpu.memory_space<vmem>> -> memref<128x16xf32, #tpu.memory_space<vmem>>
        %dma_wait3A_642 = arith.constant 0 : i32
        %dma_wait3A_643 = tpu.memref_slice %arg7[%add3A_514, %dma_wait3A_642] : memref<79x128xi32, #tpu.memory_space<vmem>> -> memref<1x128xi32, #tpu.memory_space<vmem>>
        %dma_wait3A_644 = tpu.memref_squeeze %dma_wait3A_643 : memref<1x128xi32, #tpu.memory_space<vmem>> -> memref<128xi32, #tpu.memory_space<vmem>>
        %dma_wait3A_645 = arith.constant 0 : i32
        %dma_wait3A_646 = arith.constant 0 : i32
        %dma_wait3A_647 = tpu.memref_slice %arg2[%dma_wait3A_645, %dma_wait3A_646] : memref<10000x16xf32, #tpu.memory_space<hbm>> -> memref<10000x16xf32, #tpu.memory_space<hbm>>
        tpu.wait_indirect_dma semaphore(%arg19 : memref<!tpu.dma_semaphore, #tpu.memory_space<semaphore_mem>>) src(%dma_wait3A_647 : memref<10000x16xf32, #tpu.memory_space<hbm>>) dst(%dma_wait3A_641 : memref<128x16xf32, #tpu.memory_space<vmem>>)
        %dma_start3A_648 = arith.constant 8 : i32
        %dma_start3A_649 = arith.constant 0 : i32
        %dma_start3A_650 = arith.constant 0 : i32
        %dma_start3A_651 = tpu.memref_slice %arg9[%dma_start3A_648, %dma_start3A_649, %dma_start3A_650] : memref<14x128x16xf32, #tpu.memory_space<vmem>> -> memref<1x128x16xf32, #tpu.memory_space<vmem>>
        %dma_start3A_652 = tpu.memref_squeeze %dma_start3A_651 : memref<1x128x16xf32, #tpu.memory_space<vmem>> -> memref<128x16xf32, #tpu.memory_space<vmem>>
        %dma_start3A_653 = arith.constant 0 : i32
        %dma_start3A_654 = tpu.memref_slice %arg8[%add3A_514, %dma_start3A_653] : memref<79x128xi32, #tpu.memory_space<vmem>> -> memref<1x128xi32, #tpu.memory_space<vmem>>
        %dma_start3A_655 = tpu.memref_squeeze %dma_start3A_654 : memref<1x128xi32, #tpu.memory_space<vmem>> -> memref<128xi32, #tpu.memory_space<vmem>>
        %dma_start3A_656 = arith.constant 0 : i32
        %dma_start3A_657 = arith.constant 0 : i32
        %dma_start3A_658 = tpu.memref_slice %arg10[%dma_start3A_656, %dma_start3A_657] : memref<10000x16xf32, #tpu.memory_space<vmem_shared>> -> memref<10000x16xf32, #tpu.memory_space<vmem_shared>>
        tpu.enqueue_indirect_dma source(%dma_start3A_652 : memref<128x16xf32, #tpu.memory_space<vmem>>) target(%dma_start3A_658 : memref<10000x16xf32, #tpu.memory_space<vmem_shared>>) offsets(%dma_start3A_655 : memref<128xi32, #tpu.memory_space<vmem>>) semaphore(%arg33 : memref<!tpu.dma_semaphore, #tpu.memory_space<semaphore_mem>>) {add = true}
      } else {
      }
      %mul3A_532 = arith.constant 14 : i32
      %mul3A_533 = arith.muli %scan3A_346, %mul3A_532 : i32
      %add3A_534 = arith.constant 9 : i32
      %add3A_535 = arith.addi %mul3A_533, %add3A_534 : i32
      %add3A_536 = arith.constant 10 : i32
      %add3A_537 = arith.addi %add3A_535, %add3A_536 : i32
      %ge3A_538 = arith.constant 14 : i32
      %ge3A_539 = arith.cmpi sge, %add3A_537, %ge3A_538 : i32
      %lt3A_540 = arith.cmpi slt, %add3A_537, %sub3A_47 : i32
      %and3A_541 = arith.andi %ge3A_539, %lt3A_540 : i1
      %convert_element_type3A_542 = arith.extui %and3A_541 : i1 to i32
      %cond3A_543 = arith.constant 0 : i32
      %cond3A_544 = arith.cmpi ne, %convert_element_type3A_542, %cond3A_543 : i32
      scf.if %cond3A_544 {
        %dma_wait3A_637 = arith.constant 5 : i32
        %dma_wait3A_638 = arith.constant 0 : i32
        %dma_wait3A_639 = arith.constant 0 : i32
        %dma_wait3A_640 = arith.constant 0 : i32
        %dma_wait3A_641 = tpu.memref_slice %arg9[%dma_wait3A_637, %dma_wait3A_639, %dma_wait3A_640] : memref<14x128x16xf32, #tpu.memory_space<vmem>> -> memref<1x128x16xf32, #tpu.memory_space<vmem>>
        %dma_wait3A_642 = tpu.memref_squeeze %dma_wait3A_641 : memref<1x128x16xf32, #tpu.memory_space<vmem>> -> memref<128x16xf32, #tpu.memory_space<vmem>>
        %dma_wait3A_643 = arith.constant 0 : i32
        %dma_wait3A_644 = tpu.memref_slice %arg8[%dma_wait3A_638, %dma_wait3A_643] : memref<79x128xi32, #tpu.memory_space<vmem>> -> memref<1x128xi32, #tpu.memory_space<vmem>>
        %dma_wait3A_645 = tpu.memref_squeeze %dma_wait3A_644 : memref<1x128xi32, #tpu.memory_space<vmem>> -> memref<128xi32, #tpu.memory_space<vmem>>
        %dma_wait3A_646 = arith.constant 0 : i32
        %dma_wait3A_647 = arith.constant 0 : i32
        %dma_wait3A_648 = tpu.memref_slice %arg10[%dma_wait3A_646, %dma_wait3A_647] : memref<10000x16xf32, #tpu.memory_space<vmem_shared>> -> memref<10000x16xf32, #tpu.memory_space<vmem_shared>>
        tpu.wait_indirect_dma semaphore(%arg30 : memref<!tpu.dma_semaphore, #tpu.memory_space<semaphore_mem>>) src(%dma_wait3A_642 : memref<128x16xf32, #tpu.memory_space<vmem>>) dst(%dma_wait3A_648 : memref<10000x16xf32, #tpu.memory_space<vmem_shared>>)
      } else {
      }
      %lt3A_545 = arith.cmpi slt, %add3A_537, %sub3A_47 : i32
      %convert_element_type3A_546 = arith.extui %lt3A_545 : i1 to i32
      %cond3A_547 = arith.constant 0 : i32
      %cond3A_548 = arith.cmpi ne, %convert_element_type3A_546, %cond3A_547 : i32
      scf.if %cond3A_548 {
        %dma_start3A_637 = arith.constant 5 : i32
        %dma_start3A_638 = arith.constant 0 : i32
        %dma_start3A_639 = arith.constant 0 : i32
        %dma_start3A_640 = tpu.memref_slice %arg9[%dma_start3A_637, %dma_start3A_638, %dma_start3A_639] : memref<14x128x16xf32, #tpu.memory_space<vmem>> -> memref<1x128x16xf32, #tpu.memory_space<vmem>>
        %dma_start3A_641 = tpu.memref_squeeze %dma_start3A_640 : memref<1x128x16xf32, #tpu.memory_space<vmem>> -> memref<128x16xf32, #tpu.memory_space<vmem>>
        %dma_start3A_642 = arith.constant 0 : i32
        %dma_start3A_643 = tpu.memref_slice %arg7[%add3A_537, %dma_start3A_642] : memref<79x128xi32, #tpu.memory_space<vmem>> -> memref<1x128xi32, #tpu.memory_space<vmem>>
        %dma_start3A_644 = tpu.memref_squeeze %dma_start3A_643 : memref<1x128xi32, #tpu.memory_space<vmem>> -> memref<128xi32, #tpu.memory_space<vmem>>
        %dma_start3A_645 = arith.constant 0 : i32
        %dma_start3A_646 = arith.constant 0 : i32
        %dma_start3A_647 = tpu.memref_slice %arg2[%dma_start3A_645, %dma_start3A_646] : memref<10000x16xf32, #tpu.memory_space<hbm>> -> memref<10000x16xf32, #tpu.memory_space<hbm>>
        tpu.enqueue_indirect_dma source(%dma_start3A_647 : memref<10000x16xf32, #tpu.memory_space<hbm>>) target(%dma_start3A_641 : memref<128x16xf32, #tpu.memory_space<vmem>>) offsets(%dma_start3A_644 : memref<128xi32, #tpu.memory_space<vmem>>) semaphore(%arg16 : memref<!tpu.dma_semaphore, #tpu.memory_space<semaphore_mem>>)
      } else {
      }
      %lt3A_549 = arith.cmpi slt, %add3A_535, %sub3A_47 : i32
      %convert_element_type3A_550 = arith.extui %lt3A_549 : i1 to i32
      %cond3A_551 = arith.constant 0 : i32
      %cond3A_552 = arith.cmpi ne, %convert_element_type3A_550, %cond3A_551 : i32
      scf.if %cond3A_552 {
        %dma_wait3A_637 = arith.constant 9 : i32
        %dma_wait3A_638 = arith.constant 0 : i32
        %dma_wait3A_639 = arith.constant 0 : i32
        %dma_wait3A_640 = tpu.memref_slice %arg9[%dma_wait3A_637, %dma_wait3A_638, %dma_wait3A_639] : memref<14x128x16xf32, #tpu.memory_space<vmem>> -> memref<1x128x16xf32, #tpu.memory_space<vmem>>
        %dma_wait3A_641 = tpu.memref_squeeze %dma_wait3A_640 : memref<1x128x16xf32, #tpu.memory_space<vmem>> -> memref<128x16xf32, #tpu.memory_space<vmem>>
        %dma_wait3A_642 = arith.constant 0 : i32
        %dma_wait3A_643 = tpu.memref_slice %arg7[%add3A_535, %dma_wait3A_642] : memref<79x128xi32, #tpu.memory_space<vmem>> -> memref<1x128xi32, #tpu.memory_space<vmem>>
        %dma_wait3A_644 = tpu.memref_squeeze %dma_wait3A_643 : memref<1x128xi32, #tpu.memory_space<vmem>> -> memref<128xi32, #tpu.memory_space<vmem>>
        %dma_wait3A_645 = arith.constant 0 : i32
        %dma_wait3A_646 = arith.constant 0 : i32
        %dma_wait3A_647 = tpu.memref_slice %arg2[%dma_wait3A_645, %dma_wait3A_646] : memref<10000x16xf32, #tpu.memory_space<hbm>> -> memref<10000x16xf32, #tpu.memory_space<hbm>>
        tpu.wait_indirect_dma semaphore(%arg20 : memref<!tpu.dma_semaphore, #tpu.memory_space<semaphore_mem>>) src(%dma_wait3A_647 : memref<10000x16xf32, #tpu.memory_space<hbm>>) dst(%dma_wait3A_641 : memref<128x16xf32, #tpu.memory_space<vmem>>)
        %dma_start3A_648 = arith.constant 9 : i32
        %dma_start3A_649 = arith.constant 0 : i32
        %dma_start3A_650 = arith.constant 0 : i32
        %dma_start3A_651 = tpu.memref_slice %arg9[%dma_start3A_648, %dma_start3A_649, %dma_start3A_650] : memref<14x128x16xf32, #tpu.memory_space<vmem>> -> memref<1x128x16xf32, #tpu.memory_space<vmem>>
        %dma_start3A_652 = tpu.memref_squeeze %dma_start3A_651 : memref<1x128x16xf32, #tpu.memory_space<vmem>> -> memref<128x16xf32, #tpu.memory_space<vmem>>
        %dma_start3A_653 = arith.constant 0 : i32
        %dma_start3A_654 = tpu.memref_slice %arg8[%add3A_535, %dma_start3A_653] : memref<79x128xi32, #tpu.memory_space<vmem>> -> memref<1x128xi32, #tpu.memory_space<vmem>>
        %dma_start3A_655 = tpu.memref_squeeze %dma_start3A_654 : memref<1x128xi32, #tpu.memory_space<vmem>> -> memref<128xi32, #tpu.memory_space<vmem>>
        %dma_start3A_656 = arith.constant 0 : i32
        %dma_start3A_657 = arith.constant 0 : i32
        %dma_start3A_658 = tpu.memref_slice %arg10[%dma_start3A_656, %dma_start3A_657] : memref<10000x16xf32, #tpu.memory_space<vmem_shared>> -> memref<10000x16xf32, #tpu.memory_space<vmem_shared>>
        tpu.enqueue_indirect_dma source(%dma_start3A_652 : memref<128x16xf32, #tpu.memory_space<vmem>>) target(%dma_start3A_658 : memref<10000x16xf32, #tpu.memory_space<vmem_shared>>) offsets(%dma_start3A_655 : memref<128xi32, #tpu.memory_space<vmem>>) semaphore(%arg34 : memref<!tpu.dma_semaphore, #tpu.memory_space<semaphore_mem>>) {add = true}
      } else {
      }
      %mul3A_553 = arith.constant 14 : i32
      %mul3A_554 = arith.muli %scan3A_346, %mul3A_553 : i32
      %add3A_555 = arith.constant 10 : i32
      %add3A_556 = arith.addi %mul3A_554, %add3A_555 : i32
      %add3A_557 = arith.constant 10 : i32
      %add3A_558 = arith.addi %add3A_556, %add3A_557 : i32
      %ge3A_559 = arith.constant 14 : i32
      %ge3A_560 = arith.cmpi sge, %add3A_558, %ge3A_559 : i32
      %lt3A_561 = arith.cmpi slt, %add3A_558, %sub3A_47 : i32
      %and3A_562 = arith.andi %ge3A_560, %lt3A_561 : i1
      %convert_element_type3A_563 = arith.extui %and3A_562 : i1 to i32
      %cond3A_564 = arith.constant 0 : i32
      %cond3A_565 = arith.cmpi ne, %convert_element_type3A_563, %cond3A_564 : i32
      scf.if %cond3A_565 {
        %dma_wait3A_637 = arith.constant 6 : i32
        %dma_wait3A_638 = arith.constant 0 : i32
        %dma_wait3A_639 = arith.constant 0 : i32
        %dma_wait3A_640 = arith.constant 0 : i32
        %dma_wait3A_641 = tpu.memref_slice %arg9[%dma_wait3A_637, %dma_wait3A_639, %dma_wait3A_640] : memref<14x128x16xf32, #tpu.memory_space<vmem>> -> memref<1x128x16xf32, #tpu.memory_space<vmem>>
        %dma_wait3A_642 = tpu.memref_squeeze %dma_wait3A_641 : memref<1x128x16xf32, #tpu.memory_space<vmem>> -> memref<128x16xf32, #tpu.memory_space<vmem>>
        %dma_wait3A_643 = arith.constant 0 : i32
        %dma_wait3A_644 = tpu.memref_slice %arg8[%dma_wait3A_638, %dma_wait3A_643] : memref<79x128xi32, #tpu.memory_space<vmem>> -> memref<1x128xi32, #tpu.memory_space<vmem>>
        %dma_wait3A_645 = tpu.memref_squeeze %dma_wait3A_644 : memref<1x128xi32, #tpu.memory_space<vmem>> -> memref<128xi32, #tpu.memory_space<vmem>>
        %dma_wait3A_646 = arith.constant 0 : i32
        %dma_wait3A_647 = arith.constant 0 : i32
        %dma_wait3A_648 = tpu.memref_slice %arg10[%dma_wait3A_646, %dma_wait3A_647] : memref<10000x16xf32, #tpu.memory_space<vmem_shared>> -> memref<10000x16xf32, #tpu.memory_space<vmem_shared>>
        tpu.wait_indirect_dma semaphore(%arg31 : memref<!tpu.dma_semaphore, #tpu.memory_space<semaphore_mem>>) src(%dma_wait3A_642 : memref<128x16xf32, #tpu.memory_space<vmem>>) dst(%dma_wait3A_648 : memref<10000x16xf32, #tpu.memory_space<vmem_shared>>)
      } else {
      }
      %lt3A_566 = arith.cmpi slt, %add3A_558, %sub3A_47 : i32
      %convert_element_type3A_567 = arith.extui %lt3A_566 : i1 to i32
      %cond3A_568 = arith.constant 0 : i32
      %cond3A_569 = arith.cmpi ne, %convert_element_type3A_567, %cond3A_568 : i32
      scf.if %cond3A_569 {
        %dma_start3A_637 = arith.constant 6 : i32
        %dma_start3A_638 = arith.constant 0 : i32
        %dma_start3A_639 = arith.constant 0 : i32
        %dma_start3A_640 = tpu.memref_slice %arg9[%dma_start3A_637, %dma_start3A_638, %dma_start3A_639] : memref<14x128x16xf32, #tpu.memory_space<vmem>> -> memref<1x128x16xf32, #tpu.memory_space<vmem>>
        %dma_start3A_641 = tpu.memref_squeeze %dma_start3A_640 : memref<1x128x16xf32, #tpu.memory_space<vmem>> -> memref<128x16xf32, #tpu.memory_space<vmem>>
        %dma_start3A_642 = arith.constant 0 : i32
        %dma_start3A_643 = tpu.memref_slice %arg7[%add3A_558, %dma_start3A_642] : memref<79x128xi32, #tpu.memory_space<vmem>> -> memref<1x128xi32, #tpu.memory_space<vmem>>
        %dma_start3A_644 = tpu.memref_squeeze %dma_start3A_643 : memref<1x128xi32, #tpu.memory_space<vmem>> -> memref<128xi32, #tpu.memory_space<vmem>>
        %dma_start3A_645 = arith.constant 0 : i32
        %dma_start3A_646 = arith.constant 0 : i32
        %dma_start3A_647 = tpu.memref_slice %arg2[%dma_start3A_645, %dma_start3A_646] : memref<10000x16xf32, #tpu.memory_space<hbm>> -> memref<10000x16xf32, #tpu.memory_space<hbm>>
        tpu.enqueue_indirect_dma source(%dma_start3A_647 : memref<10000x16xf32, #tpu.memory_space<hbm>>) target(%dma_start3A_641 : memref<128x16xf32, #tpu.memory_space<vmem>>) offsets(%dma_start3A_644 : memref<128xi32, #tpu.memory_space<vmem>>) semaphore(%arg17 : memref<!tpu.dma_semaphore, #tpu.memory_space<semaphore_mem>>)
      } else {
      }
      %lt3A_570 = arith.cmpi slt, %add3A_556, %sub3A_47 : i32
      %convert_element_type3A_571 = arith.extui %lt3A_570 : i1 to i32
      %cond3A_572 = arith.constant 0 : i32
      %cond3A_573 = arith.cmpi ne, %convert_element_type3A_571, %cond3A_572 : i32
      scf.if %cond3A_573 {
        %dma_wait3A_637 = arith.constant 10 : i32
        %dma_wait3A_638 = arith.constant 0 : i32
        %dma_wait3A_639 = arith.constant 0 : i32
        %dma_wait3A_640 = tpu.memref_slice %arg9[%dma_wait3A_637, %dma_wait3A_638, %dma_wait3A_639] : memref<14x128x16xf32, #tpu.memory_space<vmem>> -> memref<1x128x16xf32, #tpu.memory_space<vmem>>
        %dma_wait3A_641 = tpu.memref_squeeze %dma_wait3A_640 : memref<1x128x16xf32, #tpu.memory_space<vmem>> -> memref<128x16xf32, #tpu.memory_space<vmem>>
        %dma_wait3A_642 = arith.constant 0 : i32
        %dma_wait3A_643 = tpu.memref_slice %arg7[%add3A_556, %dma_wait3A_642] : memref<79x128xi32, #tpu.memory_space<vmem>> -> memref<1x128xi32, #tpu.memory_space<vmem>>
        %dma_wait3A_644 = tpu.memref_squeeze %dma_wait3A_643 : memref<1x128xi32, #tpu.memory_space<vmem>> -> memref<128xi32, #tpu.memory_space<vmem>>
        %dma_wait3A_645 = arith.constant 0 : i32
        %dma_wait3A_646 = arith.constant 0 : i32
        %dma_wait3A_647 = tpu.memref_slice %arg2[%dma_wait3A_645, %dma_wait3A_646] : memref<10000x16xf32, #tpu.memory_space<hbm>> -> memref<10000x16xf32, #tpu.memory_space<hbm>>
        tpu.wait_indirect_dma semaphore(%arg21 : memref<!tpu.dma_semaphore, #tpu.memory_space<semaphore_mem>>) src(%dma_wait3A_647 : memref<10000x16xf32, #tpu.memory_space<hbm>>) dst(%dma_wait3A_641 : memref<128x16xf32, #tpu.memory_space<vmem>>)
        %dma_start3A_648 = arith.constant 10 : i32
        %dma_start3A_649 = arith.constant 0 : i32
        %dma_start3A_650 = arith.constant 0 : i32
        %dma_start3A_651 = tpu.memref_slice %arg9[%dma_start3A_648, %dma_start3A_649, %dma_start3A_650] : memref<14x128x16xf32, #tpu.memory_space<vmem>> -> memref<1x128x16xf32, #tpu.memory_space<vmem>>
        %dma_start3A_652 = tpu.memref_squeeze %dma_start3A_651 : memref<1x128x16xf32, #tpu.memory_space<vmem>> -> memref<128x16xf32, #tpu.memory_space<vmem>>
        %dma_start3A_653 = arith.constant 0 : i32
        %dma_start3A_654 = tpu.memref_slice %arg8[%add3A_556, %dma_start3A_653] : memref<79x128xi32, #tpu.memory_space<vmem>> -> memref<1x128xi32, #tpu.memory_space<vmem>>
        %dma_start3A_655 = tpu.memref_squeeze %dma_start3A_654 : memref<1x128xi32, #tpu.memory_space<vmem>> -> memref<128xi32, #tpu.memory_space<vmem>>
        %dma_start3A_656 = arith.constant 0 : i32
        %dma_start3A_657 = arith.constant 0 : i32
        %dma_start3A_658 = tpu.memref_slice %arg10[%dma_start3A_656, %dma_start3A_657] : memref<10000x16xf32, #tpu.memory_space<vmem_shared>> -> memref<10000x16xf32, #tpu.memory_space<vmem_shared>>
        tpu.enqueue_indirect_dma source(%dma_start3A_652 : memref<128x16xf32, #tpu.memory_space<vmem>>) target(%dma_start3A_658 : memref<10000x16xf32, #tpu.memory_space<vmem_shared>>) offsets(%dma_start3A_655 : memref<128xi32, #tpu.memory_space<vmem>>) semaphore(%arg35 : memref<!tpu.dma_semaphore, #tpu.memory_space<semaphore_mem>>) {add = true}
      } else {
      }
      %mul3A_574 = arith.constant 14 : i32
      %mul3A_575 = arith.muli %scan3A_346, %mul3A_574 : i32
      %add3A_576 = arith.constant 11 : i32
      %add3A_577 = arith.addi %mul3A_575, %add3A_576 : i32
      %add3A_578 = arith.constant 10 : i32
      %add3A_579 = arith.addi %add3A_577, %add3A_578 : i32
      %ge3A_580 = arith.constant 14 : i32
      %ge3A_581 = arith.cmpi sge, %add3A_579, %ge3A_580 : i32
      %lt3A_582 = arith.cmpi slt, %add3A_579, %sub3A_47 : i32
      %and3A_583 = arith.andi %ge3A_581, %lt3A_582 : i1
      %convert_element_type3A_584 = arith.extui %and3A_583 : i1 to i32
      %cond3A_585 = arith.constant 0 : i32
      %cond3A_586 = arith.cmpi ne, %convert_element_type3A_584, %cond3A_585 : i32
      scf.if %cond3A_586 {
        %dma_wait3A_637 = arith.constant 7 : i32
        %dma_wait3A_638 = arith.constant 0 : i32
        %dma_wait3A_639 = arith.constant 0 : i32
        %dma_wait3A_640 = arith.constant 0 : i32
        %dma_wait3A_641 = tpu.memref_slice %arg9[%dma_wait3A_637, %dma_wait3A_639, %dma_wait3A_640] : memref<14x128x16xf32, #tpu.memory_space<vmem>> -> memref<1x128x16xf32, #tpu.memory_space<vmem>>
        %dma_wait3A_642 = tpu.memref_squeeze %dma_wait3A_641 : memref<1x128x16xf32, #tpu.memory_space<vmem>> -> memref<128x16xf32, #tpu.memory_space<vmem>>
        %dma_wait3A_643 = arith.constant 0 : i32
        %dma_wait3A_644 = tpu.memref_slice %arg8[%dma_wait3A_638, %dma_wait3A_643] : memref<79x128xi32, #tpu.memory_space<vmem>> -> memref<1x128xi32, #tpu.memory_space<vmem>>
        %dma_wait3A_645 = tpu.memref_squeeze %dma_wait3A_644 : memref<1x128xi32, #tpu.memory_space<vmem>> -> memref<128xi32, #tpu.memory_space<vmem>>
        %dma_wait3A_646 = arith.constant 0 : i32
        %dma_wait3A_647 = arith.constant 0 : i32
        %dma_wait3A_648 = tpu.memref_slice %arg10[%dma_wait3A_646, %dma_wait3A_647] : memref<10000x16xf32, #tpu.memory_space<vmem_shared>> -> memref<10000x16xf32, #tpu.memory_space<vmem_shared>>
        tpu.wait_indirect_dma semaphore(%arg32 : memref<!tpu.dma_semaphore, #tpu.memory_space<semaphore_mem>>) src(%dma_wait3A_642 : memref<128x16xf32, #tpu.memory_space<vmem>>) dst(%dma_wait3A_648 : memref<10000x16xf32, #tpu.memory_space<vmem_shared>>)
      } else {
      }
      %lt3A_587 = arith.cmpi slt, %add3A_579, %sub3A_47 : i32
      %convert_element_type3A_588 = arith.extui %lt3A_587 : i1 to i32
      %cond3A_589 = arith.constant 0 : i32
      %cond3A_590 = arith.cmpi ne, %convert_element_type3A_588, %cond3A_589 : i32
      scf.if %cond3A_590 {
        %dma_start3A_637 = arith.constant 7 : i32
        %dma_start3A_638 = arith.constant 0 : i32
        %dma_start3A_639 = arith.constant 0 : i32
        %dma_start3A_640 = tpu.memref_slice %arg9[%dma_start3A_637, %dma_start3A_638, %dma_start3A_639] : memref<14x128x16xf32, #tpu.memory_space<vmem>> -> memref<1x128x16xf32, #tpu.memory_space<vmem>>
        %dma_start3A_641 = tpu.memref_squeeze %dma_start3A_640 : memref<1x128x16xf32, #tpu.memory_space<vmem>> -> memref<128x16xf32, #tpu.memory_space<vmem>>
        %dma_start3A_642 = arith.constant 0 : i32
        %dma_start3A_643 = tpu.memref_slice %arg7[%add3A_579, %dma_start3A_642] : memref<79x128xi32, #tpu.memory_space<vmem>> -> memref<1x128xi32, #tpu.memory_space<vmem>>
        %dma_start3A_644 = tpu.memref_squeeze %dma_start3A_643 : memref<1x128xi32, #tpu.memory_space<vmem>> -> memref<128xi32, #tpu.memory_space<vmem>>
        %dma_start3A_645 = arith.constant 0 : i32
        %dma_start3A_646 = arith.constant 0 : i32
        %dma_start3A_647 = tpu.memref_slice %arg2[%dma_start3A_645, %dma_start3A_646] : memref<10000x16xf32, #tpu.memory_space<hbm>> -> memref<10000x16xf32, #tpu.memory_space<hbm>>
        tpu.enqueue_indirect_dma source(%dma_start3A_647 : memref<10000x16xf32, #tpu.memory_space<hbm>>) target(%dma_start3A_641 : memref<128x16xf32, #tpu.memory_space<vmem>>) offsets(%dma_start3A_644 : memref<128xi32, #tpu.memory_space<vmem>>) semaphore(%arg18 : memref<!tpu.dma_semaphore, #tpu.memory_space<semaphore_mem>>)
      } else {
      }
      %lt3A_591 = arith.cmpi slt, %add3A_577, %sub3A_47 : i32
      %convert_element_type3A_592 = arith.extui %lt3A_591 : i1 to i32
      %cond3A_593 = arith.constant 0 : i32
      %cond3A_594 = arith.cmpi ne, %convert_element_type3A_592, %cond3A_593 : i32
      scf.if %cond3A_594 {
        %dma_wait3A_637 = arith.constant 11 : i32
        %dma_wait3A_638 = arith.constant 0 : i32
        %dma_wait3A_639 = arith.constant 0 : i32
        %dma_wait3A_640 = tpu.memref_slice %arg9[%dma_wait3A_637, %dma_wait3A_638, %dma_wait3A_639] : memref<14x128x16xf32, #tpu.memory_space<vmem>> -> memref<1x128x16xf32, #tpu.memory_space<vmem>>
        %dma_wait3A_641 = tpu.memref_squeeze %dma_wait3A_640 : memref<1x128x16xf32, #tpu.memory_space<vmem>> -> memref<128x16xf32, #tpu.memory_space<vmem>>
        %dma_wait3A_642 = arith.constant 0 : i32
        %dma_wait3A_643 = tpu.memref_slice %arg7[%add3A_577, %dma_wait3A_642] : memref<79x128xi32, #tpu.memory_space<vmem>> -> memref<1x128xi32, #tpu.memory_space<vmem>>
        %dma_wait3A_644 = tpu.memref_squeeze %dma_wait3A_643 : memref<1x128xi32, #tpu.memory_space<vmem>> -> memref<128xi32, #tpu.memory_space<vmem>>
        %dma_wait3A_645 = arith.constant 0 : i32
        %dma_wait3A_646 = arith.constant 0 : i32
        %dma_wait3A_647 = tpu.memref_slice %arg2[%dma_wait3A_645, %dma_wait3A_646] : memref<10000x16xf32, #tpu.memory_space<hbm>> -> memref<10000x16xf32, #tpu.memory_space<hbm>>
        tpu.wait_indirect_dma semaphore(%arg22 : memref<!tpu.dma_semaphore, #tpu.memory_space<semaphore_mem>>) src(%dma_wait3A_647 : memref<10000x16xf32, #tpu.memory_space<hbm>>) dst(%dma_wait3A_641 : memref<128x16xf32, #tpu.memory_space<vmem>>)
        %dma_start3A_648 = arith.constant 11 : i32
        %dma_start3A_649 = arith.constant 0 : i32
        %dma_start3A_650 = arith.constant 0 : i32
        %dma_start3A_651 = tpu.memref_slice %arg9[%dma_start3A_648, %dma_start3A_649, %dma_start3A_650] : memref<14x128x16xf32, #tpu.memory_space<vmem>> -> memref<1x128x16xf32, #tpu.memory_space<vmem>>
        %dma_start3A_652 = tpu.memref_squeeze %dma_start3A_651 : memref<1x128x16xf32, #tpu.memory_space<vmem>> -> memref<128x16xf32, #tpu.memory_space<vmem>>
        %dma_start3A_653 = arith.constant 0 : i32
        %dma_start3A_654 = tpu.memref_slice %arg8[%add3A_577, %dma_start3A_653] : memref<79x128xi32, #tpu.memory_space<vmem>> -> memref<1x128xi32, #tpu.memory_space<vmem>>
        %dma_start3A_655 = tpu.memref_squeeze %dma_start3A_654 : memref<1x128xi32, #tpu.memory_space<vmem>> -> memref<128xi32, #tpu.memory_space<vmem>>
        %dma_start3A_656 = arith.constant 0 : i32
        %dma_start3A_657 = arith.constant 0 : i32
        %dma_start3A_658 = tpu.memref_slice %arg10[%dma_start3A_656, %dma_start3A_657] : memref<10000x16xf32, #tpu.memory_space<vmem_shared>> -> memref<10000x16xf32, #tpu.memory_space<vmem_shared>>
        tpu.enqueue_indirect_dma source(%dma_start3A_652 : memref<128x16xf32, #tpu.memory_space<vmem>>) target(%dma_start3A_658 : memref<10000x16xf32, #tpu.memory_space<vmem_shared>>) offsets(%dma_start3A_655 : memref<128xi32, #tpu.memory_space<vmem>>) semaphore(%arg36 : memref<!tpu.dma_semaphore, #tpu.memory_space<semaphore_mem>>) {add = true}
      } else {
      }
      %mul3A_595 = arith.constant 14 : i32
      %mul3A_596 = arith.muli %scan3A_346, %mul3A_595 : i32
      %add3A_597 = arith.constant 12 : i32
      %add3A_598 = arith.addi %mul3A_596, %add3A_597 : i32
      %add3A_599 = arith.constant 10 : i32
      %add3A_600 = arith.addi %add3A_598, %add3A_599 : i32
      %ge3A_601 = arith.constant 14 : i32
      %ge3A_602 = arith.cmpi sge, %add3A_600, %ge3A_601 : i32
      %lt3A_603 = arith.cmpi slt, %add3A_600, %sub3A_47 : i32
      %and3A_604 = arith.andi %ge3A_602, %lt3A_603 : i1
      %convert_element_type3A_605 = arith.extui %and3A_604 : i1 to i32
      %cond3A_606 = arith.constant 0 : i32
      %cond3A_607 = arith.cmpi ne, %convert_element_type3A_605, %cond3A_606 : i32
      scf.if %cond3A_607 {
        %dma_wait3A_637 = arith.constant 8 : i32
        %dma_wait3A_638 = arith.constant 0 : i32
        %dma_wait3A_639 = arith.constant 0 : i32
        %dma_wait3A_640 = arith.constant 0 : i32
        %dma_wait3A_641 = tpu.memref_slice %arg9[%dma_wait3A_637, %dma_wait3A_639, %dma_wait3A_640] : memref<14x128x16xf32, #tpu.memory_space<vmem>> -> memref<1x128x16xf32, #tpu.memory_space<vmem>>
        %dma_wait3A_642 = tpu.memref_squeeze %dma_wait3A_641 : memref<1x128x16xf32, #tpu.memory_space<vmem>> -> memref<128x16xf32, #tpu.memory_space<vmem>>
        %dma_wait3A_643 = arith.constant 0 : i32
        %dma_wait3A_644 = tpu.memref_slice %arg8[%dma_wait3A_638, %dma_wait3A_643] : memref<79x128xi32, #tpu.memory_space<vmem>> -> memref<1x128xi32, #tpu.memory_space<vmem>>
        %dma_wait3A_645 = tpu.memref_squeeze %dma_wait3A_644 : memref<1x128xi32, #tpu.memory_space<vmem>> -> memref<128xi32, #tpu.memory_space<vmem>>
        %dma_wait3A_646 = arith.constant 0 : i32
        %dma_wait3A_647 = arith.constant 0 : i32
        %dma_wait3A_648 = tpu.memref_slice %arg10[%dma_wait3A_646, %dma_wait3A_647] : memref<10000x16xf32, #tpu.memory_space<vmem_shared>> -> memref<10000x16xf32, #tpu.memory_space<vmem_shared>>
        tpu.wait_indirect_dma semaphore(%arg33 : memref<!tpu.dma_semaphore, #tpu.memory_space<semaphore_mem>>) src(%dma_wait3A_642 : memref<128x16xf32, #tpu.memory_space<vmem>>) dst(%dma_wait3A_648 : memref<10000x16xf32, #tpu.memory_space<vmem_shared>>)
      } else {
      }
      %lt3A_608 = arith.cmpi slt, %add3A_600, %sub3A_47 : i32
      %convert_element_type3A_609 = arith.extui %lt3A_608 : i1 to i32
      %cond3A_610 = arith.constant 0 : i32
      %cond3A_611 = arith.cmpi ne, %convert_element_type3A_609, %cond3A_610 : i32
      scf.if %cond3A_611 {
        %dma_start3A_637 = arith.constant 8 : i32
        %dma_start3A_638 = arith.constant 0 : i32
        %dma_start3A_639 = arith.constant 0 : i32
        %dma_start3A_640 = tpu.memref_slice %arg9[%dma_start3A_637, %dma_start3A_638, %dma_start3A_639] : memref<14x128x16xf32, #tpu.memory_space<vmem>> -> memref<1x128x16xf32, #tpu.memory_space<vmem>>
        %dma_start3A_641 = tpu.memref_squeeze %dma_start3A_640 : memref<1x128x16xf32, #tpu.memory_space<vmem>> -> memref<128x16xf32, #tpu.memory_space<vmem>>
        %dma_start3A_642 = arith.constant 0 : i32
        %dma_start3A_643 = tpu.memref_slice %arg7[%add3A_600, %dma_start3A_642] : memref<79x128xi32, #tpu.memory_space<vmem>> -> memref<1x128xi32, #tpu.memory_space<vmem>>
        %dma_start3A_644 = tpu.memref_squeeze %dma_start3A_643 : memref<1x128xi32, #tpu.memory_space<vmem>> -> memref<128xi32, #tpu.memory_space<vmem>>
        %dma_start3A_645 = arith.constant 0 : i32
        %dma_start3A_646 = arith.constant 0 : i32
        %dma_start3A_647 = tpu.memref_slice %arg2[%dma_start3A_645, %dma_start3A_646] : memref<10000x16xf32, #tpu.memory_space<hbm>> -> memref<10000x16xf32, #tpu.memory_space<hbm>>
        tpu.enqueue_indirect_dma source(%dma_start3A_647 : memref<10000x16xf32, #tpu.memory_space<hbm>>) target(%dma_start3A_641 : memref<128x16xf32, #tpu.memory_space<vmem>>) offsets(%dma_start3A_644 : memref<128xi32, #tpu.memory_space<vmem>>) semaphore(%arg19 : memref<!tpu.dma_semaphore, #tpu.memory_space<semaphore_mem>>)
      } else {
      }
      %lt3A_612 = arith.cmpi slt, %add3A_598, %sub3A_47 : i32
      %convert_element_type3A_613 = arith.extui %lt3A_612 : i1 to i32
      %cond3A_614 = arith.constant 0 : i32
      %cond3A_615 = arith.cmpi ne, %convert_element_type3A_613, %cond3A_614 : i32
      scf.if %cond3A_615 {
        %dma_wait3A_637 = arith.constant 12 : i32
        %dma_wait3A_638 = arith.constant 0 : i32
        %dma_wait3A_639 = arith.constant 0 : i32
        %dma_wait3A_640 = tpu.memref_slice %arg9[%dma_wait3A_637, %dma_wait3A_638, %dma_wait3A_639] : memref<14x128x16xf32, #tpu.memory_space<vmem>> -> memref<1x128x16xf32, #tpu.memory_space<vmem>>
        %dma_wait3A_641 = tpu.memref_squeeze %dma_wait3A_640 : memref<1x128x16xf32, #tpu.memory_space<vmem>> -> memref<128x16xf32, #tpu.memory_space<vmem>>
        %dma_wait3A_642 = arith.constant 0 : i32
        %dma_wait3A_643 = tpu.memref_slice %arg7[%add3A_598, %dma_wait3A_642] : memref<79x128xi32, #tpu.memory_space<vmem>> -> memref<1x128xi32, #tpu.memory_space<vmem>>
        %dma_wait3A_644 = tpu.memref_squeeze %dma_wait3A_643 : memref<1x128xi32, #tpu.memory_space<vmem>> -> memref<128xi32, #tpu.memory_space<vmem>>
        %dma_wait3A_645 = arith.constant 0 : i32
        %dma_wait3A_646 = arith.constant 0 : i32
        %dma_wait3A_647 = tpu.memref_slice %arg2[%dma_wait3A_645, %dma_wait3A_646] : memref<10000x16xf32, #tpu.memory_space<hbm>> -> memref<10000x16xf32, #tpu.memory_space<hbm>>
        tpu.wait_indirect_dma semaphore(%arg23 : memref<!tpu.dma_semaphore, #tpu.memory_space<semaphore_mem>>) src(%dma_wait3A_647 : memref<10000x16xf32, #tpu.memory_space<hbm>>) dst(%dma_wait3A_641 : memref<128x16xf32, #tpu.memory_space<vmem>>)
        %dma_start3A_648 = arith.constant 12 : i32
        %dma_start3A_649 = arith.constant 0 : i32
        %dma_start3A_650 = arith.constant 0 : i32
        %dma_start3A_651 = tpu.memref_slice %arg9[%dma_start3A_648, %dma_start3A_649, %dma_start3A_650] : memref<14x128x16xf32, #tpu.memory_space<vmem>> -> memref<1x128x16xf32, #tpu.memory_space<vmem>>
        %dma_start3A_652 = tpu.memref_squeeze %dma_start3A_651 : memref<1x128x16xf32, #tpu.memory_space<vmem>> -> memref<128x16xf32, #tpu.memory_space<vmem>>
        %dma_start3A_653 = arith.constant 0 : i32
        %dma_start3A_654 = tpu.memref_slice %arg8[%add3A_598, %dma_start3A_653] : memref<79x128xi32, #tpu.memory_space<vmem>> -> memref<1x128xi32, #tpu.memory_space<vmem>>
        %dma_start3A_655 = tpu.memref_squeeze %dma_start3A_654 : memref<1x128xi32, #tpu.memory_space<vmem>> -> memref<128xi32, #tpu.memory_space<vmem>>
        %dma_start3A_656 = arith.constant 0 : i32
        %dma_start3A_657 = arith.constant 0 : i32
        %dma_start3A_658 = tpu.memref_slice %arg10[%dma_start3A_656, %dma_start3A_657] : memref<10000x16xf32, #tpu.memory_space<vmem_shared>> -> memref<10000x16xf32, #tpu.memory_space<vmem_shared>>
        tpu.enqueue_indirect_dma source(%dma_start3A_652 : memref<128x16xf32, #tpu.memory_space<vmem>>) target(%dma_start3A_658 : memref<10000x16xf32, #tpu.memory_space<vmem_shared>>) offsets(%dma_start3A_655 : memref<128xi32, #tpu.memory_space<vmem>>) semaphore(%arg37 : memref<!tpu.dma_semaphore, #tpu.memory_space<semaphore_mem>>) {add = true}
      } else {
      }
      %mul3A_616 = arith.constant 14 : i32
      %mul3A_617 = arith.muli %scan3A_346, %mul3A_616 : i32
      %add3A_618 = arith.constant 13 : i32
      %add3A_619 = arith.addi %mul3A_617, %add3A_618 : i32
      %add3A_620 = arith.constant 10 : i32
      %add3A_621 = arith.addi %add3A_619, %add3A_620 : i32
      %ge3A_622 = arith.constant 14 : i32
      %ge3A_623 = arith.cmpi sge, %add3A_621, %ge3A_622 : i32
      %lt3A_624 = arith.cmpi slt, %add3A_621, %sub3A_47 : i32
      %and3A_625 = arith.andi %ge3A_623, %lt3A_624 : i1
      %convert_element_type3A_626 = arith.extui %and3A_625 : i1 to i32
      %cond3A_627 = arith.constant 0 : i32
      %cond3A_628 = arith.cmpi ne, %convert_element_type3A_626, %cond3A_627 : i32
      scf.if %cond3A_628 {
        %dma_wait3A_637 = arith.constant 9 : i32
        %dma_wait3A_638 = arith.constant 0 : i32
        %dma_wait3A_639 = arith.constant 0 : i32
        %dma_wait3A_640 = arith.constant 0 : i32
        %dma_wait3A_641 = tpu.memref_slice %arg9[%dma_wait3A_637, %dma_wait3A_639, %dma_wait3A_640] : memref<14x128x16xf32, #tpu.memory_space<vmem>> -> memref<1x128x16xf32, #tpu.memory_space<vmem>>
        %dma_wait3A_642 = tpu.memref_squeeze %dma_wait3A_641 : memref<1x128x16xf32, #tpu.memory_space<vmem>> -> memref<128x16xf32, #tpu.memory_space<vmem>>
        %dma_wait3A_643 = arith.constant 0 : i32
        %dma_wait3A_644 = tpu.memref_slice %arg8[%dma_wait3A_638, %dma_wait3A_643] : memref<79x128xi32, #tpu.memory_space<vmem>> -> memref<1x128xi32, #tpu.memory_space<vmem>>
        %dma_wait3A_645 = tpu.memref_squeeze %dma_wait3A_644 : memref<1x128xi32, #tpu.memory_space<vmem>> -> memref<128xi32, #tpu.memory_space<vmem>>
        %dma_wait3A_646 = arith.constant 0 : i32
        %dma_wait3A_647 = arith.constant 0 : i32
        %dma_wait3A_648 = tpu.memref_slice %arg10[%dma_wait3A_646, %dma_wait3A_647] : memref<10000x16xf32, #tpu.memory_space<vmem_shared>> -> memref<10000x16xf32, #tpu.memory_space<vmem_shared>>
        tpu.wait_indirect_dma semaphore(%arg34 : memref<!tpu.dma_semaphore, #tpu.memory_space<semaphore_mem>>) src(%dma_wait3A_642 : memref<128x16xf32, #tpu.memory_space<vmem>>) dst(%dma_wait3A_648 : memref<10000x16xf32, #tpu.memory_space<vmem_shared>>)
      } else {
      }
      %lt3A_629 = arith.cmpi slt, %add3A_621, %sub3A_47 : i32
      %convert_element_type3A_630 = arith.extui %lt3A_629 : i1 to i32
      %cond3A_631 = arith.constant 0 : i32
      %cond3A_632 = arith.cmpi ne, %convert_element_type3A_630, %cond3A_631 : i32
      scf.if %cond3A_632 {
        %dma_start3A_637 = arith.constant 9 : i32
        %dma_start3A_638 = arith.constant 0 : i32
        %dma_start3A_639 = arith.constant 0 : i32
        %dma_start3A_640 = tpu.memref_slice %arg9[%dma_start3A_637, %dma_start3A_638, %dma_start3A_639] : memref<14x128x16xf32, #tpu.memory_space<vmem>> -> memref<1x128x16xf32, #tpu.memory_space<vmem>>
        %dma_start3A_641 = tpu.memref_squeeze %dma_start3A_640 : memref<1x128x16xf32, #tpu.memory_space<vmem>> -> memref<128x16xf32, #tpu.memory_space<vmem>>
        %dma_start3A_642 = arith.constant 0 : i32
        %dma_start3A_643 = tpu.memref_slice %arg7[%add3A_621, %dma_start3A_642] : memref<79x128xi32, #tpu.memory_space<vmem>> -> memref<1x128xi32, #tpu.memory_space<vmem>>
        %dma_start3A_644 = tpu.memref_squeeze %dma_start3A_643 : memref<1x128xi32, #tpu.memory_space<vmem>> -> memref<128xi32, #tpu.memory_space<vmem>>
        %dma_start3A_645 = arith.constant 0 : i32
        %dma_start3A_646 = arith.constant 0 : i32
        %dma_start3A_647 = tpu.memref_slice %arg2[%dma_start3A_645, %dma_start3A_646] : memref<10000x16xf32, #tpu.memory_space<hbm>> -> memref<10000x16xf32, #tpu.memory_space<hbm>>
        tpu.enqueue_indirect_dma source(%dma_start3A_647 : memref<10000x16xf32, #tpu.memory_space<hbm>>) target(%dma_start3A_641 : memref<128x16xf32, #tpu.memory_space<vmem>>) offsets(%dma_start3A_644 : memref<128xi32, #tpu.memory_space<vmem>>) semaphore(%arg20 : memref<!tpu.dma_semaphore, #tpu.memory_space<semaphore_mem>>)
      } else {
      }
      %lt3A_633 = arith.cmpi slt, %add3A_619, %sub3A_47 : i32
      %convert_element_type3A_634 = arith.extui %lt3A_633 : i1 to i32
      %cond3A_635 = arith.constant 0 : i32
      %cond3A_636 = arith.cmpi ne, %convert_element_type3A_634, %cond3A_635 : i32
      scf.if %cond3A_636 {
        %dma_wait3A_637 = arith.constant 13 : i32
        %dma_wait3A_638 = arith.constant 0 : i32
        %dma_wait3A_639 = arith.constant 0 : i32
        %dma_wait3A_640 = tpu.memref_slice %arg9[%dma_wait3A_637, %dma_wait3A_638, %dma_wait3A_639] : memref<14x128x16xf32, #tpu.memory_space<vmem>> -> memref<1x128x16xf32, #tpu.memory_space<vmem>>
        %dma_wait3A_641 = tpu.memref_squeeze %dma_wait3A_640 : memref<1x128x16xf32, #tpu.memory_space<vmem>> -> memref<128x16xf32, #tpu.memory_space<vmem>>
        %dma_wait3A_642 = arith.constant 0 : i32
        %dma_wait3A_643 = tpu.memref_slice %arg7[%add3A_619, %dma_wait3A_642] : memref<79x128xi32, #tpu.memory_space<vmem>> -> memref<1x128xi32, #tpu.memory_space<vmem>>
        %dma_wait3A_644 = tpu.memref_squeeze %dma_wait3A_643 : memref<1x128xi32, #tpu.memory_space<vmem>> -> memref<128xi32, #tpu.memory_space<vmem>>
        %dma_wait3A_645 = arith.constant 0 : i32
        %dma_wait3A_646 = arith.constant 0 : i32
        %dma_wait3A_647 = tpu.memref_slice %arg2[%dma_wait3A_645, %dma_wait3A_646] : memref<10000x16xf32, #tpu.memory_space<hbm>> -> memref<10000x16xf32, #tpu.memory_space<hbm>>
        tpu.wait_indirect_dma semaphore(%arg24 : memref<!tpu.dma_semaphore, #tpu.memory_space<semaphore_mem>>) src(%dma_wait3A_647 : memref<10000x16xf32, #tpu.memory_space<hbm>>) dst(%dma_wait3A_641 : memref<128x16xf32, #tpu.memory_space<vmem>>)
        %dma_start3A_648 = arith.constant 13 : i32
        %dma_start3A_649 = arith.constant 0 : i32
        %dma_start3A_650 = arith.constant 0 : i32
        %dma_start3A_651 = tpu.memref_slice %arg9[%dma_start3A_648, %dma_start3A_649, %dma_start3A_650] : memref<14x128x16xf32, #tpu.memory_space<vmem>> -> memref<1x128x16xf32, #tpu.memory_space<vmem>>
        %dma_start3A_652 = tpu.memref_squeeze %dma_start3A_651 : memref<1x128x16xf32, #tpu.memory_space<vmem>> -> memref<128x16xf32, #tpu.memory_space<vmem>>
        %dma_start3A_653 = arith.constant 0 : i32
        %dma_start3A_654 = tpu.memref_slice %arg8[%add3A_619, %dma_start3A_653] : memref<79x128xi32, #tpu.memory_space<vmem>> -> memref<1x128xi32, #tpu.memory_space<vmem>>
        %dma_start3A_655 = tpu.memref_squeeze %dma_start3A_654 : memref<1x128xi32, #tpu.memory_space<vmem>> -> memref<128xi32, #tpu.memory_space<vmem>>
        %dma_start3A_656 = arith.constant 0 : i32
        %dma_start3A_657 = arith.constant 0 : i32
        %dma_start3A_658 = tpu.memref_slice %arg10[%dma_start3A_656, %dma_start3A_657] : memref<10000x16xf32, #tpu.memory_space<vmem_shared>> -> memref<10000x16xf32, #tpu.memory_space<vmem_shared>>
        tpu.enqueue_indirect_dma source(%dma_start3A_652 : memref<128x16xf32, #tpu.memory_space<vmem>>) target(%dma_start3A_658 : memref<10000x16xf32, #tpu.memory_space<vmem_shared>>) offsets(%dma_start3A_655 : memref<128xi32, #tpu.memory_space<vmem>>) semaphore(%arg38 : memref<!tpu.dma_semaphore, #tpu.memory_space<semaphore_mem>>) {add = true}
      } else {
      }
    }
    %scan3A_173 = arith.constant 6 : i32
    %dma_wait3A = arith.constant 0 : i32
    %dma_wait3A_174 = arith.constant 0 : i32
    %dma_wait3A_175 = arith.constant 0 : i32
    %dma_wait3A_176 = arith.constant 0 : i32
    %dma_wait3A_177 = tpu.memref_slice %arg9[%dma_wait3A, %dma_wait3A_175, %dma_wait3A_176] : memref<14x128x16xf32, #tpu.memory_space<vmem>> -> memref<1x128x16xf32, #tpu.memory_space<vmem>>
    %dma_wait3A_178 = tpu.memref_squeeze %dma_wait3A_177 : memref<1x128x16xf32, #tpu.memory_space<vmem>> -> memref<128x16xf32, #tpu.memory_space<vmem>>
    %dma_wait3A_179 = arith.constant 0 : i32
    %dma_wait3A_180 = tpu.memref_slice %arg8[%dma_wait3A_174, %dma_wait3A_179] : memref<79x128xi32, #tpu.memory_space<vmem>> -> memref<1x128xi32, #tpu.memory_space<vmem>>
    %dma_wait3A_181 = tpu.memref_squeeze %dma_wait3A_180 : memref<1x128xi32, #tpu.memory_space<vmem>> -> memref<128xi32, #tpu.memory_space<vmem>>
    %dma_wait3A_182 = arith.constant 0 : i32
    %dma_wait3A_183 = arith.constant 0 : i32
    %dma_wait3A_184 = tpu.memref_slice %arg10[%dma_wait3A_182, %dma_wait3A_183] : memref<10000x16xf32, #tpu.memory_space<vmem_shared>> -> memref<10000x16xf32, #tpu.memory_space<vmem_shared>>
    tpu.wait_indirect_dma semaphore(%arg25 : memref<!tpu.dma_semaphore, #tpu.memory_space<semaphore_mem>>) src(%dma_wait3A_178 : memref<128x16xf32, #tpu.memory_space<vmem>>) dst(%dma_wait3A_184 : memref<10000x16xf32, #tpu.memory_space<vmem_shared>>)
    %dma_wait3A_185 = arith.constant 1 : i32
    %dma_wait3A_186 = arith.constant 0 : i32
    %dma_wait3A_187 = arith.constant 0 : i32
    %dma_wait3A_188 = arith.constant 0 : i32
    %dma_wait3A_189 = tpu.memref_slice %arg9[%dma_wait3A_185, %dma_wait3A_187, %dma_wait3A_188] : memref<14x128x16xf32, #tpu.memory_space<vmem>> -> memref<1x128x16xf32, #tpu.memory_space<vmem>>
    %dma_wait3A_190 = tpu.memref_squeeze %dma_wait3A_189 : memref<1x128x16xf32, #tpu.memory_space<vmem>> -> memref<128x16xf32, #tpu.memory_space<vmem>>
    %dma_wait3A_191 = arith.constant 0 : i32
    %dma_wait3A_192 = tpu.memref_slice %arg8[%dma_wait3A_186, %dma_wait3A_191] : memref<79x128xi32, #tpu.memory_space<vmem>> -> memref<1x128xi32, #tpu.memory_space<vmem>>
    %dma_wait3A_193 = tpu.memref_squeeze %dma_wait3A_192 : memref<1x128xi32, #tpu.memory_space<vmem>> -> memref<128xi32, #tpu.memory_space<vmem>>
    %dma_wait3A_194 = arith.constant 0 : i32
    %dma_wait3A_195 = arith.constant 0 : i32
    %dma_wait3A_196 = tpu.memref_slice %arg10[%dma_wait3A_194, %dma_wait3A_195] : memref<10000x16xf32, #tpu.memory_space<vmem_shared>> -> memref<10000x16xf32, #tpu.memory_space<vmem_shared>>
    tpu.wait_indirect_dma semaphore(%arg26 : memref<!tpu.dma_semaphore, #tpu.memory_space<semaphore_mem>>) src(%dma_wait3A_190 : memref<128x16xf32, #tpu.memory_space<vmem>>) dst(%dma_wait3A_196 : memref<10000x16xf32, #tpu.memory_space<vmem_shared>>)
    %dma_wait3A_197 = arith.constant 2 : i32
    %dma_wait3A_198 = arith.constant 0 : i32
    %dma_wait3A_199 = arith.constant 0 : i32
    %dma_wait3A_200 = arith.constant 0 : i32
    %dma_wait3A_201 = tpu.memref_slice %arg9[%dma_wait3A_197, %dma_wait3A_199, %dma_wait3A_200] : memref<14x128x16xf32, #tpu.memory_space<vmem>> -> memref<1x128x16xf32, #tpu.memory_space<vmem>>
    %dma_wait3A_202 = tpu.memref_squeeze %dma_wait3A_201 : memref<1x128x16xf32, #tpu.memory_space<vmem>> -> memref<128x16xf32, #tpu.memory_space<vmem>>
    %dma_wait3A_203 = arith.constant 0 : i32
    %dma_wait3A_204 = tpu.memref_slice %arg8[%dma_wait3A_198, %dma_wait3A_203] : memref<79x128xi32, #tpu.memory_space<vmem>> -> memref<1x128xi32, #tpu.memory_space<vmem>>
    %dma_wait3A_205 = tpu.memref_squeeze %dma_wait3A_204 : memref<1x128xi32, #tpu.memory_space<vmem>> -> memref<128xi32, #tpu.memory_space<vmem>>
    %dma_wait3A_206 = arith.constant 0 : i32
    %dma_wait3A_207 = arith.constant 0 : i32
    %dma_wait3A_208 = tpu.memref_slice %arg10[%dma_wait3A_206, %dma_wait3A_207] : memref<10000x16xf32, #tpu.memory_space<vmem_shared>> -> memref<10000x16xf32, #tpu.memory_space<vmem_shared>>
    tpu.wait_indirect_dma semaphore(%arg27 : memref<!tpu.dma_semaphore, #tpu.memory_space<semaphore_mem>>) src(%dma_wait3A_202 : memref<128x16xf32, #tpu.memory_space<vmem>>) dst(%dma_wait3A_208 : memref<10000x16xf32, #tpu.memory_space<vmem_shared>>)
    %dma_wait3A_209 = arith.constant 3 : i32
    %dma_wait3A_210 = arith.constant 0 : i32
    %dma_wait3A_211 = arith.constant 0 : i32
    %dma_wait3A_212 = arith.constant 0 : i32
    %dma_wait3A_213 = tpu.memref_slice %arg9[%dma_wait3A_209, %dma_wait3A_211, %dma_wait3A_212] : memref<14x128x16xf32, #tpu.memory_space<vmem>> -> memref<1x128x16xf32, #tpu.memory_space<vmem>>
    %dma_wait3A_214 = tpu.memref_squeeze %dma_wait3A_213 : memref<1x128x16xf32, #tpu.memory_space<vmem>> -> memref<128x16xf32, #tpu.memory_space<vmem>>
    %dma_wait3A_215 = arith.constant 0 : i32
    %dma_wait3A_216 = tpu.memref_slice %arg8[%dma_wait3A_210, %dma_wait3A_215] : memref<79x128xi32, #tpu.memory_space<vmem>> -> memref<1x128xi32, #tpu.memory_space<vmem>>
    %dma_wait3A_217 = tpu.memref_squeeze %dma_wait3A_216 : memref<1x128xi32, #tpu.memory_space<vmem>> -> memref<128xi32, #tpu.memory_space<vmem>>
    %dma_wait3A_218 = arith.constant 0 : i32
    %dma_wait3A_219 = arith.constant 0 : i32
    %dma_wait3A_220 = tpu.memref_slice %arg10[%dma_wait3A_218, %dma_wait3A_219] : memref<10000x16xf32, #tpu.memory_space<vmem_shared>> -> memref<10000x16xf32, #tpu.memory_space<vmem_shared>>
    tpu.wait_indirect_dma semaphore(%arg28 : memref<!tpu.dma_semaphore, #tpu.memory_space<semaphore_mem>>) src(%dma_wait3A_214 : memref<128x16xf32, #tpu.memory_space<vmem>>) dst(%dma_wait3A_220 : memref<10000x16xf32, #tpu.memory_space<vmem_shared>>)
    %dma_wait3A_221 = arith.constant 4 : i32
    %dma_wait3A_222 = arith.constant 0 : i32
    %dma_wait3A_223 = arith.constant 0 : i32
    %dma_wait3A_224 = arith.constant 0 : i32
    %dma_wait3A_225 = tpu.memref_slice %arg9[%dma_wait3A_221, %dma_wait3A_223, %dma_wait3A_224] : memref<14x128x16xf32, #tpu.memory_space<vmem>> -> memref<1x128x16xf32, #tpu.memory_space<vmem>>
    %dma_wait3A_226 = tpu.memref_squeeze %dma_wait3A_225 : memref<1x128x16xf32, #tpu.memory_space<vmem>> -> memref<128x16xf32, #tpu.memory_space<vmem>>
    %dma_wait3A_227 = arith.constant 0 : i32
    %dma_wait3A_228 = tpu.memref_slice %arg8[%dma_wait3A_222, %dma_wait3A_227] : memref<79x128xi32, #tpu.memory_space<vmem>> -> memref<1x128xi32, #tpu.memory_space<vmem>>
    %dma_wait3A_229 = tpu.memref_squeeze %dma_wait3A_228 : memref<1x128xi32, #tpu.memory_space<vmem>> -> memref<128xi32, #tpu.memory_space<vmem>>
    %dma_wait3A_230 = arith.constant 0 : i32
    %dma_wait3A_231 = arith.constant 0 : i32
    %dma_wait3A_232 = tpu.memref_slice %arg10[%dma_wait3A_230, %dma_wait3A_231] : memref<10000x16xf32, #tpu.memory_space<vmem_shared>> -> memref<10000x16xf32, #tpu.memory_space<vmem_shared>>
    tpu.wait_indirect_dma semaphore(%arg29 : memref<!tpu.dma_semaphore, #tpu.memory_space<semaphore_mem>>) src(%dma_wait3A_226 : memref<128x16xf32, #tpu.memory_space<vmem>>) dst(%dma_wait3A_232 : memref<10000x16xf32, #tpu.memory_space<vmem_shared>>)
    %dma_wait3A_233 = arith.constant 5 : i32
    %dma_wait3A_234 = arith.constant 0 : i32
    %dma_wait3A_235 = arith.constant 0 : i32
    %dma_wait3A_236 = arith.constant 0 : i32
    %dma_wait3A_237 = tpu.memref_slice %arg9[%dma_wait3A_233, %dma_wait3A_235, %dma_wait3A_236] : memref<14x128x16xf32, #tpu.memory_space<vmem>> -> memref<1x128x16xf32, #tpu.memory_space<vmem>>
    %dma_wait3A_238 = tpu.memref_squeeze %dma_wait3A_237 : memref<1x128x16xf32, #tpu.memory_space<vmem>> -> memref<128x16xf32, #tpu.memory_space<vmem>>
    %dma_wait3A_239 = arith.constant 0 : i32
    %dma_wait3A_240 = tpu.memref_slice %arg8[%dma_wait3A_234, %dma_wait3A_239] : memref<79x128xi32, #tpu.memory_space<vmem>> -> memref<1x128xi32, #tpu.memory_space<vmem>>
    %dma_wait3A_241 = tpu.memref_squeeze %dma_wait3A_240 : memref<1x128xi32, #tpu.memory_space<vmem>> -> memref<128xi32, #tpu.memory_space<vmem>>
    %dma_wait3A_242 = arith.constant 0 : i32
    %dma_wait3A_243 = arith.constant 0 : i32
    %dma_wait3A_244 = tpu.memref_slice %arg10[%dma_wait3A_242, %dma_wait3A_243] : memref<10000x16xf32, #tpu.memory_space<vmem_shared>> -> memref<10000x16xf32, #tpu.memory_space<vmem_shared>>
    tpu.wait_indirect_dma semaphore(%arg30 : memref<!tpu.dma_semaphore, #tpu.memory_space<semaphore_mem>>) src(%dma_wait3A_238 : memref<128x16xf32, #tpu.memory_space<vmem>>) dst(%dma_wait3A_244 : memref<10000x16xf32, #tpu.memory_space<vmem_shared>>)
    %dma_wait3A_245 = arith.constant 6 : i32
    %dma_wait3A_246 = arith.constant 0 : i32
    %dma_wait3A_247 = arith.constant 0 : i32
    %dma_wait3A_248 = arith.constant 0 : i32
    %dma_wait3A_249 = tpu.memref_slice %arg9[%dma_wait3A_245, %dma_wait3A_247, %dma_wait3A_248] : memref<14x128x16xf32, #tpu.memory_space<vmem>> -> memref<1x128x16xf32, #tpu.memory_space<vmem>>
    %dma_wait3A_250 = tpu.memref_squeeze %dma_wait3A_249 : memref<1x128x16xf32, #tpu.memory_space<vmem>> -> memref<128x16xf32, #tpu.memory_space<vmem>>
    %dma_wait3A_251 = arith.constant 0 : i32
    %dma_wait3A_252 = tpu.memref_slice %arg8[%dma_wait3A_246, %dma_wait3A_251] : memref<79x128xi32, #tpu.memory_space<vmem>> -> memref<1x128xi32, #tpu.memory_space<vmem>>
    %dma_wait3A_253 = tpu.memref_squeeze %dma_wait3A_252 : memref<1x128xi32, #tpu.memory_space<vmem>> -> memref<128xi32, #tpu.memory_space<vmem>>
    %dma_wait3A_254 = arith.constant 0 : i32
    %dma_wait3A_255 = arith.constant 0 : i32
    %dma_wait3A_256 = tpu.memref_slice %arg10[%dma_wait3A_254, %dma_wait3A_255] : memref<10000x16xf32, #tpu.memory_space<vmem_shared>> -> memref<10000x16xf32, #tpu.memory_space<vmem_shared>>
    tpu.wait_indirect_dma semaphore(%arg31 : memref<!tpu.dma_semaphore, #tpu.memory_space<semaphore_mem>>) src(%dma_wait3A_250 : memref<128x16xf32, #tpu.memory_space<vmem>>) dst(%dma_wait3A_256 : memref<10000x16xf32, #tpu.memory_space<vmem_shared>>)
    %dma_wait3A_257 = arith.constant 7 : i32
    %dma_wait3A_258 = arith.constant 0 : i32
    %dma_wait3A_259 = arith.constant 0 : i32
    %dma_wait3A_260 = arith.constant 0 : i32
    %dma_wait3A_261 = tpu.memref_slice %arg9[%dma_wait3A_257, %dma_wait3A_259, %dma_wait3A_260] : memref<14x128x16xf32, #tpu.memory_space<vmem>> -> memref<1x128x16xf32, #tpu.memory_space<vmem>>
    %dma_wait3A_262 = tpu.memref_squeeze %dma_wait3A_261 : memref<1x128x16xf32, #tpu.memory_space<vmem>> -> memref<128x16xf32, #tpu.memory_space<vmem>>
    %dma_wait3A_263 = arith.constant 0 : i32
    %dma_wait3A_264 = tpu.memref_slice %arg8[%dma_wait3A_258, %dma_wait3A_263] : memref<79x128xi32, #tpu.memory_space<vmem>> -> memref<1x128xi32, #tpu.memory_space<vmem>>
    %dma_wait3A_265 = tpu.memref_squeeze %dma_wait3A_264 : memref<1x128xi32, #tpu.memory_space<vmem>> -> memref<128xi32, #tpu.memory_space<vmem>>
    %dma_wait3A_266 = arith.constant 0 : i32
    %dma_wait3A_267 = arith.constant 0 : i32
    %dma_wait3A_268 = tpu.memref_slice %arg10[%dma_wait3A_266, %dma_wait3A_267] : memref<10000x16xf32, #tpu.memory_space<vmem_shared>> -> memref<10000x16xf32, #tpu.memory_space<vmem_shared>>
    tpu.wait_indirect_dma semaphore(%arg32 : memref<!tpu.dma_semaphore, #tpu.memory_space<semaphore_mem>>) src(%dma_wait3A_262 : memref<128x16xf32, #tpu.memory_space<vmem>>) dst(%dma_wait3A_268 : memref<10000x16xf32, #tpu.memory_space<vmem_shared>>)
    %dma_wait3A_269 = arith.constant 8 : i32
    %dma_wait3A_270 = arith.constant 0 : i32
    %dma_wait3A_271 = arith.constant 0 : i32
    %dma_wait3A_272 = arith.constant 0 : i32
    %dma_wait3A_273 = tpu.memref_slice %arg9[%dma_wait3A_269, %dma_wait3A_271, %dma_wait3A_272] : memref<14x128x16xf32, #tpu.memory_space<vmem>> -> memref<1x128x16xf32, #tpu.memory_space<vmem>>
    %dma_wait3A_274 = tpu.memref_squeeze %dma_wait3A_273 : memref<1x128x16xf32, #tpu.memory_space<vmem>> -> memref<128x16xf32, #tpu.memory_space<vmem>>
    %dma_wait3A_275 = arith.constant 0 : i32
    %dma_wait3A_276 = tpu.memref_slice %arg8[%dma_wait3A_270, %dma_wait3A_275] : memref<79x128xi32, #tpu.memory_space<vmem>> -> memref<1x128xi32, #tpu.memory_space<vmem>>
    %dma_wait3A_277 = tpu.memref_squeeze %dma_wait3A_276 : memref<1x128xi32, #tpu.memory_space<vmem>> -> memref<128xi32, #tpu.memory_space<vmem>>
    %dma_wait3A_278 = arith.constant 0 : i32
    %dma_wait3A_279 = arith.constant 0 : i32
    %dma_wait3A_280 = tpu.memref_slice %arg10[%dma_wait3A_278, %dma_wait3A_279] : memref<10000x16xf32, #tpu.memory_space<vmem_shared>> -> memref<10000x16xf32, #tpu.memory_space<vmem_shared>>
    tpu.wait_indirect_dma semaphore(%arg33 : memref<!tpu.dma_semaphore, #tpu.memory_space<semaphore_mem>>) src(%dma_wait3A_274 : memref<128x16xf32, #tpu.memory_space<vmem>>) dst(%dma_wait3A_280 : memref<10000x16xf32, #tpu.memory_space<vmem_shared>>)
    %dma_wait3A_281 = arith.constant 9 : i32
    %dma_wait3A_282 = arith.constant 0 : i32
    %dma_wait3A_283 = arith.constant 0 : i32
    %dma_wait3A_284 = arith.constant 0 : i32
    %dma_wait3A_285 = tpu.memref_slice %arg9[%dma_wait3A_281, %dma_wait3A_283, %dma_wait3A_284] : memref<14x128x16xf32, #tpu.memory_space<vmem>> -> memref<1x128x16xf32, #tpu.memory_space<vmem>>
    %dma_wait3A_286 = tpu.memref_squeeze %dma_wait3A_285 : memref<1x128x16xf32, #tpu.memory_space<vmem>> -> memref<128x16xf32, #tpu.memory_space<vmem>>
    %dma_wait3A_287 = arith.constant 0 : i32
    %dma_wait3A_288 = tpu.memref_slice %arg8[%dma_wait3A_282, %dma_wait3A_287] : memref<79x128xi32, #tpu.memory_space<vmem>> -> memref<1x128xi32, #tpu.memory_space<vmem>>
    %dma_wait3A_289 = tpu.memref_squeeze %dma_wait3A_288 : memref<1x128xi32, #tpu.memory_space<vmem>> -> memref<128xi32, #tpu.memory_space<vmem>>
    %dma_wait3A_290 = arith.constant 0 : i32
    %dma_wait3A_291 = arith.constant 0 : i32
    %dma_wait3A_292 = tpu.memref_slice %arg10[%dma_wait3A_290, %dma_wait3A_291] : memref<10000x16xf32, #tpu.memory_space<vmem_shared>> -> memref<10000x16xf32, #tpu.memory_space<vmem_shared>>
    tpu.wait_indirect_dma semaphore(%arg34 : memref<!tpu.dma_semaphore, #tpu.memory_space<semaphore_mem>>) src(%dma_wait3A_286 : memref<128x16xf32, #tpu.memory_space<vmem>>) dst(%dma_wait3A_292 : memref<10000x16xf32, #tpu.memory_space<vmem_shared>>)
    %dma_wait3A_293 = arith.constant 10 : i32
    %dma_wait3A_294 = arith.constant 0 : i32
    %dma_wait3A_295 = arith.constant 0 : i32
    %dma_wait3A_296 = arith.constant 0 : i32
    %dma_wait3A_297 = tpu.memref_slice %arg9[%dma_wait3A_293, %dma_wait3A_295, %dma_wait3A_296] : memref<14x128x16xf32, #tpu.memory_space<vmem>> -> memref<1x128x16xf32, #tpu.memory_space<vmem>>
    %dma_wait3A_298 = tpu.memref_squeeze %dma_wait3A_297 : memref<1x128x16xf32, #tpu.memory_space<vmem>> -> memref<128x16xf32, #tpu.memory_space<vmem>>
    %dma_wait3A_299 = arith.constant 0 : i32
    %dma_wait3A_300 = tpu.memref_slice %arg8[%dma_wait3A_294, %dma_wait3A_299] : memref<79x128xi32, #tpu.memory_space<vmem>> -> memref<1x128xi32, #tpu.memory_space<vmem>>
    %dma_wait3A_301 = tpu.memref_squeeze %dma_wait3A_300 : memref<1x128xi32, #tpu.memory_space<vmem>> -> memref<128xi32, #tpu.memory_space<vmem>>
    %dma_wait3A_302 = arith.constant 0 : i32
    %dma_wait3A_303 = arith.constant 0 : i32
    %dma_wait3A_304 = tpu.memref_slice %arg10[%dma_wait3A_302, %dma_wait3A_303] : memref<10000x16xf32, #tpu.memory_space<vmem_shared>> -> memref<10000x16xf32, #tpu.memory_space<vmem_shared>>
    tpu.wait_indirect_dma semaphore(%arg35 : memref<!tpu.dma_semaphore, #tpu.memory_space<semaphore_mem>>) src(%dma_wait3A_298 : memref<128x16xf32, #tpu.memory_space<vmem>>) dst(%dma_wait3A_304 : memref<10000x16xf32, #tpu.memory_space<vmem_shared>>)
    %dma_wait3A_305 = arith.constant 11 : i32
    %dma_wait3A_306 = arith.constant 0 : i32
    %dma_wait3A_307 = arith.constant 0 : i32
    %dma_wait3A_308 = arith.constant 0 : i32
    %dma_wait3A_309 = tpu.memref_slice %arg9[%dma_wait3A_305, %dma_wait3A_307, %dma_wait3A_308] : memref<14x128x16xf32, #tpu.memory_space<vmem>> -> memref<1x128x16xf32, #tpu.memory_space<vmem>>
    %dma_wait3A_310 = tpu.memref_squeeze %dma_wait3A_309 : memref<1x128x16xf32, #tpu.memory_space<vmem>> -> memref<128x16xf32, #tpu.memory_space<vmem>>
    %dma_wait3A_311 = arith.constant 0 : i32
    %dma_wait3A_312 = tpu.memref_slice %arg8[%dma_wait3A_306, %dma_wait3A_311] : memref<79x128xi32, #tpu.memory_space<vmem>> -> memref<1x128xi32, #tpu.memory_space<vmem>>
    %dma_wait3A_313 = tpu.memref_squeeze %dma_wait3A_312 : memref<1x128xi32, #tpu.memory_space<vmem>> -> memref<128xi32, #tpu.memory_space<vmem>>
    %dma_wait3A_314 = arith.constant 0 : i32
    %dma_wait3A_315 = arith.constant 0 : i32
    %dma_wait3A_316 = tpu.memref_slice %arg10[%dma_wait3A_314, %dma_wait3A_315] : memref<10000x16xf32, #tpu.memory_space<vmem_shared>> -> memref<10000x16xf32, #tpu.memory_space<vmem_shared>>
    tpu.wait_indirect_dma semaphore(%arg36 : memref<!tpu.dma_semaphore, #tpu.memory_space<semaphore_mem>>) src(%dma_wait3A_310 : memref<128x16xf32, #tpu.memory_space<vmem>>) dst(%dma_wait3A_316 : memref<10000x16xf32, #tpu.memory_space<vmem_shared>>)
    %dma_wait3A_317 = arith.constant 12 : i32
    %dma_wait3A_318 = arith.constant 0 : i32
    %dma_wait3A_319 = arith.constant 0 : i32
    %dma_wait3A_320 = arith.constant 0 : i32
    %dma_wait3A_321 = tpu.memref_slice %arg9[%dma_wait3A_317, %dma_wait3A_319, %dma_wait3A_320] : memref<14x128x16xf32, #tpu.memory_space<vmem>> -> memref<1x128x16xf32, #tpu.memory_space<vmem>>
    %dma_wait3A_322 = tpu.memref_squeeze %dma_wait3A_321 : memref<1x128x16xf32, #tpu.memory_space<vmem>> -> memref<128x16xf32, #tpu.memory_space<vmem>>
    %dma_wait3A_323 = arith.constant 0 : i32
    %dma_wait3A_324 = tpu.memref_slice %arg8[%dma_wait3A_318, %dma_wait3A_323] : memref<79x128xi32, #tpu.memory_space<vmem>> -> memref<1x128xi32, #tpu.memory_space<vmem>>
    %dma_wait3A_325 = tpu.memref_squeeze %dma_wait3A_324 : memref<1x128xi32, #tpu.memory_space<vmem>> -> memref<128xi32, #tpu.memory_space<vmem>>
    %dma_wait3A_326 = arith.constant 0 : i32
    %dma_wait3A_327 = arith.constant 0 : i32
    %dma_wait3A_328 = tpu.memref_slice %arg10[%dma_wait3A_326, %dma_wait3A_327] : memref<10000x16xf32, #tpu.memory_space<vmem_shared>> -> memref<10000x16xf32, #tpu.memory_space<vmem_shared>>
    tpu.wait_indirect_dma semaphore(%arg37 : memref<!tpu.dma_semaphore, #tpu.memory_space<semaphore_mem>>) src(%dma_wait3A_322 : memref<128x16xf32, #tpu.memory_space<vmem>>) dst(%dma_wait3A_328 : memref<10000x16xf32, #tpu.memory_space<vmem_shared>>)
    %dma_wait3A_329 = arith.constant 13 : i32
    %dma_wait3A_330 = arith.constant 0 : i32
    %dma_wait3A_331 = arith.constant 0 : i32
    %dma_wait3A_332 = arith.constant 0 : i32
    %dma_wait3A_333 = tpu.memref_slice %arg9[%dma_wait3A_329, %dma_wait3A_331, %dma_wait3A_332] : memref<14x128x16xf32, #tpu.memory_space<vmem>> -> memref<1x128x16xf32, #tpu.memory_space<vmem>>
    %dma_wait3A_334 = tpu.memref_squeeze %dma_wait3A_333 : memref<1x128x16xf32, #tpu.memory_space<vmem>> -> memref<128x16xf32, #tpu.memory_space<vmem>>
    %dma_wait3A_335 = arith.constant 0 : i32
    %dma_wait3A_336 = tpu.memref_slice %arg8[%dma_wait3A_330, %dma_wait3A_335] : memref<79x128xi32, #tpu.memory_space<vmem>> -> memref<1x128xi32, #tpu.memory_space<vmem>>
    %dma_wait3A_337 = tpu.memref_squeeze %dma_wait3A_336 : memref<1x128xi32, #tpu.memory_space<vmem>> -> memref<128xi32, #tpu.memory_space<vmem>>
    %dma_wait3A_338 = arith.constant 0 : i32
    %dma_wait3A_339 = arith.constant 0 : i32
    %dma_wait3A_340 = tpu.memref_slice %arg10[%dma_wait3A_338, %dma_wait3A_339] : memref<10000x16xf32, #tpu.memory_space<vmem_shared>> -> memref<10000x16xf32, #tpu.memory_space<vmem_shared>>
    tpu.wait_indirect_dma semaphore(%arg38 : memref<!tpu.dma_semaphore, #tpu.memory_space<semaphore_mem>>) src(%dma_wait3A_334 : memref<128x16xf32, #tpu.memory_space<vmem>>) dst(%dma_wait3A_340 : memref<10000x16xf32, #tpu.memory_space<vmem_shared>>)
    %barrier3A_341 = arith.constant 0 : index
    tpu.barrier barrier_id(%barrier3A_341)
    %mul3A_342 = arith.constant 625 : i32
    %mul3A_343 = arith.muli %arg1, %mul3A_342 : i32
    %mul3A_344 = arith.constant 625 : i32
    %mul3A_345 = arith.muli %arg1, %mul3A_344 : i32
    "tpu.region"() ({
      %run_scoped3A = tpu.sem_alloc : memref<!tpu.dma_semaphore, #tpu.memory_space<semaphore_mem>>
      %dma_start3A_346 = arith.constant 0 : i32
      %dma_start3A_347 = tpu.memref_slice %arg6[%arg0, %mul3A_345, %dma_start3A_346] : memref<2x10000x128xf32, #tpu.memory_space<hbm>> -> memref<1x625x16xf32, #tpu.memory_space<hbm>>
      %dma_start3A_348 = tpu.memref_squeeze %dma_start3A_347 : memref<1x625x16xf32, #tpu.memory_space<hbm>> -> memref<625x16xf32, #tpu.memory_space<hbm>>
      %dma_start3A_349 = arith.constant 0 : i32
      %dma_start3A_350 = tpu.memref_slice %arg10[%mul3A_343, %dma_start3A_349] : memref<10000x16xf32, #tpu.memory_space<vmem_shared>> -> memref<625x16xf32, #tpu.memory_space<vmem_shared>>
      tpu.enqueue_dma source(%dma_start3A_350 : memref<625x16xf32, #tpu.memory_space<vmem_shared>>) target(%dma_start3A_348 : memref<625x16xf32, #tpu.memory_space<hbm>>) target_semaphore(%run_scoped3A : memref<!tpu.dma_semaphore, #tpu.memory_space<semaphore_mem>>)
      %dma_wait3A_351 = arith.constant 0 : i32
      %dma_wait3A_352 = tpu.memref_slice %arg6[%arg0, %mul3A_345, %dma_wait3A_351] : memref<2x10000x128xf32, #tpu.memory_space<hbm>> -> memref<1x625x16xf32, #tpu.memory_space<hbm>>
      %dma_wait3A_353 = tpu.memref_squeeze %dma_wait3A_352 : memref<1x625x16xf32, #tpu.memory_space<hbm>> -> memref<625x16xf32, #tpu.memory_space<hbm>>
      %dma_wait3A_354 = arith.constant 0 : i32
      %dma_wait3A_355 = tpu.memref_slice %arg10[%mul3A_343, %dma_wait3A_354] : memref<10000x16xf32, #tpu.memory_space<vmem_shared>> -> memref<625x16xf32, #tpu.memory_space<vmem_shared>>
      tpu.wait_dma2 semaphore(%run_scoped3A : memref<!tpu.dma_semaphore, #tpu.memory_space<semaphore_mem>>) src(%dma_wait3A_355 : memref<625x16xf32, #tpu.memory_space<vmem_shared>>) dst(%dma_wait3A_353 : memref<625x16xf32, #tpu.memory_space<hbm>>)
      tpu.yield
    }) : () -> ()
    return
  }
}

module attributes {stable_mosaic.version = 14 : i64} {
  func.func @_esplit_body(%arg0: i32, %arg1: memref<2x320000xi32, #tpu.memory_space<vmem>>, %arg2: memref<2500x128xi32, #tpu.memory_space<vmem>>, %arg3: memref<2500x128xi32, #tpu.memory_space<vmem>>) attributes {dimension_semantics = [#tpu.dimension_semantics<arbitrary>], iteration_bounds = array<i64: 1>, scalar_prefetch = 0 : i64, scratch_operands = 0 : i64, tpu.core_type = #tpu.core_type<tc>, window_params = [{pipeline_mode = #tpu.pipeline_mode<synchronous>, transform_indices = @transform_0, window_bounds = array<i64: 2, 320000>}, {pipeline_mode = #tpu.pipeline_mode<synchronous>, transform_indices = @transform_1, window_bounds = array<i64: 2500, 128>}, {pipeline_mode = #tpu.pipeline_mode<synchronous>, transform_indices = @transform_2, window_bounds = array<i64: 2500, 128>}]} {
    %get3A = arith.constant 0 : index
    %get3A_0 = arith.constant 0 : index
    %get3A_1 = vector.load %arg1[%get3A, %get3A_0] : memref<2x320000xi32, #tpu.memory_space<vmem>>, vector<1x320000xi32>
    %reshape3A = vector.shape_cast %get3A_1 : vector<1x320000xi32> to vector<2500x128xi32>
    %swap3A = arith.constant 0 : index
    %swap3A_2 = arith.constant 0 : index
    %swap3A_3 = vector.load %arg2[%swap3A, %swap3A_2] : memref<2500x128xi32, #tpu.memory_space<vmem>>, vector<2500x128xi32>
    tpu.vector_store %arg2[%swap3A, %swap3A_2], %reshape3A {strides = array<i32>} : memref<2500x128xi32, #tpu.memory_space<vmem>>, vector<2500x128xi32>,
    %get3A_4 = arith.constant 1 : index
    %get3A_5 = arith.constant 0 : index
    %get3A_6 = vector.load %arg1[%get3A_4, %get3A_5] : memref<2x320000xi32, #tpu.memory_space<vmem>>, vector<1x320000xi32>
    %reshape3A_7 = vector.shape_cast %get3A_6 : vector<1x320000xi32> to vector<2500x128xi32>
    %swap3A_8 = arith.constant 0 : index
    %swap3A_9 = arith.constant 0 : index
    %swap3A_10 = vector.load %arg3[%swap3A_8, %swap3A_9] : memref<2500x128xi32, #tpu.memory_space<vmem>>, vector<2500x128xi32>
    tpu.vector_store %arg3[%swap3A_8, %swap3A_9], %reshape3A_7 {strides = array<i32>} : memref<2500x128xi32, #tpu.memory_space<vmem>>, vector<2500x128xi32>,
    return
  }
  func.func @transform_0(%arg0: i32) -> (i32, i32) {
    %c0_i32 = arith.constant 0 : i32
    %c0_i32_0 = arith.constant 0 : i32
    %c0_i32_1 = arith.constant 0 : i32
    return %c0_i32, %c0_i32_0 : i32, i32
  }
  func.func @transform_1(%arg0: i32) -> (i32, i32) {
    %c0_i32 = arith.constant 0 : i32
    %c0_i32_0 = arith.constant 0 : i32
    %c0_i32_1 = arith.constant 0 : i32
    return %c0_i32, %c0_i32_0 : i32, i32
  }
  func.func @transform_2(%arg0: i32) -> (i32, i32) {
    %c0_i32 = arith.constant 0 : i32
    %c0_i32_0 = arith.constant 0 : i32
    %c0_i32_1 = arith.constant 0 : i32
    return %c0_i32, %c0_i32_0 : i32, i32
  }
}

module attributes {stable_mosaic.version = 14 : i64} {
  func.func @_mm1_body(%arg0: i32, %arg1: memref<2000x128xf32, #tpu.memory_space<vmem>>, %arg2: memref<128x128xf32, #tpu.memory_space<vmem>>, %arg3: memref<2x2000x8xf32, #tpu.memory_space<vmem>>, %arg4: memref<2000x128xf32, #tpu.memory_space<vmem>>) attributes {dimension_semantics = [#tpu.dimension_semantics<arbitrary>], iteration_bounds = array<i64: 5>, scalar_prefetch = 0 : i64, scratch_operands = 0 : i64, tpu.core_type = #tpu.core_type<tc>, window_params = [{transform_indices = @transform_0, window_bounds = array<i64: 2000, 128>}, {pipeline_mode = #tpu.pipeline_mode<synchronous>, transform_indices = @transform_1, window_bounds = array<i64: 128, 128>}, {transform_indices = @transform_2, window_bounds = array<i64: 2, 2000, 8>}, {transform_indices = @transform_3, window_bounds = array<i64: 2000, 128>}]} {
    %get3A = arith.constant 0 : index
    %get3A_0 = arith.constant 0 : index
    %get3A_1 = arith.constant 0 : index
    %get3A_2 = vector.load %arg3[%get3A, %get3A_0, %get3A_1] : memref<2x2000x8xf32, #tpu.memory_space<vmem>>, vector<1x2000x1xf32>
    %get3A_3 = vector.shape_cast %get3A_2 : vector<1x2000x1xf32> to vector<2000x1xf32>
    %get3A_4 = arith.constant 1 : index
    %get3A_5 = arith.constant 0 : index
    %get3A_6 = arith.constant 0 : index
    %get3A_7 = vector.load %arg3[%get3A_4, %get3A_5, %get3A_6] : memref<2x2000x8xf32, #tpu.memory_space<vmem>>, vector<1x2000x1xf32>
    %get3A_8 = vector.shape_cast %get3A_7 : vector<1x2000x1xf32> to vector<2000x1xf32>
    %add3A = arith.addf %get3A_3, %get3A_8 : vector<2000x1xf32>
    %add3A_9 = arith.constant 1.000000e+00 : f32
    %add3A_10 = vector.broadcast %add3A_9 : f32 to vector<2000x1xf32>
    %add3A_11 = arith.addf %add3A, %add3A_10 : vector<2000x1xf32>
    %rsqrt3A = math.rsqrt %add3A_11 : vector<2000x1xf32>
    %get3A_12 = arith.constant 0 : index
    %get3A_13 = arith.constant 0 : index
    %get3A_14 = vector.load %arg1[%get3A_12, %get3A_13] : memref<2000x128xf32, #tpu.memory_space<vmem>>, vector<2000x128xf32>
    %get3A_15 = arith.constant 0 : index
    %get3A_16 = arith.constant 0 : index
    %get3A_17 = vector.load %arg2[%get3A_15, %get3A_16] : memref<128x128xf32, #tpu.memory_space<vmem>>, vector<128x128xf32>
    %dot_general3A = arith.constant dense<0.000000e+00> : vector<2000x128xf32>
    %dot_general3A_18 = tpu.matmul %get3A_14, %get3A_17, %dot_general3A {dimension_numbers = #tpu.dot_dimension_numbers<[1], [0], [0], [1], [0, 0, 1, 1], [], []>, transpose_lhs_hint = false} : vector<2000x128xf32>, vector<128x128xf32>, vector<2000x128xf32> -> vector<2000x128xf32>
    %mul3A = vector.broadcast %rsqrt3A : vector<2000x1xf32> to vector<2000x128xf32>
    %mul3A_19 = arith.mulf %dot_general3A_18, %mul3A : vector<2000x128xf32>
    %swap3A = arith.constant 0 : index
    %swap3A_20 = arith.constant 0 : index
    %swap3A_21 = vector.load %arg4[%swap3A, %swap3A_20] : memref<2000x128xf32, #tpu.memory_space<vmem>>, vector<2000x128xf32>
    tpu.vector_store %arg4[%swap3A, %swap3A_20], %mul3A_19 {strides = array<i32>} : memref<2000x128xf32, #tpu.memory_space<vmem>>, vector<2000x128xf32>,
    return
  }
  func.func @transform_0(%arg0: i32) -> (i32, i32) {
    %c0_i32 = arith.constant 0 : i32
    %c0_i32_0 = arith.constant 0 : i32
    return %arg0, %c0_i32 : i32, i32
  }
  func.func @transform_1(%arg0: i32) -> (i32, i32) {
    %c0_i32 = arith.constant 0 : i32
    %c0_i32_0 = arith.constant 0 : i32
    %c0_i32_1 = arith.constant 0 : i32
    return %c0_i32, %c0_i32_0 : i32, i32
  }
  func.func @transform_2(%arg0: i32) -> (i32, i32, i32) {
    %c0_i32 = arith.constant 0 : i32
    %c0_i32_0 = arith.constant 0 : i32
    %c0_i32_1 = arith.constant 0 : i32
    return %c0_i32, %arg0, %c0_i32_0 : i32, i32, i32
  }
  func.func @transform_3(%arg0: i32) -> (i32, i32) {
    %c0_i32 = arith.constant 0 : i32
    %c0_i32_0 = arith.constant 0 : i32
    return %arg0, %c0_i32 : i32, i32
  }
}

module attributes {stable_mosaic.version = 14 : i64} {
  func.func @_mmf_body(%arg0: i32, %arg1: memref<2x2000x128xf32, #tpu.memory_space<vmem>>, %arg2: memref<2000x128xf32, #tpu.memory_space<vmem>>, %arg3: memref<1x128xf32, #tpu.memory_space<vmem>>, %arg4: memref<128x64xf32, #tpu.memory_space<vmem>>, %arg5: memref<2x2000x8xf32, #tpu.memory_space<vmem>>, %arg6: memref<2000x64xf32, #tpu.memory_space<vmem>>) attributes {dimension_semantics = [#tpu.dimension_semantics<arbitrary>], iteration_bounds = array<i64: 5>, scalar_prefetch = 0 : i64, scratch_operands = 0 : i64, tpu.core_type = #tpu.core_type<tc>, window_params = [{transform_indices = @transform_0, window_bounds = array<i64: 2, 2000, 128>}, {transform_indices = @transform_1, window_bounds = array<i64: 2000, 128>}, {pipeline_mode = #tpu.pipeline_mode<synchronous>, transform_indices = @transform_2, window_bounds = array<i64: 1, 128>}, {pipeline_mode = #tpu.pipeline_mode<synchronous>, transform_indices = @transform_3, window_bounds = array<i64: 128, 64>}, {transform_indices = @transform_4, window_bounds = array<i64: 2, 2000, 8>}, {transform_indices = @transform_5, window_bounds = array<i64: 2000, 64>}]} {
    %get3A = arith.constant 0 : index
    %get3A_0 = arith.constant 0 : index
    %get3A_1 = arith.constant 0 : index
    %get3A_2 = vector.load %arg5[%get3A, %get3A_0, %get3A_1] : memref<2x2000x8xf32, #tpu.memory_space<vmem>>, vector<1x2000x1xf32>
    %get3A_3 = vector.shape_cast %get3A_2 : vector<1x2000x1xf32> to vector<2000x1xf32>
    %get3A_4 = arith.constant 1 : index
    %get3A_5 = arith.constant 0 : index
    %get3A_6 = arith.constant 0 : index
    %get3A_7 = vector.load %arg5[%get3A_4, %get3A_5, %get3A_6] : memref<2x2000x8xf32, #tpu.memory_space<vmem>>, vector<1x2000x1xf32>
    %get3A_8 = vector.shape_cast %get3A_7 : vector<1x2000x1xf32> to vector<2000x1xf32>
    %add3A = arith.addf %get3A_3, %get3A_8 : vector<2000x1xf32>
    %add3A_9 = arith.constant 1.000000e+00 : f32
    %add3A_10 = vector.broadcast %add3A_9 : f32 to vector<2000x1xf32>
    %add3A_11 = arith.addf %add3A, %add3A_10 : vector<2000x1xf32>
    %rsqrt3A = math.rsqrt %add3A_11 : vector<2000x1xf32>
    %get3A_12 = arith.constant 0 : index
    %get3A_13 = arith.constant 0 : index
    %get3A_14 = arith.constant 0 : index
    %get3A_15 = vector.load %arg1[%get3A_12, %get3A_13, %get3A_14] : memref<2x2000x128xf32, #tpu.memory_space<vmem>>, vector<1x2000x128xf32>
    %get3A_16 = vector.shape_cast %get3A_15 : vector<1x2000x128xf32> to vector<2000x128xf32>
    %get3A_17 = arith.constant 1 : index
    %get3A_18 = arith.constant 0 : index
    %get3A_19 = arith.constant 0 : index
    %get3A_20 = vector.load %arg1[%get3A_17, %get3A_18, %get3A_19] : memref<2x2000x128xf32, #tpu.memory_space<vmem>>, vector<1x2000x128xf32>
    %get3A_21 = vector.shape_cast %get3A_20 : vector<1x2000x128xf32> to vector<2000x128xf32>
    %add3A_22 = arith.addf %get3A_16, %get3A_21 : vector<2000x128xf32>
    %get3A_23 = arith.constant 0 : index
    %get3A_24 = arith.constant 0 : index
    %get3A_25 = vector.load %arg2[%get3A_23, %get3A_24] : memref<2000x128xf32, #tpu.memory_space<vmem>>, vector<2000x128xf32>
    %add3A_26 = arith.addf %add3A_22, %get3A_25 : vector<2000x128xf32>
    %mul3A = vector.broadcast %rsqrt3A : vector<2000x1xf32> to vector<2000x128xf32>
    %mul3A_27 = arith.mulf %mul3A, %add3A_26 : vector<2000x128xf32>
    %get3A_28 = arith.constant 0 : index
    %get3A_29 = arith.constant 0 : index
    %get3A_30 = vector.load %arg3[%get3A_28, %get3A_29] : memref<1x128xf32, #tpu.memory_space<vmem>>, vector<1x128xf32>
    %add3A_31 = vector.broadcast %get3A_30 : vector<1x128xf32> to vector<2000x128xf32>
    %add3A_32 = arith.addf %mul3A_27, %add3A_31 : vector<2000x128xf32>
    %max3A = arith.constant 0.000000e+00 : f32
    %max3A_33 = vector.broadcast %max3A : f32 to vector<2000x128xf32>
    %max3A_34 = arith.maximumf %add3A_32, %max3A_33 : vector<2000x128xf32>
    %get3A_35 = arith.constant 0 : index
    %get3A_36 = arith.constant 0 : index
    %get3A_37 = vector.load %arg4[%get3A_35, %get3A_36] : memref<128x64xf32, #tpu.memory_space<vmem>>, vector<128x64xf32>
    %dot_general3A = arith.constant dense<0.000000e+00> : vector<2000x64xf32>
    %dot_general3A_38 = tpu.matmul %max3A_34, %get3A_37, %dot_general3A {dimension_numbers = #tpu.dot_dimension_numbers<[1], [0], [0], [1], [0, 0, 1, 1], [], []>, transpose_lhs_hint = false} : vector<2000x128xf32>, vector<128x64xf32>, vector<2000x64xf32> -> vector<2000x64xf32>
    %mul3A_39 = vector.broadcast %rsqrt3A : vector<2000x1xf32> to vector<2000x64xf32>
    %mul3A_40 = arith.mulf %dot_general3A_38, %mul3A_39 : vector<2000x64xf32>
    %swap3A = arith.constant 0 : index
    %swap3A_41 = arith.constant 0 : index
    %swap3A_42 = vector.load %arg6[%swap3A, %swap3A_41] : memref<2000x64xf32, #tpu.memory_space<vmem>>, vector<2000x64xf32>
    tpu.vector_store %arg6[%swap3A, %swap3A_41], %mul3A_40 {strides = array<i32>} : memref<2000x64xf32, #tpu.memory_space<vmem>>, vector<2000x64xf32>,
    return
  }
  func.func @transform_0(%arg0: i32) -> (i32, i32, i32) {
    %c0_i32 = arith.constant 0 : i32
    %c0_i32_0 = arith.constant 0 : i32
    %c0_i32_1 = arith.constant 0 : i32
    return %c0_i32, %arg0, %c0_i32_0 : i32, i32, i32
  }
  func.func @transform_1(%arg0: i32) -> (i32, i32) {
    %c0_i32 = arith.constant 0 : i32
    %c0_i32_0 = arith.constant 0 : i32
    return %arg0, %c0_i32 : i32, i32
  }
  func.func @transform_2(%arg0: i32) -> (i32, i32) {
    %c0_i32 = arith.constant 0 : i32
    %c0_i32_0 = arith.constant 0 : i32
    %c0_i32_1 = arith.constant 0 : i32
    return %c0_i32, %c0_i32_0 : i32, i32
  }
  func.func @transform_3(%arg0: i32) -> (i32, i32) {
    %c0_i32 = arith.constant 0 : i32
    %c0_i32_0 = arith.constant 0 : i32
    %c0_i32_1 = arith.constant 0 : i32
    return %c0_i32, %c0_i32_0 : i32, i32
  }
  func.func @transform_4(%arg0: i32) -> (i32, i32, i32) {
    %c0_i32 = arith.constant 0 : i32
    %c0_i32_0 = arith.constant 0 : i32
    %c0_i32_1 = arith.constant 0 : i32
    return %c0_i32, %arg0, %c0_i32_0 : i32, i32, i32
  }
  func.func @transform_5(%arg0: i32) -> (i32, i32) {
    %c0_i32 = arith.constant 0 : i32
    %c0_i32_0 = arith.constant 0 : i32
    return %arg0, %c0_i32 : i32, i32
  }
}

module attributes {stable_mosaic.version = 14 : i64} {
  func.func @_mmf_body(%arg0: i32, %arg1: memref<2x2000x128xf32, #tpu.memory_space<vmem>>, %arg2: memref<2000x64xf32, #tpu.memory_space<vmem>>, %arg3: memref<1x64xf32, #tpu.memory_space<vmem>>, %arg4: memref<64x16xf32, #tpu.memory_space<vmem>>, %arg5: memref<2x2000x8xf32, #tpu.memory_space<vmem>>, %arg6: memref<2000x16xf32, #tpu.memory_space<vmem>>) attributes {dimension_semantics = [#tpu.dimension_semantics<arbitrary>], iteration_bounds = array<i64: 5>, scalar_prefetch = 0 : i64, scratch_operands = 0 : i64, tpu.core_type = #tpu.core_type<tc>, window_params = [{transform_indices = @transform_0, window_bounds = array<i64: 2, 2000, 128>}, {transform_indices = @transform_1, window_bounds = array<i64: 2000, 64>}, {pipeline_mode = #tpu.pipeline_mode<synchronous>, transform_indices = @transform_2, window_bounds = array<i64: 1, 64>}, {pipeline_mode = #tpu.pipeline_mode<synchronous>, transform_indices = @transform_3, window_bounds = array<i64: 64, 16>}, {transform_indices = @transform_4, window_bounds = array<i64: 2, 2000, 8>}, {transform_indices = @transform_5, window_bounds = array<i64: 2000, 16>}]} {
    %get3A = arith.constant 0 : index
    %get3A_0 = arith.constant 0 : index
    %get3A_1 = arith.constant 0 : index
    %get3A_2 = vector.load %arg5[%get3A, %get3A_0, %get3A_1] : memref<2x2000x8xf32, #tpu.memory_space<vmem>>, vector<1x2000x1xf32>
    %get3A_3 = vector.shape_cast %get3A_2 : vector<1x2000x1xf32> to vector<2000x1xf32>
    %get3A_4 = arith.constant 1 : index
    %get3A_5 = arith.constant 0 : index
    %get3A_6 = arith.constant 0 : index
    %get3A_7 = vector.load %arg5[%get3A_4, %get3A_5, %get3A_6] : memref<2x2000x8xf32, #tpu.memory_space<vmem>>, vector<1x2000x1xf32>
    %get3A_8 = vector.shape_cast %get3A_7 : vector<1x2000x1xf32> to vector<2000x1xf32>
    %add3A = arith.addf %get3A_3, %get3A_8 : vector<2000x1xf32>
    %add3A_9 = arith.constant 1.000000e+00 : f32
    %add3A_10 = vector.broadcast %add3A_9 : f32 to vector<2000x1xf32>
    %add3A_11 = arith.addf %add3A, %add3A_10 : vector<2000x1xf32>
    %rsqrt3A = math.rsqrt %add3A_11 : vector<2000x1xf32>
    %get3A_12 = arith.constant 0 : index
    %get3A_13 = arith.constant 0 : index
    %get3A_14 = arith.constant 0 : index
    %get3A_15 = vector.load %arg1[%get3A_12, %get3A_13, %get3A_14] : memref<2x2000x128xf32, #tpu.memory_space<vmem>>, vector<1x2000x64xf32>
    %get3A_16 = vector.shape_cast %get3A_15 : vector<1x2000x64xf32> to vector<2000x64xf32>
    %get3A_17 = arith.constant 1 : index
    %get3A_18 = arith.constant 0 : index
    %get3A_19 = arith.constant 0 : index
    %get3A_20 = vector.load %arg1[%get3A_17, %get3A_18, %get3A_19] : memref<2x2000x128xf32, #tpu.memory_space<vmem>>, vector<1x2000x64xf32>
    %get3A_21 = vector.shape_cast %get3A_20 : vector<1x2000x64xf32> to vector<2000x64xf32>
    %add3A_22 = arith.addf %get3A_16, %get3A_21 : vector<2000x64xf32>
    %get3A_23 = arith.constant 0 : index
    %get3A_24 = arith.constant 0 : index
    %get3A_25 = vector.load %arg2[%get3A_23, %get3A_24] : memref<2000x64xf32, #tpu.memory_space<vmem>>, vector<2000x64xf32>
    %add3A_26 = arith.addf %add3A_22, %get3A_25 : vector<2000x64xf32>
    %mul3A = vector.broadcast %rsqrt3A : vector<2000x1xf32> to vector<2000x64xf32>
    %mul3A_27 = arith.mulf %mul3A, %add3A_26 : vector<2000x64xf32>
    %get3A_28 = arith.constant 0 : index
    %get3A_29 = arith.constant 0 : index
    %get3A_30 = vector.load %arg3[%get3A_28, %get3A_29] : memref<1x64xf32, #tpu.memory_space<vmem>>, vector<1x64xf32>
    %add3A_31 = vector.broadcast %get3A_30 : vector<1x64xf32> to vector<2000x64xf32>
    %add3A_32 = arith.addf %mul3A_27, %add3A_31 : vector<2000x64xf32>
    %max3A = arith.constant 0.000000e+00 : f32
    %max3A_33 = vector.broadcast %max3A : f32 to vector<2000x64xf32>
    %max3A_34 = arith.maximumf %add3A_32, %max3A_33 : vector<2000x64xf32>
    %get3A_35 = arith.constant 0 : index
    %get3A_36 = arith.constant 0 : index
    %get3A_37 = vector.load %arg4[%get3A_35, %get3A_36] : memref<64x16xf32, #tpu.memory_space<vmem>>, vector<64x16xf32>
    %dot_general3A = arith.constant dense<0.000000e+00> : vector<2000x16xf32>
    %dot_general3A_38 = tpu.matmul %max3A_34, %get3A_37, %dot_general3A {dimension_numbers = #tpu.dot_dimension_numbers<[1], [0], [0], [1], [0, 0, 1, 1], [], []>, transpose_lhs_hint = false} : vector<2000x64xf32>, vector<64x16xf32>, vector<2000x16xf32> -> vector<2000x16xf32>
    %mul3A_39 = vector.broadcast %rsqrt3A : vector<2000x1xf32> to vector<2000x16xf32>
    %mul3A_40 = arith.mulf %dot_general3A_38, %mul3A_39 : vector<2000x16xf32>
    %swap3A = arith.constant 0 : index
    %swap3A_41 = arith.constant 0 : index
    %swap3A_42 = vector.load %arg6[%swap3A, %swap3A_41] : memref<2000x16xf32, #tpu.memory_space<vmem>>, vector<2000x16xf32>
    tpu.vector_store %arg6[%swap3A, %swap3A_41], %mul3A_40 {strides = array<i32>} : memref<2000x16xf32, #tpu.memory_space<vmem>>, vector<2000x16xf32>,
    return
  }
  func.func @transform_0(%arg0: i32) -> (i32, i32, i32) {
    %c0_i32 = arith.constant 0 : i32
    %c0_i32_0 = arith.constant 0 : i32
    %c0_i32_1 = arith.constant 0 : i32
    return %c0_i32, %arg0, %c0_i32_0 : i32, i32, i32
  }
  func.func @transform_1(%arg0: i32) -> (i32, i32) {
    %c0_i32 = arith.constant 0 : i32
    %c0_i32_0 = arith.constant 0 : i32
    return %arg0, %c0_i32 : i32, i32
  }
  func.func @transform_2(%arg0: i32) -> (i32, i32) {
    %c0_i32 = arith.constant 0 : i32
    %c0_i32_0 = arith.constant 0 : i32
    %c0_i32_1 = arith.constant 0 : i32
    return %c0_i32, %c0_i32_0 : i32, i32
  }
  func.func @transform_3(%arg0: i32) -> (i32, i32) {
    %c0_i32 = arith.constant 0 : i32
    %c0_i32_0 = arith.constant 0 : i32
    %c0_i32_1 = arith.constant 0 : i32
    return %c0_i32, %c0_i32_0 : i32, i32
  }
  func.func @transform_4(%arg0: i32) -> (i32, i32, i32) {
    %c0_i32 = arith.constant 0 : i32
    %c0_i32_0 = arith.constant 0 : i32
    %c0_i32_1 = arith.constant 0 : i32
    return %c0_i32, %arg0, %c0_i32_0 : i32, i32, i32
  }
  func.func @transform_5(%arg0: i32) -> (i32, i32) {
    %c0_i32 = arith.constant 0 : i32
    %c0_i32_0 = arith.constant 0 : i32
    return %arg0, %c0_i32 : i32, i32
  }
}

module attributes {stable_mosaic.version = 14 : i64} {
  func.func @_sm_body(%arg0: i32, %arg1: memref<2x2000x128xf32, #tpu.memory_space<vmem>>, %arg2: memref<2000x16xf32, #tpu.memory_space<vmem>>, %arg3: memref<1x16xf32, #tpu.memory_space<vmem>>, %arg4: memref<2x2000x8xf32, #tpu.memory_space<vmem>>, %arg5: memref<2000x16xf32, #tpu.memory_space<vmem>>) attributes {dimension_semantics = [#tpu.dimension_semantics<arbitrary>], iteration_bounds = array<i64: 5>, scalar_prefetch = 0 : i64, scratch_operands = 0 : i64, tpu.core_type = #tpu.core_type<tc>, window_params = [{transform_indices = @transform_0, window_bounds = array<i64: 2, 2000, 128>}, {transform_indices = @transform_1, window_bounds = array<i64: 2000, 16>}, {pipeline_mode = #tpu.pipeline_mode<synchronous>, transform_indices = @transform_2, window_bounds = array<i64: 1, 16>}, {transform_indices = @transform_3, window_bounds = array<i64: 2, 2000, 8>}, {transform_indices = @transform_4, window_bounds = array<i64: 2000, 16>}]} {
    %get3A = arith.constant 0 : index
    %get3A_0 = arith.constant 0 : index
    %get3A_1 = arith.constant 0 : index
    %get3A_2 = vector.load %arg4[%get3A, %get3A_0, %get3A_1] : memref<2x2000x8xf32, #tpu.memory_space<vmem>>, vector<1x2000x1xf32>
    %get3A_3 = vector.shape_cast %get3A_2 : vector<1x2000x1xf32> to vector<2000x1xf32>
    %get3A_4 = arith.constant 1 : index
    %get3A_5 = arith.constant 0 : index
    %get3A_6 = arith.constant 0 : index
    %get3A_7 = vector.load %arg4[%get3A_4, %get3A_5, %get3A_6] : memref<2x2000x8xf32, #tpu.memory_space<vmem>>, vector<1x2000x1xf32>
    %get3A_8 = vector.shape_cast %get3A_7 : vector<1x2000x1xf32> to vector<2000x1xf32>
    %add3A = arith.addf %get3A_3, %get3A_8 : vector<2000x1xf32>
    %add3A_9 = arith.constant 1.000000e+00 : f32
    %add3A_10 = vector.broadcast %add3A_9 : f32 to vector<2000x1xf32>
    %add3A_11 = arith.addf %add3A, %add3A_10 : vector<2000x1xf32>
    %rsqrt3A = math.rsqrt %add3A_11 : vector<2000x1xf32>
    %get3A_12 = arith.constant 0 : index
    %get3A_13 = arith.constant 0 : index
    %get3A_14 = arith.constant 0 : index
    %get3A_15 = vector.load %arg1[%get3A_12, %get3A_13, %get3A_14] : memref<2x2000x128xf32, #tpu.memory_space<vmem>>, vector<1x2000x16xf32>
    %get3A_16 = vector.shape_cast %get3A_15 : vector<1x2000x16xf32> to vector<2000x16xf32>
    %get3A_17 = arith.constant 1 : index
    %get3A_18 = arith.constant 0 : index
    %get3A_19 = arith.constant 0 : index
    %get3A_20 = vector.load %arg1[%get3A_17, %get3A_18, %get3A_19] : memref<2x2000x128xf32, #tpu.memory_space<vmem>>, vector<1x2000x16xf32>
    %get3A_21 = vector.shape_cast %get3A_20 : vector<1x2000x16xf32> to vector<2000x16xf32>
    %add3A_22 = arith.addf %get3A_16, %get3A_21 : vector<2000x16xf32>
    %get3A_23 = arith.constant 0 : index
    %get3A_24 = arith.constant 0 : index
    %get3A_25 = vector.load %arg2[%get3A_23, %get3A_24] : memref<2000x16xf32, #tpu.memory_space<vmem>>, vector<2000x16xf32>
    %add3A_26 = arith.addf %add3A_22, %get3A_25 : vector<2000x16xf32>
    %mul3A = vector.broadcast %rsqrt3A : vector<2000x1xf32> to vector<2000x16xf32>
    %mul3A_27 = arith.mulf %mul3A, %add3A_26 : vector<2000x16xf32>
    %get3A_28 = arith.constant 0 : index
    %get3A_29 = arith.constant 0 : index
    %get3A_30 = vector.load %arg3[%get3A_28, %get3A_29] : memref<1x16xf32, #tpu.memory_space<vmem>>, vector<1x16xf32>
    %add3A_31 = vector.broadcast %get3A_30 : vector<1x16xf32> to vector<2000x16xf32>
    %add3A_32 = arith.addf %mul3A_27, %add3A_31 : vector<2000x16xf32>
    %reduce_max3A = arith.constant dense<0xFF800000> : vector<2000xf32>
    %reduce_max3A_33 = vector.multi_reduction <maximumf>, %add3A_32, %reduce_max3A [1] : vector<2000x16xf32> to vector<2000xf32>
    %broadcast_in_dim3A = vector.shape_cast %reduce_max3A_33 : vector<2000xf32> to vector<2000x1xf32>
    %sub3A = vector.broadcast %broadcast_in_dim3A : vector<2000x1xf32> to vector<2000x16xf32>
    %sub3A_34 = arith.subf %add3A_32, %sub3A : vector<2000x16xf32>
    %exp3A = math.exp %sub3A_34 : vector<2000x16xf32>
    %reduce_sum3A = arith.constant dense<0.000000e+00> : vector<2000xf32>
    %reduce_sum3A_35 = vector.multi_reduction <add>, %exp3A, %reduce_sum3A [1] : vector<2000x16xf32> to vector<2000xf32>
    %broadcast_in_dim3A_36 = vector.shape_cast %reduce_sum3A_35 : vector<2000xf32> to vector<2000x1xf32>
    %div3A = vector.broadcast %broadcast_in_dim3A_36 : vector<2000x1xf32> to vector<2000x16xf32>
    %div3A_37 = arith.divf %exp3A, %div3A : vector<2000x16xf32>
    %swap3A = arith.constant 0 : index
    %swap3A_38 = arith.constant 0 : index
    %swap3A_39 = vector.load %arg5[%swap3A, %swap3A_38] : memref<2000x16xf32, #tpu.memory_space<vmem>>, vector<2000x16xf32>
    tpu.vector_store %arg5[%swap3A, %swap3A_38], %div3A_37 {strides = array<i32>} : memref<2000x16xf32, #tpu.memory_space<vmem>>, vector<2000x16xf32>,
    return
  }
  func.func @transform_0(%arg0: i32) -> (i32, i32, i32) {
    %c0_i32 = arith.constant 0 : i32
    %c0_i32_0 = arith.constant 0 : i32
    %c0_i32_1 = arith.constant 0 : i32
    return %c0_i32, %arg0, %c0_i32_0 : i32, i32, i32
  }
  func.func @transform_1(%arg0: i32) -> (i32, i32) {
    %c0_i32 = arith.constant 0 : i32
    %c0_i32_0 = arith.constant 0 : i32
    return %arg0, %c0_i32 : i32, i32
  }
  func.func @transform_2(%arg0: i32) -> (i32, i32) {
    %c0_i32 = arith.constant 0 : i32
    %c0_i32_0 = arith.constant 0 : i32
    %c0_i32_1 = arith.constant 0 : i32
    return %c0_i32, %c0_i32_0 : i32, i32
  }
  func.func @transform_3(%arg0: i32) -> (i32, i32, i32) {
    %c0_i32 = arith.constant 0 : i32
    %c0_i32_0 = arith.constant 0 : i32
    %c0_i32_1 = arith.constant 0 : i32
    return %c0_i32, %arg0, %c0_i32_0 : i32, i32, i32
  }
  func.func @transform_4(%arg0: i32) -> (i32, i32) {
    %c0_i32 = arith.constant 0 : i32
    %c0_i32_0 = arith.constant 0 : i32
    return %arg0, %c0_i32 : i32, i32
  }
}

</mosaic_0001>

<sc_bundles>
// kernel: gcn_agg_128.3.cloned.1.call-start
scs
__scs_entry_jumppad:
0x0: {  	(pc) =	sbr.rel $0x88, $3  }
0x1: {  	(tag) =	ssettag $0x0;
	lr =	simm.s32 $0x1  }
0x2: {  	[smem:$0x3F99] =	sst lr;
	_ =	strace $0xD0000000  }
0x3: {  	_ = 	snop  }
0x4: {  	_ = 	snop  }
0x5: {  	_ = 	snop  }
0x6: {  	_ = 	snop  }
0x7: {  	_ = 	snop  }
__scs_overlays_trampoline_lowered:
0x8: {  	[smem:$0x3FA8] =	sst s0  }
0x9: {  	[smem:$0x3FA9] =	sst s1  }
0xa: {  	[smem:$0x3FAA] =	sst s2  }
0xb: {  	[smem:$0x3FAB] =	sst s3  }
0xc: {  	[smem:$0x3FAC] =	sst s4  }
0xd: {  	[smem:$0x3FAD] =	sst s5  }
0xe: {  	[smem:$0x3FAE] =	sst s6  }
0xf: {  	[smem:$0x3FAF] =	sst s7  }
0x10: {  	[smem:$0x3FB0] =	sst s8  }
0x11: {  	[smem:$0x3FB1] =	sst s9;
	s0 =	simm.s32 @!p0 $0x0  }
0x12: {  	s1 =	sld [smem:$0x3F97];
	s0 =	simm.s32 @p0 $0x1  }
0x13: {  	[smem:$0x3FB2] =	sst s0;
	s0 =	simm.s32 @!p1 $0x0  }
0x14: {  	s2 =	sld [smem:$0x3F96];
	s0 =	simm.s32 @p1 $0x1  }
0x15: {  	[smem:$0x3FB3] =	sst s0;
	s0 =	simm.s32 @!p2 $0x0  }
0x16: {  	s3 =	sld [smem:$0x3FDB];
	s0 =	simm.s32 @p2 $0x1  }
0x17: {  	s4 =	simm.s32 $0x1BF5;
	[smem:$0x3FB5] =	sst s0  }
0x18: {  	s0 =	sld [smem:$0x3F98];
	_ =	swait.ge [sflag:s4], $0x0  }
0x19: {  	s7 =	sld [smem:$0x3F99]  }
0x1a: {  	s8 =	sadd.s32 $0xFFFFE003, lr  }
0x1b: {  	s9 =	sadd.s32 $0xFFFFFEF7, lr;
	s5 =	simm.s32 $0xFFFFFFFF;
	p2 =	slt.u32 s8, $0xFFFFF086  }
0x1c: {  	p1 =	slt.u32 s9, $0xF7A;
	s5 =	simm.s32 @!p2 $0x0  }
0x1d: {  	s5 =	simm.s32 @p1 $0x1;
	p0 =	seq.s32 s7, s2  }
0x1e: {  	s7 =	smul.u32 @!p0 $0xF7A, s2;
	p2 =	seq.s32 @!p0 s5, $0x0  }
0x1f: {  	s9 =	smul.u32 $0xF7A, s1;
	s8 =	simm.s32 @!p0 $0x1BF5;
	p2 =	por !p2, p0  }
0x20: {  	[sflag:s8] =	ssyncset.s32 @!p0 $0xFFFFF086;
	s6 =	sadd.s32 @!p0 s3, s7;
	s7 =	simm.s32 @!p0 $0x108  }
0x21: {  	s3 =	sadd.s32 s3, s9;
	s6 =	sadd.s32 @!p0 $0x88, s6;
	s7 =	simm.s32 @p2 $0x1082  }
0x22: {  	[simem:s7], [sflag:s8] =	dma.local @!p0 [hbm:s6], $0xF7A  }
0x23: {  	s9 =	sor.u32 $0xD0000000, s2;
	s6 =	simm.s32 $0x108;
	_ =	swait.ge @!p0 [sflag:s8], $0x0  }
0x24: {  	s3 =	sadd.s32 $0x88, s3;
	s6 =	simm.s32 @!p1 $0x1082;
	[sflag:s4] =	ssyncset.s32 $0xFFFFF086  }
0x25: {  	[simem:s6], [sflag:s4] =	dma.local [hbm:s3], $0xF7A  }
0x26: {  	[smem:$0x3F99] =	sst s1;
	(tag) =	ssettag s2;
	_ =	strace s9  }
0x27: {  	s1 =	sld [smem:$0x3FA9]  }
0x28: {  	s2 =	sld [smem:$0x3FAA]  }
0x29: {  	s4 =	sld [smem:$0x3FAC]  }
0x2a: {  	p0 =	seq.s32 s5, $0x0;
	s5 =	sld [smem:$0x3FAD]  }
0x2b: {  	s6 =	sld [smem:$0x3FAE]  }
0x2c: {  	s7 =	sld [smem:$0x3FAF]  }
0x2d: {  	s3 =	simm.s32 $0x108;
	s8 =	sld [smem:$0x3FB0]  }
0x2e: {  	s3 =	simm.s32 @!p0 $0x1082;
	s9 =	sld [smem:$0x3FB1]  }
0x2f: {  	lr =	sadd.s32 s0, s3;
	s0 =	sld [smem:$0x3FA8]  }
0x30: {  	s3 =	sld [smem:$0x3FAB]  }
0x31: {  	[smem:$0x3FB4] =	sst s10  }
0x32: {  	s10 =	sld [smem:$0x3FB2];
	_ =	sdelay $0x3  }
0x33: {  	p0 =	seq.s32 s10, $0x1;
	s10 =	sld [smem:$0x3FB4];
	_ =	sdelay $0x3  }
0x34: {  	[smem:$0x3FB4] =	sst s10  }
0x35: {  	s10 =	sld [smem:$0x3FB3];
	_ =	sdelay $0x3  }
0x36: {  	p1 =	seq.s32 s10, $0x1;
	s10 =	sld [smem:$0x3FB4];
	_ =	sdelay $0x3  }
0x37: {  	[smem:$0x3FB4] =	sst s10  }
0x38: {  	s10 =	sld [smem:$0x3FB5]  }
0x39: {  	_ = 	snop;
	(pc) =	sbr.ind lr, $3  }
0x3a: {  	_ = 	snop  }
0x3b: {  	_ = 	snop  }
0x3c: {  	p2 =	seq.s32 s10, $0x1;
	s10 =	sld [smem:$0x3FB4]  }
0x3d: {  	_ =	shalt  }
0x3e: {  	_ =	shalt  }
0x3f: {  	_ =	shalt  }
0x40: {  	_ =	shalt  }
0x41: {  	_ =	shalt  }
0x42: {  	_ =	shalt  }
0x43: {  	_ =	shalt  }
0x44: {  	_ =	shalt  }
0x45: {  	_ =	shalt  }
0x46: {  	_ =	shalt  }
0x47: {  	_ =	shalt  }
0x48: {  	_ =	shalt  }
0x49: {  	_ =	shalt  }
0x4a: {  	_ =	shalt  }
0x4b: {  	_ =	shalt  }
0x4c: {  	_ =	shalt  }
0x4d: {  	_ =	shalt  }
0x4e: {  	_ =	shalt  }
0x4f: {  	_ =	shalt  }
0x50: {  	_ =	shalt  }
0x51: {  	_ =	shalt  }
0x52: {  	_ =	shalt  }
0x53: {  	_ =	shalt  }
0x54: {  	_ =	shalt  }
0x55: {  	_ =	shalt  }
0x56: {  	_ =	shalt  }
0x57: {  	_ =	shalt  }
0x58: {  	_ =	shalt  }
0x59: {  	_ =	shalt  }
0x5a: {  	_ =	shalt  }
0x5b: {  	_ =	shalt  }
0x5c: {  	_ =	shalt  }
0x5d: {  	_ =	shalt  }
0x5e: {  	_ =	shalt  }
0x5f: {  	_ =	shalt  }
0x60: {  	_ =	shalt  }
0x61: {  	_ =	shalt  }
0x62: {  	_ =	shalt  }
0x63: {  	_ =	shalt  }
0x64: {  	_ =	shalt  }
0x65: {  	_ =	shalt  }
0x66: {  	_ =	shalt  }
0x67: {  	_ =	shalt  }
0x68: {  	_ =	shalt  }
0x69: {  	_ =	shalt  }
0x6a: {  	_ =	shalt  }
0x6b: {  	_ =	shalt  }
0x6c: {  	_ =	shalt  }
0x6d: {  	_ =	shalt  }
0x6e: {  	_ =	shalt  }
0x6f: {  	_ =	shalt  }
0x70: {  	_ =	shalt  }
0x71: {  	_ =	shalt  }
0x72: {  	_ =	shalt  }
0x73: {  	_ =	shalt  }
0x74: {  	_ =	shalt  }
0x75: {  	_ =	shalt  }
0x76: {  	_ =	shalt  }
0x77: {  	_ =	shalt  }
0x78: {  	_ =	shalt  }
0x79: {  	_ =	shalt  }
0x7a: {  	_ =	shalt  }
0x7b: {  	_ =	shalt  }
0x7c: {  	_ =	shalt  }
0x7d: {  	_ =	shalt  }
0x7e: {  	_ =	shalt  }
0x7f: {  	_ =	shalt  }
0x80: {  	_ =	shalt  }
0x81: {  	_ =	shalt  }
0x82: {  	_ =	shalt  }
0x83: {  	_ =	shalt  }
0x84: {  	_ =	shalt  }
0x85: {  	_ =	shalt  }
0x86: {  	_ =	shalt  }
0x87: {  	_ =	shalt  }
.Lfunc_end0:
.L_simem_size_0:
called_computation.1_lowered:
.L_overlay_start_0:
0x88: {  	s2 =	sld [smem:$0x3FD9]  }
0x89: {  	s3 =	sld [smem:$0x3FFE];
	_ =	sdelay $0x1  }
0x8a: {  	s1 =	srdreg.scid  }
0x8b: {  	s0 =	sand.u32 $0x1, s1  }
0x8c: {  	s17 =	sshll.u32 s0, $0xA;
	s2 =	sadd.s32 s3, s2  }
0x8d: {  	s2 =	sadd.s32 s2, s17  }
0x8e: {  	[smem:$0x3FC0] =	sst s2  }
0x8f: {  	_ = 	snop  }
0x90: {  	s2 =	sld [smem:$0x3FD0];
	(tm) =	ssettm $0x1  }
0x91: {  	s18 =	sld [smem:$0x3FFB];
	_ =	sdelay $0x3  }
0x92: {  	_ =	strace s18  }
0x93: {  	s3 =	sld [smem:$0x3FFC];
	_ =	sdelay $0x3  }
0x94: {  	_ =	strace s3  }
0x95: {  	s3 =	sld [smem:$0x3FFD];
	_ =	sdelay $0x3  }
0x96: {  	_ =	strace s3  }
0x97: {  	_ =	strace $0x8FFFFFFF  }
0x98: {  	s19 =	sld [smem:$0x3FDB];
	_ =	sdelay $0x1  }
0x99: {  	s4 =	simm.s32 $_scs_section_size  }
0x9a: {  	s5 =	simm.s32 $_size__tile_overlayer_lowered;
	s6 =	simm.s32 $_tile_overlayer_lowered  }
0x9b: {  	s22 =	simm.s32 $0x1BFF;
	s21 =	sshll.u32 s6, $0x1;
	s3 =	sadd.s32 s4, s19  }
0x9c: {  	s7 =	simm.s32 $0x0;
	s20 =	sshll.u32 s5, $0x1;
	s5 =	sadd.s32 s21, s3  }
0x9d: {  	[timem:s7], [sflag:s22] =	dma.local [hbm:s5], s20  }
0x9e: {  	_ =	swait.ge [sflag:s22], s20  }
0x9f: {  	s4 =	ssub.s32 $0x0, s20;
	[sflag:s22] =	ssyncset.done $0x0  }
0xa0: {  	[sflag:s22] =	ssyncadd.s32 s4;
	_ =	sdelay $0x1  }
0xa1: {  	s23 =	simm.s32 $0x1B8B  }
0xa2: {  	_ =	swait.ge [sflag:s23], $0x1  }
0xa3: {  	[sflag:s23] =	ssyncset.done $0x0  }
0xa4: {  	s25 =	simm.s32 $0x1B8E;
	s24 =	sld [smem:$0x3FFE];
	[sflag:s23] =	ssyncadd.s32 $0xFFFFFFFF  }
0xa5: {  	s26 =	simm.s32 $execute0_lowered;
	[smem:$0x3FD2] =	sst s25  }
0xa6: {  	s5 =	sshll.u32 s26, $0x1;
	_ =	strace $0x80000049;
	[dreg:$0x1] =	wrdreg $0xFFFFFFFF  }
0xa7: {  	s28 =	simm.s32 $_size_execute0_lowered;
	s3 =	sadd.s32 s3, s5;
	[dreg:$0x0] =	wrdreg $0x0  }
0xa8: {  	s5 =	sshll.u32 s28, $0x1;
	[dreg:$0x2] =	wrdreg s3  }
0xa9: {  	[dreg:$0x3] =	wrdreg s5  }
0xaa: {  	[dreg:$0x4] =	wrdreg $0xC0  }
0xab: {  	_ =	task [dreg:s7], $0x5FFFF  }
0xac: {  	[dreg:$0x1] =	wrdreg $0xFFFFFFFF  }
0xad: {  	[dreg:$0x0] =	wrdreg $0x60  }
0xae: {  	[dreg:$0x2] =	wrdreg s24  }
0xaf: {  	[dreg:$0x3] =	wrdreg s2  }
0xb0: {  	[dreg:$0x4] =	wrdreg $0xC6200  }
0xb1: {  	[dreg:$0x5] =	wrdreg $0x9  }
0xb2: {  	_ =	task.clear_ibuf [dreg:s7], $0x6FFFF;
	_ =	strace $0x90000049  }
0xb3: {  	s29 =	simm.s32 $0x9;
	_ =	strace $0x8000004B  }
0xb4: {  	_ =	swait.ge [sflag:s29], $0x1  }
0xb5: {  	[sflag:s29] =	ssyncadd.s32 $0xFFFFFFFF  }
0xb6: {  	_ =	strace $0x9000004B  }
0xb7: {  	_ =	sfence  }
0xb8: {  	s30 =	sld [smem:$0x0];
	_ =	sdelay $0x2  }
0xb9: {  	s31 =	sshll.u32 s1, $0xD;
	s1 =	sshrl.u32 s1, $0x2  }
0xba: {  	s3 =	sand.u32 $0x4000, s31;
	s1 =	sadd.s32 s1, s30  }
0xbb: {  	s0 =	sor.u32 s3, s0;
	s1 =	sshll.u32 s1, $0x11  }
0xbc: {  	s0 =	sor.u32 s1, s0  }
0xbd: {  	s0 =	sadd.s32 $0x8F2B, s0  }
0xbe: {  	[sflag:s0] =	ssyncadd.remote.s32 $0x1  }
0xbf: {  	_ =	sfence.sel $0xFFFF  }
0xc0: {  	[dreg:$0x0] =	wrdreg $0xFFFFFFFF;
	(pc) =	sbr.abs _section_cstart, $3  }
0xc1: {  	[dreg:$0x1] =	wrdreg $0xFFFFFFFF  }
0xc2: {  	_ =	task.clear_ibuf [dreg:s7], $0x2FFFF;
	_ =	strace $0x9FFFFFFF  }
0xc3: {  	(tm) =	ssettm $0x7FFFFFFF  }
tec
execute0_lowered:
.L_overlay_start_1:
0x0: {  	(tag) =	ssettag $0x1  }
0x1: {  	s6 =	rddreg [dreg:$0x0]  }
0x2: {  	s2 =	rddreg [dreg:$0x1]  }
0x3: {  	s3 =	rddreg [dreg:$0x2]  }
0x4: {  	s4 =	srdreg.scid;
	s0 =	stileid.u32;
	s12 =	simm.s32 $0x50  }
0x5: {  	s13 =	simm.s32 $0x4E20;
	s14 =	simm.s32 $0x7620;
	s17 =	simm.s32 $0x9E20  }
0x6: {  	s18 =	simm.s32 $0x1;
	s19 =	simm.s32 $0x4;
	s20 =	simm.s32 $0x2  }
0x7: {  	s21 =	simm.s32 $0x5;
	s22 =	simm.s32 $0x3;
	s23 =	simm.s32 $0x4D80  }
0x8: {  	s24 =	simm.s32 $0x4DD0;
	s25 =	simm.s32 $0x6;
	s26 =	simm.s32 $0x0  }
0x9: {  	s7 =	sand.u32 $0x1, s4;
	s8 =	smul.u32 $0x13880, s0;
	s4 =	simm.s32 $0x0  }
0xa: {  	s15 =	sshll.u32 s0, $0x6;
	s5 =	sshll.u32 s7, $0x4;
	s9 =	smul.u32 $0x138800, s7  }
0xb: {  	[smem:$0x7FF] =	sst s4;
	s7 =	ssub.s32 $0x2, s7;
	s15 =	sor.u32 $0x1C07, s15  }
0xc: {  	s5 =	sor.u32 s0, s5;
	_ =	strace $0x8000004A;
	s31 =	sshrl.u32 s7, $0x1  }
0xd: {  	s16 =	sadd.s32 s8, s3;
	s10 =	smul.u32 $0x4E2, s5;
	s9 =	sadd.s32 s8, s9  }
0xe: {  	s5 =	sadd.s32 $0x65600, s6;
	s11 =	ssub.s32 s7, s31;
	s9 =	sshrl.u32 s9, $0x3  }
0xf: {  	s16 =	sshrl.u32 s16, $0x3;
	s10 =	sadd.s32 s10, s6;
	s9 =	sadd.s32 s9, s6  }
0x10: {  	s6 =	sadd.s32 $0xD600, s10;
	s7 =	sadd.s32 $0x3800, s10;
	s8 =	sadd.s32 $0x8C800, s9  }
0x11: {  	s9 =	smax.u32 s11, $0x1;
	s10 =	simm.s32 $0x7;
	s11 =	simm.s32 $0x2710  }
.LBB2_1:
0x12: {  	[tilespmem:s4], [sflag:$0x7] =	stream.linear.gather [hbm4b:s6+s4], $0x2710, $0x38;
	[tilespmem:$0x1FEA0] =	vst v63  }
0x13: {  	_ =	swait.ge [sflag:s10], $0x2710  }
0x14: {  	[sflag:s10] =	ssyncset.done $0x0  }
0x15: {  	[sflag:s10] =	ssyncadd.s32 $0xFFFFD8F0  }
0x16: {  	[tilespmem:s11], [sflag:$0x7] =	stream.linear.gather [hbm4b:s7+s4], $0x2710, $0x38;
	[tilespmem:$0x1FEA0] =	vst v63  }
0x17: {  	_ =	swait.ge [sflag:s10], $0x2710  }
0x18: {  	[sflag:s10] =	ssyncset.done $0x0  }
0x19: {  	[sflag:s10] =	ssyncadd.s32 $0xFFFFD8F0  }
0x1a: {  	[tilespmem:s13], [sflag:$0x1] =	stream.indirect.gather [hbm4b:s5+s12], $0x80, s4, s12, $0xb8;
	[tilespmem:$0x1FEA0] =	vst v63  }
0x1b: {  	_ = 	snop  }
0x1c: {  	[tilespmem:s14], [sflag:$0x2] =	stream.indirect.gather [hbm4b:s5+s12], $0x80, s12, s12, $0xb8;
	[tilespmem:$0x1FEA0] =	vst v63  }
0x1d: {  	[spmem:s16], [sflag:s15] =	dma.local [hbm:s2], $0x2710  }
0x1e: {  	_ =	swait.ge [sflag:s10], $0x2710  }
0x1f: {  	[sflag:s10] =	ssyncset.done $0x0  }
0x20: {  	p0 =	por $0x1, $0x1;
	[sflag:s10] =	ssyncadd.s32 $0xFFFFD8F0  }
0x21: {  	s28 =	simm.s32 @!p0 $0x6;
	[bflag:$0x0] =	sbarrier.arrive $0xFFFF  }
0x22: {  	_ =	swait.ge @!p0 [sflag:s28], $0x2800  }
0x23: {  	[sflag:s28] =	ssyncset.done @!p0 $0x0  }
0x24: {  	[sflag:s28] =	ssyncadd.s32 @!p0 $0xFFFFD800;
	s28 =	simm.s32 $0xA0  }
0x25: {  	[tilespmem:s17], [sflag:$0x3] =	stream.indirect.gather [hbm4b:s5+s12], $0x80, s28, s12, $0xb8;
	[tilespmem:$0x1FEA0] =	vst v63  }
0x26: {  	_ =	swait.ge [sflag:s18], $0x2800  }
0x27: {  	[sflag:s18] =	ssyncset.done $0x0  }
0x28: {  	s28 =	simm.s32 $0x2710;
	[sflag:s18] =	ssyncadd.s32 $0xFFFFD800  }
0x29: {  	[spmem:s3] =	stream.indirect.scatter.add.f32 [tilespmem:s13], [sflag:$0x4], $0x80, s28, s12, $0xb8;
	[tilespmem:$0x1FEA0] =	vst v63  }
0x2a: {  	_ =	swait.ge [sflag:s19], $0x2800  }
0x2b: {  	[sflag:s19] =	ssyncset.done $0x0  }
0x2c: {  	s28 =	simm.s32 $0xF0;
	[sflag:s19] =	ssyncadd.s32 $0xFFFFD800  }
0x2d: {  	[tilespmem:s13], [sflag:$0x1] =	stream.indirect.gather [hbm4b:s5+s12], $0x80, s28, s12, $0xb8;
	[tilespmem:$0x1FEA0] =	vst v63  }
0x2e: {  	_ =	swait.ge [sflag:s20], $0x2800  }
0x2f: {  	[sflag:s20] =	ssyncset.done $0x0  }
0x30: {  	s28 =	simm.s32 $0x2760;
	[sflag:s20] =	ssyncadd.s32 $0xFFFFD800  }
0x31: {  	[spmem:s3] =	stream.indirect.scatter.add.f32 [tilespmem:s14], [sflag:$0x5], $0x80, s28, s12, $0xb8;
	[tilespmem:$0x1FEA0] =	vst v63  }
0x32: {  	_ =	swait.ge [sflag:s21], $0x2800  }
0x33: {  	[sflag:s21] =	ssyncset.done $0x0  }
0x34: {  	s29 =	simm.s32 $0x140;
	s30 =	simm.s32 $0x2;
	[sflag:s21] =	ssyncadd.s32 $0xFFFFD800  }
0x35: {  	[tilespmem:s14], [sflag:$0x2] =	stream.indirect.gather [hbm4b:s5+s12], $0x80, s29, s12, $0xb8;
	[tilespmem:$0x1FEA0] =	vst v63  }
0x36: {  	p1 =	por $0x0, $0x0;
	s31 =	simm.s32 $0x27B0;
	_ =	swait.ge [sflag:s22], $0x2800  }
0x37: {  	s28 =	simm.s32 $0x3C0;
	s29 =	simm.s32 $0x780;
	[sflag:s22] =	ssyncset.done $0x0  }
.LBB2_2:
0x38: {  	s0 =	simm.s32 @!p1 $0x6  }
0x39: {  	[sflag:s22] =	ssyncadd.s32 $0xFFFFD800;
	s1 =	smov.u32 s29;
	s29 =	sadd.s32 $0x3C0, s29  }
0x3a: {  	[spmem:s3] =	stream.indirect.scatter.add.f32 [tilespmem:s17], [sflag:$0x6], $0x80, s31, s12, $0xb8;
	[tilespmem:$0x1FEA0] =	vst v63  }
0x3b: {  	p0 =	sne.s32 s29, $0x99C0;
	_ =	swait.ge @!p1 [sflag:s0], $0x2800  }
0x3c: {  	s31 =	sshra.s32 s28, $0x2;
	s28 =	smov.u32 s1;
	[sflag:s0] =	ssyncset.done @!p1 $0x0  }
0x3d: {  	[sflag:s0] =	ssyncadd.s32 @!p1 $0xFFFFD800;
	s0 =	sadd.s32 $0xA0, s31  }
0x3e: {  	[tilespmem:s17], [sflag:$0x3] =	stream.indirect.gather [hbm4b:s5+s12], $0x80, s0, s12, $0xb8;
	[tilespmem:$0x1FEA0] =	vst v63  }
0x3f: {  	_ =	swait.ge [sflag:s18], $0x2800  }
0x40: {  	[sflag:s18] =	ssyncset.done $0x0  }
0x41: {  	s0 =	sadd.s32 $0x2710, s31;
	[sflag:s18] =	ssyncadd.s32 $0xFFFFD800  }
0x42: {  	[spmem:s3] =	stream.indirect.scatter.add.f32 [tilespmem:s13], [sflag:$0x4], $0x80, s0, s12, $0xb8;
	[tilespmem:$0x1FEA0] =	vst v63  }
0x43: {  	_ =	swait.ge [sflag:s19], $0x2800  }
0x44: {  	[sflag:s19] =	ssyncset.done $0x0  }
0x45: {  	s0 =	sadd.s32 $0xF0, s31;
	[sflag:s19] =	ssyncadd.s32 $0xFFFFD800  }
0x46: {  	[tilespmem:s13], [sflag:$0x1] =	stream.indirect.gather [hbm4b:s5+s12], $0x80, s0, s12, $0xb8;
	[tilespmem:$0x1FEA0] =	vst v63  }
0x47: {  	_ =	swait.ge [sflag:s20], $0x2800  }
0x48: {  	[sflag:s20] =	ssyncset.done $0x0  }
0x49: {  	s0 =	sadd.s32 $0x2760, s31;
	[sflag:s20] =	ssyncadd.s32 $0xFFFFD800  }
0x4a: {  	[spmem:s3] =	stream.indirect.scatter.add.f32 [tilespmem:s14], [sflag:$0x5], $0x80, s0, s12, $0xb8;
	[tilespmem:$0x1FEA0] =	vst v63  }
0x4b: {  	_ =	swait.ge [sflag:s21], $0x2800  }
.Ltmp0:
0x4c: {  	[sflag:s21] =	ssyncset.done $0x0;
	(pc) =	sbr.rel @p0 .LBB2_2-.Ltmp0, $4  }
0x4d: {  	s0 =	sadd.s32 $0x140, s31;
	[sflag:s21] =	ssyncadd.s32 $0xFFFFD800  }
0x4e: {  	[tilespmem:s14], [sflag:$0x2] =	stream.indirect.gather [hbm4b:s5+s12], $0x80, s0, s12, $0xb8;
	[tilespmem:$0x1FEA0] =	vst v63  }
0x4f: {  	s30 =	sadd.s32 $0x3, s30;
	_ =	swait.ge [sflag:s22], $0x2800  }
0x50: {  	p1 =	sgt.u32 s30, $0x79;
	s31 =	sadd.s32 $0x27B0, s31;
	[sflag:s22] =	ssyncset.done $0x0  }
0x51: {  	s0 =	simm.s32 @!p1 $0x6;
	[sflag:s22] =	ssyncadd.s32 $0xFFFFD800  }
0x52: {  	[spmem:s3] =	stream.indirect.scatter.add.f32 [tilespmem:s17], [sflag:$0x6], $0x80, s31, s12, $0xb8;
	[tilespmem:$0x1FEA0] =	vst v63  }
0x53: {  	_ =	swait.ge @!p1 [sflag:s0], $0x2800  }
0x54: {  	s1 =	sshra.s32 s28, $0x2;
	[sflag:s0] =	ssyncset.done @!p1 $0x0  }
0x55: {  	s30 =	sadd.s32 $0xA0, s1;
	[sflag:s0] =	ssyncadd.s32 @!p1 $0xFFFFD800  }
0x56: {  	[tilespmem:s17], [sflag:$0x3] =	stream.indirect.gather [hbm4b:s5+s12], $0x80, s30, s12, $0xb8;
	[tilespmem:$0x1FEA0] =	vst v63  }
0x57: {  	_ =	swait.ge [sflag:s18], $0x2800  }
0x58: {  	[sflag:s18] =	ssyncset.done $0x0  }
0x59: {  	s31 =	sadd.s32 $0x2710, s1;
	[sflag:s18] =	ssyncadd.s32 $0xFFFFD800  }
0x5a: {  	[spmem:s3] =	stream.indirect.scatter.add.f32 [tilespmem:s13], [sflag:$0x4], $0x80, s31, s12, $0xb8;
	[tilespmem:$0x1FEA0] =	vst v63  }
0x5b: {  	_ =	swait.ge [sflag:s19], $0x2800  }
0x5c: {  	[sflag:s19] =	ssyncset.done $0x0  }
0x5d: {  	s28 =	sadd.s32 $0xF0, s1;
	[sflag:s19] =	ssyncadd.s32 $0xFFFFD800  }
0x5e: {  	[tilespmem:s13], [sflag:$0x1] =	stream.indirect.gather [hbm4b:s5+s12], $0x80, s28, s12, $0xb8;
	[tilespmem:$0x1FEA0] =	vst v63  }
0x5f: {  	_ =	swait.ge [sflag:s20], $0x2800  }
0x60: {  	[sflag:s20] =	ssyncset.done $0x0  }
0x61: {  	s29 =	sadd.s32 $0x2760, s1;
	[sflag:s20] =	ssyncadd.s32 $0xFFFFD800  }
0x62: {  	[spmem:s3] =	stream.indirect.scatter.add.f32 [tilespmem:s14], [sflag:$0x5], $0x80, s29, s12, $0xb8;
	[tilespmem:$0x1FEA0] =	vst v63  }
0x63: {  	_ =	swait.ge [sflag:s21], $0x2800  }
0x64: {  	[sflag:s21] =	ssyncset.done $0x0  }
0x65: {  	s30 =	sadd.s32 $0x140, s1;
	[sflag:s21] =	ssyncadd.s32 $0xFFFFD800  }
0x66: {  	[tilespmem:s14], [sflag:$0x2] =	stream.indirect.gather [hbm4b:s5+s12], $0x80, s30, s12, $0xb8;
	[tilespmem:$0x1FEA0] =	vst v63  }
0x67: {  	_ =	swait.ge [sflag:s22], $0x2800  }
0x68: {  	[sflag:s22] =	ssyncset.done $0x0  }
0x69: {  	s31 =	sadd.s32 $0x27B0, s1;
	[sflag:s22] =	ssyncadd.s32 $0xFFFFD800  }
0x6a: {  	[spmem:s3] =	stream.indirect.scatter.add.f32 [tilespmem:s17], [sflag:$0x6], $0x80, s31, s12, $0xb8;
	[tilespmem:$0x1FEA0] =	vst v63  }
0x6b: {  	_ =	swait.ge [sflag:s18], $0x2800  }
0x6c: {  	[sflag:s18] =	ssyncset.done $0x0  }
0x6d: {  	[sflag:s18] =	ssyncadd.s32 $0xFFFFD800  }
0x6e: {  	[spmem:s3] =	stream.indirect.scatter.add.f32 [tilespmem:s13], [sflag:$0x4], $0x80, s23, s12, $0xb8;
	[tilespmem:$0x1FEA0] =	vst v63  }
0x6f: {  	_ =	swait.ge [sflag:s20], $0x2800  }
0x70: {  	[sflag:s20] =	ssyncset.done $0x0  }
0x71: {  	[sflag:s20] =	ssyncadd.s32 $0xFFFFD800  }
0x72: {  	[spmem:s3] =	stream.indirect.scatter.add.f32 [tilespmem:s14], [sflag:$0x5], $0x80, s24, s12, $0xb8;
	[tilespmem:$0x1FEA0] =	vst v63  }
0x73: {  	_ =	swait.ge [sflag:s19], $0x2800  }
0x74: {  	[sflag:s19] =	ssyncset.done $0x0  }
0x75: {  	[sflag:s19] =	ssyncadd.s32 $0xFFFFD800  }
0x76: {  	_ =	swait.ge [sflag:s21], $0x2800  }
0x77: {  	[sflag:s21] =	ssyncset.done $0x0  }
0x78: {  	[sflag:s21] =	ssyncadd.s32 $0xFFFFD800  }
0x79: {  	_ =	swait.ge [sflag:s25], $0x2800  }
0x7a: {  	s26 =	sadd.s32 $0x1, s26;
	[sflag:s25] =	ssyncset.done $0x0  }
0x7b: {  	p0 =	sne.s32 s26, s9;
	[sflag:s25] =	ssyncadd.s32 $0xFFFFD800  }
.Ltmp1:
0x7c: {  	[bflag:$0x0] =	sbarrier.arrive $0xFFFF;
	(pc) =	sbr.rel @p0 .LBB2_1-.Ltmp1, $4  }
0x7d: {  	[hbm:s8], [sflag:s15] =	dma.local [spmem:s16], $0x2710  }
0x7e: {  	_ =	swait.ge [sflag:s10], $0x2710  }
0x7f: {  	[sflag:s10] =	ssyncset.done $0x0  }
0x80: {  	[sflag:s10] =	ssyncadd.s32 $0xFFFFD8F0  }
0x81: {  	_ =	sfence.sel $0x180000  }
0x82: {  	[bflag:$0x0] =	sbarrier.arrive $0xFFFF  }
0x83: {  	_ =	strace $0x9000004A  }
0x84: {  	s0 =	stileid.u32;
	[bflag:$0x2] =	sbarrier.arrive $0xFFFF  }
0x85: {  	p0 =	sne.s32 s0, $0x0;
	s0 =	rddreg [dreg:$0x3]  }
0x86: {  	s0 =	sadd.s32 @!p0 $0x100000, s0  }
0x87: {  	[sflag:s0] =	ssyncadd.tile.s32 @!p0 $0x1;
	_ =	shalt  }
.Lfunc_end2:
_tile_overlayer_lowered:
.L_overlay_start_2:
0x88: {  	(tag) =	ssettag $0x2  }
0x89: {  	s0 =	rddreg [dreg:$0x0];
	s2 =	stileid.u32  }
0x8a: {  	s1 =	rddreg [dreg:$0x1];
	p0 =	sne.s32 s2, $0x0  }
0x8b: {  	s3 =	rddreg [dreg:$0x2];
	[bflag:$0x3] =	sbarrier.arrive $0xFFFF;
	s2 =	simm.s32 @!p0 $0x1C07  }
0x8c: {  	[timem:s3], [sflag:s2] =	dma.local @!p0 [hbm:s0], s1  }
0x8d: {  	s0 =	simm.s32 @!p0 $0x7  }
0x8e: {  	_ =	swait.ge @!p0 [sflag:s0], s1  }
0x8f: {  	s1 =	ssub.s32 @!p0 $0x0, s1;
	[sflag:s0] =	ssyncset.done @!p0 $0x0  }
0x90: {  	[sflag:s0] =	ssyncadd.s32 @!p0 s1  }
0x91: {  	[bflag:$0x3] =	sbarrier.arrive $0xFFFF  }
0x92: {  	_ =	shalt  }

// kernel: gcn_agg_16.3.cloned.1.call-start
scs
__scs_entry_jumppad:
0x0: {  	(pc) =	sbr.rel $0x88, $3  }
0x1: {  	(tag) =	ssettag $0x0;
	lr =	simm.s32 $0x1  }
0x2: {  	[smem:$0x3F99] =	sst lr;
	_ =	strace $0xD0000000  }
0x3: {  	_ = 	snop  }
0x4: {  	_ = 	snop  }
0x5: {  	_ = 	snop  }
0x6: {  	_ = 	snop  }
0x7: {  	_ = 	snop  }
__scs_overlays_trampoline_lowered:
0x8: {  	[smem:$0x3FA8] =	sst s0  }
0x9: {  	[smem:$0x3FA9] =	sst s1  }
0xa: {  	[smem:$0x3FAA] =	sst s2  }
0xb: {  	[smem:$0x3FAB] =	sst s3  }
0xc: {  	[smem:$0x3FAC] =	sst s4  }
0xd: {  	[smem:$0x3FAD] =	sst s5  }
0xe: {  	[smem:$0x3FAE] =	sst s6  }
0xf: {  	[smem:$0x3FAF] =	sst s7  }
0x10: {  	[smem:$0x3FB0] =	sst s8  }
0x11: {  	[smem:$0x3FB1] =	sst s9;
	s0 =	simm.s32 @!p0 $0x0  }
0x12: {  	s1 =	sld [smem:$0x3F97];
	s0 =	simm.s32 @p0 $0x1  }
0x13: {  	[smem:$0x3FB2] =	sst s0;
	s0 =	simm.s32 @!p1 $0x0  }
0x14: {  	s2 =	sld [smem:$0x3F96];
	s0 =	simm.s32 @p1 $0x1  }
0x15: {  	[smem:$0x3FB3] =	sst s0;
	s0 =	simm.s32 @!p2 $0x0  }
0x16: {  	s3 =	sld [smem:$0x3FDB];
	s0 =	simm.s32 @p2 $0x1  }
0x17: {  	s4 =	simm.s32 $0x1BF5;
	[smem:$0x3FB5] =	sst s0  }
0x18: {  	s0 =	sld [smem:$0x3F98];
	_ =	swait.ge [sflag:s4], $0x0  }
0x19: {  	s7 =	sld [smem:$0x3F99]  }
0x1a: {  	s8 =	sadd.s32 $0xFFFFE003, lr  }
0x1b: {  	s9 =	sadd.s32 $0xFFFFFEF7, lr;
	s5 =	simm.s32 $0xFFFFFFFF;
	p2 =	slt.u32 s8, $0xFFFFF086  }
0x1c: {  	p1 =	slt.u32 s9, $0xF7A;
	s5 =	simm.s32 @!p2 $0x0  }
0x1d: {  	s5 =	simm.s32 @p1 $0x1;
	p0 =	seq.s32 s7, s2  }
0x1e: {  	s7 =	smul.u32 @!p0 $0xF7A, s2;
	p2 =	seq.s32 @!p0 s5, $0x0  }
0x1f: {  	s9 =	smul.u32 $0xF7A, s1;
	s8 =	simm.s32 @!p0 $0x1BF5;
	p2 =	por !p2, p0  }
0x20: {  	[sflag:s8] =	ssyncset.s32 @!p0 $0xFFFFF086;
	s6 =	sadd.s32 @!p0 s3, s7;
	s7 =	simm.s32 @!p0 $0x108  }
0x21: {  	s3 =	sadd.s32 s3, s9;
	s6 =	sadd.s32 @!p0 $0x88, s6;
	s7 =	simm.s32 @p2 $0x1082  }
0x22: {  	[simem:s7], [sflag:s8] =	dma.local @!p0 [hbm:s6], $0xF7A  }
0x23: {  	s9 =	sor.u32 $0xD0000000, s2;
	s6 =	simm.s32 $0x108;
	_ =	swait.ge @!p0 [sflag:s8], $0x0  }
0x24: {  	s3 =	sadd.s32 $0x88, s3;
	s6 =	simm.s32 @!p1 $0x1082;
	[sflag:s4] =	ssyncset.s32 $0xFFFFF086  }
0x25: {  	[simem:s6], [sflag:s4] =	dma.local [hbm:s3], $0xF7A  }
0x26: {  	[smem:$0x3F99] =	sst s1;
	(tag) =	ssettag s2;
	_ =	strace s9  }
0x27: {  	s1 =	sld [smem:$0x3FA9]  }
0x28: {  	s2 =	sld [smem:$0x3FAA]  }
0x29: {  	s4 =	sld [smem:$0x3FAC]  }
0x2a: {  	p0 =	seq.s32 s5, $0x0;
	s5 =	sld [smem:$0x3FAD]  }
0x2b: {  	s6 =	sld [smem:$0x3FAE]  }
0x2c: {  	s7 =	sld [smem:$0x3FAF]  }
0x2d: {  	s3 =	simm.s32 $0x108;
	s8 =	sld [smem:$0x3FB0]  }
0x2e: {  	s3 =	simm.s32 @!p0 $0x1082;
	s9 =	sld [smem:$0x3FB1]  }
0x2f: {  	lr =	sadd.s32 s0, s3;
	s0 =	sld [smem:$0x3FA8]  }
0x30: {  	s3 =	sld [smem:$0x3FAB]  }
0x31: {  	[smem:$0x3FB4] =	sst s10  }
0x32: {  	s10 =	sld [smem:$0x3FB2];
	_ =	sdelay $0x3  }
0x33: {  	p0 =	seq.s32 s10, $0x1;
	s10 =	sld [smem:$0x3FB4];
	_ =	sdelay $0x3  }
0x34: {  	[smem:$0x3FB4] =	sst s10  }
0x35: {  	s10 =	sld [smem:$0x3FB3];
	_ =	sdelay $0x3  }
0x36: {  	p1 =	seq.s32 s10, $0x1;
	s10 =	sld [smem:$0x3FB4];
	_ =	sdelay $0x3  }
0x37: {  	[smem:$0x3FB4] =	sst s10  }
0x38: {  	s10 =	sld [smem:$0x3FB5]  }
0x39: {  	_ = 	snop;
	(pc) =	sbr.ind lr, $3  }
0x3a: {  	_ = 	snop  }
0x3b: {  	_ = 	snop  }
0x3c: {  	p2 =	seq.s32 s10, $0x1;
	s10 =	sld [smem:$0x3FB4]  }
0x3d: {  	_ =	shalt  }
0x3e: {  	_ =	shalt  }
0x3f: {  	_ =	shalt  }
0x40: {  	_ =	shalt  }
0x41: {  	_ =	shalt  }
0x42: {  	_ =	shalt  }
0x43: {  	_ =	shalt  }
0x44: {  	_ =	shalt  }
0x45: {  	_ =	shalt  }
0x46: {  	_ =	shalt  }
0x47: {  	_ =	shalt  }
0x48: {  	_ =	shalt  }
0x49: {  	_ =	shalt  }
0x4a: {  	_ =	shalt  }
0x4b: {  	_ =	shalt  }
0x4c: {  	_ =	shalt  }
0x4d: {  	_ =	shalt  }
0x4e: {  	_ =	shalt  }
0x4f: {  	_ =	shalt  }
0x50: {  	_ =	shalt  }
0x51: {  	_ =	shalt  }
0x52: {  	_ =	shalt  }
0x53: {  	_ =	shalt  }
0x54: {  	_ =	shalt  }
0x55: {  	_ =	shalt  }
0x56: {  	_ =	shalt  }
0x57: {  	_ =	shalt  }
0x58: {  	_ =	shalt  }
0x59: {  	_ =	shalt  }
0x5a: {  	_ =	shalt  }
0x5b: {  	_ =	shalt  }
0x5c: {  	_ =	shalt  }
0x5d: {  	_ =	shalt  }
0x5e: {  	_ =	shalt  }
0x5f: {  	_ =	shalt  }
0x60: {  	_ =	shalt  }
0x61: {  	_ =	shalt  }
0x62: {  	_ =	shalt  }
0x63: {  	_ =	shalt  }
0x64: {  	_ =	shalt  }
0x65: {  	_ =	shalt  }
0x66: {  	_ =	shalt  }
0x67: {  	_ =	shalt  }
0x68: {  	_ =	shalt  }
0x69: {  	_ =	shalt  }
0x6a: {  	_ =	shalt  }
0x6b: {  	_ =	shalt  }
0x6c: {  	_ =	shalt  }
0x6d: {  	_ =	shalt  }
0x6e: {  	_ =	shalt  }
0x6f: {  	_ =	shalt  }
0x70: {  	_ =	shalt  }
0x71: {  	_ =	shalt  }
0x72: {  	_ =	shalt  }
0x73: {  	_ =	shalt  }
0x74: {  	_ =	shalt  }
0x75: {  	_ =	shalt  }
0x76: {  	_ =	shalt  }
0x77: {  	_ =	shalt  }
0x78: {  	_ =	shalt  }
0x79: {  	_ =	shalt  }
0x7a: {  	_ =	shalt  }
0x7b: {  	_ =	shalt  }
0x7c: {  	_ =	shalt  }
0x7d: {  	_ =	shalt  }
0x7e: {  	_ =	shalt  }
0x7f: {  	_ =	shalt  }
0x80: {  	_ =	shalt  }
0x81: {  	_ =	shalt  }
0x82: {  	_ =	shalt  }
0x83: {  	_ =	shalt  }
0x84: {  	_ =	shalt  }
0x85: {  	_ =	shalt  }
0x86: {  	_ =	shalt  }
0x87: {  	_ =	shalt  }
.Lfunc_end0:
.L_simem_size_0:
called_computation.3_lowered:
.L_overlay_start_0:
0x88: {  	s2 =	sld [smem:$0x3FD9]  }
0x89: {  	s3 =	sld [smem:$0x3FFE];
	_ =	sdelay $0x1  }
0x8a: {  	s1 =	srdreg.scid  }
0x8b: {  	s0 =	sand.u32 $0x1, s1  }
0x8c: {  	s17 =	sshll.u32 s0, $0xA;
	s2 =	sadd.s32 s3, s2  }
0x8d: {  	s2 =	sadd.s32 s2, s17  }
0x8e: {  	[smem:$0x3FC0] =	sst s2  }
0x8f: {  	_ = 	snop  }
0x90: {  	s2 =	sld [smem:$0x3FD0];
	(tm) =	ssettm $0x1  }
0x91: {  	s18 =	sld [smem:$0x3FFB];
	_ =	sdelay $0x3  }
0x92: {  	_ =	strace s18  }
0x93: {  	s3 =	sld [smem:$0x3FFC];
	_ =	sdelay $0x3  }
0x94: {  	_ =	strace s3  }
0x95: {  	s3 =	sld [smem:$0x3FFD];
	_ =	sdelay $0x3  }
0x96: {  	_ =	strace s3  }
0x97: {  	_ =	strace $0x8FFFFFFF  }
0x98: {  	s19 =	sld [smem:$0x3FDB];
	_ =	sdelay $0x1  }
0x99: {  	s4 =	simm.s32 $_scs_section_size  }
0x9a: {  	s5 =	simm.s32 $_size__tile_overlayer_lowered;
	s6 =	simm.s32 $_tile_overlayer_lowered  }
0x9b: {  	s22 =	simm.s32 $0x1BFF;
	s21 =	sshll.u32 s6, $0x1;
	s3 =	sadd.s32 s4, s19  }
0x9c: {  	s7 =	simm.s32 $0x0;
	s20 =	sshll.u32 s5, $0x1;
	s5 =	sadd.s32 s21, s3  }
0x9d: {  	[timem:s7], [sflag:s22] =	dma.local [hbm:s5], s20  }
0x9e: {  	_ =	swait.ge [sflag:s22], s20  }
0x9f: {  	s4 =	ssub.s32 $0x0, s20;
	[sflag:s22] =	ssyncset.done $0x0  }
0xa0: {  	[sflag:s22] =	ssyncadd.s32 s4;
	_ =	sdelay $0x1  }
0xa1: {  	s23 =	simm.s32 $0x1B8B  }
0xa2: {  	_ =	swait.ge [sflag:s23], $0x1  }
0xa3: {  	[sflag:s23] =	ssyncset.done $0x0  }
0xa4: {  	s25 =	simm.s32 $0x1B8E;
	s24 =	sld [smem:$0x3FFE];
	[sflag:s23] =	ssyncadd.s32 $0xFFFFFFFF  }
0xa5: {  	s26 =	simm.s32 $execute0_lowered;
	[smem:$0x3FD2] =	sst s25  }
0xa6: {  	s5 =	sshll.u32 s26, $0x1;
	_ =	strace $0x8000004F;
	[dreg:$0x1] =	wrdreg $0xFFFFFFFF  }
0xa7: {  	s28 =	simm.s32 $_size_execute0_lowered;
	s3 =	sadd.s32 s3, s5;
	[dreg:$0x0] =	wrdreg $0x0  }
0xa8: {  	s5 =	sshll.u32 s28, $0x1;
	[dreg:$0x2] =	wrdreg s3  }
0xa9: {  	[dreg:$0x3] =	wrdreg s5  }
0xaa: {  	[dreg:$0x4] =	wrdreg $0xC0  }
0xab: {  	_ =	task [dreg:s7], $0x5FFFF  }
0xac: {  	[dreg:$0x1] =	wrdreg $0xFFFFFFFF  }
0xad: {  	[dreg:$0x0] =	wrdreg $0x60  }
0xae: {  	[dreg:$0x2] =	wrdreg s2  }
0xaf: {  	[dreg:$0x3] =	wrdreg s24  }
0xb0: {  	[dreg:$0x4] =	wrdreg $0xBF000  }
0xb1: {  	[dreg:$0x5] =	wrdreg $0x9  }
0xb2: {  	_ =	task.clear_ibuf [dreg:s7], $0x6FFFF;
	_ =	strace $0x9000004F  }
0xb3: {  	s29 =	simm.s32 $0x9;
	_ =	strace $0x80000051  }
0xb4: {  	_ =	swait.ge [sflag:s29], $0x1  }
0xb5: {  	[sflag:s29] =	ssyncadd.s32 $0xFFFFFFFF  }
0xb6: {  	_ =	strace $0x90000051  }
0xb7: {  	_ =	sfence  }
0xb8: {  	s30 =	sld [smem:$0x0];
	_ =	sdelay $0x2  }
0xb9: {  	s31 =	sshll.u32 s1, $0xD;
	s1 =	sshrl.u32 s1, $0x2  }
0xba: {  	s3 =	sand.u32 $0x4000, s31;
	s1 =	sadd.s32 s1, s30  }
0xbb: {  	s0 =	sor.u32 s3, s0;
	s1 =	sshll.u32 s1, $0x11  }
0xbc: {  	s0 =	sor.u32 s1, s0  }
0xbd: {  	s0 =	sadd.s32 $0x8F2B, s0  }
0xbe: {  	[sflag:s0] =	ssyncadd.remote.s32 $0x1  }
0xbf: {  	_ =	sfence.sel $0xFFFF  }
0xc0: {  	[dreg:$0x0] =	wrdreg $0xFFFFFFFF;
	(pc) =	sbr.abs _section_cstart, $3  }
0xc1: {  	[dreg:$0x1] =	wrdreg $0xFFFFFFFF  }
0xc2: {  	_ =	task.clear_ibuf [dreg:s7], $0x2FFFF;
	_ =	strace $0x9FFFFFFF  }
0xc3: {  	(tm) =	ssettm $0x7FFFFFFF  }
tec
execute0_lowered:
.L_overlay_start_1:
0x0: {  	(tag) =	ssettag $0x1  }
0x1: {  	s2 =	rddreg [dreg:$0x0]  }
0x2: {  	s0 =	srdreg.scid;
	s4 =	rddreg [dreg:$0x1]  }
0x3: {  	s8 =	stileid.u32;
	s3 =	rddreg [dreg:$0x2]  }
0x4: {  	s9 =	simm.s32 $0x0;
	s0 =	sand.u32 $0x1, s0;
	s6 =	smul.u32 $0x13880, s8  }
0x5: {  	[smem:$0x7FF] =	sst s9;
	s23 =	sadd.s32 $0x65600, s4;
	s1 =	sshll.u32 s0, $0x4  }
0x6: {  	s5 =	smul.u32 $0x138800, s0;
	_ =	strace $0x80000050;
	s0 =	ssub.s32 $0x2, s0  }
0x7: {  	s1 =	sor.u32 s8, s1;
	s24 =	sshrl.u32 s0, $0x1;
	s8 =	smul.u32 $0x9C40, s8  }
0x8: {  	[dreg:$0x4] =	wrdreg s23;
	s1 =	smul.u32 $0x9C4, s1;
	s0 =	ssub.s32 s0, s24  }
0x9: {  	s5 =	sadd.s32 s6, s5;
	s29 =	sshrl.u32 s8, $0x2;
	s0 =	smax.u32 s0, $0x1  }
0xa: {  	s7 =	sshrl.u32 s1, $0x1;
	s25 =	sadd.s32 $0x9C4, s1;
	s1 =	sshrl.u32 s1, $0x5  }
0xb: {  	[dreg:$0x9] =	wrdreg s0;
	s7 =	sand.u32 $0xFFF0, s7;
	s26 =	sshrl.u32 s25, $0x5  }
0xc: {  	s7 =	sadd.s32 s7, s4;
	s6 =	ssub.s32 s26, s1;
	s1 =	sadd.s32 s29, s3  }
0xd: {  	s5 =	sshrl.u32 s5, $0x3;
	s28 =	sadd.s32 $0xD600, s7;
	[dreg:$0x7] =	wrdreg s1  }
0xe: {  	s4 =	sadd.s32 s5, s4;
	s30 =	sadd.s32 $0x3800, s7;
	[dreg:$0x5] =	wrdreg s28  }
0xf: {  	s31 =	sadd.s32 $0x65C00, s4;
	[dreg:$0x6] =	wrdreg s30  }
0x10: {  	s12 =	simm.s32 $0x1D;
	s1 =	simm.s32 $0x0;
	[dreg:$0x8] =	wrdreg s31  }
.LBB2_1:
0x11: {  	s0 =	simm.s32 $0x0;
	s4 =	rddreg [dreg:$0x5]  }
0x12: {  	[tilespmem:s0], [sflag:$0x1D] =	stream.linear.gather [hbm4b:s4+s0], $0x2780, $0x38;
	[tilespmem:$0xE610] =	vst v63  }
0x13: {  	_ =	swait.ge [sflag:s12], $0x2780  }
0x14: {  	[sflag:s12] =	ssyncset.done $0x0  }
0x15: {  	s5 =	simm.s32 $0x2780;
	s28 =	rddreg [dreg:$0x6];
	[sflag:s12] =	ssyncadd.s32 $0xFFFFD880  }
0x16: {  	[tilespmem:s5], [sflag:$0x1D] =	stream.linear.gather [hbm4b:s28+s0], $0x2780, $0x38;
	[tilespmem:$0xE610] =	vst v63  }
0x17: {  	_ =	swait.ge [sflag:s12], $0x2780  }
0x18: {  	[sflag:s12] =	ssyncset.done $0x0  }
0x19: {  	s29 =	simm.s32 $0x80;
	s30 =	simm.s32 $0x4F00;
	[sflag:s12] =	ssyncadd.s32 $0xFFFFD880  }
0x1a: {  	[tilespmem:s30], [sflag:$0x1] =	stream.indirect.gather [hbm4b:s2+s29], $0x10, s0, s29, $0xb8;
	[tilespmem:$0xE610] =	vst v63  }
0x1b: {  	s7 =	simm.s32 $0x5700  }
0x1c: {  	[tilespmem:s7], [sflag:$0x2] =	stream.indirect.gather [hbm4b:s2+s29], $0x10, s29, s29, $0xb8;
	[tilespmem:$0xE610] =	vst v63  }
0x1d: {  	s8 =	simm.s32 $0x100;
	s9 =	simm.s32 $0x5F00  }
0x1e: {  	[tilespmem:s9], [sflag:$0x3] =	stream.indirect.gather [hbm4b:s2+s29], $0x10, s8, s29, $0xb8;
	[tilespmem:$0xE610] =	vst v63  }
0x1f: {  	s10 =	simm.s32 $0x180;
	s11 =	simm.s32 $0x6700  }
0x20: {  	[tilespmem:s11], [sflag:$0x4] =	stream.indirect.gather [hbm4b:s2+s29], $0x10, s10, s29, $0xb8;
	[tilespmem:$0xE610] =	vst v63  }
0x21: {  	s13 =	simm.s32 $0x200;
	s14 =	simm.s32 $0x6F00  }
0x22: {  	[tilespmem:s14], [sflag:$0x5] =	stream.indirect.gather [hbm4b:s2+s29], $0x10, s13, s29, $0xb8;
	[tilespmem:$0xE610] =	vst v63  }
0x23: {  	s15 =	simm.s32 $0x280;
	s16 =	simm.s32 $0x7700;
	s17 =	simm.s32 $0x300  }
0x24: {  	[tilespmem:s16], [sflag:$0x6] =	stream.indirect.gather [hbm4b:s2+s29], $0x10, s15, s29, $0xb8;
	[tilespmem:$0xE610] =	vst v63  }
0x25: {  	s18 =	simm.s32 $0x7F00;
	s19 =	simm.s32 $0x380;
	s20 =	simm.s32 $0x8700  }
0x26: {  	[tilespmem:s18], [sflag:$0x7] =	stream.indirect.gather [hbm4b:s2+s29], $0x10, s17, s29, $0xb8;
	[tilespmem:$0xE610] =	vst v63  }
0x27: {  	s21 =	simm.s32 $0x400;
	s22 =	simm.s32 $0x8F00;
	s25 =	stileid.u32  }
0x28: {  	[tilespmem:s20], [sflag:$0x8] =	stream.indirect.gather [hbm4b:s2+s29], $0x10, s19, s29, $0xb8;
	[tilespmem:$0xE610] =	vst v63  }
0x29: {  	s23 =	simm.s32 $0x480;
	s28 =	rddreg [dreg:$0x7];
	s0 =	sshll.u32 s25, $0x6  }
0x2a: {  	[tilespmem:s22], [sflag:$0x9] =	stream.indirect.gather [hbm4b:s2+s29], $0x10, s21, s29, $0xb8;
	[tilespmem:$0xE610] =	vst v63  }
0x2b: {  	s24 =	simm.s32 $0x9700;
	s30 =	rddreg [dreg:$0x4];
	s26 =	sor.u32 $0x1C1D, s0  }
0x2c: {  	[tilespmem:s24], [sflag:$0xA] =	stream.indirect.gather [hbm4b:s2+s29], $0x10, s23, s29, $0xb8;
	[tilespmem:$0xE610] =	vst v63  }
0x2d: {  	[dreg:$0xa] =	wrdreg s26;
	s29 =	sshrl.u32 s28, $0x3  }
0x2e: {  	[dreg:$0xb] =	wrdreg s29  }
0x2f: {  	[spmem:s29], [sflag:s26] =	dma.local [hbm:s30], $0x4E2  }
0x30: {  	p0 =	por $0x1, $0x1;
	_ =	swait.ge [sflag:s12], $0x4E2  }
0x31: {  	p1 =	sle.s32 @!p0 s6, $0xA;
	[sflag:s12] =	ssyncset.done $0x0  }
0x32: {  	p1 =	por p1, p0;
	[sflag:s12] =	ssyncadd.s32 $0xFFFFFB1E  }
0x33: {  	p2 =	sle.s32 s6, $0xA;
	s0 =	simm.s32 @!p1 $0x19;
	[bflag:$0x0] =	sbarrier.arrive $0xFFFF  }
0x34: {  	p3 =	sle.s32 s6, $0x0;
	s4 =	simm.s32 @!p2 $0x80;
	_ =	swait.ge @!p1 [sflag:s0], $0x800  }
0x35: {  	p4 =	sle.s32 @!p0 s6, $0xB;
	s5 =	simm.s32 @!p2 $0x500;
	[sflag:s0] =	ssyncset.done @!p1 $0x0  }
0x36: {  	s8 =	simm.s32 @!p2 $0x9F00;
	[sflag:s0] =	ssyncadd.s32 @!p1 $0xFFFFF800;
	s0 =	simm.s32 @!p3 $0x1  }
0x37: {  	[tilespmem:s8], [sflag:$0xB] =	stream.indirect.gather @!p2 [hbm4b:s2+s4], $0x10, s5, s4, $0xb8;
	[tilespmem:$0xE610] =	vst v63  }
0x38: {  	p6 =	sle.s32 s6, $0xC;
	p4 =	por p4, p0;
	_ =	swait.ge @!p3 [sflag:s0], $0x800  }
0x39: {  	s7 =	simm.s32 @!p3 $0x2780;
	s10 =	simm.s32 @!p4 $0x1A;
	[sflag:s0] =	ssyncset.done @!p3 $0x0  }
0x3a: {  	s5 =	simm.s32 @!p3 $0x4F00;
	[sflag:s0] =	ssyncadd.s32 @!p3 $0xFFFFF800;
	s0 =	simm.s32 @!p3 $0x80  }
0x3b: {  	[spmem:s3] =	stream.indirect.scatter.add.f32 @!p3 [tilespmem:s5], [sflag:$0xF], $0x10, s7, s0, $0xb8;
	[tilespmem:$0xE610] =	vst v63  }
0x3c: {  	p1 =	sle.s32 s6, $0x1;
	p3 =	sle.s32 s6, $0xB;
	_ =	swait.ge @!p4 [sflag:s10], $0x800  }
0x3d: {  	s5 =	simm.s32 @!p1 $0x2;
	s0 =	simm.s32 @!p3 $0x580;
	[sflag:s10] =	ssyncset.done @!p4 $0x0  }
0x3e: {  	s9 =	simm.s32 @!p3 $0x80;
	[sflag:s10] =	ssyncadd.s32 @!p4 $0xFFFFF800;
	s10 =	simm.s32 @!p3 $0xA700  }
0x3f: {  	[tilespmem:s10], [sflag:$0xC] =	stream.indirect.gather @!p3 [hbm4b:s2+s9], $0x10, s0, s9, $0xb8;
	[tilespmem:$0xE610] =	vst v63  }
0x40: {  	p5 =	sle.s32 @!p0 s6, $0xC;
	s11 =	simm.s32 @!p1 $0x5700;
	_ =	swait.ge @!p1 [sflag:s5], $0x800  }
0x41: {  	s7 =	simm.s32 @!p1 $0x80;
	p4 =	por p5, p0;
	[sflag:s5] =	ssyncset.done @!p1 $0x0  }
0x42: {  	s0 =	simm.s32 @!p1 $0x2800;
	s15 =	simm.s32 @!p4 $0x1B;
	[sflag:s5] =	ssyncadd.s32 @!p1 $0xFFFFF800  }
0x43: {  	[spmem:s3] =	stream.indirect.scatter.add.f32 @!p1 [tilespmem:s11], [sflag:$0x10], $0x10, s0, s7, $0xb8;
	[tilespmem:$0xE610] =	vst v63  }
0x44: {  	s31 =	simm.s32 @!p6 $0xAF00;
	_ =	swait.ge @!p4 [sflag:s15], $0x800  }
0x45: {  	s5 =	simm.s32 @!p6 $0x600;
	p1 =	sle.s32 s6, $0x2;
	[sflag:s15] =	ssyncset.done @!p4 $0x0  }
0x46: {  	s0 =	simm.s32 @!p6 $0x80;
	s7 =	simm.s32 @!p1 $0x3;
	[sflag:s15] =	ssyncadd.s32 @!p4 $0xFFFFF800  }
0x47: {  	[tilespmem:s31], [sflag:$0xD] =	stream.indirect.gather @!p6 [hbm4b:s2+s0], $0x10, s5, s0, $0xb8;
	[tilespmem:$0xE610] =	vst v63  }
0x48: {  	s11 =	simm.s32 @!p1 $0x5F00;
	p4 =	sle.s32 @!p0 s6, $0xD;
	_ =	swait.ge @!p1 [sflag:s7], $0x800  }
0x49: {  	s15 =	simm.s32 @!p1 $0x80;
	p0 =	por p4, p0;
	[sflag:s7] =	ssyncset.done @!p1 $0x0  }
0x4a: {  	s5 =	simm.s32 @!p1 $0x2880;
	s17 =	simm.s32 @!p0 $0x1C;
	[sflag:s7] =	ssyncadd.s32 @!p1 $0xFFFFF800  }
0x4b: {  	[spmem:s3] =	stream.indirect.scatter.add.f32 @!p1 [tilespmem:s11], [sflag:$0x11], $0x10, s5, s15, $0xb8;
	[tilespmem:$0xE610] =	vst v63  }
0x4c: {  	_ =	swait.ge @!p0 [sflag:s17], $0x800  }
0x4d: {  	p1 =	sle.s32 s6, $0xD;
	[sflag:s17] =	ssyncset.done @!p0 $0x0  }
0x4e: {  	s11 =	simm.s32 @!p1 $0x680;
	[sflag:s17] =	ssyncadd.s32 @!p0 $0xFFFFF800;
	p0 =	sle.s32 s6, $0x3  }
0x4f: {  	s5 =	simm.s32 @!p1 $0xB700;
	s7 =	simm.s32 @!p1 $0x80;
	s15 =	simm.s32 @!p0 $0x4  }
0x50: {  	[tilespmem:s5], [sflag:$0xE] =	stream.indirect.gather @!p1 [hbm4b:s2+s7], $0x10, s11, s7, $0xb8;
	[tilespmem:$0xE610] =	vst v63  }
0x51: {  	_ =	swait.ge @!p0 [sflag:s15], $0x800  }
0x52: {  	s11 =	simm.s32 @!p0 $0x6700;
	[sflag:s15] =	ssyncset.done @!p0 $0x0  }
0x53: {  	s17 =	simm.s32 @!p0 $0x2900;
	s18 =	simm.s32 @!p0 $0x80;
	[sflag:s15] =	ssyncadd.s32 @!p0 $0xFFFFF800  }
0x54: {  	[spmem:s3] =	stream.indirect.scatter.add.f32 @!p0 [tilespmem:s11], [sflag:$0x12], $0x10, s17, s18, $0xb8;
	[tilespmem:$0xE610] =	vst v63  }
0x55: {  	p0 =	sle.s32 s6, $0xE  }
0x56: {  	s11 =	simm.s32 @!p0 $0xF  }
0x57: {  	_ =	swait.ge @!p0 [sflag:s11], $0x800  }
0x58: {  	s15 =	simm.s32 @!p0 $0x700;
	[sflag:s11] =	ssyncset.done @!p0 $0x0  }
0x59: {  	s17 =	simm.s32 @!p0 $0x4F00;
	s18 =	simm.s32 @!p0 $0x80;
	[sflag:s11] =	ssyncadd.s32 @!p0 $0xFFFFF800  }
0x5a: {  	[tilespmem:s17], [sflag:$0x1] =	stream.indirect.gather @!p0 [hbm4b:s2+s18], $0x10, s15, s18, $0xb8;
	[tilespmem:$0xE610] =	vst v63  }
0x5b: {  	p0 =	sle.s32 s6, $0x4  }
0x5c: {  	s11 =	simm.s32 @!p0 $0x5  }
0x5d: {  	_ =	swait.ge @!p0 [sflag:s11], $0x800  }
0x5e: {  	s15 =	simm.s32 @!p0 $0x2980;
	[sflag:s11] =	ssyncset.done @!p0 $0x0  }
0x5f: {  	s17 =	simm.s32 @!p0 $0x6F00;
	s18 =	simm.s32 @!p0 $0x80;
	[sflag:s11] =	ssyncadd.s32 @!p0 $0xFFFFF800  }
0x60: {  	[spmem:s3] =	stream.indirect.scatter.add.f32 @!p0 [tilespmem:s17], [sflag:$0x13], $0x10, s15, s18, $0xb8;
	[tilespmem:$0xE610] =	vst v63  }
0x61: {  	p0 =	sle.s32 s6, $0xF  }
0x62: {  	s11 =	simm.s32 @!p0 $0x10  }
0x63: {  	_ =	swait.ge @!p0 [sflag:s11], $0x800  }
0x64: {  	s15 =	simm.s32 @!p0 $0x780;
	[sflag:s11] =	ssyncset.done @!p0 $0x0  }
0x65: {  	s17 =	simm.s32 @!p0 $0x80;
	s18 =	simm.s32 @!p0 $0x5700;
	[sflag:s11] =	ssyncadd.s32 @!p0 $0xFFFFF800  }
0x66: {  	[tilespmem:s18], [sflag:$0x2] =	stream.indirect.gather @!p0 [hbm4b:s2+s17], $0x10, s15, s17, $0xb8;
	[tilespmem:$0xE610] =	vst v63  }
0x67: {  	p0 =	sle.s32 s6, $0x5  }
0x68: {  	s11 =	simm.s32 @!p0 $0x6  }
0x69: {  	_ =	swait.ge @!p0 [sflag:s11], $0x800  }
0x6a: {  	s15 =	simm.s32 @!p0 $0x2A00;
	[sflag:s11] =	ssyncset.done @!p0 $0x0  }
0x6b: {  	s17 =	simm.s32 @!p0 $0x7700;
	[sflag:s11] =	ssyncadd.s32 @!p0 $0xFFFFF800;
	s11 =	simm.s32 @!p0 $0x80  }
0x6c: {  	[spmem:s3] =	stream.indirect.scatter.add.f32 @!p0 [tilespmem:s17], [sflag:$0x14], $0x10, s15, s11, $0xb8;
	[tilespmem:$0xE610] =	vst v63  }
0x6d: {  	p0 =	sle.s32 s6, $0x10  }
0x6e: {  	s11 =	simm.s32 @!p0 $0x11  }
0x6f: {  	_ =	swait.ge @!p0 [sflag:s11], $0x800  }
0x70: {  	s15 =	simm.s32 @!p0 $0x800;
	[sflag:s11] =	ssyncset.done @!p0 $0x0  }
0x71: {  	s17 =	simm.s32 @!p0 $0x80;
	[sflag:s11] =	ssyncadd.s32 @!p0 $0xFFFFF800;
	s11 =	simm.s32 @!p0 $0x5F00  }
0x72: {  	[tilespmem:s11], [sflag:$0x3] =	stream.indirect.gather @!p0 [hbm4b:s2+s17], $0x10, s15, s17, $0xb8;
	[tilespmem:$0xE610] =	vst v63  }
0x73: {  	p0 =	sle.s32 s6, $0x6  }
0x74: {  	s11 =	simm.s32 @!p0 $0x7  }
0x75: {  	_ =	swait.ge @!p0 [sflag:s11], $0x800  }
0x76: {  	s15 =	simm.s32 @!p0 $0x2A80;
	[sflag:s11] =	ssyncset.done @!p0 $0x0  }
0x77: {  	s17 =	simm.s32 @!p0 $0x80;
	[sflag:s11] =	ssyncadd.s32 @!p0 $0xFFFFF800;
	s11 =	simm.s32 @!p0 $0x7F00  }
0x78: {  	[spmem:s3] =	stream.indirect.scatter.add.f32 @!p0 [tilespmem:s11], [sflag:$0x15], $0x10, s15, s17, $0xb8;
	[tilespmem:$0xE610] =	vst v63  }
0x79: {  	p0 =	sle.s32 s6, $0x11  }
0x7a: {  	s11 =	simm.s32 @!p0 $0x12  }
0x7b: {  	_ =	swait.ge @!p0 [sflag:s11], $0x800  }
0x7c: {  	s15 =	simm.s32 @!p0 $0x880;
	[sflag:s11] =	ssyncset.done @!p0 $0x0  }
0x7d: {  	s17 =	simm.s32 @!p0 $0x6700;
	[sflag:s11] =	ssyncadd.s32 @!p0 $0xFFFFF800;
	s11 =	simm.s32 @!p0 $0x80  }
0x7e: {  	[tilespmem:s17], [sflag:$0x4] =	stream.indirect.gather @!p0 [hbm4b:s2+s11], $0x10, s15, s11, $0xb8;
	[tilespmem:$0xE610] =	vst v63  }
0x7f: {  	p0 =	sle.s32 s6, $0x7  }
0x80: {  	s11 =	simm.s32 @!p0 $0x8  }
0x81: {  	_ =	swait.ge @!p0 [sflag:s11], $0x800  }
0x82: {  	s15 =	simm.s32 @!p0 $0x2B00;
	[sflag:s11] =	ssyncset.done @!p0 $0x0  }
0x83: {  	s17 =	simm.s32 @!p0 $0x8700;
	s18 =	simm.s32 @!p0 $0x80;
	[sflag:s11] =	ssyncadd.s32 @!p0 $0xFFFFF800  }
0x84: {  	[spmem:s3] =	stream.indirect.scatter.add.f32 @!p0 [tilespmem:s17], [sflag:$0x16], $0x10, s15, s18, $0xb8;
	[tilespmem:$0xE610] =	vst v63  }
0x85: {  	p0 =	sle.s32 s6, $0x12  }
0x86: {  	s11 =	simm.s32 @!p0 $0x13  }
0x87: {  	_ =	swait.ge @!p0 [sflag:s11], $0x800  }
0x88: {  	s15 =	simm.s32 @!p0 $0x80;
	[sflag:s11] =	ssyncset.done @!p0 $0x0  }
0x89: {  	s17 =	simm.s32 @!p0 $0x6F00;
	s18 =	simm.s32 @!p0 $0x900;
	[sflag:s11] =	ssyncadd.s32 @!p0 $0xFFFFF800  }
0x8a: {  	[tilespmem:s17], [sflag:$0x5] =	stream.indirect.gather @!p0 [hbm4b:s2+s15], $0x10, s18, s15, $0xb8;
	[tilespmem:$0xE610] =	vst v63  }
0x8b: {  	p0 =	sle.s32 s6, $0x8  }
0x8c: {  	s11 =	simm.s32 @!p0 $0x9  }
0x8d: {  	_ =	swait.ge @!p0 [sflag:s11], $0x800  }
0x8e: {  	s15 =	simm.s32 @!p0 $0x8F00;
	[sflag:s11] =	ssyncset.done @!p0 $0x0  }
0x8f: {  	s17 =	simm.s32 @!p0 $0x2B80;
	s18 =	simm.s32 @!p0 $0x80;
	[sflag:s11] =	ssyncadd.s32 @!p0 $0xFFFFF800  }
0x90: {  	[spmem:s3] =	stream.indirect.scatter.add.f32 @!p0 [tilespmem:s15], [sflag:$0x17], $0x10, s17, s18, $0xb8;
	[tilespmem:$0xE610] =	vst v63  }
0x91: {  	p0 =	sle.s32 s6, $0x13  }
0x92: {  	s11 =	simm.s32 @!p0 $0x14  }
0x93: {  	_ =	swait.ge @!p0 [sflag:s11], $0x800  }
0x94: {  	s15 =	simm.s32 @!p0 $0x980;
	[sflag:s11] =	ssyncset.done @!p0 $0x0  }
0x95: {  	s17 =	simm.s32 @!p0 $0x7700;
	s18 =	simm.s32 @!p0 $0x80;
	[sflag:s11] =	ssyncadd.s32 @!p0 $0xFFFFF800  }
0x96: {  	[tilespmem:s17], [sflag:$0x6] =	stream.indirect.gather @!p0 [hbm4b:s2+s18], $0x10, s15, s18, $0xb8;
	[tilespmem:$0xE610] =	vst v63  }
0x97: {  	p0 =	sle.s32 s6, $0x9  }
0x98: {  	s11 =	simm.s32 @!p0 $0xA  }
0x99: {  	_ =	swait.ge @!p0 [sflag:s11], $0x800  }
0x9a: {  	s15 =	simm.s32 @!p0 $0x2C00;
	[sflag:s11] =	ssyncset.done @!p0 $0x0  }
0x9b: {  	s17 =	simm.s32 @!p0 $0x9700;
	s18 =	simm.s32 @!p0 $0x80;
	[sflag:s11] =	ssyncadd.s32 @!p0 $0xFFFFF800  }
0x9c: {  	[spmem:s3] =	stream.indirect.scatter.add.f32 @!p0 [tilespmem:s17], [sflag:$0x18], $0x10, s15, s18, $0xb8;
	[tilespmem:$0xE610] =	vst v63  }
0x9d: {  	p0 =	sle.s32 s6, $0x14  }
0x9e: {  	s11 =	simm.s32 @!p0 $0x15  }
0x9f: {  	_ =	swait.ge @!p0 [sflag:s11], $0x800  }
0xa0: {  	s15 =	simm.s32 @!p0 $0xA00;
	s17 =	simm.s32 @!p0 $0x80;
	[sflag:s11] =	ssyncset.done @!p0 $0x0  }
0xa1: {  	s18 =	simm.s32 @!p0 $0x7F00;
	[sflag:s11] =	ssyncadd.s32 @!p0 $0xFFFFF800;
	s11 =	simm.s32 @!p2 $0xB  }
0xa2: {  	[tilespmem:s18], [sflag:$0x7] =	stream.indirect.gather @!p0 [hbm4b:s2+s17], $0x10, s15, s17, $0xb8;
	[tilespmem:$0xE610] =	vst v63  }
0xa3: {  	_ =	swait.ge @!p2 [sflag:s11], $0x800  }
0xa4: {  	[sflag:s11] =	ssyncset.done @!p2 $0x0  }
0xa5: {  	s15 =	simm.s32 @!p2 $0x2C80;
	p0 =	sle.s32 s6, $0x15;
	[sflag:s11] =	ssyncadd.s32 @!p2 $0xFFFFF800  }
0xa6: {  	[spmem:s3] =	stream.indirect.scatter.add.f32 @!p2 [tilespmem:s8], [sflag:$0x19], $0x10, s15, s4, $0xb8;
	[tilespmem:$0xE610] =	vst v63  }
0xa7: {  	p5 =	sle.s32 s6, $0x17;
	s4 =	simm.s32 @!p0 $0x16  }
0xa8: {  	s20 =	simm.s32 @!p6 $0x2D80;
	s22 =	simm.s32 @!p5 $0xB80;
	_ =	swait.ge @!p0 [sflag:s4], $0x800  }
0xa9: {  	s11 =	simm.s32 @!p0 $0x80;
	s8 =	simm.s32 @!p0 $0xA80;
	[sflag:s4] =	ssyncset.done @!p0 $0x0  }
0xaa: {  	s15 =	simm.s32 @!p0 $0x8700;
	[sflag:s4] =	ssyncadd.s32 @!p0 $0xFFFFF800;
	s4 =	simm.s32 @!p3 $0xC  }
0xab: {  	[tilespmem:s15], [sflag:$0x8] =	stream.indirect.gather @!p0 [hbm4b:s2+s11], $0x10, s8, s11, $0xb8;
	[tilespmem:$0xE610] =	vst v63  }
0xac: {  	s19 =	simm.s32 @!p1 $0x2E00;
	s17 =	simm.s32 @!p6 $0xD;
	_ =	swait.ge @!p3 [sflag:s4], $0x800  }
0xad: {  	s8 =	simm.s32 @!p3 $0x2D00;
	p0 =	sle.s32 s6, $0x16;
	[sflag:s4] =	ssyncset.done @!p3 $0x0  }
0xae: {  	s11 =	simm.s32 @!p5 $0x80;
	[sflag:s4] =	ssyncadd.s32 @!p3 $0xFFFFF800;
	s4 =	simm.s32 @!p0 $0x17  }
0xaf: {  	[spmem:s3] =	stream.indirect.scatter.add.f32 @!p3 [tilespmem:s10], [sflag:$0x1A], $0x10, s8, s9, $0xb8;
	[tilespmem:$0xE610] =	vst v63  }
0xb0: {  	s15 =	simm.s32 @!p5 $0x18;
	p3 =	por p1, p1;
	_ =	swait.ge @!p0 [sflag:s4], $0x800  }
0xb1: {  	s8 =	simm.s32 @!p0 $0xB00;
	s9 =	simm.s32 @!p0 $0x80;
	[sflag:s4] =	ssyncset.done @!p0 $0x0  }
0xb2: {  	s10 =	simm.s32 @!p0 $0x8F00;
	[sflag:s4] =	ssyncadd.s32 @!p0 $0xFFFFF800;
	s4 =	simm.s32 @!p5 $0x9700  }
0xb3: {  	[tilespmem:s10], [sflag:$0x9] =	stream.indirect.gather @!p0 [hbm4b:s2+s9], $0x10, s8, s9, $0xb8;
	[tilespmem:$0xE610] =	vst v63  }
0xb4: {  	s8 =	simm.s32 $0x1C00;
	s9 =	simm.s32 $0x25;
	_ =	swait.ge @!p6 [sflag:s17], $0x800  }
.LBB2_2:
0xb5: {  	s18 =	sadd.s32 $0xFFFFFFF4, s9;
	[sflag:s17] =	ssyncset.done @!p6 $0x0  }
0xb6: {  	s21 =	sadd.s32 $0xFFFFFFEC, s9;
	s10 =	smov.u32 s8;
	[sflag:s17] =	ssyncadd.s32 @!p6 $0xFFFFF800  }
0xb7: {  	[spmem:s3] =	stream.indirect.scatter.add.f32 @!p6 [tilespmem:s31], [sflag:$0x1B], $0x10, s20, s0, $0xb8;
	[tilespmem:$0xE610] =	vst v63  }
0xb8: {  	p4 =	seq.s32 s10, $0x0;
	s0 =	sadd.s32 $0xFFFFFFF3, s9;
	_ =	swait.ge @!p5 [sflag:s15], $0x800  }
0xb9: {  	s23 =	sadd.s32 $0xFFFFFFEA, s9;
	p0 =	sge.s32 @!p4 s0, s6;
	[sflag:s15] =	ssyncset.done @!p5 $0x0  }
0xba: {  	p1 =	por p0, p4;
	p0 =	sge.s32 s21, s6;
	[sflag:s15] =	ssyncadd.s32 @!p5 $0xFFFFF800  }
0xbb: {  	[tilespmem:s4], [sflag:$0xA] =	stream.indirect.gather @!p5 [hbm4b:s2+s11], $0x10, s22, s11, $0xb8;
	[tilespmem:$0xE610] =	vst v63  }
0xbc: {  	s24 =	sadd.s32 $0xFFFFFFEB, s9;
	s25 =	sadd.s32 $0xFFFFFFE9, s9;
	s11 =	simm.s32 @!p0 $0x0  }
0xbd: {  	s14 =	sadd.s32 $0xFFFFFFED, s9;
	s17 =	simm.s32 @!p3 $0xE;
	s11 =	simm.s32 @p0 $0x1  }
0xbe: {  	p2 =	sge.s32 s0, s6;
	s0 =	sadd.s32 $0xFFFFFFF5, s9;
	[smem:$0x7FA] =	sst s11  }
0xbf: {  	p6 =	sge.s32 @!p4 s0, s6;
	s4 =	simm.s32 @!p1 $0x19;
	_ =	swait.ge @!p3 [sflag:s17], $0x800  }
0xc0: {  	p5 =	por p2, p2;
	s22 =	sshra.s32 @!p2 s10, $0x2;
	[sflag:s17] =	ssyncset.done @!p3 $0x0  }
0xc1: {  	p0 =	sge.s32 s23, s6;
	s15 =	sadd.s32 @!p5 $0x500, s22;
	[sflag:s17] =	ssyncadd.s32 @!p3 $0xFFFFF800  }
0xc2: {  	[spmem:s3] =	stream.indirect.scatter.add.f32 @!p3 [tilespmem:s5], [sflag:$0x1C], $0x10, s19, s7, $0xb8;
	[tilespmem:$0xE610] =	vst v63  }
0xc3: {  	s23 =	sadd.s32 $0xFFFFFFF7, s9;
	s11 =	simm.s32 @!p2 $0x80;
	_ =	swait.ge @!p1 [sflag:s4], $0x800  }
0xc4: {  	p2 =	sge.s32 s25, s6;
	p3 =	sge.s32 @!p4 s18, s6;
	[sflag:s4] =	ssyncset.done @!p1 $0x0  }
0xc5: {  	[sflag:s4] =	ssyncadd.s32 @!p1 $0xFFFFF800;
	p1 =	por p3, p4;
	p3 =	sge.s32 s24, s6  }
0xc6: {  	s25 =	simm.s32 @!p0 $0x5700;
	s4 =	simm.s32 @!p5 $0x9F00;
	s13 =	simm.s32 @!p3 $0x0  }
0xc7: {  	[tilespmem:s4], [sflag:$0xB] =	stream.indirect.gather @!p5 [hbm4b:s2+s11], $0x10, s15, s11, $0xb8;
	[tilespmem:$0xE610] =	vst v63  }
0xc8: {  	s17 =	sshra.s32 @!p2 s10, $0x2;
	s5 =	simm.s32 @!p2 $0x1;
	s13 =	simm.s32 @p3 $0x1  }
0xc9: {  	s7 =	simm.s32 @!p2 $0x4F00;
	[smem:$0x7F9] =	sst s13;
	s13 =	simm.s32 @!p6 $0x0  }
0xca: {  	s17 =	sadd.s32 @!p2 $0x2780, s17;
	s24 =	simm.s32 @!p0 $0x80;
	s13 =	simm.s32 @p6 $0x1  }
0xcb: {  	s19 =	simm.s32 @!p1 $0x1A;
	[smem:$0x7F8] =	sst s13;
	s13 =	simm.s32 @!p5 $0x0  }
0xcc: {  	p3 =	sge.s32 s18, s6;
	s18 =	sadd.s32 @!p5 $0x2C80, s22;
	s13 =	simm.s32 @p5 $0x1  }
0xcd: {  	p6 =	sge.s32 s0, s6;
	[smem:$0x7FC] =	sst s13;
	s13 =	simm.s32 @!p3 $0x0  }
0xce: {  	s0 =	simm.s32 @!p6 $0x0;
	_ =	swait.ge @!p2 [sflag:s5], $0x800;
	s13 =	simm.s32 @p3 $0x1  }
0xcf: {  	s0 =	simm.s32 @p6 $0x1;
	[smem:$0x7FD] =	sst s13;
	[sflag:s5] =	ssyncset.done @!p2 $0x0  }
0xd0: {  	[smem:$0x7FB] =	sst s0;
	s0 =	simm.s32 @!p2 $0x80;
	[sflag:s5] =	ssyncadd.s32 @!p2 $0xFFFFF800  }
0xd1: {  	[spmem:s3] =	stream.indirect.scatter.add.f32 @!p2 [tilespmem:s7], [sflag:$0xF], $0x10, s17, s0, $0xb8;
	[tilespmem:$0xE610] =	vst v63  }
0xd2: {  	s20 =	sshra.s32 @!p3 s10, $0x2;
	s15 =	simm.s32 @!p3 $0x80;
	_ =	swait.ge @!p1 [sflag:s19], $0x800  }
0xd3: {  	s31 =	sadd.s32 @!p3 $0x580, s20;
	s5 =	simm.s32 @!p0 $0x2;
	s26 =	sld [smem:$0x7F8]  }
0xd4: {  	s0 =	sshra.s32 @!p0 s10, $0x2;
	s7 =	sadd.s32 $0xFFFFFFF6, s9;
	s28 =	sld [smem:$0x7FA]  }
0xd5: {  	s17 =	simm.s32 @!p3 $0xA700;
	[sflag:s19] =	ssyncset.done @!p1 $0x0;
	s29 =	sld [smem:$0x7FB]  }
0xd6: {  	s22 =	sadd.s32 @!p0 $0x2800, s0;
	s30 =	sld [smem:$0x7F9];
	[sflag:s19] =	ssyncadd.s32 @!p1 $0xFFFFF800  }
0xd7: {  	[tilespmem:s17], [sflag:$0xC] =	stream.indirect.gather @!p3 [hbm4b:s2+s15], $0x10, s31, s15, $0xb8;
	[tilespmem:$0xE610] =	vst v63  }
0xd8: {  	p3 =	sge.s32 s7, s6;
	p6 =	seq.s32 s26, $0x1;
	p1 =	seq.s32 s28, $0x1  }
0xd9: {  	p5 =	seq.s32 s29, $0x1;
	_ =	swait.ge @!p0 [sflag:s5], $0x800;
	p2 =	por p6, p4  }
0xda: {  	s21 =	simm.s32 @!p1 $0x6700;
	s19 =	sshra.s32 @!p5 s10, $0x2;
	p1 =	sge.s32 @!p4 s7, s6  }
0xdb: {  	p6 =	por p4, p4;
	p4 =	seq.s32 s30, $0x1;
	s31 =	simm.s32 @!p5 $0xAF00  }
0xdc: {  	[sflag:s5] =	ssyncset.done @!p0 $0x0;
	s26 =	sadd.s32 @!p5 $0x600, s19;
	s28 =	simm.s32 @!p2 $0x1B  }
0xdd: {  	s0 =	sshra.s32 @!p4 s10, $0x2;
	p6 =	por p1, p6;
	[sflag:s5] =	ssyncadd.s32 @!p0 $0xFFFFF800  }
0xde: {  	s16 =	simm.s32 @!p4 $0x3;
	s5 =	simm.s32 @!p3 $0xB700;
	p1 =	sge.s32 s23, s6  }
0xdf: {  	[spmem:s3] =	stream.indirect.scatter.add.f32 @!p0 [tilespmem:s25], [sflag:$0x10], $0x10, s22, s24, $0xb8;
	[tilespmem:$0xE610] =	vst v63  }
0xe0: {  	s29 =	sadd.s32 @!p4 $0x2880, s0;
	s0 =	simm.s32 @!p5 $0x80;
	s24 =	simm.s32 @!p4 $0x5F00  }
0xe1: {  	s22 =	sshra.s32 @!p3 s10, $0x2;
	s25 =	simm.s32 @!p4 $0x80;
	_ =	swait.ge @!p2 [sflag:s28], $0x800  }
0xe2: {  	s23 =	sshra.s32 @!p1 s10, $0x2;
	[sflag:s28] =	ssyncset.done @!p2 $0x0;
	s7 =	sld [smem:$0x7FA]  }
0xe3: {  	s13 =	sadd.s32 @!p3 $0x680, s22;
	s23 =	sadd.s32 @!p1 $0x700, s23;
	[sflag:s28] =	ssyncadd.s32 @!p2 $0xFFFFF800  }
0xe4: {  	[tilespmem:s31], [sflag:$0xD] =	stream.indirect.gather @!p5 [hbm4b:s2+s0], $0x10, s26, s0, $0xb8;
	[tilespmem:$0xE610] =	vst v63  }
0xe5: {  	s28 =	simm.s32 @!p6 $0x1C;
	p2 =	seq.s32 s7, $0x1;
	_ =	swait.ge @!p4 [sflag:s16], $0x800  }
0xe6: {  	s7 =	sshra.s32 @!p2 s10, $0x2;
	[sflag:s16] =	ssyncset.done @!p4 $0x0;
	s30 =	simm.s32 @!p2 $0x4  }
0xe7: {  	s26 =	sadd.s32 @!p2 $0x2900, s7;
	s7 =	simm.s32 @!p3 $0x80;
	[sflag:s16] =	ssyncadd.s32 @!p4 $0xFFFFF800  }
0xe8: {  	[spmem:s3] =	stream.indirect.scatter.add.f32 @!p4 [tilespmem:s24], [sflag:$0x11], $0x10, s29, s25, $0xb8;
	[tilespmem:$0xE610] =	vst v63  }
0xe9: {  	s16 =	sadd.s32 $0xFFFFFFEE, s9;
	s24 =	sadd.s32 $0xFFFFFFF8, s9;
	_ =	swait.ge @!p6 [sflag:s28], $0x800  }
0xea: {  	s25 =	simm.s32 @!p1 $0xF;
	s29 =	simm.s32 @!p1 $0x80;
	[sflag:s28] =	ssyncset.done @!p6 $0x0  }
0xeb: {  	p5 =	sge.s32 s16, s6;
	p0 =	sge.s32 s24, s6;
	[sflag:s28] =	ssyncadd.s32 @!p6 $0xFFFFF800  }
0xec: {  	[tilespmem:s5], [sflag:$0xE] =	stream.indirect.gather @!p3 [hbm4b:s2+s7], $0x10, s13, s7, $0xb8;
	[tilespmem:$0xE610] =	vst v63  }
0xed: {  	s16 =	simm.s32 @!p0 $0x80;
	s28 =	simm.s32 @!p2 $0x80;
	_ =	swait.ge @!p2 [sflag:s30], $0x800  }
0xee: {  	p6 =	sge.s32 s14, s6;
	s14 =	simm.s32 @!p0 $0x10;
	[sflag:s30] =	ssyncset.done @!p2 $0x0  }
0xef: {  	s13 =	simm.s32 @!p1 $0x4F00;
	s24 =	simm.s32 @!p6 $0x5;
	[sflag:s30] =	ssyncadd.s32 @!p2 $0xFFFFF800  }
0xf0: {  	[spmem:s3] =	stream.indirect.scatter.add.f32 @!p2 [tilespmem:s21], [sflag:$0x12], $0x10, s26, s28, $0xb8;
	[tilespmem:$0xE610] =	vst v63  }
0xf1: {  	s30 =	sshra.s32 @!p0 s10, $0x2;
	s21 =	sshra.s32 @!p6 s10, $0x2;
	_ =	swait.ge @!p1 [sflag:s25], $0x800  }
0xf2: {  	s26 =	sadd.s32 @!p0 $0x780, s30;
	s30 =	simm.s32 @!p6 $0x6F00;
	[sflag:s25] =	ssyncset.done @!p1 $0x0  }
0xf3: {  	s28 =	sadd.s32 @!p6 $0x2980, s21;
	s21 =	sshra.s32 @!p5 s10, $0x2;
	[sflag:s25] =	ssyncadd.s32 @!p1 $0xFFFFF800  }
0xf4: {  	[tilespmem:s13], [sflag:$0x1] =	stream.indirect.gather @!p1 [hbm4b:s2+s29], $0x10, s23, s29, $0xb8;
	[tilespmem:$0xE610] =	vst v63  }
0xf5: {  	s25 =	simm.s32 @!p6 $0x80;
	s13 =	sadd.s32 $0xFFFFFFF9, s9;
	s23 =	simm.s32 @!p5 $0x6  }
0xf6: {  	s29 =	sadd.s32 $0xFFFFFFEF, s9;
	_ =	swait.ge @!p6 [sflag:s24], $0x800;
	p1 =	sge.s32 s13, s6  }
0xf7: {  	s13 =	simm.s32 @!p0 $0x5700;
	p4 =	sge.s32 s29, s6;
	[sflag:s24] =	ssyncset.done @!p6 $0x0  }
0xf8: {  	[sflag:s24] =	ssyncadd.s32 @!p6 $0xFFFFF800;
	s24 =	sadd.s32 @!p5 $0x2A00, s21;
	s21 =	sld [smem:$0x7FD]  }
0xf9: {  	[spmem:s3] =	stream.indirect.scatter.add.f32 @!p6 [tilespmem:s30], [sflag:$0x13], $0x10, s28, s25, $0xb8;
	[tilespmem:$0xE610] =	vst v63  }
0xfa: {  	s29 =	sadd.s32 $0xFFFFFFF2, s9;
	s28 =	sld [smem:$0x7FB];
	_ =	swait.ge @!p0 [sflag:s14], $0x800  }
0xfb: {  	s30 =	sadd.s32 $0xFFFFFFFA, s9;
	p2 =	seq.s32 s21, $0x1;
	[sflag:s14] =	ssyncset.done @!p0 $0x0  }
0xfc: {  	s25 =	simm.s32 @!p5 $0x7700;
	s21 =	sadd.s32 @!p2 $0x2D00, s20;
	[sflag:s14] =	ssyncadd.s32 @!p0 $0xFFFFF800  }
0xfd: {  	[tilespmem:s13], [sflag:$0x2] =	stream.indirect.gather @!p0 [hbm4b:s2+s16], $0x10, s26, s16, $0xb8;
	[tilespmem:$0xE610] =	vst v63  }
0xfe: {  	p6 =	seq.s32 s28, $0x1;
	s14 =	sshra.s32 @!p1 s10, $0x2;
	_ =	swait.ge @!p5 [sflag:s23], $0x800  }
0xff: {  	s28 =	sshra.s32 @!p4 s10, $0x2;
	s20 =	simm.s32 @!p5 $0x80;
	[sflag:s23] =	ssyncset.done @!p5 $0x0  }
0x100: {  	s13 =	sadd.s32 @!p4 $0x2A80, s28;
	[sflag:s23] =	ssyncadd.s32 @!p5 $0xFFFFF800;
	s23 =	simm.s32 @!p1 $0x11  }
0x101: {  	[spmem:s3] =	stream.indirect.scatter.add.f32 @!p5 [tilespmem:s25], [sflag:$0x14], $0x10, s24, s20, $0xb8;
	[tilespmem:$0xE610] =	vst v63  }
0x102: {  	p0 =	sge.s32 s30, s6;
	s14 =	sadd.s32 @!p1 $0x800, s14;
	_ =	swait.ge @!p1 [sflag:s23], $0x800  }
0x103: {  	s16 =	simm.s32 @!p1 $0x80;
	s20 =	sadd.s32 @!p6 $0x2D80, s19;
	[sflag:s23] =	ssyncset.done @!p1 $0x0  }
0x104: {  	s19 =	simm.s32 @!p4 $0x7;
	[sflag:s23] =	ssyncadd.s32 @!p1 $0xFFFFF800;
	s23 =	simm.s32 @!p1 $0x5F00  }
0x105: {  	[tilespmem:s23], [sflag:$0x3] =	stream.indirect.gather @!p1 [hbm4b:s2+s16], $0x10, s14, s16, $0xb8;
	[tilespmem:$0xE610] =	vst v63  }
0x106: {  	s30 =	sadd.s32 $0xFFFFFFF0, s9;
	s24 =	sshra.s32 @!p0 s10, $0x2;
	_ =	swait.ge @!p4 [sflag:s19], $0x800  }
0x107: {  	s25 =	simm.s32 @!p0 $0x12;
	s14 =	simm.s32 @!p4 $0x80;
	[sflag:s19] =	ssyncset.done @!p4 $0x0  }
0x108: {  	p1 =	sge.s32 s30, s6;
	[sflag:s19] =	ssyncadd.s32 @!p4 $0xFFFFF800;
	s19 =	simm.s32 @!p4 $0x7F00  }
0x109: {  	[spmem:s3] =	stream.indirect.scatter.add.f32 @!p4 [tilespmem:s19], [sflag:$0x15], $0x10, s13, s14, $0xb8;
	[tilespmem:$0xE610] =	vst v63  }
0x10a: {  	s24 =	sadd.s32 @!p0 $0x880, s24;
	s23 =	sshra.s32 @!p1 s10, $0x2;
	_ =	swait.ge @!p0 [sflag:s25], $0x800  }
0x10b: {  	s16 =	simm.s32 @!p1 $0x8;
	s13 =	sadd.s32 @!p1 $0x2B00, s23;
	[sflag:s25] =	ssyncset.done @!p0 $0x0  }
0x10c: {  	s14 =	simm.s32 @!p0 $0x80;
	s23 =	simm.s32 @!p0 $0x6700;
	[sflag:s25] =	ssyncadd.s32 @!p0 $0xFFFFF800  }
0x10d: {  	[tilespmem:s23], [sflag:$0x4] =	stream.indirect.gather @!p0 [hbm4b:s2+s14], $0x10, s24, s14, $0xb8;
	[tilespmem:$0xE610] =	vst v63  }
0x10e: {  	s26 =	sadd.s32 $0xFFFFFFFB, s9;
	s28 =	sadd.s32 $0xFFFFFFF1, s9;
	_ =	swait.ge @!p1 [sflag:s16], $0x800  }
0x10f: {  	p2 =	sge.s32 s26, s6;
	s14 =	simm.s32 @!p1 $0x8700;
	[sflag:s16] =	ssyncset.done @!p1 $0x0  }
0x110: {  	s24 =	simm.s32 @!p1 $0x80;
	[sflag:s16] =	ssyncadd.s32 @!p1 $0xFFFFF800;
	s16 =	simm.s32 @!p2 $0x13  }
0x111: {  	[spmem:s3] =	stream.indirect.scatter.add.f32 @!p1 [tilespmem:s14], [sflag:$0x16], $0x10, s13, s24, $0xb8;
	[tilespmem:$0xE610] =	vst v63  }
0x112: {  	s30 =	sadd.s32 $0xFFFFFFFC, s9;
	s23 =	sshra.s32 @!p2 s10, $0x2;
	_ =	swait.ge @!p2 [sflag:s16], $0x800  }
0x113: {  	p0 =	sge.s32 s28, s6;
	s23 =	sadd.s32 @!p2 $0x900, s23;
	[sflag:s16] =	ssyncset.done @!p2 $0x0  }
0x114: {  	s13 =	simm.s32 @!p2 $0x80;
	s14 =	simm.s32 @!p2 $0x6F00;
	[sflag:s16] =	ssyncadd.s32 @!p2 $0xFFFFF800  }
0x115: {  	[tilespmem:s14], [sflag:$0x5] =	stream.indirect.gather @!p2 [hbm4b:s2+s13], $0x10, s23, s13, $0xb8;
	[tilespmem:$0xE610] =	vst v63  }
0x116: {  	s19 =	sadd.s32 @!p3 $0x2E00, s22;
	p1 =	sge.s32 s30, s6;
	s13 =	simm.s32 @!p0 $0x9  }
0x117: {  	s25 =	simm.s32 @!p0 $0x80;
	s24 =	sshra.s32 @!p1 s10, $0x2;
	_ =	swait.ge @!p0 [sflag:s13], $0x800  }
0x118: {  	s14 =	sshra.s32 @!p0 s10, $0x2;
	s23 =	simm.s32 @!p0 $0x8F00;
	[sflag:s13] =	ssyncset.done @!p0 $0x0  }
0x119: {  	s14 =	sadd.s32 @!p0 $0x2B80, s14;
	[sflag:s13] =	ssyncadd.s32 @!p0 $0xFFFFF800;
	s13 =	simm.s32 @!p1 $0x14  }
0x11a: {  	[spmem:s3] =	stream.indirect.scatter.add.f32 @!p0 [tilespmem:s23], [sflag:$0x17], $0x10, s14, s25, $0xb8;
	[tilespmem:$0xE610] =	vst v63  }
0x11b: {  	s14 =	sadd.s32 @!p1 $0x980, s24;
	s23 =	simm.s32 @!p1 $0x7700;
	_ =	swait.ge @!p1 [sflag:s13], $0x800  }
0x11c: {  	s24 =	simm.s32 @!p1 $0x80;
	p0 =	sge.s32 s29, s6;
	[sflag:s13] =	ssyncset.done @!p1 $0x0  }
0x11d: {  	s16 =	sshra.s32 @!p0 s10, $0x2;
	[sflag:s13] =	ssyncadd.s32 @!p1 $0xFFFFF800;
	s13 =	simm.s32 @!p0 $0xA  }
0x11e: {  	[tilespmem:s23], [sflag:$0x6] =	stream.indirect.gather @!p1 [hbm4b:s2+s24], $0x10, s14, s24, $0xb8;
	[tilespmem:$0xE610] =	vst v63  }
0x11f: {  	s22 =	sadd.s32 $0xFFFFFFFD, s9;
	s14 =	sadd.s32 @!p0 $0x2C00, s16;
	_ =	swait.ge @!p0 [sflag:s13], $0x800  }
0x120: {  	s16 =	simm.s32 @!p0 $0x9700;
	p1 =	sge.s32 s22, s6;
	[sflag:s13] =	ssyncset.done @!p0 $0x0  }
0x121: {  	s23 =	simm.s32 @!p0 $0x80;
	[sflag:s13] =	ssyncadd.s32 @!p0 $0xFFFFF800;
	s13 =	simm.s32 @!p1 $0x15  }
0x122: {  	[spmem:s3] =	stream.indirect.scatter.add.f32 @!p0 [tilespmem:s16], [sflag:$0x18], $0x10, s14, s23, $0xb8;
	[tilespmem:$0xE610] =	vst v63  }
0x123: {  	s22 =	sshra.s32 @!p1 s10, $0x2;
	_ =	swait.ge @!p1 [sflag:s13], $0x800  }
0x124: {  	s14 =	sadd.s32 @!p1 $0xA00, s22;
	[sflag:s13] =	ssyncset.done @!p1 $0x0;
	s26 =	sld [smem:$0x7FC]  }
0x125: {  	s16 =	simm.s32 @!p1 $0x80;
	s22 =	simm.s32 @!p1 $0x7F00;
	[sflag:s13] =	ssyncadd.s32 @!p1 $0xFFFFF800  }
0x126: {  	[tilespmem:s22], [sflag:$0x7] =	stream.indirect.gather @!p1 [hbm4b:s2+s16], $0x10, s14, s16, $0xb8;
	[tilespmem:$0xE610] =	vst v63  }
0x127: {  	p2 =	seq.s32 s26, $0x1  }
0x128: {  	s13 =	simm.s32 @!p2 $0xB  }
0x129: {  	s28 =	sadd.s32 $0xFFFFFFFE, s9;
	_ =	swait.ge @!p2 [sflag:s13], $0x800  }
0x12a: {  	p0 =	sge.s32 s28, s6;
	[sflag:s13] =	ssyncset.done @!p2 $0x0  }
0x12b: {  	[sflag:s13] =	ssyncadd.s32 @!p2 $0xFFFFF800;
	s13 =	simm.s32 @!p0 $0x16  }
0x12c: {  	[spmem:s3] =	stream.indirect.scatter.add.f32 @!p2 [tilespmem:s4], [sflag:$0x19], $0x10, s18, s11, $0xb8;
	[tilespmem:$0xE610] =	vst v63  }
0x12d: {  	s14 =	sshra.s32 @!p0 s10, $0x2;
	_ =	swait.ge @!p0 [sflag:s13], $0x800  }
0x12e: {  	s4 =	sadd.s32 @!p0 $0xA80, s14;
	[sflag:s13] =	ssyncset.done @!p0 $0x0;
	s29 =	sld [smem:$0x7FD]  }
0x12f: {  	s11 =	simm.s32 @!p0 $0x80;
	s14 =	simm.s32 @!p0 $0x8700;
	[sflag:s13] =	ssyncadd.s32 @!p0 $0xFFFFF800  }
0x130: {  	[tilespmem:s14], [sflag:$0x8] =	stream.indirect.gather @!p0 [hbm4b:s2+s11], $0x10, s4, s11, $0xb8;
	[tilespmem:$0xE610] =	vst v63  }
0x131: {  	s8 =	sadd.s32 $0x1C00, s8;
	p5 =	sge.s32 s9, s6;
	p1 =	seq.s32 s29, $0x1  }
0x132: {  	p4 =	sne.s32 s8, $0xA800;
	s30 =	sadd.s32 $0xFFFFFFFF, s9;
	s13 =	simm.s32 @!p1 $0xC  }
0x133: {  	s9 =	sadd.s32 $0xE, s9;
	s23 =	sshra.s32 @!p5 s10, $0x2;
	_ =	swait.ge @!p1 [sflag:s13], $0x800  }
0x134: {  	s22 =	sadd.s32 @!p5 $0xB80, s23;
	p0 =	sge.s32 s30, s6;
	[sflag:s13] =	ssyncset.done @!p1 $0x0  }
0x135: {  	s11 =	simm.s32 @!p0 $0x17;
	s4 =	sshra.s32 @!p0 s10, $0x2;
	[sflag:s13] =	ssyncadd.s32 @!p1 $0xFFFFF800  }
0x136: {  	[spmem:s3] =	stream.indirect.scatter.add.f32 @!p1 [tilespmem:s17], [sflag:$0x1A], $0x10, s21, s15, $0xb8;
	[tilespmem:$0xE610] =	vst v63  }
.Ltmp0:
0x137: {  	s14 =	simm.s32 @!p0 $0x8F00;
	_ =	swait.ge @!p0 [sflag:s11], $0x800;
	(pc) =	sbr.rel @p4 .LBB2_2-.Ltmp0, $4  }
0x138: {  	s10 =	sadd.s32 @!p0 $0xB00, s4;
	s4 =	simm.s32 @!p5 $0x9700;
	[sflag:s11] =	ssyncset.done @!p0 $0x0  }
0x139: {  	s13 =	simm.s32 @!p0 $0x80;
	s17 =	simm.s32 @!p6 $0xD;
	[sflag:s11] =	ssyncadd.s32 @!p0 $0xFFFFF800  }
0x13a: {  	[tilespmem:s14], [sflag:$0x9] =	stream.indirect.gather @!p0 [hbm4b:s2+s13], $0x10, s10, s13, $0xb8;
	[tilespmem:$0xE610] =	vst v63  }
0x13b: {  	s15 =	simm.s32 @!p5 $0x18;
	s11 =	simm.s32 @!p5 $0x80;
	_ =	swait.ge @!p6 [sflag:s17], $0x800  }
0x13c: {  	[sflag:s17] =	ssyncset.done @!p6 $0x0  }
0x13d: {  	[sflag:s17] =	ssyncadd.s32 @!p6 $0xFFFFF800  }
0x13e: {  	[spmem:s3] =	stream.indirect.scatter.add.f32 @!p6 [tilespmem:s31], [sflag:$0x1B], $0x10, s20, s0, $0xb8;
	[tilespmem:$0xE610] =	vst v63  }
0x13f: {  	_ =	swait.ge @!p5 [sflag:s15], $0x800  }
0x140: {  	[sflag:s15] =	ssyncset.done @!p5 $0x0  }
0x141: {  	s0 =	simm.s32 @!p3 $0xE;
	[sflag:s15] =	ssyncadd.s32 @!p5 $0xFFFFF800  }
0x142: {  	[tilespmem:s4], [sflag:$0xA] =	stream.indirect.gather @!p5 [hbm4b:s2+s11], $0x10, s22, s11, $0xb8;
	[tilespmem:$0xE610] =	vst v63  }
0x143: {  	_ =	swait.ge @!p3 [sflag:s0], $0x800  }
0x144: {  	[sflag:s0] =	ssyncset.done @!p3 $0x0  }
0x145: {  	s13 =	simm.s32 $0xF;
	[sflag:s0] =	ssyncadd.s32 @!p3 $0xFFFFF800  }
0x146: {  	[spmem:s3] =	stream.indirect.scatter.add.f32 @!p3 [tilespmem:s5], [sflag:$0x1C], $0x10, s19, s7, $0xb8;
	[tilespmem:$0xE610] =	vst v63  }
0x147: {  	_ =	swait.ge [sflag:s13], $0x800  }
0x148: {  	[sflag:s13] =	ssyncset.done $0x0  }
0x149: {  	s14 =	simm.s32 $0x10;
	[sflag:s13] =	ssyncadd.s32 $0xFFFFF800  }
0x14a: {  	_ =	swait.ge [sflag:s14], $0x800  }
0x14b: {  	[sflag:s14] =	ssyncset.done $0x0  }
0x14c: {  	s15 =	simm.s32 $0x11;
	[sflag:s14] =	ssyncadd.s32 $0xFFFFF800  }
0x14d: {  	_ =	swait.ge [sflag:s15], $0x800  }
0x14e: {  	[sflag:s15] =	ssyncset.done $0x0  }
0x14f: {  	s16 =	simm.s32 $0x12;
	[sflag:s15] =	ssyncadd.s32 $0xFFFFF800  }
0x150: {  	_ =	swait.ge [sflag:s16], $0x800  }
0x151: {  	[sflag:s16] =	ssyncset.done $0x0  }
0x152: {  	s17 =	simm.s32 $0x13;
	[sflag:s16] =	ssyncadd.s32 $0xFFFFF800  }
0x153: {  	_ =	swait.ge [sflag:s17], $0x800  }
0x154: {  	[sflag:s17] =	ssyncset.done $0x0  }
0x155: {  	s18 =	simm.s32 $0x14;
	[sflag:s17] =	ssyncadd.s32 $0xFFFFF800  }
0x156: {  	_ =	swait.ge [sflag:s18], $0x800  }
0x157: {  	[sflag:s18] =	ssyncset.done $0x0  }
0x158: {  	s19 =	simm.s32 $0x15;
	[sflag:s18] =	ssyncadd.s32 $0xFFFFF800  }
0x159: {  	_ =	swait.ge [sflag:s19], $0x800  }
0x15a: {  	[sflag:s19] =	ssyncset.done $0x0  }
0x15b: {  	s20 =	simm.s32 $0x16;
	[sflag:s19] =	ssyncadd.s32 $0xFFFFF800  }
0x15c: {  	_ =	swait.ge [sflag:s20], $0x800  }
0x15d: {  	[sflag:s20] =	ssyncset.done $0x0  }
0x15e: {  	s21 =	simm.s32 $0x17;
	[sflag:s20] =	ssyncadd.s32 $0xFFFFF800  }
0x15f: {  	_ =	swait.ge [sflag:s21], $0x800  }
0x160: {  	[sflag:s21] =	ssyncset.done $0x0  }
0x161: {  	s22 =	simm.s32 $0x18;
	[sflag:s21] =	ssyncadd.s32 $0xFFFFF800  }
0x162: {  	_ =	swait.ge [sflag:s22], $0x800  }
0x163: {  	[sflag:s22] =	ssyncset.done $0x0  }
0x164: {  	s23 =	simm.s32 $0x19;
	[sflag:s22] =	ssyncadd.s32 $0xFFFFF800  }
0x165: {  	_ =	swait.ge [sflag:s23], $0x800  }
0x166: {  	[sflag:s23] =	ssyncset.done $0x0  }
0x167: {  	s24 =	simm.s32 $0x1A;
	[sflag:s23] =	ssyncadd.s32 $0xFFFFF800  }
0x168: {  	_ =	swait.ge [sflag:s24], $0x800  }
0x169: {  	[sflag:s24] =	ssyncset.done $0x0  }
0x16a: {  	s25 =	simm.s32 $0x1B;
	[sflag:s24] =	ssyncadd.s32 $0xFFFFF800  }
0x16b: {  	_ =	swait.ge [sflag:s25], $0x800  }
0x16c: {  	[sflag:s25] =	ssyncset.done $0x0  }
0x16d: {  	s26 =	simm.s32 $0x1C;
	[sflag:s25] =	ssyncadd.s32 $0xFFFFF800  }
0x16e: {  	_ =	swait.ge [sflag:s26], $0x800  }
0x16f: {  	[sflag:s26] =	ssyncset.done $0x0  }
0x170: {  	[sflag:s26] =	ssyncadd.s32 $0xFFFFF800  }
0x171: {  	[bflag:$0x0] =	sbarrier.arrive $0xFFFF  }
0x172: {  	s28 =	rddreg [dreg:$0x8]  }
0x173: {  	s8 =	rddreg [dreg:$0xa]  }
0x174: {  	s29 =	simm.s32 $0x1;
	s30 =	simm.s32 $0x2;
	s9 =	rddreg [dreg:$0xb]  }
0x175: {  	[hbm:s28@s14], [sflag:s8] =	dma.strided [spmem:s9@s30], $0x4E2, s29, $0x2   }
0x176: {  	_ =	swait.ge [sflag:s12], $0x4E2  }
0x177: {  	s1 =	sadd.s32 $0x1, s1;
	s31 =	rddreg [dreg:$0x9]  }
0x178: {  	p0 =	sne.s32 s1, s31  }
.Ltmp1:
0x179: {  	_ = 	snop;
	(pc) =	sbr.rel @p0 .LBB2_1-.Ltmp1, $3  }
0x17a: {  	_ =	sdelay $0x1  }
0x17b: {  	[sflag:s12] =	ssyncset.done $0x0  }
0x17c: {  	[sflag:s12] =	ssyncadd.s32 $0xFFFFFB1E  }
0x17d: {  	_ =	sfence.sel $0x180000  }
0x17e: {  	[bflag:$0x0] =	sbarrier.arrive $0xFFFF  }
0x17f: {  	_ =	strace $0x90000050  }
0x180: {  	s0 =	stileid.u32;
	[bflag:$0x2] =	sbarrier.arrive $0xFFFF  }
0x181: {  	p0 =	sne.s32 s0, $0x0;
	s0 =	rddreg [dreg:$0x3]  }
0x182: {  	s0 =	sadd.s32 @!p0 $0x100000, s0  }
0x183: {  	[sflag:s0] =	ssyncadd.tile.s32 @!p0 $0x1;
	_ =	shalt  }
.Lfunc_end2:
_tile_overlayer_lowered:
.L_overlay_start_2:
0x184: {  	(tag) =	ssettag $0x2  }
0x185: {  	s0 =	rddreg [dreg:$0x0];
	s2 =	stileid.u32  }
0x186: {  	s1 =	rddreg [dreg:$0x1];
	p0 =	sne.s32 s2, $0x0  }
0x187: {  	s3 =	rddreg [dreg:$0x2];
	[bflag:$0x3] =	sbarrier.arrive $0xFFFF;
	s2 =	simm.s32 @!p0 $0x1C1D  }
0x188: {  	[timem:s3], [sflag:s2] =	dma.local @!p0 [hbm:s0], s1  }
0x189: {  	s0 =	simm.s32 @!p0 $0x1D  }
0x18a: {  	_ =	swait.ge @!p0 [sflag:s0], s1  }
0x18b: {  	s1 =	ssub.s32 @!p0 $0x0, s1;
	[sflag:s0] =	ssyncset.done @!p0 $0x0  }
0x18c: {  	[sflag:s0] =	ssyncadd.s32 @!p0 s1  }
0x18d: {  	[bflag:$0x3] =	sbarrier.arrive $0xFFFF  }
0x18e: {  	_ =	shalt  }

// kernel: gcn_agg_64.3.cloned.1.call-start
scs
__scs_entry_jumppad:
0x0: {  	(pc) =	sbr.rel $0x88, $3  }
0x1: {  	(tag) =	ssettag $0x0;
	lr =	simm.s32 $0x1  }
0x2: {  	[smem:$0x3F99] =	sst lr;
	_ =	strace $0xD0000000  }
0x3: {  	_ = 	snop  }
0x4: {  	_ = 	snop  }
0x5: {  	_ = 	snop  }
0x6: {  	_ = 	snop  }
0x7: {  	_ = 	snop  }
__scs_overlays_trampoline_lowered:
0x8: {  	[smem:$0x3FA8] =	sst s0  }
0x9: {  	[smem:$0x3FA9] =	sst s1  }
0xa: {  	[smem:$0x3FAA] =	sst s2  }
0xb: {  	[smem:$0x3FAB] =	sst s3  }
0xc: {  	[smem:$0x3FAC] =	sst s4  }
0xd: {  	[smem:$0x3FAD] =	sst s5  }
0xe: {  	[smem:$0x3FAE] =	sst s6  }
0xf: {  	[smem:$0x3FAF] =	sst s7  }
0x10: {  	[smem:$0x3FB0] =	sst s8  }
0x11: {  	[smem:$0x3FB1] =	sst s9;
	s0 =	simm.s32 @!p0 $0x0  }
0x12: {  	s1 =	sld [smem:$0x3F97];
	s0 =	simm.s32 @p0 $0x1  }
0x13: {  	[smem:$0x3FB2] =	sst s0;
	s0 =	simm.s32 @!p1 $0x0  }
0x14: {  	s2 =	sld [smem:$0x3F96];
	s0 =	simm.s32 @p1 $0x1  }
0x15: {  	[smem:$0x3FB3] =	sst s0;
	s0 =	simm.s32 @!p2 $0x0  }
0x16: {  	s3 =	sld [smem:$0x3FDB];
	s0 =	simm.s32 @p2 $0x1  }
0x17: {  	s4 =	simm.s32 $0x1BF5;
	[smem:$0x3FB5] =	sst s0  }
0x18: {  	s0 =	sld [smem:$0x3F98];
	_ =	swait.ge [sflag:s4], $0x0  }
0x19: {  	s7 =	sld [smem:$0x3F99]  }
0x1a: {  	s8 =	sadd.s32 $0xFFFFE003, lr  }
0x1b: {  	s9 =	sadd.s32 $0xFFFFFEF7, lr;
	s5 =	simm.s32 $0xFFFFFFFF;
	p2 =	slt.u32 s8, $0xFFFFF086  }
0x1c: {  	p1 =	slt.u32 s9, $0xF7A;
	s5 =	simm.s32 @!p2 $0x0  }
0x1d: {  	s5 =	simm.s32 @p1 $0x1;
	p0 =	seq.s32 s7, s2  }
0x1e: {  	s7 =	smul.u32 @!p0 $0xF7A, s2;
	p2 =	seq.s32 @!p0 s5, $0x0  }
0x1f: {  	s9 =	smul.u32 $0xF7A, s1;
	s8 =	simm.s32 @!p0 $0x1BF5;
	p2 =	por !p2, p0  }
0x20: {  	[sflag:s8] =	ssyncset.s32 @!p0 $0xFFFFF086;
	s6 =	sadd.s32 @!p0 s3, s7;
	s7 =	simm.s32 @!p0 $0x108  }
0x21: {  	s3 =	sadd.s32 s3, s9;
	s6 =	sadd.s32 @!p0 $0x88, s6;
	s7 =	simm.s32 @p2 $0x1082  }
0x22: {  	[simem:s7], [sflag:s8] =	dma.local @!p0 [hbm:s6], $0xF7A  }
0x23: {  	s9 =	sor.u32 $0xD0000000, s2;
	s6 =	simm.s32 $0x108;
	_ =	swait.ge @!p0 [sflag:s8], $0x0  }
0x24: {  	s3 =	sadd.s32 $0x88, s3;
	s6 =	simm.s32 @!p1 $0x1082;
	[sflag:s4] =	ssyncset.s32 $0xFFFFF086  }
0x25: {  	[simem:s6], [sflag:s4] =	dma.local [hbm:s3], $0xF7A  }
0x26: {  	[smem:$0x3F99] =	sst s1;
	(tag) =	ssettag s2;
	_ =	strace s9  }
0x27: {  	s1 =	sld [smem:$0x3FA9]  }
0x28: {  	s2 =	sld [smem:$0x3FAA]  }
0x29: {  	s4 =	sld [smem:$0x3FAC]  }
0x2a: {  	p0 =	seq.s32 s5, $0x0;
	s5 =	sld [smem:$0x3FAD]  }
0x2b: {  	s6 =	sld [smem:$0x3FAE]  }
0x2c: {  	s7 =	sld [smem:$0x3FAF]  }
0x2d: {  	s3 =	simm.s32 $0x108;
	s8 =	sld [smem:$0x3FB0]  }
0x2e: {  	s3 =	simm.s32 @!p0 $0x1082;
	s9 =	sld [smem:$0x3FB1]  }
0x2f: {  	lr =	sadd.s32 s0, s3;
	s0 =	sld [smem:$0x3FA8]  }
0x30: {  	s3 =	sld [smem:$0x3FAB]  }
0x31: {  	[smem:$0x3FB4] =	sst s10  }
0x32: {  	s10 =	sld [smem:$0x3FB2];
	_ =	sdelay $0x3  }
0x33: {  	p0 =	seq.s32 s10, $0x1;
	s10 =	sld [smem:$0x3FB4];
	_ =	sdelay $0x3  }
0x34: {  	[smem:$0x3FB4] =	sst s10  }
0x35: {  	s10 =	sld [smem:$0x3FB3];
	_ =	sdelay $0x3  }
0x36: {  	p1 =	seq.s32 s10, $0x1;
	s10 =	sld [smem:$0x3FB4];
	_ =	sdelay $0x3  }
0x37: {  	[smem:$0x3FB4] =	sst s10  }
0x38: {  	s10 =	sld [smem:$0x3FB5]  }
0x39: {  	_ = 	snop;
	(pc) =	sbr.ind lr, $3  }
0x3a: {  	_ = 	snop  }
0x3b: {  	_ = 	snop  }
0x3c: {  	p2 =	seq.s32 s10, $0x1;
	s10 =	sld [smem:$0x3FB4]  }
0x3d: {  	_ =	shalt  }
0x3e: {  	_ =	shalt  }
0x3f: {  	_ =	shalt  }
0x40: {  	_ =	shalt  }
0x41: {  	_ =	shalt  }
0x42: {  	_ =	shalt  }
0x43: {  	_ =	shalt  }
0x44: {  	_ =	shalt  }
0x45: {  	_ =	shalt  }
0x46: {  	_ =	shalt  }
0x47: {  	_ =	shalt  }
0x48: {  	_ =	shalt  }
0x49: {  	_ =	shalt  }
0x4a: {  	_ =	shalt  }
0x4b: {  	_ =	shalt  }
0x4c: {  	_ =	shalt  }
0x4d: {  	_ =	shalt  }
0x4e: {  	_ =	shalt  }
0x4f: {  	_ =	shalt  }
0x50: {  	_ =	shalt  }
0x51: {  	_ =	shalt  }
0x52: {  	_ =	shalt  }
0x53: {  	_ =	shalt  }
0x54: {  	_ =	shalt  }
0x55: {  	_ =	shalt  }
0x56: {  	_ =	shalt  }
0x57: {  	_ =	shalt  }
0x58: {  	_ =	shalt  }
0x59: {  	_ =	shalt  }
0x5a: {  	_ =	shalt  }
0x5b: {  	_ =	shalt  }
0x5c: {  	_ =	shalt  }
0x5d: {  	_ =	shalt  }
0x5e: {  	_ =	shalt  }
0x5f: {  	_ =	shalt  }
0x60: {  	_ =	shalt  }
0x61: {  	_ =	shalt  }
0x62: {  	_ =	shalt  }
0x63: {  	_ =	shalt  }
0x64: {  	_ =	shalt  }
0x65: {  	_ =	shalt  }
0x66: {  	_ =	shalt  }
0x67: {  	_ =	shalt  }
0x68: {  	_ =	shalt  }
0x69: {  	_ =	shalt  }
0x6a: {  	_ =	shalt  }
0x6b: {  	_ =	shalt  }
0x6c: {  	_ =	shalt  }
0x6d: {  	_ =	shalt  }
0x6e: {  	_ =	shalt  }
0x6f: {  	_ =	shalt  }
0x70: {  	_ =	shalt  }
0x71: {  	_ =	shalt  }
0x72: {  	_ =	shalt  }
0x73: {  	_ =	shalt  }
0x74: {  	_ =	shalt  }
0x75: {  	_ =	shalt  }
0x76: {  	_ =	shalt  }
0x77: {  	_ =	shalt  }
0x78: {  	_ =	shalt  }
0x79: {  	_ =	shalt  }
0x7a: {  	_ =	shalt  }
0x7b: {  	_ =	shalt  }
0x7c: {  	_ =	shalt  }
0x7d: {  	_ =	shalt  }
0x7e: {  	_ =	shalt  }
0x7f: {  	_ =	shalt  }
0x80: {  	_ =	shalt  }
0x81: {  	_ =	shalt  }
0x82: {  	_ =	shalt  }
0x83: {  	_ =	shalt  }
0x84: {  	_ =	shalt  }
0x85: {  	_ =	shalt  }
0x86: {  	_ =	shalt  }
0x87: {  	_ =	shalt  }
.Lfunc_end0:
.L_simem_size_0:
called_computation.2_lowered:
.L_overlay_start_0:
0x88: {  	s2 =	sld [smem:$0x3FD9]  }
0x89: {  	s3 =	sld [smem:$0x3FFE];
	_ =	sdelay $0x1  }
0x8a: {  	s1 =	srdreg.scid  }
0x8b: {  	s0 =	sand.u32 $0x1, s1  }
0x8c: {  	s17 =	sshll.u32 s0, $0xA;
	s2 =	sadd.s32 s3, s2  }
0x8d: {  	s2 =	sadd.s32 s2, s17  }
0x8e: {  	[smem:$0x3FC0] =	sst s2  }
0x8f: {  	_ = 	snop  }
0x90: {  	s2 =	sld [smem:$0x3FD0];
	(tm) =	ssettm $0x1  }
0x91: {  	s18 =	sld [smem:$0x3FFB];
	_ =	sdelay $0x3  }
0x92: {  	_ =	strace s18  }
0x93: {  	s3 =	sld [smem:$0x3FFC];
	_ =	sdelay $0x3  }
0x94: {  	_ =	strace s3  }
0x95: {  	s3 =	sld [smem:$0x3FFD];
	_ =	sdelay $0x3  }
0x96: {  	_ =	strace s3  }
0x97: {  	_ =	strace $0x8FFFFFFF  }
0x98: {  	s19 =	sld [smem:$0x3FDB];
	_ =	sdelay $0x1  }
0x99: {  	s4 =	simm.s32 $_scs_section_size  }
0x9a: {  	s5 =	simm.s32 $_size__tile_overlayer_lowered;
	s6 =	simm.s32 $_tile_overlayer_lowered  }
0x9b: {  	s22 =	simm.s32 $0x1BFF;
	s21 =	sshll.u32 s6, $0x1;
	s3 =	sadd.s32 s4, s19  }
0x9c: {  	s7 =	simm.s32 $0x0;
	s20 =	sshll.u32 s5, $0x1;
	s5 =	sadd.s32 s21, s3  }
0x9d: {  	[timem:s7], [sflag:s22] =	dma.local [hbm:s5], s20  }
0x9e: {  	_ =	swait.ge [sflag:s22], s20  }
0x9f: {  	s4 =	ssub.s32 $0x0, s20;
	[sflag:s22] =	ssyncset.done $0x0  }
0xa0: {  	[sflag:s22] =	ssyncadd.s32 s4;
	_ =	sdelay $0x1  }
0xa1: {  	s23 =	simm.s32 $0x1B8B  }
0xa2: {  	_ =	swait.ge [sflag:s23], $0x1  }
0xa3: {  	[sflag:s23] =	ssyncset.done $0x0  }
0xa4: {  	s25 =	simm.s32 $0x1B8E;
	s24 =	sld [smem:$0x3FFE];
	[sflag:s23] =	ssyncadd.s32 $0xFFFFFFFF  }
0xa5: {  	s26 =	simm.s32 $execute0_lowered;
	[smem:$0x3FD2] =	sst s25  }
0xa6: {  	s5 =	sshll.u32 s26, $0x1;
	_ =	strace $0x8000004C;
	[dreg:$0x1] =	wrdreg $0xFFFFFFFF  }
0xa7: {  	s28 =	simm.s32 $_size_execute0_lowered;
	s3 =	sadd.s32 s3, s5;
	[dreg:$0x0] =	wrdreg $0x0  }
0xa8: {  	s5 =	sshll.u32 s28, $0x1;
	[dreg:$0x2] =	wrdreg s3  }
0xa9: {  	[dreg:$0x3] =	wrdreg s5  }
0xaa: {  	[dreg:$0x4] =	wrdreg $0xC0  }
0xab: {  	_ =	task [dreg:s7], $0x5FFFF  }
0xac: {  	[dreg:$0x1] =	wrdreg $0xFFFFFFFF  }
0xad: {  	[dreg:$0x0] =	wrdreg $0x60  }
0xae: {  	[dreg:$0x2] =	wrdreg s24  }
0xaf: {  	[dreg:$0x3] =	wrdreg s2  }
0xb0: {  	[dreg:$0x4] =	wrdreg $0x14F000  }
0xb1: {  	[dreg:$0x5] =	wrdreg $0x9  }
0xb2: {  	_ =	task.clear_ibuf [dreg:s7], $0x6FFFF;
	_ =	strace $0x9000004C  }
0xb3: {  	s29 =	simm.s32 $0x9;
	_ =	strace $0x8000004E  }
0xb4: {  	_ =	swait.ge [sflag:s29], $0x1  }
0xb5: {  	[sflag:s29] =	ssyncadd.s32 $0xFFFFFFFF  }
0xb6: {  	_ =	strace $0x9000004E  }
0xb7: {  	_ =	sfence  }
0xb8: {  	s30 =	sld [smem:$0x0];
	_ =	sdelay $0x2  }
0xb9: {  	s31 =	sshll.u32 s1, $0xD;
	s1 =	sshrl.u32 s1, $0x2  }
0xba: {  	s3 =	sand.u32 $0x4000, s31;
	s1 =	sadd.s32 s1, s30  }
0xbb: {  	s0 =	sor.u32 s3, s0;
	s1 =	sshll.u32 s1, $0x11  }
0xbc: {  	s0 =	sor.u32 s1, s0  }
0xbd: {  	s0 =	sadd.s32 $0x8F2B, s0  }
0xbe: {  	[sflag:s0] =	ssyncadd.remote.s32 $0x1  }
0xbf: {  	_ =	sfence.sel $0xFFFF  }
0xc0: {  	[dreg:$0x0] =	wrdreg $0xFFFFFFFF;
	(pc) =	sbr.abs _section_cstart, $3  }
0xc1: {  	[dreg:$0x1] =	wrdreg $0xFFFFFFFF  }
0xc2: {  	_ =	task.clear_ibuf [dreg:s7], $0x2FFFF;
	_ =	strace $0x9FFFFFFF  }
0xc3: {  	(tm) =	ssettm $0x7FFFFFFF  }
tec
execute0_lowered:
.L_overlay_start_1:
0x0: {  	(tag) =	ssettag $0x1  }
0x1: {  	s0 =	srdreg.scid  }
0x2: {  	s9 =	stileid.u32;
	s2 =	rddreg [dreg:$0x0]  }
0x3: {  	s3 =	rddreg [dreg:$0x2];
	s6 =	simm.s32 $0x0;
	s11 =	simm.s32 $0x11  }
0x4: {  	s13 =	simm.s32 $0x80;
	s0 =	sand.u32 $0x1, s0;
	s5 =	smul.u32 $0x13880, s9  }
0x5: {  	[smem:$0x7FF] =	sst s6;
	s8 =	smul.u32 $0x27100, s9;
	s1 =	sshll.u32 s0, $0x4  }
0x6: {  	s4 =	smul.u32 $0x138800, s0;
	s0 =	ssub.s32 $0x2, s0;
	s1 =	sor.u32 s9, s1  }
0x7: {  	_ =	strace $0x8000004D;
	s26 =	sshrl.u32 s0, $0x1;
	s1 =	smul.u32 $0x9C4, s1  }
0x8: {  	s28 =	sshrl.u32 s8, $0x2;
	s4 =	sadd.s32 s5, s4;
	s5 =	sadd.s32 $0x65600, s2  }
0x9: {  	s0 =	ssub.s32 s0, s26;
	s4 =	sshrl.u32 s4, $0x3;
	s24 =	sshrl.u32 s1, $0x1  }
0xa: {  	s0 =	smax.u32 s0, $0x1;
	s25 =	sadd.s32 $0x9C4, s1;
	s6 =	sand.u32 $0xFFF0, s24  }
0xb: {  	s1 =	sshrl.u32 s1, $0x5;
	[dreg:$0x7] =	wrdreg s0;
	s7 =	sadd.s32 s6, s2  }
0xc: {  	s2 =	sadd.s32 s4, s2;
	s4 =	sshrl.u32 s25, $0x5;
	s29 =	sadd.s32 $0xD600, s7  }
0xd: {  	s6 =	ssub.s32 s4, s1;
	s30 =	sadd.s32 $0x3800, s7;
	[dreg:$0x4] =	wrdreg s29  }
0xe: {  	s1 =	sadd.s32 s28, s3;
	s2 =	sadd.s32 $0x79000, s2;
	[dreg:$0x5] =	wrdreg s30  }
0xf: {  	s31 =	sshll.u32 s9, $0x6;
	[dreg:$0x6] =	wrdreg s2;
	s8 =	sshrl.u32 s1, $0x3  }
0x10: {  	s12 =	simm.s32 $0x0;
	s7 =	sor.u32 $0x1C11, s31;
	[dreg:$0x8] =	wrdreg s8  }
.LBB2_1:
0x11: {  	s0 =	simm.s32 $0x0;
	s2 =	rddreg [dreg:$0x4]  }
0x12: {  	[tilespmem:s0], [sflag:$0x11] =	stream.linear.gather [hbm4b:s2+s0], $0x2780, $0x38;
	[tilespmem:$0x1EB40] =	vst v63  }
0x13: {  	_ =	swait.ge [sflag:s11], $0x2780  }
0x14: {  	[sflag:s11] =	ssyncset.done $0x0  }
0x15: {  	s4 =	simm.s32 $0x2780;
	s20 =	rddreg [dreg:$0x5];
	[sflag:s11] =	ssyncadd.s32 $0xFFFFD880  }
0x16: {  	[tilespmem:s4], [sflag:$0x11] =	stream.linear.gather [hbm4b:s20+s0], $0x2780, $0x38;
	[tilespmem:$0x1EB40] =	vst v63  }
0x17: {  	_ =	swait.ge [sflag:s11], $0x2780  }
0x18: {  	[sflag:s11] =	ssyncset.done $0x0  }
0x19: {  	s21 =	simm.s32 $0x4F00;
	[sflag:s11] =	ssyncadd.s32 $0xFFFFD880  }
0x1a: {  	[tilespmem:s21], [sflag:$0x1] =	stream.indirect.gather [hbm4b:s5+s13], $0x40, s0, s13, $0xb8;
	[tilespmem:$0x1EB40] =	vst v63  }
0x1b: {  	s22 =	simm.s32 $0x6F00  }
0x1c: {  	[tilespmem:s22], [sflag:$0x2] =	stream.indirect.gather [hbm4b:s5+s13], $0x40, s13, s13, $0xb8;
	[tilespmem:$0x1EB40] =	vst v63  }
0x1d: {  	s23 =	simm.s32 $0x100;
	s24 =	simm.s32 $0x8F00  }
0x1e: {  	[tilespmem:s24], [sflag:$0x3] =	stream.indirect.gather [hbm4b:s5+s13], $0x40, s23, s13, $0xb8;
	[tilespmem:$0x1EB40] =	vst v63  }
0x1f: {  	s25 =	simm.s32 $0x180;
	s26 =	simm.s32 $0xAF00  }
0x20: {  	[tilespmem:s26], [sflag:$0x4] =	stream.indirect.gather [hbm4b:s5+s13], $0x40, s25, s13, $0xb8;
	[tilespmem:$0x1EB40] =	vst v63  }
0x21: {  	s29 =	simm.s32 $0x200;
	s30 =	simm.s32 $0xCF00;
	s31 =	rddreg [dreg:$0x1]  }
0x22: {  	[tilespmem:s30], [sflag:$0x5] =	stream.indirect.gather [hbm4b:s5+s13], $0x40, s29, s13, $0xb8;
	[tilespmem:$0x1EB40] =	vst v63  }
0x23: {  	[spmem:s8], [sflag:s7] =	dma.local [hbm:s31], $0x1388  }
0x24: {  	p3 =	por $0x1, $0x1;
	_ =	swait.ge [sflag:s11], $0x1388  }
0x25: {  	p0 =	sle.s32 @!p3 s6, $0x5;
	[sflag:s11] =	ssyncset.done $0x0  }
0x26: {  	p2 =	por p0, p3;
	[sflag:s11] =	ssyncadd.s32 $0xFFFFEC78  }
0x27: {  	p1 =	sle.s32 s6, $0x5;
	s0 =	simm.s32 @!p2 $0xE;
	[bflag:$0x0] =	sbarrier.arrive $0xFFFF  }
0x28: {  	s1 =	smov.u32 s7;
	s17 =	simm.s32 @!p1 $0x80;
	_ =	swait.ge @!p2 [sflag:s0], $0x2000  }
0x29: {  	s18 =	simm.s32 @!p1 $0xEF00;
	p0 =	sle.s32 s6, $0x0;
	[sflag:s0] =	ssyncset.done @!p2 $0x0  }
0x2a: {  	s2 =	simm.s32 @!p0 $0x1;
	s4 =	simm.s32 @!p1 $0x280;
	[sflag:s0] =	ssyncadd.s32 @!p2 $0xFFFFE000  }
0x2b: {  	[tilespmem:s18], [sflag:$0x6] =	stream.indirect.gather @!p1 [hbm4b:s5+s17], $0x40, s4, s17, $0xb8;
	[tilespmem:$0x1EB40] =	vst v63  }
0x2c: {  	s8 =	simm.s32 @!p0 $0x80;
	p2 =	sle.s32 @!p3 s6, $0x6;
	_ =	swait.ge @!p0 [sflag:s2], $0x2000  }
0x2d: {  	s0 =	simm.s32 @!p0 $0x2780;
	p4 =	por p2, p3;
	[sflag:s2] =	ssyncset.done @!p0 $0x0  }
0x2e: {  	s4 =	simm.s32 @!p0 $0x4F00;
	s7 =	simm.s32 @!p4 $0xF;
	[sflag:s2] =	ssyncadd.s32 @!p0 $0xFFFFE000  }
0x2f: {  	[spmem:s3] =	stream.indirect.scatter.add.f32 @!p0 [tilespmem:s4], [sflag:$0x9], $0x40, s0, s8, $0xb8;
	[tilespmem:$0x1EB40] =	vst v63  }
0x30: {  	p2 =	sle.s32 s6, $0x1;
	p0 =	sle.s32 s6, $0x6;
	_ =	swait.ge @!p4 [sflag:s7], $0x2000  }
0x31: {  	s2 =	simm.s32 @!p2 $0x2;
	s0 =	simm.s32 @!p0 $0x300;
	[sflag:s7] =	ssyncset.done @!p4 $0x0  }
0x32: {  	s15 =	simm.s32 @!p0 $0x10F00;
	s19 =	simm.s32 @!p0 $0x80;
	[sflag:s7] =	ssyncadd.s32 @!p4 $0xFFFFE000  }
0x33: {  	[tilespmem:s15], [sflag:$0x7] =	stream.indirect.gather @!p0 [hbm4b:s5+s19], $0x40, s0, s19, $0xb8;
	[tilespmem:$0x1EB40] =	vst v63  }
0x34: {  	s4 =	simm.s32 @!p2 $0x6F00;
	p4 =	sle.s32 @!p3 s6, $0x7;
	_ =	swait.ge @!p2 [sflag:s2], $0x2000  }
0x35: {  	s0 =	simm.s32 @!p2 $0x2800;
	p5 =	por p4, p3;
	[sflag:s2] =	ssyncset.done @!p2 $0x0  }
0x36: {  	s7 =	simm.s32 @!p5 $0x10;
	[sflag:s2] =	ssyncadd.s32 @!p2 $0xFFFFE000;
	s2 =	simm.s32 @!p2 $0x80  }
0x37: {  	[spmem:s3] =	stream.indirect.scatter.add.f32 @!p2 [tilespmem:s4], [sflag:$0xA], $0x40, s0, s2, $0xb8;
	[tilespmem:$0x1EB40] =	vst v63  }
0x38: {  	p4 =	sle.s32 s6, $0x2;
	p3 =	sle.s32 s6, $0x7;
	_ =	swait.ge @!p5 [sflag:s7], $0x2000  }
0x39: {  	s20 =	simm.s32 @!p3 $0x80;
	s21 =	simm.s32 @!p3 $0x12F00;
	[sflag:s7] =	ssyncset.done @!p5 $0x0  }
0x3a: {  	s0 =	simm.s32 @!p4 $0x3;
	s2 =	simm.s32 @!p3 $0x380;
	[sflag:s7] =	ssyncadd.s32 @!p5 $0xFFFFE000  }
0x3b: {  	[tilespmem:s21], [sflag:$0x8] =	stream.indirect.gather @!p3 [hbm4b:s5+s20], $0x40, s2, s20, $0xb8;
	[tilespmem:$0x1EB40] =	vst v63  }
0x3c: {  	p2 =	sle.s32 s6, $0x8;
	_ =	swait.ge @!p4 [sflag:s0], $0x2000  }
0x3d: {  	s4 =	simm.s32 @!p4 $0x80;
	s7 =	simm.s32 @!p2 $0x9;
	[sflag:s0] =	ssyncset.done @!p4 $0x0  }
0x3e: {  	s2 =	simm.s32 @!p4 $0x2880;
	[sflag:s0] =	ssyncadd.s32 @!p4 $0xFFFFE000;
	s0 =	simm.s32 @!p4 $0x8F00  }
0x3f: {  	[spmem:s3] =	stream.indirect.scatter.add.f32 @!p4 [tilespmem:s0], [sflag:$0xB], $0x40, s2, s4, $0xb8;
	[tilespmem:$0x1EB40] =	vst v63  }
0x40: {  	s14 =	simm.s32 $0x1000;
	s0 =	simm.s32 @!p2 $0x4F00;
	_ =	swait.ge @!p2 [sflag:s7], $0x2000  }
0x41: {  	p4 =	sle.s32 s6, $0x3;
	s2 =	simm.s32 @!p2 $0x400;
	[sflag:s7] =	ssyncset.done @!p2 $0x0  }
0x42: {  	s4 =	simm.s32 @!p2 $0x80;
	[sflag:s7] =	ssyncadd.s32 @!p2 $0xFFFFE000;
	s7 =	simm.s32 @!p4 $0x4  }
0x43: {  	[tilespmem:s0], [sflag:$0x1] =	stream.indirect.gather @!p2 [hbm4b:s5+s4], $0x40, s2, s4, $0xb8;
	[tilespmem:$0x1EB40] =	vst v63  }
0x44: {  	s16 =	simm.s32 $0x8;
	p5 =	sle.s32 s6, $0x9;
	_ =	swait.ge @!p4 [sflag:s7], $0x2000  }
0x45: {  	s8 =	simm.s32 @!p5 $0xA;
	s0 =	simm.s32 @!p4 $0xAF00;
	[sflag:s7] =	ssyncset.done @!p4 $0x0  }
0x46: {  	s2 =	simm.s32 @!p4 $0x2900;
	s4 =	simm.s32 @!p4 $0x80;
	[sflag:s7] =	ssyncadd.s32 @!p4 $0xFFFFE000  }
0x47: {  	[spmem:s3] =	stream.indirect.scatter.add.f32 @!p4 [tilespmem:s0], [sflag:$0xC], $0x40, s2, s4, $0xb8;
	[tilespmem:$0x1EB40] =	vst v63  }
0x48: {  	s28 =	simm.s32 @!p1 $0x6;
	p2 =	sle.s32 s6, $0x4;
	_ =	swait.ge @!p5 [sflag:s8], $0x2000  }
0x49: {  	s9 =	simm.s32 @!p2 $0x5;
	s0 =	simm.s32 @!p5 $0x6F00;
	[sflag:s8] =	ssyncset.done @!p5 $0x0  }
0x4a: {  	s2 =	simm.s32 @!p5 $0x480;
	s4 =	simm.s32 @!p5 $0x80;
	[sflag:s8] =	ssyncadd.s32 @!p5 $0xFFFFE000  }
0x4b: {  	[tilespmem:s0], [sflag:$0x2] =	stream.indirect.gather @!p5 [hbm4b:s5+s4], $0x40, s2, s4, $0xb8;
	[tilespmem:$0x1EB40] =	vst v63  }
0x4c: {  	s10 =	simm.s32 @!p2 $0xCF00;
	s7 =	simm.s32 @!p1 $0x2A00;
	_ =	swait.ge @!p2 [sflag:s9], $0x2000  }
0x4d: {  	p4 =	sle.s32 s6, $0xA;
	s8 =	simm.s32 @!p2 $0x80;
	[sflag:s9] =	ssyncset.done @!p2 $0x0  }
0x4e: {  	s0 =	simm.s32 @!p2 $0x2980;
	s2 =	simm.s32 @!p4 $0xB;
	[sflag:s9] =	ssyncadd.s32 @!p2 $0xFFFFE000  }
0x4f: {  	[spmem:s3] =	stream.indirect.scatter.add.f32 @!p2 [tilespmem:s10], [sflag:$0xD], $0x40, s0, s8, $0xb8;
	[tilespmem:$0x1EB40] =	vst v63  }
0x50: {  	s4 =	simm.s32 @!p4 $0x500;
	s9 =	simm.s32 @!p3 $0x2B00;
	_ =	swait.ge @!p4 [sflag:s2], $0x2000  }
0x51: {  	s10 =	simm.s32 @!p0 $0x2A80;
	s0 =	simm.s32 @!p4 $0x8F00;
	[sflag:s2] =	ssyncset.done @!p4 $0x0  }
0x52: {  	s8 =	simm.s32 @!p4 $0x80;
	p2 =	sle.s32 s6, $0xB;
	[sflag:s2] =	ssyncadd.s32 @!p4 $0xFFFFE000  }
0x53: {  	[tilespmem:s0], [sflag:$0x3] =	stream.indirect.gather @!p4 [hbm4b:s5+s8], $0x40, s4, s8, $0xb8;
	[tilespmem:$0x1EB40] =	vst v63  }
0x54: {  	s26 =	simm.s32 @!p2 $0xC;
	s25 =	simm.s32 @!p2 $0x580;
	p4 =	por p0, p0  }
0x55: {  	s8 =	simm.s32 $0x0;
	s4 =	simm.s32 $0x0;
	_ =	swait.ge @!p1 [sflag:s28], $0x2000  }
.LBB2_2:
0x56: {  	s0 =	simm.s32 @!p3 $0x0;
	s2 =	smov.u32 s14  }
0x57: {  	s14 =	sadd.s32 $0x1000, s14;
	s29 =	simm.s32 @!p4 $0x7;
	[sflag:s28] =	ssyncset.done @!p1 $0x0  }
0x58: {  	s8 =	sadd.s32 $0xC, s8;
	s24 =	simm.s32 @!p3 $0x8;
	s30 =	sadd.s32 $0x5, s16  }
0x59: {  	s31 =	sadd.s32 $0x6, s16;
	p6 =	sge.s32 s16, s6;
	s0 =	simm.s32 @p3 $0x1  }
0x5a: {  	p0 =	sne.s32 s14, $0xA000;
	[sflag:s28] =	ssyncadd.s32 @!p1 $0xFFFFE000;
	s28 =	simm.s32 @!p2 $0x80  }
0x5b: {  	p5 =	seq.s32 s2, $0x0;
	p3 =	sge.s32 s31, s6;
	[smem:$0x7FA] =	sst s0  }
0x5c: {  	[spmem:s3] =	stream.indirect.scatter.add.f32 @!p1 [tilespmem:s18], [sflag:$0xE], $0x40, s7, s17, $0xb8;
	[tilespmem:$0x1EB40] =	vst v63  }
0x5d: {  	s0 =	smov.u32 s16;
	s22 =	simm.s32 @!p0 $0x0;
	p1 =	sge.s32 @!p5 s30, s6  }
0x5e: {  	s17 =	sshra.s32 @!p6 s2, $0x2;
	s22 =	simm.s32 @p0 $0x1;
	s7 =	simm.s32 @!p1 $0x0  }
0x5f: {  	p0 =	sge.s32 s8, s6;
	[smem:$0x7FD] =	sst s22;
	s7 =	simm.s32 @p1 $0x1  }
0x60: {  	s23 =	sadd.s32 $0x3, s0;
	p1 =	sge.s32 @!p5 s31, s6;
	[smem:$0x7F9] =	sst s7  }
0x61: {  	s18 =	simm.s32 @!p0 $0xD;
	s8 =	simm.s32 @!p1 $0x0;
	_ =	swait.ge @!p2 [sflag:s26], $0x2000  }
0x62: {  	s4 =	sshra.s32 @!p0 s4, $0x2;
	s8 =	simm.s32 @p1 $0x1;
	[sflag:s26] =	ssyncset.done @!p2 $0x0  }
0x63: {  	s7 =	simm.s32 @!p2 $0xAF00;
	[smem:$0x7FB] =	sst s8;
	[sflag:s26] =	ssyncadd.s32 @!p2 $0xFFFFE000  }
0x64: {  	[tilespmem:s7], [sflag:$0x4] =	stream.indirect.gather @!p2 [hbm4b:s5+s28], $0x40, s25, s28, $0xb8;
	[tilespmem:$0x1EB40] =	vst v63  }
0x65: {  	s22 =	sadd.s32 $0x2, s0;
	s8 =	sshra.s32 @!p3 s2, $0x2;
	_ =	swait.ge @!p4 [sflag:s29], $0x2000  }
0x66: {  	s26 =	sadd.s32 @!p6 $0x2780, s17;
	s17 =	sadd.s32 $0x1, s16;
	[sflag:s29] =	ssyncset.done @!p4 $0x0  }
0x67: {  	s25 =	simm.s32 @!p0 $0x80;
	s7 =	sadd.s32 @!p3 $0x300, s8;
	[sflag:s29] =	ssyncadd.s32 @!p4 $0xFFFFE000  }
0x68: {  	[spmem:s3] =	stream.indirect.scatter.add.f32 @!p4 [tilespmem:s15], [sflag:$0xF], $0x40, s10, s19, $0xb8;
	[tilespmem:$0x1EB40] =	vst v63  }
0x69: {  	s10 =	sadd.s32 @!p0 $0x600, s4;
	s15 =	simm.s32 @!p0 $0xCF00;
	_ =	swait.ge @!p0 [sflag:s18], $0x2000  }
0x6a: {  	s4 =	sadd.s32 $0x7, s16;
	[sflag:s18] =	ssyncset.done @!p0 $0x0;
	s19 =	sld [smem:$0x7FA]  }
0x6b: {  	s16 =	sadd.s32 $0x8, s16;
	s31 =	sld [smem:$0x7F9];
	[sflag:s18] =	ssyncadd.s32 @!p0 $0xFFFFE000  }
0x6c: {  	[tilespmem:s15], [sflag:$0x5] =	stream.indirect.gather @!p0 [hbm4b:s5+s25], $0x40, s10, s25, $0xb8;
	[tilespmem:$0x1EB40] =	vst v63  }
0x6d: {  	s15 =	simm.s32 @!p6 $0x1;
	p0 =	sge.s32 s30, s6;
	p1 =	seq.s32 s19, $0x1  }
0x6e: {  	p4 =	seq.s32 s31, $0x1;
	s25 =	sshra.s32 @!p0 s2, $0x2;
	_ =	swait.ge @!p1 [sflag:s24], $0x2000  }
0x6f: {  	s19 =	simm.s32 @!p6 $0x4F00;
	p2 =	por p4, p5;
	[sflag:s24] =	ssyncset.done @!p1 $0x0  }
0x70: {  	p4 =	sge.s32 s17, s6;
	s17 =	simm.s32 @!p2 $0xE;
	[sflag:s24] =	ssyncadd.s32 @!p1 $0xFFFFE000  }
0x71: {  	[spmem:s3] =	stream.indirect.scatter.add.f32 @!p1 [tilespmem:s21], [sflag:$0x10], $0x40, s9, s20, $0xb8;
	[tilespmem:$0x1EB40] =	vst v63  }
0x72: {  	s18 =	simm.s32 @!p0 $0xEF00;
	s10 =	sshra.s32 @!p4 s2, $0x2;
	_ =	swait.ge @!p2 [sflag:s17], $0x2000  }
0x73: {  	s10 =	sadd.s32 @!p4 $0x2800, s10;
	s9 =	sadd.s32 @!p0 $0x280, s25;
	[sflag:s17] =	ssyncset.done @!p2 $0x0  }
0x74: {  	s21 =	sld [smem:$0x7FB];
	[sflag:s17] =	ssyncadd.s32 @!p2 $0xFFFFE000;
	s17 =	simm.s32 @!p0 $0x80  }
0x75: {  	[tilespmem:s18], [sflag:$0x6] =	stream.indirect.gather @!p0 [hbm4b:s5+s17], $0x40, s9, s17, $0xb8;
	[tilespmem:$0x1EB40] =	vst v63  }
0x76: {  	s24 =	simm.s32 @!p4 $0x6F00;
	p2 =	sge.s32 @!p5 s4, s6;
	s9 =	simm.s32 @!p6 $0x80  }
0x77: {  	p2 =	por p2, p5;
	p1 =	seq.s32 s21, $0x1;
	_ =	swait.ge @!p6 [sflag:s15], $0x2000  }
0x78: {  	s21 =	simm.s32 @!p4 $0x2;
	p1 =	por p1, p5;
	[sflag:s15] =	ssyncset.done @!p6 $0x0  }
0x79: {  	p5 =	sge.s32 s16, s6;
	s20 =	simm.s32 @!p1 $0xF;
	[sflag:s15] =	ssyncadd.s32 @!p6 $0xFFFFE000  }
0x7a: {  	[spmem:s3] =	stream.indirect.scatter.add.f32 @!p6 [tilespmem:s19], [sflag:$0x9], $0x40, s26, s9, $0xb8;
	[tilespmem:$0x1EB40] =	vst v63  }
0x7b: {  	s15 =	simm.s32 @!p3 $0x10F00;
	s30 =	simm.s32 @!p5 $0x4F00;
	s26 =	sshra.s32 @!p5 s2, $0x2  }
0x7c: {  	s19 =	simm.s32 @!p3 $0x0;
	p6 =	por p2, p2;
	_ =	swait.ge @!p1 [sflag:s20], $0x2000  }
0x7d: {  	s19 =	simm.s32 @p3 $0x1;
	s26 =	sadd.s32 @!p5 $0x400, s26;
	[sflag:s20] =	ssyncset.done @!p1 $0x0  }
0x7e: {  	[smem:$0x7FC] =	sst s19;
	s19 =	simm.s32 @!p3 $0x80;
	[sflag:s20] =	ssyncadd.s32 @!p1 $0xFFFFE000  }
0x7f: {  	s20 =	simm.s32 @!p2 $0x10;
	p1 =	por p0, p0;
	p2 =	sge.s32 s22, s6  }
0x80: {  	[tilespmem:s15], [sflag:$0x7] =	stream.indirect.gather @!p3 [hbm4b:s5+s19], $0x40, s7, s19, $0xb8;
	[tilespmem:$0x1EB40] =	vst v63  }
0x81: {  	s22 =	simm.s32 @!p5 $0x9;
	s7 =	sadd.s32 @!p0 $0x2A00, s25;
	_ =	swait.ge @!p4 [sflag:s21], $0x2000  }
0x82: {  	s9 =	simm.s32 @!p2 $0x3;
	s25 =	sshra.s32 @!p2 s2, $0x2;
	[sflag:s21] =	ssyncset.done @!p4 $0x0  }
0x83: {  	p3 =	sge.s32 s4, s6;
	[sflag:s21] =	ssyncadd.s32 @!p4 $0xFFFFE000;
	s21 =	simm.s32 @!p4 $0x80  }
0x84: {  	[spmem:s3] =	stream.indirect.scatter.add.f32 @!p4 [tilespmem:s24], [sflag:$0xA], $0x40, s10, s21, $0xb8;
	[tilespmem:$0x1EB40] =	vst v63  }
0x85: {  	p0 =	sge.s32 s23, s6;
	s4 =	sshra.s32 @!p3 s2, $0x2;
	_ =	swait.ge @!p6 [sflag:s20], $0x2000  }
0x86: {  	s25 =	sadd.s32 @!p2 $0x2880, s25;
	s28 =	sadd.s32 @!p3 $0x380, s4;
	[sflag:s20] =	ssyncset.done @!p6 $0x0  }
0x87: {  	s21 =	simm.s32 @!p3 $0x12F00;
	[sflag:s20] =	ssyncadd.s32 @!p6 $0xFFFFE000;
	s20 =	simm.s32 @!p3 $0x80  }
0x88: {  	[tilespmem:s21], [sflag:$0x8] =	stream.indirect.gather @!p3 [hbm4b:s5+s20], $0x40, s28, s20, $0xb8;
	[tilespmem:$0x1EB40] =	vst v63  }
0x89: {  	s29 =	simm.s32 @!p0 $0xAF00;
	s31 =	sshra.s32 @!p0 s2, $0x2;
	_ =	swait.ge @!p2 [sflag:s9], $0x2000  }
0x8a: {  	s23 =	simm.s32 @!p0 $0x80;
	s31 =	sadd.s32 @!p0 $0x2900, s31;
	[sflag:s9] =	ssyncset.done @!p2 $0x0  }
0x8b: {  	s24 =	simm.s32 @!p2 $0x80;
	[sflag:s9] =	ssyncadd.s32 @!p2 $0xFFFFE000;
	s9 =	simm.s32 @!p2 $0x8F00  }
0x8c: {  	[spmem:s3] =	stream.indirect.scatter.add.f32 @!p2 [tilespmem:s9], [sflag:$0xB], $0x40, s25, s24, $0xb8;
	[tilespmem:$0x1EB40] =	vst v63  }
0x8d: {  	s10 =	sadd.s32 $0x4, s0;
	s28 =	sadd.s32 $0x9, s0;
	_ =	swait.ge @!p5 [sflag:s22], $0x2000  }
0x8e: {  	p2 =	sge.s32 s28, s6;
	s9 =	sadd.s32 $0xA, s0;
	[sflag:s22] =	ssyncset.done @!p5 $0x0  }
0x8f: {  	s24 =	simm.s32 @!p5 $0x80;
	[sflag:s22] =	ssyncadd.s32 @!p5 $0xFFFFE000;
	s22 =	simm.s32 @!p0 $0x4  }
0x90: {  	[tilespmem:s30], [sflag:$0x1] =	stream.indirect.gather @!p5 [hbm4b:s5+s24], $0x40, s26, s24, $0xb8;
	[tilespmem:$0x1EB40] =	vst v63  }
0x91: {  	s25 =	sshra.s32 @!p2 s2, $0x2;
	p6 =	sge.s32 s9, s6;
	_ =	swait.ge @!p0 [sflag:s22], $0x2000  }
0x92: {  	s9 =	sshra.s32 @!p6 s2, $0x2;
	p5 =	sge.s32 s10, s6;
	[sflag:s22] =	ssyncset.done @!p0 $0x0  }
0x93: {  	s10 =	simm.s32 @!p2 $0xA;
	s24 =	simm.s32 @!p2 $0x6F00;
	[sflag:s22] =	ssyncadd.s32 @!p0 $0xFFFFE000  }
0x94: {  	[spmem:s3] =	stream.indirect.scatter.add.f32 @!p0 [tilespmem:s29], [sflag:$0xC], $0x40, s31, s23, $0xb8;
	[tilespmem:$0x1EB40] =	vst v63  }
0x95: {  	s26 =	simm.s32 @!p2 $0x80;
	s28 =	simm.s32 @!p5 $0x5;
	_ =	swait.ge @!p2 [sflag:s10], $0x2000  }
0x96: {  	s22 =	sadd.s32 @!p2 $0x480, s25;
	s25 =	sshra.s32 @!p5 s2, $0x2;
	[sflag:s10] =	ssyncset.done @!p2 $0x0  }
0x97: {  	s23 =	sadd.s32 @!p5 $0x2980, s25;
	s25 =	simm.s32 @!p6 $0xB;
	[sflag:s10] =	ssyncadd.s32 @!p2 $0xFFFFE000  }
0x98: {  	[tilespmem:s24], [sflag:$0x2] =	stream.indirect.gather @!p2 [hbm4b:s5+s26], $0x40, s22, s26, $0xb8;
	[tilespmem:$0x1EB40] =	vst v63  }
0x99: {  	s29 =	sadd.s32 @!p6 $0x500, s9;
	s9 =	sadd.s32 @!p3 $0x2B00, s4;
	_ =	swait.ge @!p5 [sflag:s28], $0x2000  }
0x9a: {  	s4 =	smov.u32 s2;
	s26 =	sld [smem:$0x7FC];
	[sflag:s28] =	ssyncset.done @!p5 $0x0  }
0x9b: {  	s2 =	simm.s32 @!p5 $0x80;
	s22 =	simm.s32 @!p5 $0xCF00;
	[sflag:s28] =	ssyncadd.s32 @!p5 $0xFFFFE000  }
0x9c: {  	[spmem:s3] =	stream.indirect.scatter.add.f32 @!p5 [tilespmem:s22], [sflag:$0xD], $0x40, s23, s2, $0xb8;
	[tilespmem:$0x1EB40] =	vst v63  }
0x9d: {  	s28 =	simm.s32 @!p1 $0x6;
	p0 =	seq.s32 s26, $0x1;
	_ =	swait.ge @!p6 [sflag:s25], $0x2000  }
0x9e: {  	s22 =	simm.s32 @!p6 $0x80;
	s10 =	sadd.s32 @!p0 $0x2A80, s8;
	[sflag:s25] =	ssyncset.done @!p6 $0x0  }
0x9f: {  	s8 =	smov.u32 s0;
	s0 =	simm.s32 @!p6 $0x8F00;
	[sflag:s25] =	ssyncadd.s32 @!p6 $0xFFFFE000  }
0xa0: {  	[tilespmem:s0], [sflag:$0x3] =	stream.indirect.gather @!p6 [hbm4b:s5+s22], $0x40, s29, s22, $0xb8;
	[tilespmem:$0x1EB40] =	vst v63  }
0xa1: {  	_ =	swait.ge @!p1 [sflag:s28], $0x2000  }
0xa2: {  	s31 =	sld [smem:$0x7FD];
	_ =	sdelay $0x2  }
0xa3: {  	p4 =	por p0, p0;
	p0 =	seq.s32 s31, $0x1  }
.Ltmp0:
0xa4: {  	_ = 	snop;
	(pc) =	sbr.rel @p0 .LBB2_2-.Ltmp0, $4  }
0xa5: {  	s30 =	sadd.s32 $0xB, s8  }
0xa6: {  	p2 =	sge.s32 s30, s6  }
0xa7: {  	s2 =	sshra.s32 @!p2 s4, $0x2  }
0xa8: {  	s26 =	simm.s32 @!p2 $0xC;
	s25 =	sadd.s32 @!p2 $0x580, s2  }
0xa9: {  	[sflag:s28] =	ssyncset.done @!p1 $0x0  }
0xaa: {  	[sflag:s28] =	ssyncadd.s32 @!p1 $0xFFFFE000  }
0xab: {  	[spmem:s3] =	stream.indirect.scatter.add.f32 @!p1 [tilespmem:s18], [sflag:$0xE], $0x40, s7, s17, $0xb8;
	[tilespmem:$0x1EB40] =	vst v63  }
0xac: {  	_ =	swait.ge @!p2 [sflag:s26], $0x2000  }
0xad: {  	[sflag:s26] =	ssyncset.done @!p2 $0x0  }
0xae: {  	s0 =	simm.s32 @!p2 $0x80;
	s2 =	simm.s32 @!p2 $0xAF00;
	[sflag:s26] =	ssyncadd.s32 @!p2 $0xFFFFE000  }
0xaf: {  	[tilespmem:s2], [sflag:$0x4] =	stream.indirect.gather @!p2 [hbm4b:s5+s0], $0x40, s25, s0, $0xb8;
	[tilespmem:$0x1EB40] =	vst v63  }
0xb0: {  	s0 =	simm.s32 @!p4 $0x7  }
0xb1: {  	s18 =	sadd.s32 $0xC, s8;
	_ =	swait.ge @!p4 [sflag:s0], $0x2000  }
0xb2: {  	p0 =	sge.s32 s18, s6;
	[sflag:s0] =	ssyncset.done @!p4 $0x0  }
0xb3: {  	[sflag:s0] =	ssyncadd.s32 @!p4 $0xFFFFE000;
	s0 =	simm.s32 @!p0 $0xD  }
0xb4: {  	[spmem:s3] =	stream.indirect.scatter.add.f32 @!p4 [tilespmem:s15], [sflag:$0xF], $0x40, s10, s19, $0xb8;
	[tilespmem:$0x1EB40] =	vst v63  }
0xb5: {  	s4 =	sshra.s32 @!p0 s4, $0x2;
	_ =	swait.ge @!p0 [sflag:s0], $0x2000  }
0xb6: {  	s4 =	sadd.s32 @!p0 $0x600, s4;
	[sflag:s0] =	ssyncset.done @!p0 $0x0  }
0xb7: {  	s2 =	simm.s32 @!p0 $0x80;
	[sflag:s0] =	ssyncadd.s32 @!p0 $0xFFFFE000;
	s0 =	simm.s32 @!p0 $0xCF00  }
0xb8: {  	[tilespmem:s0], [sflag:$0x5] =	stream.indirect.gather @!p0 [hbm4b:s5+s2], $0x40, s4, s2, $0xb8;
	[tilespmem:$0x1EB40] =	vst v63  }
0xb9: {  	s0 =	simm.s32 @!p3 $0x8  }
0xba: {  	_ =	swait.ge @!p3 [sflag:s0], $0x2000  }
0xbb: {  	[sflag:s0] =	ssyncset.done @!p3 $0x0  }
0xbc: {  	s19 =	simm.s32 $0x9;
	[sflag:s0] =	ssyncadd.s32 @!p3 $0xFFFFE000  }
0xbd: {  	[spmem:s3] =	stream.indirect.scatter.add.f32 @!p3 [tilespmem:s21], [sflag:$0x10], $0x40, s9, s20, $0xb8;
	[tilespmem:$0x1EB40] =	vst v63  }
0xbe: {  	_ =	swait.ge [sflag:s19], $0x2000  }
0xbf: {  	[sflag:s19] =	ssyncset.done $0x0  }
0xc0: {  	s20 =	simm.s32 $0xA;
	[sflag:s19] =	ssyncadd.s32 $0xFFFFE000  }
0xc1: {  	_ =	swait.ge [sflag:s20], $0x2000  }
0xc2: {  	[sflag:s20] =	ssyncset.done $0x0  }
0xc3: {  	s21 =	simm.s32 $0xB;
	[sflag:s20] =	ssyncadd.s32 $0xFFFFE000  }
0xc4: {  	_ =	swait.ge [sflag:s21], $0x2000  }
0xc5: {  	[sflag:s21] =	ssyncset.done $0x0  }
0xc6: {  	s22 =	simm.s32 $0xC;
	[sflag:s21] =	ssyncadd.s32 $0xFFFFE000  }
0xc7: {  	_ =	swait.ge [sflag:s22], $0x2000  }
0xc8: {  	[sflag:s22] =	ssyncset.done $0x0  }
0xc9: {  	s23 =	simm.s32 $0xD;
	[sflag:s22] =	ssyncadd.s32 $0xFFFFE000  }
0xca: {  	_ =	swait.ge [sflag:s23], $0x2000  }
0xcb: {  	[sflag:s23] =	ssyncset.done $0x0  }
0xcc: {  	s24 =	simm.s32 $0xE;
	[sflag:s23] =	ssyncadd.s32 $0xFFFFE000  }
0xcd: {  	_ =	swait.ge [sflag:s24], $0x2000  }
0xce: {  	[sflag:s24] =	ssyncset.done $0x0  }
0xcf: {  	s25 =	simm.s32 $0xF;
	[sflag:s24] =	ssyncadd.s32 $0xFFFFE000  }
0xd0: {  	_ =	swait.ge [sflag:s25], $0x2000  }
0xd1: {  	[sflag:s25] =	ssyncset.done $0x0  }
0xd2: {  	s26 =	simm.s32 $0x10;
	[sflag:s25] =	ssyncadd.s32 $0xFFFFE000  }
0xd3: {  	_ =	swait.ge [sflag:s26], $0x2000  }
0xd4: {  	[sflag:s26] =	ssyncset.done $0x0  }
0xd5: {  	[sflag:s26] =	ssyncadd.s32 $0xFFFFE000  }
0xd6: {  	[bflag:$0x0] =	sbarrier.arrive $0xFFFF  }
0xd7: {  	s29 =	simm.s32 $0x1;
	s28 =	rddreg [dreg:$0x6]  }
0xd8: {  	s30 =	simm.s32 $0x8;
	s7 =	smov.u32 s1;
	s8 =	rddreg [dreg:$0x8]  }
0xd9: {  	[hbm:s28@s26], [sflag:s7] =	dma.strided [spmem:s8@s30], $0x1388, s29, $0x8   }
0xda: {  	_ =	swait.ge [sflag:s11], $0x1388  }
0xdb: {  	s12 =	sadd.s32 $0x1, s12;
	s31 =	rddreg [dreg:$0x7]  }
0xdc: {  	p0 =	sne.s32 s12, s31  }
.Ltmp1:
0xdd: {  	_ = 	snop;
	(pc) =	sbr.rel @p0 .LBB2_1-.Ltmp1, $3  }
0xde: {  	_ =	sdelay $0x1  }
0xdf: {  	[sflag:s11] =	ssyncset.done $0x0  }
0xe0: {  	[sflag:s11] =	ssyncadd.s32 $0xFFFFEC78  }
0xe1: {  	_ =	sfence.sel $0x180000  }
0xe2: {  	[bflag:$0x0] =	sbarrier.arrive $0xFFFF  }
0xe3: {  	_ =	strace $0x9000004D  }
0xe4: {  	s0 =	stileid.u32;
	[bflag:$0x2] =	sbarrier.arrive $0xFFFF  }
0xe5: {  	p0 =	sne.s32 s0, $0x0;
	s0 =	rddreg [dreg:$0x3]  }
0xe6: {  	s0 =	sadd.s32 @!p0 $0x100000, s0  }
0xe7: {  	[sflag:s0] =	ssyncadd.tile.s32 @!p0 $0x1;
	_ =	shalt  }
.Lfunc_end2:
_tile_overlayer_lowered:
.L_overlay_start_2:
0xe8: {  	(tag) =	ssettag $0x2  }
0xe9: {  	s0 =	rddreg [dreg:$0x0];
	s2 =	stileid.u32  }
0xea: {  	s1 =	rddreg [dreg:$0x1];
	p0 =	sne.s32 s2, $0x0  }
0xeb: {  	s3 =	rddreg [dreg:$0x2];
	[bflag:$0x3] =	sbarrier.arrive $0xFFFF;
	s2 =	simm.s32 @!p0 $0x1C11  }
0xec: {  	[timem:s3], [sflag:s2] =	dma.local @!p0 [hbm:s0], s1  }
0xed: {  	s0 =	simm.s32 @!p0 $0x11  }
0xee: {  	_ =	swait.ge @!p0 [sflag:s0], s1  }
0xef: {  	s1 =	ssub.s32 @!p0 $0x0, s1;
	[sflag:s0] =	ssyncset.done @!p0 $0x0  }
0xf0: {  	[sflag:s0] =	ssyncadd.s32 @!p0 s1  }
0xf1: {  	[bflag:$0x3] =	sbarrier.arrive $0xFFFF  }
0xf2: {  	_ =	shalt  }

// kernel: kernel.8.cloned.1.call-start
scs
__scs_entry_jumppad:
0x0: {  	(pc) =	sbr.rel $0x88, $3  }
0x1: {  	(tag) =	ssettag $0x0;
	lr =	simm.s32 $0x1  }
0x2: {  	[smem:$0x3F99] =	sst lr;
	_ =	strace $0xD0000000  }
0x3: {  	_ = 	snop  }
0x4: {  	_ = 	snop  }
0x5: {  	_ = 	snop  }
0x6: {  	_ = 	snop  }
0x7: {  	_ = 	snop  }
__scs_overlays_trampoline_lowered:
0x8: {  	[smem:$0x3FA8] =	sst s0  }
0x9: {  	[smem:$0x3FA9] =	sst s1  }
0xa: {  	[smem:$0x3FAA] =	sst s2  }
0xb: {  	[smem:$0x3FAB] =	sst s3  }
0xc: {  	[smem:$0x3FAC] =	sst s4  }
0xd: {  	[smem:$0x3FAD] =	sst s5  }
0xe: {  	[smem:$0x3FAE] =	sst s6  }
0xf: {  	[smem:$0x3FAF] =	sst s7  }
0x10: {  	[smem:$0x3FB0] =	sst s8  }
0x11: {  	[smem:$0x3FB1] =	sst s9;
	s0 =	simm.s32 @!p0 $0x0  }
0x12: {  	s1 =	sld [smem:$0x3F97];
	s0 =	simm.s32 @p0 $0x1  }
0x13: {  	[smem:$0x3FB2] =	sst s0;
	s0 =	simm.s32 @!p1 $0x0  }
0x14: {  	s2 =	sld [smem:$0x3F96];
	s0 =	simm.s32 @p1 $0x1  }
0x15: {  	[smem:$0x3FB3] =	sst s0;
	s0 =	simm.s32 @!p2 $0x0  }
0x16: {  	s3 =	sld [smem:$0x3FDB];
	s0 =	simm.s32 @p2 $0x1  }
0x17: {  	s4 =	simm.s32 $0x1BF5;
	[smem:$0x3FB5] =	sst s0  }
0x18: {  	s0 =	sld [smem:$0x3F98];
	_ =	swait.ge [sflag:s4], $0x0  }
0x19: {  	s7 =	sld [smem:$0x3F99]  }
0x1a: {  	s8 =	sadd.s32 $0xFFFFE003, lr  }
0x1b: {  	s9 =	sadd.s32 $0xFFFFFEF7, lr;
	s5 =	simm.s32 $0xFFFFFFFF;
	p2 =	slt.u32 s8, $0xFFFFF086  }
0x1c: {  	p1 =	slt.u32 s9, $0xF7A;
	s5 =	simm.s32 @!p2 $0x0  }
0x1d: {  	s5 =	simm.s32 @p1 $0x1;
	p0 =	seq.s32 s7, s2  }
0x1e: {  	s7 =	smul.u32 @!p0 $0xF7A, s2;
	p2 =	seq.s32 @!p0 s5, $0x0  }
0x1f: {  	s9 =	smul.u32 $0xF7A, s1;
	s8 =	simm.s32 @!p0 $0x1BF5;
	p2 =	por !p2, p0  }
0x20: {  	[sflag:s8] =	ssyncset.s32 @!p0 $0xFFFFF086;
	s6 =	sadd.s32 @!p0 s3, s7;
	s7 =	simm.s32 @!p0 $0x108  }
0x21: {  	s3 =	sadd.s32 s3, s9;
	s6 =	sadd.s32 @!p0 $0x88, s6;
	s7 =	simm.s32 @p2 $0x1082  }
0x22: {  	[simem:s7], [sflag:s8] =	dma.local @!p0 [hbm:s6], $0xF7A  }
0x23: {  	s9 =	sor.u32 $0xD0000000, s2;
	s6 =	simm.s32 $0x108;
	_ =	swait.ge @!p0 [sflag:s8], $0x0  }
0x24: {  	s3 =	sadd.s32 $0x88, s3;
	s6 =	simm.s32 @!p1 $0x1082;
	[sflag:s4] =	ssyncset.s32 $0xFFFFF086  }
0x25: {  	[simem:s6], [sflag:s4] =	dma.local [hbm:s3], $0xF7A  }
0x26: {  	[smem:$0x3F99] =	sst s1;
	(tag) =	ssettag s2;
	_ =	strace s9  }
0x27: {  	s1 =	sld [smem:$0x3FA9]  }
0x28: {  	s2 =	sld [smem:$0x3FAA]  }
0x29: {  	s4 =	sld [smem:$0x3FAC]  }
0x2a: {  	p0 =	seq.s32 s5, $0x0;
	s5 =	sld [smem:$0x3FAD]  }
0x2b: {  	s6 =	sld [smem:$0x3FAE]  }
0x2c: {  	s7 =	sld [smem:$0x3FAF]  }
0x2d: {  	s3 =	simm.s32 $0x108;
	s8 =	sld [smem:$0x3FB0]  }
0x2e: {  	s3 =	simm.s32 @!p0 $0x1082;
	s9 =	sld [smem:$0x3FB1]  }
0x2f: {  	lr =	sadd.s32 s0, s3;
	s0 =	sld [smem:$0x3FA8]  }
0x30: {  	s3 =	sld [smem:$0x3FAB]  }
0x31: {  	[smem:$0x3FB4] =	sst s10  }
0x32: {  	s10 =	sld [smem:$0x3FB2];
	_ =	sdelay $0x3  }
0x33: {  	p0 =	seq.s32 s10, $0x1;
	s10 =	sld [smem:$0x3FB4];
	_ =	sdelay $0x3  }
0x34: {  	[smem:$0x3FB4] =	sst s10  }
0x35: {  	s10 =	sld [smem:$0x3FB3];
	_ =	sdelay $0x3  }
0x36: {  	p1 =	seq.s32 s10, $0x1;
	s10 =	sld [smem:$0x3FB4];
	_ =	sdelay $0x3  }
0x37: {  	[smem:$0x3FB4] =	sst s10  }
0x38: {  	s10 =	sld [smem:$0x3FB5]  }
0x39: {  	_ = 	snop;
	(pc) =	sbr.ind lr, $3  }
0x3a: {  	_ = 	snop  }
0x3b: {  	_ = 	snop  }
0x3c: {  	p2 =	seq.s32 s10, $0x1;
	s10 =	sld [smem:$0x3FB4]  }
0x3d: {  	_ =	shalt  }
0x3e: {  	_ =	shalt  }
0x3f: {  	_ =	shalt  }
0x40: {  	_ =	shalt  }
0x41: {  	_ =	shalt  }
0x42: {  	_ =	shalt  }
0x43: {  	_ =	shalt  }
0x44: {  	_ =	shalt  }
0x45: {  	_ =	shalt  }
0x46: {  	_ =	shalt  }
0x47: {  	_ =	shalt  }
0x48: {  	_ =	shalt  }
0x49: {  	_ =	shalt  }
0x4a: {  	_ =	shalt  }
0x4b: {  	_ =	shalt  }
0x4c: {  	_ =	shalt  }
0x4d: {  	_ =	shalt  }
0x4e: {  	_ =	shalt  }
0x4f: {  	_ =	shalt  }
0x50: {  	_ =	shalt  }
0x51: {  	_ =	shalt  }
0x52: {  	_ =	shalt  }
0x53: {  	_ =	shalt  }
0x54: {  	_ =	shalt  }
0x55: {  	_ =	shalt  }
0x56: {  	_ =	shalt  }
0x57: {  	_ =	shalt  }
0x58: {  	_ =	shalt  }
0x59: {  	_ =	shalt  }
0x5a: {  	_ =	shalt  }
0x5b: {  	_ =	shalt  }
0x5c: {  	_ =	shalt  }
0x5d: {  	_ =	shalt  }
0x5e: {  	_ =	shalt  }
0x5f: {  	_ =	shalt  }
0x60: {  	_ =	shalt  }
0x61: {  	_ =	shalt  }
0x62: {  	_ =	shalt  }
0x63: {  	_ =	shalt  }
0x64: {  	_ =	shalt  }
0x65: {  	_ =	shalt  }
0x66: {  	_ =	shalt  }
0x67: {  	_ =	shalt  }
0x68: {  	_ =	shalt  }
0x69: {  	_ =	shalt  }
0x6a: {  	_ =	shalt  }
0x6b: {  	_ =	shalt  }
0x6c: {  	_ =	shalt  }
0x6d: {  	_ =	shalt  }
0x6e: {  	_ =	shalt  }
0x6f: {  	_ =	shalt  }
0x70: {  	_ =	shalt  }
0x71: {  	_ =	shalt  }
0x72: {  	_ =	shalt  }
0x73: {  	_ =	shalt  }
0x74: {  	_ =	shalt  }
0x75: {  	_ =	shalt  }
0x76: {  	_ =	shalt  }
0x77: {  	_ =	shalt  }
0x78: {  	_ =	shalt  }
0x79: {  	_ =	shalt  }
0x7a: {  	_ =	shalt  }
0x7b: {  	_ =	shalt  }
0x7c: {  	_ =	shalt  }
0x7d: {  	_ =	shalt  }
0x7e: {  	_ =	shalt  }
0x7f: {  	_ =	shalt  }
0x80: {  	_ =	shalt  }
0x81: {  	_ =	shalt  }
0x82: {  	_ =	shalt  }
0x83: {  	_ =	shalt  }
0x84: {  	_ =	shalt  }
0x85: {  	_ =	shalt  }
0x86: {  	_ =	shalt  }
0x87: {  	_ =	shalt  }
.Lfunc_end0:
.L_simem_size_0:
called_computation_lowered:
.L_overlay_start_0:
0x88: {  	s2 =	sld [smem:$0x3FD9]  }
0x89: {  	s3 =	sld [smem:$0x3FFE];
	_ =	sdelay $0x1  }
0x8a: {  	s1 =	srdreg.scid  }
0x8b: {  	s0 =	sand.u32 $0x1, s1  }
0x8c: {  	s17 =	sshll.u32 s0, $0xA;
	s2 =	sadd.s32 s3, s2  }
0x8d: {  	s2 =	sadd.s32 s2, s17  }
0x8e: {  	[smem:$0x3FC0] =	sst s2  }
0x8f: {  	_ = 	snop  }
0x90: {  	s2 =	sld [smem:$0x3FD0];
	(tm) =	ssettm $0x1  }
0x91: {  	s18 =	sld [smem:$0x3FFB];
	_ =	sdelay $0x3  }
0x92: {  	_ =	strace s18  }
0x93: {  	s3 =	sld [smem:$0x3FFC];
	_ =	sdelay $0x3  }
0x94: {  	_ =	strace s3  }
0x95: {  	s3 =	sld [smem:$0x3FFD];
	_ =	sdelay $0x3  }
0x96: {  	_ =	strace s3  }
0x97: {  	_ =	strace $0x8FFFFFFF  }
0x98: {  	s19 =	sld [smem:$0x3FDB];
	_ =	sdelay $0x1  }
0x99: {  	s4 =	simm.s32 $_scs_section_size  }
0x9a: {  	s5 =	simm.s32 $_size__tile_overlayer_lowered;
	s6 =	simm.s32 $_tile_overlayer_lowered  }
0x9b: {  	s22 =	simm.s32 $0x1BFF;
	s21 =	sshll.u32 s6, $0x1;
	s3 =	sadd.s32 s4, s19  }
0x9c: {  	s7 =	simm.s32 $0x0;
	s20 =	sshll.u32 s5, $0x1;
	s5 =	sadd.s32 s21, s3  }
0x9d: {  	[timem:s7], [sflag:s22] =	dma.local [hbm:s5], s20  }
0x9e: {  	_ =	swait.ge [sflag:s22], s20  }
0x9f: {  	s4 =	ssub.s32 $0x0, s20;
	[sflag:s22] =	ssyncset.done $0x0  }
0xa0: {  	[sflag:s22] =	ssyncadd.s32 s4;
	_ =	sdelay $0x1  }
0xa1: {  	s23 =	simm.s32 $0x1B8B  }
0xa2: {  	_ =	swait.ge [sflag:s23], $0x1  }
0xa3: {  	[sflag:s23] =	ssyncset.done $0x0  }
0xa4: {  	s25 =	simm.s32 $0x1B8E;
	s24 =	sld [smem:$0x3FFE];
	[sflag:s23] =	ssyncadd.s32 $0xFFFFFFFF  }
0xa5: {  	s26 =	simm.s32 $execute0_lowered;
	[smem:$0x3FD2] =	sst s25  }
0xa6: {  	s5 =	sshll.u32 s26, $0x1;
	_ =	strace $0x80000046;
	[dreg:$0x1] =	wrdreg $0xFFFFFFFF  }
0xa7: {  	s28 =	simm.s32 $_size_execute0_lowered;
	s3 =	sadd.s32 s3, s5;
	[dreg:$0x0] =	wrdreg $0x0  }
0xa8: {  	s5 =	sshll.u32 s28, $0x1;
	[dreg:$0x2] =	wrdreg s3  }
0xa9: {  	[dreg:$0x3] =	wrdreg s5  }
0xaa: {  	[dreg:$0x4] =	wrdreg $0xC0  }
0xab: {  	_ =	task [dreg:s7], $0x5FFFF  }
0xac: {  	[dreg:$0x1] =	wrdreg $0xFFFFFFFF  }
0xad: {  	[dreg:$0x0] =	wrdreg $0x60  }
0xae: {  	[dreg:$0x2] =	wrdreg s24  }
0xaf: {  	[dreg:$0x3] =	wrdreg s2  }
0xb0: {  	[dreg:$0x4] =	wrdreg $0x2B800  }
0xb1: {  	[dreg:$0x5] =	wrdreg $0x9  }
0xb2: {  	_ =	task.clear_ibuf [dreg:s7], $0x6FFFF;
	_ =	strace $0x90000046  }
0xb3: {  	s29 =	simm.s32 $0x9;
	_ =	strace $0x80000048  }
0xb4: {  	_ =	swait.ge [sflag:s29], $0x1  }
0xb5: {  	[sflag:s29] =	ssyncadd.s32 $0xFFFFFFFF  }
0xb6: {  	_ =	strace $0x90000048  }
0xb7: {  	_ =	sfence  }
0xb8: {  	s30 =	sld [smem:$0x0];
	_ =	sdelay $0x2  }
0xb9: {  	s31 =	sshll.u32 s1, $0xD;
	s1 =	sshrl.u32 s1, $0x2  }
0xba: {  	s3 =	sand.u32 $0x4000, s31;
	s1 =	sadd.s32 s1, s30  }
0xbb: {  	s0 =	sor.u32 s3, s0;
	s1 =	sshll.u32 s1, $0x11  }
0xbc: {  	s0 =	sor.u32 s1, s0  }
0xbd: {  	s0 =	sadd.s32 $0x8F2B, s0  }
0xbe: {  	[sflag:s0] =	ssyncadd.remote.s32 $0x1  }
0xbf: {  	_ =	sfence.sel $0xFFFF  }
0xc0: {  	[dreg:$0x0] =	wrdreg $0xFFFFFFFF;
	(pc) =	sbr.abs _section_cstart, $3  }
0xc1: {  	[dreg:$0x1] =	wrdreg $0xFFFFFFFF  }
0xc2: {  	_ =	task.clear_ibuf [dreg:s7], $0x2FFFF;
	_ =	strace $0x9FFFFFFF  }
0xc3: {  	(tm) =	ssettm $0x7FFFFFFF  }
tec
execute0_lowered:
.L_overlay_start_1:
0x0: {  	(tag) =	ssettag $0x1  }
0x1: {  	s6 =	rddreg [dreg:$0x0]  }
0x2: {  	s9 =	rddreg [dreg:$0x1]  }
0x3: {  	s0 =	srdreg.scid;
	s2 =	rddreg [dreg:$0x2]  }
0x4: {  	s3 =	simm.s32 $0x0;
	s15 =	simm.s32 $0x1;
	s16 =	simm.s32 $0x0  }
0x5: {  	s5 =	sand.u32 $0x1, s0;
	s0 =	stileid.u32;
	[smem:$0x7FF] =	sst s3  }
0x6: {  	s1 =	sshll.u32 s5, $0x4;
	s10 =	ssub.s32 $0x2, s5;
	s13 =	smul.u32 $0x1388, s0  }
0x7: {  	s14 =	smul.u32 $0x13880, s5;
	s5 =	sadd.s32 $0x17800, s6;
	s1 =	sor.u32 s0, s1  }
0x8: {  	s30 =	sshll.u32 s0, $0x6;
	s11 =	sshrl.u32 s10, $0x1;
	s7 =	smul.u32 $0x9C4, s1  }
0x9: {  	s1 =	rddreg [dreg:$0x3];
	_ =	strace $0x80000047;
	s10 =	ssub.s32 s10, s11  }
0xa: {  	s29 =	sadd.s32 s13, s2;
	s31 =	sadd.s32 s13, s14;
	s13 =	simm.s32 $0x2780  }
0xb: {  	s14 =	simm.s32 $0x80;
	s10 =	smax.u32 s10, $0x1;
	s11 =	sshrl.u32 s29, $0x3  }
.Ltmp0:
0xc: {  	s4 =	sshrl.u32 s7, $0x1;
	s12 =	sadd.s32 $0x9C4, s7;
	(pc) =	sbr.rel .LBB2_1-.Ltmp0, $4  }
0xd: {  	s7 =	sshrl.u32 s7, $0x5;
	s4 =	sand.u32 $0xFFF0, s4;
	s12 =	sshrl.u32 s12, $0x5  }
0xe: {  	s8 =	sadd.s32 s4, s6;
	s4 =	sadd.s32 $0x17400, s6;
	s6 =	ssub.s32 s12, s7  }
0xf: {  	s7 =	sor.u32 $0x1C02, s30;
	s12 =	sshrl.u32 s31, $0x3;
	s8 =	sadd.s32 $0x3800, s8  }
0x10: {  	s9 =	sadd.s32 s9, s12;
	p0 =	slt.s32 s6, $0x1;
	s12 =	simm.s32 $0x2  }
.LBB2_6:
0x11: {  	[sflag:s15] =	ssyncadd.s32 $0xFFFFFC00  }
.LBB2_7:
0x12: {  	s16 =	sadd.s32 $0x1, s16  }
0x13: {  	p1 =	sne.s32 s16, s10  }
.Ltmp1:
0x14: {  	[bflag:$0x0] =	sbarrier.arrive $0xFFFF;
	(pc) =	sbr.rel @!p1 .LBB2_8-.Ltmp1, $4  }
0x15: {  	[hbm:s9], [sflag:s7] =	dma.local [spmem:s11], $0x271  }
0x16: {  	_ =	swait.ge [sflag:s12], $0x271  }
0x17: {  	[sflag:s12] =	ssyncset.done $0x0  }
0x18: {  	[sflag:s12] =	ssyncadd.s32 $0xFFFFFD8F  }
.LBB2_1:
0x19: {  	[spmem:s11], [sflag:s7] =	dma.local [hbm:s4], $0x271  }
0x1a: {  	_ =	swait.ge [sflag:s12], $0x271  }
0x1b: {  	[sflag:s12] =	ssyncset.done $0x0  }
0x1c: {  	[sflag:s12] =	ssyncadd.s32 $0xFFFFFD8F  }
0x1d: {  	[tilespmem:s13], [sflag:$0x2] =	stream.linear.gather [hbm4b:s5+s3], $0x400, $0x38;
	[tilespmem:$0x3F08] =	vst v63  }
0x1e: {  	_ =	swait.ge [sflag:s12], $0x400  }
0x1f: {  	[sflag:s12] =	ssyncset.done $0x0  }
0x20: {  	[sflag:s12] =	ssyncadd.s32 $0xFFFFFC00  }
0x21: {  	[tilespmem:s3], [sflag:$0x2] =	stream.linear.gather [hbm4b:s8+s3], $0x2780, $0x38;
	[tilespmem:$0x3F08] =	vst v63  }
.Ltmp2:
0x22: {  	_ =	swait.ge [sflag:s12], $0x2780;
	(pc) =	sbr.rel @p0 .LBB2_7-.Ltmp2, $3  }
0x23: {  	[sflag:s12] =	ssyncset.done $0x0  }
0x24: {  	[sflag:s12] =	ssyncadd.s32 $0xFFFFD880  }
0x25: {  	[bflag:$0x0] =	sbarrier.arrive $0xFFFF;
	_ =	sdelay $0x1  }
0x26: {  	s17 =	sadd.s32 $0x1, s3  }
0x27: {  	p1 =	slt.s32 s17, s6  }
.Ltmp3:
0x28: {  	_ = 	snop;
	(pc) =	sbr.rel @!p1 .LBB2_4-.Ltmp3, $3  }
0x29: {  	_ =	sdelay $0x1  }
0x2a: {  	[spmem:s2] =	stream.indirect.scatter.add.f32 [tilespmem:s13], [sflag:$0x1], $0x8, s3, s14, $0xb8;
	[tilespmem:$0x3F08] =	vst v63  }
0x2b: {  	s18 =	simm.s32 $0x0  }
.LBB2_3:
0x2c: {  	s17 =	sadd.s32 $0x1, s17  }
0x2d: {  	p1 =	slt.s32 s17, s6  }
.Ltmp4:
0x2e: {  	_ = 	snop;
	(pc) =	sbr.rel @p1 .LBB2_3-.Ltmp4, $3  }
0x2f: {  	_ = 	snop  }
0x30: {  	s18 =	sadd.s32 $0x80, s18;
	_ =	sdelay $0x1  }
0x31: {  	[spmem:s2] =	stream.indirect.scatter.add.f32 [tilespmem:s13], [sflag:$0x1], $0x8, s18, s14, $0xb8;
	[tilespmem:$0x3F08] =	vst v63  }
.LBB2_4:
0x32: {  	p1 =	sgt.s32 s6, $0x1  }
.Ltmp5:
0x33: {  	_ = 	snop;
	(pc) =	sbr.rel @!p1 .LBB2_6-.Ltmp5, $3  }
0x34: {  	_ =	sdelay $0x1  }
0x35: {  	_ =	swait.ge [sflag:s15], $0x400  }
0x36: {  	s17 =	simm.s32 $0x1;
	[sflag:s15] =	ssyncset.done $0x0  }
.LBB2_5:
0x37: {  	s17 =	sadd.s32 $0x1, s17  }
0x38: {  	[sflag:s15] =	ssyncadd.s32 $0xFFFFFC00;
	p1 =	slt.s32 s17, s6  }
.Ltmp6:
0x39: {  	(pc) =	sbr.rel @p1 .LBB2_5-.Ltmp6, $3  }
0x3a: {  	_ =	sdelay $0x1  }
0x3b: {  	_ =	swait.ge [sflag:s15], $0x400  }
0x3c: {  	[sflag:s15] =	ssyncset.done $0x0  }
.Ltmp7:
0x3d: {  	_ = 	snop;
	(pc) =	sbr.rel .LBB2_6-.Ltmp7, $1  }
0x3e: {  	_ =	sdelay $0x3  }
.LBB2_8:
0x3f: {  	_ =	sfence.sel $0x180000  }
0x40: {  	[bflag:$0x0] =	sbarrier.arrive $0xFFFF  }
0x41: {  	p0 =	sne.s32 s0, $0x0;
	_ =	strace $0x90000047  }
0x42: {  	s0 =	sadd.s32 @!p0 $0x100000, s1;
	[bflag:$0x2] =	sbarrier.arrive $0xFFFF  }
0x43: {  	[sflag:s0] =	ssyncadd.tile.s32 @!p0 $0x1;
	_ =	shalt  }
.Lfunc_end2:
_tile_overlayer_lowered:
.L_overlay_start_2:
0x44: {  	(tag) =	ssettag $0x2  }
0x45: {  	s0 =	rddreg [dreg:$0x0];
	s2 =	stileid.u32  }
0x46: {  	s1 =	rddreg [dreg:$0x1];
	p0 =	sne.s32 s2, $0x0  }
0x47: {  	s3 =	rddreg [dreg:$0x2];
	[bflag:$0x3] =	sbarrier.arrive $0xFFFF;
	s2 =	simm.s32 @!p0 $0x1C02  }
0x48: {  	[timem:s3], [sflag:s2] =	dma.local @!p0 [hbm:s0], s1  }
0x49: {  	s0 =	simm.s32 @!p0 $0x2  }
0x4a: {  	_ =	swait.ge @!p0 [sflag:s0], s1  }
0x4b: {  	s1 =	ssub.s32 @!p0 $0x0, s1;
	[sflag:s0] =	ssyncset.done @!p0 $0x0  }
0x4c: {  	[sflag:s0] =	ssyncadd.s32 @!p0 s1  }
0x4d: {  	[bflag:$0x3] =	sbarrier.arrive $0xFFFF  }
0x4e: {  	_ =	shalt  }

</sc_bundles>
